<compile_context>
chip_gen: v7x
topology: tpu7x:2x2x1
jax: 0.10.2.dev20260603
libtpu: 0.0.44.dev20260713+nightly
codegen_flags: <defaults>
</compile_context>

<pallas_src>
import functools

import jax
import jax.numpy as jnp
from jax import lax
from jax.experimental import pallas as pl
from jax.experimental.pallas import tpu as pltpu
from jax.experimental.pallas import tpu_sc as plsc

N = 10000
E = 160000
D = 256
H = 128
G = 64
EPS = 1e-5

NC = 2
NS = 16

CH = 125
NCHUNK = (E // NS) // CH
HCH = 40
WB = 640
WB_LAST = N - WB * (NS - 1)

HR = 80
EPT = E // NS

@functools.cache
def _sc_kernels():
    mesh = plsc.VectorSubcoreMesh(core_axis_name="c", subcore_axis_name="s",
                                  num_cores=NC, num_subcores=NS)

    def shard_copy(src_ref, dst_ref, s, **kw):
        pl.when(s < NS - 1)(lambda: pltpu.sync_copy(
            src_ref.at[pl.ds(s * WB, WB)], dst_ref.at[pl.ds(s * WB, WB)], **kw))
        pl.when(s == NS - 1)(lambda: pltpu.sync_copy(
            src_ref.at[pl.ds((NS - 1) * WB, WB_LAST)],
            dst_ref.at[pl.ds((NS - 1) * WB, WB_LAST)], **kw))

    @functools.partial(
        pl.kernel,
        out_type=[jax.ShapeDtypeStruct((N, H), jnp.float32),
                  jax.ShapeDtypeStruct((N, H), jnp.float32)],
        mesh=mesh,
        scratch_types=[
            pltpu.VMEM((HCH, CH), jnp.int32),
            pltpu.VMEM((HCH, CH), jnp.int32),
            pltpu.VMEM((CH, H), jnp.float32),
            pltpu.VMEM((CH, H), jnp.float32),
            pltpu.VMEM_SHARED((N, H), jnp.float32),
            pltpu.SemaphoreType.DMA,
            pltpu.SemaphoreType.DMA,
            pltpu.SemaphoreType.DMA,
        ],
    )
    def sc_aggregate(xlo_hbm, xhi_hbm, src_hbm, dst_hbm, zeros_hbm,
                     alo_hbm, ahi_hbm,
                     src_v, dst_v, rows_v0, rows_v1, acc_sh,
                     sem0, sem1, semz):
        c = lax.axis_index("c")
        s = lax.axis_index("s")
        def _zero_start_main():
            pltpu.async_copy(zeros_hbm.at[pl.ds(s * WB, WB)],
                             acc_sh.at[pl.ds(s * WB, WB)], semz)

        def _zero_start_last():
            pltpu.async_copy(zeros_hbm.at[pl.ds((NS - 1) * WB, WB_LAST)],
                             acc_sh.at[pl.ds((NS - 1) * WB, WB_LAST)], semz)

        pl.when(s < NS - 1)(_zero_start_main)
        pl.when(s == NS - 1)(_zero_start_last)

        def run(x_hbm):
            def g_start(j, buf, sem):
                pltpu.async_copy(x_hbm.at[src_v.at[j]], buf, sem)

            def g_wait(buf, sem):
                pltpu.make_async_copy(x_hbm.at[src_v.at[0]], buf, sem).wait()

            def stage_and_prime(hbase):
                pltpu.sync_copy(src_hbm.at[pl.ds(hbase, HCH)], src_v)
                pltpu.sync_copy(dst_hbm.at[pl.ds(hbase, HCH)], dst_v)
                g_start(0, rows_v0, sem0)
                g_start(1, rows_v1, sem1)

            def inner():
                def step(jj, carry):
                    j0 = jj * 2
                    j1 = j0 + 1
                    g_wait(rows_v0, sem0)
                    pltpu.sync_copy(rows_v0, acc_sh.at[dst_v.at[j0]],
                                    add=True)
                    pl.when(j0 + 2 < HCH)(
                        lambda: g_start(j0 + 2, rows_v0, sem0))
                    g_wait(rows_v1, sem1)
                    pltpu.sync_copy(rows_v1, acc_sh.at[dst_v.at[j1]],
                                    add=True)
                    pl.when(j1 + 2 < HCH)(
                        lambda: g_start(j1 + 2, rows_v1, sem1))
                    return carry
                lax.fori_loop(0, HCH // 2, step, 0)

            stage_and_prime(s * NCHUNK)

            def _zero_wait_main():
                pltpu.make_async_copy(
                    zeros_hbm.at[pl.ds(s * WB, WB)],
                    acc_sh.at[pl.ds(s * WB, WB)], semz).wait()

            def _zero_wait_last():
                pltpu.make_async_copy(
                    zeros_hbm.at[pl.ds((NS - 1) * WB, WB_LAST)],
                    acc_sh.at[pl.ds((NS - 1) * WB, WB_LAST)], semz).wait()

            pl.when(s < NS - 1)(_zero_wait_main)
            pl.when(s == NS - 1)(_zero_wait_last)
            plsc.subcore_barrier()
            inner()
            for hh in range(1, NCHUNK // HCH):
                stage_and_prime(s * NCHUNK + hh * HCH)
                inner()

        pl.when(c == 0)(lambda: run(xlo_hbm))
        pl.when(c == 1)(lambda: run(xhi_hbm))
        plsc.subcore_barrier()

        pl.when(c == 0)(lambda: shard_copy(acc_sh, alo_hbm, s))
        pl.when(c == 1)(lambda: shard_copy(acc_sh, ahi_hbm, s))

    @functools.partial(
        pl.kernel,
        out_type=jax.ShapeDtypeStruct((HR, H), jnp.float32),
        mesh=mesh,
        compiler_params=pltpu.CompilerParams(needs_layout_passes=False),
        scratch_types=[
            pltpu.VMEM((EPT,), jnp.int32),
            pltpu.VMEM((HR, H), jnp.float32),
            pltpu.VMEM((HR,), jnp.int32),
            pltpu.VMEM((8, H), jnp.float32),
            pltpu.VMEM_SHARED((HR, H), jnp.float32),
        ],
    )
    def sc_counts(dst_hbm, zeros_hbm, inv_hbm,
                  dst_v, cnt2d, idx80, bufr, acc_sh):
        c = lax.axis_index("c")
        s = lax.axis_index("s")
        pl.when(s < HR // 8)(lambda: pltpu.sync_copy(
            zeros_hbm.at[pl.ds(s * 8, 8)], acc_sh.at[pl.ds(s * 8, 8)]))
        pltpu.sync_copy(dst_hbm.at[pl.ds(s * EPT, EPT)], dst_v)
        for k in range(HR // 16):
            idx80[pl.ds(k * 16, 16)] = lax.iota(jnp.int32, 16) + (16 * k)
        zv = jnp.zeros((16,), jnp.float32)

        def zstep(i, carry):
            r = i // 8
            k = i - r * 8
            cnt2d[r, pl.ds(k * 16, 16)] = zv
            return carry
        lax.fori_loop(0, HR * 8, zstep, 0)

        ones = jnp.ones((16,), jnp.float32)

        def estep(i, carry):
            idx = dst_v[pl.ds(i * 16, 16)]
            row = lax.shift_right_logical(idx, 7)
            col = jnp.bitwise_and(idx, 127)
            plsc.addupdate_scatter(cnt2d, [row, col], ones)
            return carry
        lax.fori_loop(0, EPT // 16, estep, 0)

        plsc.subcore_barrier()
        pltpu.sync_copy(cnt2d, acc_sh.at[idx80], add=True)
        plsc.subcore_barrier()

        def _out():
            g = c * (HR // 16) + s
            pltpu.sync_copy(acc_sh.at[pl.ds(g * 8, 8)], bufr)
            for r in range(8):
                for k in range(8):
                    v = bufr[r, pl.ds(k * 16, 16)]
                    bufr[r, pl.ds(k * 16, 16)] = 1.0 / jnp.maximum(v, 1.0)
            pltpu.sync_copy(bufr, inv_hbm.at[pl.ds(g * 8, 8)])

        pl.when(s < HR // 16)(_out)

    return sc_aggregate, sc_counts



RB = 2000
NBLK = N // RB


def _t12_body(alo, ahi, hlo, hhi, inv, wl, wr, b, g, be,
              zlo_ref, zhi_ref, y_scr, stats_acc):
    p = pl.program_id(0)
    i = pl.program_id(1)

    @pl.when(p == 0)
    def _():
        agg = jnp.concatenate([alo[...], ahi[...]], axis=1) * inv[...]
        h = jnp.concatenate([hlo[...], hhi[...]], axis=1)
        y = (jnp.dot(agg, wl[...], preferred_element_type=jnp.float32)
             + jnp.dot(h, wr[...], preferred_element_type=jnp.float32)
             + b[...])
        y_scr[pl.ds(i * RB, RB), :] = y

        @pl.when(i == 0)
        def _():
            stats_acc[...] = jnp.zeros_like(stats_acc)

        stats_acc[0:1, :] += jnp.sum(y, axis=0, keepdims=True)
        stats_acc[1:2, :] += jnp.sum(y * y, axis=0, keepdims=True)

    @pl.when(p == 1)
    def _():
        mu = stats_acc[0:1, :] * (1.0 / N)
        var = stats_acc[1:2, :] * (1.0 / N) - mu * mu
        scale = g[...] * lax.rsqrt(var + EPS)
        shift = be[...] - scale * mu
        z = jnp.maximum(y_scr[pl.ds(i * RB, RB), :] * scale + shift, 0.0)
        zlo_ref[...] = z[:, :H]
        zhi_ref[...] = z[:, H:]


def _tc_layer(alo, ahi, hlo, hhi, inv2d, wl, wr, b, g, be):
    blk = lambda p, i: (jnp.where(p == 0, i, 0), 0)
    cst = lambda p, i: (0, 0)
    return pl.pallas_call(
        _t12_body,
        grid=(2, NBLK),
        in_specs=[
            pl.BlockSpec((RB, H), blk),
            pl.BlockSpec((RB, H), blk),
            pl.BlockSpec((RB, H), blk),
            pl.BlockSpec((RB, H), blk),
            pl.BlockSpec((RB, 1), blk),
            pl.BlockSpec((D, D), cst),
            pl.BlockSpec((D, D), cst),
            pl.BlockSpec((1, D), cst),
            pl.BlockSpec((1, D), cst),
            pl.BlockSpec((1, D), cst),
        ],
        out_specs=[
            pl.BlockSpec((RB, H), lambda p, i: (i, 0)),
            pl.BlockSpec((RB, H), lambda p, i: (i, 0)),
        ],
        out_shape=[
            jax.ShapeDtypeStruct((N, H), jnp.float32),
            jax.ShapeDtypeStruct((N, H), jnp.float32),
        ],
        scratch_shapes=[pltpu.VMEM((N, D), jnp.float32),
                        pltpu.VMEM((8, D), jnp.float32)],
    )(alo, ahi, hlo, hhi, inv2d, wl, wr, b, g, be)


def _t3_body(alo, ahi, hlo, hhi, inv, wl, wr, b, batch,
             out_ref, pool_acc, cg_acc):
    i = pl.program_id(0)
    agg = jnp.concatenate([alo[...], ahi[...]], axis=1) * inv[...]
    h = jnp.concatenate([hlo[...], hhi[...]], axis=1)
    y = (jnp.dot(agg, wl[...], preferred_element_type=jnp.float32)
         + jnp.dot(h, wr[...], preferred_element_type=jnp.float32)
         + b[...])
    bb = batch[0, 0, :]
    oh = (bb[:, None] == lax.broadcasted_iota(jnp.int32, (RB, G), 1))
    oh = oh.astype(jnp.float32)

    @pl.when(i == 0)
    def _():
        pool_acc[...] = jnp.zeros_like(pool_acc)
        cg_acc[...] = jnp.zeros_like(cg_acc)

    pool_acc[...] += lax.dot_general(oh, y, (((0,), (0,)), ((), ())),
                                     preferred_element_type=jnp.float32)
    cg_acc[...] += lax.dot_general(oh, jnp.ones((RB, H), jnp.float32),
                                   (((0,), (0,)), ((), ())),
                                   preferred_element_type=jnp.float32)

    @pl.when(i == NBLK - 1)
    def _():
        out_ref[...] = pool_acc[...] / jnp.maximum(cg_acc[:, 0:1], 1.0)


def _tc_matmul_pool(alo, ahi, hlo, hhi, inv2d, wl, wr, b, batch3):
    return pl.pallas_call(
        _t3_body,
        grid=(NBLK,),
        in_specs=[
            pl.BlockSpec((RB, H), lambda i: (i, 0)),
            pl.BlockSpec((RB, H), lambda i: (i, 0)),
            pl.BlockSpec((RB, H), lambda i: (i, 0)),
            pl.BlockSpec((RB, H), lambda i: (i, 0)),
            pl.BlockSpec((RB, 1), lambda i: (i, 0)),
            pl.BlockSpec((D, D), lambda i: (0, 0)),
            pl.BlockSpec((D, D), lambda i: (0, 0)),
            pl.BlockSpec((1, D), lambda i: (0, 0)),
            pl.BlockSpec((1, 1, RB), lambda i: (i, 0, 0)),
        ],
        out_specs=pl.BlockSpec((G, D), lambda i: (0, 0)),
        out_shape=jax.ShapeDtypeStruct((G, D), jnp.float32),
        scratch_shapes=[pltpu.VMEM((G, D), jnp.float32),
                        pltpu.VMEM((G, H), jnp.float32)],
    )(alo, ahi, hlo, hhi, inv2d, wl, wr, b, batch3)


def kernel(x, edge_index, batch, W1l, W1r, b1, g1, be1,
           W2l, W2r, b2, g2, be2, W3l, W3r, b3):
    xlo = x[:, :H]
    xhi = x[:, H:]
    src2 = edge_index[0].reshape(E // CH, CH)
    dst2 = edge_index[1].reshape(E // CH, CH)
    dst1 = edge_index[1]
    zeros128 = jnp.zeros((N, H), jnp.float32)
    batch3 = batch.reshape(NBLK, 1, RB)
    b1r = b1.reshape(1, D)
    g1r = g1.reshape(1, D)
    be1r = be1.reshape(1, D)
    b2r = b2.reshape(1, D)
    g2r = g2.reshape(1, D)
    be2r = be2.reshape(1, D)
    b3r = b3.reshape(1, D)

    _sc_aggregate, _sc_counts = _sc_kernels()

    inv80 = _sc_counts(dst1, zeros128)
    inv2d = inv80.reshape(HR * H)[:N].reshape(N, 1)

    a1lo, a1hi = _sc_aggregate(xlo, xhi, src2, dst2, zeros128)
    h1lo, h1hi = _tc_layer(a1lo, a1hi, xlo, xhi, inv2d,
                           W1l, W1r, b1r, g1r, be1r)

    a2lo, a2hi = _sc_aggregate(h1lo, h1hi, src2, dst2, zeros128)
    h2lo, h2hi = _tc_layer(a2lo, a2hi, h1lo, h1hi, inv2d,
                           W2l, W2r, b2r, g2r, be2r)

    a3lo, a3hi = _sc_aggregate(h2lo, h2hi, src2, dst2, zeros128)
    return _tc_matmul_pool(a3lo, a3hi, h2lo, h2hi, inv2d,
                           W3l, W3r, b3r, batch3)

# --- scband reference (transcript-rebuilt; emitter-appended) ---
"""Pipeline reference for scband-graph-sagemodule-33328946217387 (READ-ONLY COPY).

The authoritative reference and input builder live on the scoring server;
editing this copy changes nothing except your own understanding.
"""

import jax, jax.numpy as jnp
import numpy as np

N = 10000
E = 160000
D_IN = 256
D_HID = 256
D_OUT = 256
G = 64
EPS = 1e-5


def setup_inputs(seed: int = 0) -> dict:
    key = jax.random.key(seed)
    ks = jax.random.split(key, 20)
    inp = {}
    inp['x'] = jax.random.normal(ks[0], (N, D_IN), dtype=jnp.float32)
    inp['edge_index'] = jax.random.randint(ks[1], (2, E), 0, N, dtype=jnp.int32)
    inp['batch'] = jnp.sort(jax.random.randint(ks[2], (N,), 0, G, dtype=jnp.int32))
    s1 = 1.0 / np.sqrt(D_IN)
    s2 = 1.0 / np.sqrt(D_HID)
    inp['W1l'] = jax.random.normal(ks[3], (D_IN, D_HID), dtype=jnp.float32) * s1
    inp['W1r'] = jax.random.normal(ks[4], (D_IN, D_HID), dtype=jnp.float32) * s1
    inp['b1'] = jnp.zeros((D_HID,), dtype=jnp.float32)
    inp['g1'] = jnp.ones((D_HID,), dtype=jnp.float32)
    inp['be1'] = jnp.zeros((D_HID,), dtype=jnp.float32)
    inp['W2l'] = jax.random.normal(ks[5], (D_HID, D_HID), dtype=jnp.float32) * s2
    inp['W2r'] = jax.random.normal(ks[6], (D_HID, D_HID), dtype=jnp.float32) * s2
    inp['b2'] = jnp.zeros((D_HID,), dtype=jnp.float32)
    inp['g2'] = jnp.ones((D_HID,), dtype=jnp.float32)
    inp['be2'] = jnp.zeros((D_HID,), dtype=jnp.float32)
    inp['W3l'] = jax.random.normal(ks[7], (D_HID, D_OUT), dtype=jnp.float32) * s2
    inp['W3r'] = jax.random.normal(ks[8], (D_HID, D_OUT), dtype=jnp.float32) * s2
    inp['b3'] = jnp.zeros((D_OUT,), dtype=jnp.float32)
    return inp


def _sage_conv(x, edge_index, Wl, Wr, b):
    # PyG SAGEConv(mean): out = lin_l(mean_{j in N(i)} x_j) + lin_r(x_i)
    src = edge_index[0]
    dst = edge_index[1]
    msg = jnp.take(x, src, axis=0)
    agg_sum = jax.ops.segment_sum(msg, dst, num_segments=N)
    cnt = jax.ops.segment_sum(jnp.ones((edge_index.shape[1],), dtype=x.dtype), dst, num_segments=N)
    agg = agg_sum / jnp.maximum(cnt, 1.0)[:, None]
    return agg @ Wl + x @ Wr + b


def _batch_norm(x, gamma, beta):
    # BatchNorm1d in training mode: batch statistics, biased variance
    mu = jnp.mean(x, axis=0)
    var = jnp.mean((x - mu) ** 2, axis=0)
    return gamma * (x - mu) / jnp.sqrt(var + EPS) + beta


def reference(x, edge_index, batch, W1l, W1r, b1, g1, be1, W2l, W2r, b2, g2, be2, W3l, W3r, b3):
    h = _sage_conv(x, edge_index, W1l, W1r, b1)
    h = _batch_norm(h, g1, be1)
    h = jax.nn.relu(h)
    # dropout = identity (eval / deterministic)
    h = _sage_conv(h, edge_index, W2l, W2r, b2)
    h = _batch_norm(h, g2, be2)
    h = jax.nn.relu(h)
    h = _sage_conv(h, edge_index, W3l, W3r, b3)
    # global_mean_pool over batch segment ids
    s = jax.ops.segment_sum(h, batch, num_segments=G)
    c = jax.ops.segment_sum(jnp.ones((h.shape[0],), dtype=h.dtype), batch, num_segments=G)
    return s / jnp.maximum(c, 1.0)[:, None]

if __name__ == "__main__":
    import jax
    _d = setup_inputs()
    print(jax.jit(kernel)(*tuple(_d.values())))

</pallas_src>

<mosaic_0001>
#map = affine_map<(d0, d1) -> (0, 0)>
module attributes {stable_mosaic.version = 14 : i64} {
  func.func @sc_aggregate(%arg0: i32, %arg1: i32, %arg2: memref<10000x128xf32, #tpu.memory_space<hbm>>, %arg3: memref<10000x128xf32, #tpu.memory_space<hbm>>, %arg4: memref<1280x125xi32, #tpu.memory_space<hbm>>, %arg5: memref<1280x125xi32, #tpu.memory_space<hbm>>, %arg6: memref<10000x128xf32, #tpu.memory_space<hbm>>, %arg7: memref<10000x128xf32, #tpu.memory_space<hbm>>, %arg8: memref<10000x128xf32, #tpu.memory_space<hbm>>, %arg9: memref<40x125xi32, #tpu.memory_space<vmem>>, %arg10: memref<40x125xi32, #tpu.memory_space<vmem>>, %arg11: memref<125x128xf32, #tpu.memory_space<vmem>>, %arg12: memref<125x128xf32, #tpu.memory_space<vmem>>, %arg13: memref<10000x128xf32, #tpu.memory_space<vmem_shared>>, %arg14: memref<!tpu.dma_semaphore, #tpu.memory_space<semaphore_mem>>, %arg15: memref<!tpu.dma_semaphore, #tpu.memory_space<semaphore_mem>>, %arg16: memref<!tpu.dma_semaphore, #tpu.memory_space<semaphore_mem>>) attributes {dimension_semantics = [#tpu.dimension_semantics<core_parallel>, #tpu.dimension_semantics<subcore_parallel>], iteration_bounds = array<i64: 2, 16>, scalar_prefetch = 0 : i64, scratch_operands = 8 : i64, tpu.core_type = #tpu.core_type<sc_vector_subcore>, window_params = [{transform_indices = #map}, {transform_indices = #map}, {transform_indices = #map}, {transform_indices = #map}, {transform_indices = #map}, {transform_indices = #map}, {transform_indices = #map}]} {
    %lt3A = arith.constant 15 : i32
    %lt3A_0 = arith.cmpi slt, %arg1, %lt3A : i32
    %convert_element_type3A = arith.extui %lt3A_0 : i1 to i32
    %cond3A = arith.constant 0 : i32
    %cond3A_1 = arith.cmpi ne, %convert_element_type3A, %cond3A : i32
    scf.if %cond3A_1 {
      %mul3A = arith.constant 640 : i32
      %mul3A_26 = arith.muli %arg1, %mul3A : i32
      %mul3A_27 = arith.constant 640 : i32
      %mul3A_28 = arith.muli %arg1, %mul3A_27 : i32
      %dma_start3A = arith.constant 0 : i32
      %dma_start3A_29 = tpu.memref_slice %arg13[%mul3A_28, %dma_start3A] : memref<10000x128xf32, #tpu.memory_space<vmem_shared>> -> memref<640x128xf32, #tpu.memory_space<vmem_shared>>
      %dma_start3A_30 = arith.constant 0 : i32
      %dma_start3A_31 = tpu.memref_slice %arg6[%mul3A_26, %dma_start3A_30] : memref<10000x128xf32, #tpu.memory_space<hbm>> -> memref<640x128xf32, #tpu.memory_space<hbm>>
      tpu.enqueue_dma source(%dma_start3A_31 : memref<640x128xf32, #tpu.memory_space<hbm>>) target(%dma_start3A_29 : memref<640x128xf32, #tpu.memory_space<vmem_shared>>) target_semaphore(%arg16 : memref<!tpu.dma_semaphore, #tpu.memory_space<semaphore_mem>>)
    } else {
    }
    %eq3A = arith.constant 15 : i32
    %eq3A_2 = arith.cmpi eq, %arg1, %eq3A : i32
    %convert_element_type3A_3 = arith.extui %eq3A_2 : i1 to i32
    %cond3A_4 = arith.constant 0 : i32
    %cond3A_5 = arith.cmpi ne, %convert_element_type3A_3, %cond3A_4 : i32
    scf.if %cond3A_5 {
      %dma_start3A = arith.constant 9600 : i32
      %dma_start3A_26 = arith.constant 0 : i32
      %dma_start3A_27 = tpu.memref_slice %arg13[%dma_start3A, %dma_start3A_26] : memref<10000x128xf32, #tpu.memory_space<vmem_shared>> -> memref<400x128xf32, #tpu.memory_space<vmem_shared>>
      %dma_start3A_28 = arith.constant 9600 : i32
      %dma_start3A_29 = arith.constant 0 : i32
      %dma_start3A_30 = tpu.memref_slice %arg6[%dma_start3A_28, %dma_start3A_29] : memref<10000x128xf32, #tpu.memory_space<hbm>> -> memref<400x128xf32, #tpu.memory_space<hbm>>
      tpu.enqueue_dma source(%dma_start3A_30 : memref<400x128xf32, #tpu.memory_space<hbm>>) target(%dma_start3A_27 : memref<400x128xf32, #tpu.memory_space<vmem_shared>>) target_semaphore(%arg16 : memref<!tpu.dma_semaphore, #tpu.memory_space<semaphore_mem>>)
    } else {
    }
    %eq3A_6 = arith.constant 0 : i32
    %eq3A_7 = arith.cmpi eq, %arg0, %eq3A_6 : i32
    %convert_element_type3A_8 = arith.extui %eq3A_7 : i1 to i32
    %cond3A_9 = arith.constant 0 : i32
    %cond3A_10 = arith.cmpi ne, %convert_element_type3A_8, %cond3A_9 : i32
    scf.if %cond3A_10 {
      %mul3A = arith.constant 80 : i32
      %mul3A_26 = arith.muli %arg1, %mul3A : i32
      "tpu.region"() ({
        %run_scoped3A = tpu.sem_alloc : memref<!tpu.dma_semaphore, #tpu.memory_space<semaphore_mem>>
        %dma_start3A_79 = arith.constant 0 : i32
        %dma_start3A_80 = tpu.memref_slice %arg4[%mul3A_26, %dma_start3A_79] : memref<1280x125xi32, #tpu.memory_space<hbm>> -> memref<40x125xi32, #tpu.memory_space<hbm>>
        %dma_start3A_81 = arith.constant 0 : i32
        %dma_start3A_82 = tpu.memref_slice %arg4[%mul3A_26, %dma_start3A_81] : memref<1280x125xi32, #tpu.memory_space<hbm>> -> memref<40x125xi32, #tpu.memory_space<hbm>>
        tpu.enqueue_dma source(%dma_start3A_82 : memref<40x125xi32, #tpu.memory_space<hbm>>) target(%arg9 : memref<40x125xi32, #tpu.memory_space<vmem>>) target_semaphore(%run_scoped3A : memref<!tpu.dma_semaphore, #tpu.memory_space<semaphore_mem>>)
        %dma_wait3A = arith.constant 0 : i32
        %dma_wait3A_83 = tpu.memref_slice %arg4[%mul3A_26, %dma_wait3A] : memref<1280x125xi32, #tpu.memory_space<hbm>> -> memref<40x125xi32, #tpu.memory_space<hbm>>
        %dma_wait3A_84 = arith.constant 0 : i32
        %dma_wait3A_85 = tpu.memref_slice %arg4[%mul3A_26, %dma_wait3A_84] : memref<1280x125xi32, #tpu.memory_space<hbm>> -> memref<40x125xi32, #tpu.memory_space<hbm>>
        tpu.wait_dma2 semaphore(%run_scoped3A : memref<!tpu.dma_semaphore, #tpu.memory_space<semaphore_mem>>) src(%dma_wait3A_85 : memref<40x125xi32, #tpu.memory_space<hbm>>) dst(%arg9 : memref<40x125xi32, #tpu.memory_space<vmem>>)
        tpu.yield
      }) : () -> ()
      "tpu.region"() ({
        %run_scoped3A = tpu.sem_alloc : memref<!tpu.dma_semaphore, #tpu.memory_space<semaphore_mem>>
        %dma_start3A_79 = arith.constant 0 : i32
        %dma_start3A_80 = tpu.memref_slice %arg5[%mul3A_26, %dma_start3A_79] : memref<1280x125xi32, #tpu.memory_space<hbm>> -> memref<40x125xi32, #tpu.memory_space<hbm>>
        %dma_start3A_81 = arith.constant 0 : i32
        %dma_start3A_82 = tpu.memref_slice %arg5[%mul3A_26, %dma_start3A_81] : memref<1280x125xi32, #tpu.memory_space<hbm>> -> memref<40x125xi32, #tpu.memory_space<hbm>>
        tpu.enqueue_dma source(%dma_start3A_82 : memref<40x125xi32, #tpu.memory_space<hbm>>) target(%arg10 : memref<40x125xi32, #tpu.memory_space<vmem>>) target_semaphore(%run_scoped3A : memref<!tpu.dma_semaphore, #tpu.memory_space<semaphore_mem>>)
        %dma_wait3A = arith.constant 0 : i32
        %dma_wait3A_83 = tpu.memref_slice %arg5[%mul3A_26, %dma_wait3A] : memref<1280x125xi32, #tpu.memory_space<hbm>> -> memref<40x125xi32, #tpu.memory_space<hbm>>
        %dma_wait3A_84 = arith.constant 0 : i32
        %dma_wait3A_85 = tpu.memref_slice %arg5[%mul3A_26, %dma_wait3A_84] : memref<1280x125xi32, #tpu.memory_space<hbm>> -> memref<40x125xi32, #tpu.memory_space<hbm>>
        tpu.wait_dma2 semaphore(%run_scoped3A : memref<!tpu.dma_semaphore, #tpu.memory_space<semaphore_mem>>) src(%dma_wait3A_85 : memref<40x125xi32, #tpu.memory_space<hbm>>) dst(%arg10 : memref<40x125xi32, #tpu.memory_space<vmem>>)
        tpu.yield
      }) : () -> ()
      %dma_start3A = arith.constant 0 : i32
      %dma_start3A_27 = arith.constant 0 : i32
      %dma_start3A_28 = tpu.memref_slice %arg9[%dma_start3A, %dma_start3A_27] : memref<40x125xi32, #tpu.memory_space<vmem>> -> memref<1x125xi32, #tpu.memory_space<vmem>>
      %dma_start3A_29 = tpu.memref_squeeze %dma_start3A_28 : memref<1x125xi32, #tpu.memory_space<vmem>> -> memref<125xi32, #tpu.memory_space<vmem>>
      %dma_start3A_30 = arith.constant 0 : i32
      %dma_start3A_31 = arith.constant 0 : i32
      %dma_start3A_32 = tpu.memref_slice %arg2[%dma_start3A_30, %dma_start3A_31] : memref<10000x128xf32, #tpu.memory_space<hbm>> -> memref<10000x128xf32, #tpu.memory_space<hbm>>
      tpu.enqueue_indirect_dma source(%dma_start3A_32 : memref<10000x128xf32, #tpu.memory_space<hbm>>) target(%arg11 : memref<125x128xf32, #tpu.memory_space<vmem>>) offsets(%dma_start3A_29 : memref<125xi32, #tpu.memory_space<vmem>>) semaphore(%arg14 : memref<!tpu.dma_semaphore, #tpu.memory_space<semaphore_mem>>)
      %dma_start3A_33 = arith.constant 1 : i32
      %dma_start3A_34 = arith.constant 0 : i32
      %dma_start3A_35 = tpu.memref_slice %arg9[%dma_start3A_33, %dma_start3A_34] : memref<40x125xi32, #tpu.memory_space<vmem>> -> memref<1x125xi32, #tpu.memory_space<vmem>>
      %dma_start3A_36 = tpu.memref_squeeze %dma_start3A_35 : memref<1x125xi32, #tpu.memory_space<vmem>> -> memref<125xi32, #tpu.memory_space<vmem>>
      %dma_start3A_37 = arith.constant 0 : i32
      %dma_start3A_38 = arith.constant 0 : i32
      %dma_start3A_39 = tpu.memref_slice %arg2[%dma_start3A_37, %dma_start3A_38] : memref<10000x128xf32, #tpu.memory_space<hbm>> -> memref<10000x128xf32, #tpu.memory_space<hbm>>
      tpu.enqueue_indirect_dma source(%dma_start3A_39 : memref<10000x128xf32, #tpu.memory_space<hbm>>) target(%arg12 : memref<125x128xf32, #tpu.memory_space<vmem>>) offsets(%dma_start3A_36 : memref<125xi32, #tpu.memory_space<vmem>>) semaphore(%arg15 : memref<!tpu.dma_semaphore, #tpu.memory_space<semaphore_mem>>)
      %lt3A_40 = arith.constant 15 : i32
      %lt3A_41 = arith.cmpi slt, %arg1, %lt3A_40 : i32
      %convert_element_type3A_42 = arith.extui %lt3A_41 : i1 to i32
      %cond3A_43 = arith.constant 0 : i32
      %cond3A_44 = arith.cmpi ne, %convert_element_type3A_42, %cond3A_43 : i32
      scf.if %cond3A_44 {
        %mul3A_79 = arith.constant 640 : i32
        %mul3A_80 = arith.muli %arg1, %mul3A_79 : i32
        %mul3A_81 = arith.constant 640 : i32
        %mul3A_82 = arith.muli %arg1, %mul3A_81 : i32
        %dma_wait3A = arith.constant 0 : i32
        %dma_wait3A_83 = tpu.memref_slice %arg13[%mul3A_82, %dma_wait3A] : memref<10000x128xf32, #tpu.memory_space<vmem_shared>> -> memref<640x128xf32, #tpu.memory_space<vmem_shared>>
        %dma_wait3A_84 = arith.constant 0 : i32
        %dma_wait3A_85 = tpu.memref_slice %arg6[%mul3A_80, %dma_wait3A_84] : memref<10000x128xf32, #tpu.memory_space<hbm>> -> memref<640x128xf32, #tpu.memory_space<hbm>>
        tpu.wait_dma2 semaphore(%arg16 : memref<!tpu.dma_semaphore, #tpu.memory_space<semaphore_mem>>) src(%dma_wait3A_85 : memref<640x128xf32, #tpu.memory_space<hbm>>) dst(%dma_wait3A_83 : memref<640x128xf32, #tpu.memory_space<vmem_shared>>)
      } else {
      }
      %eq3A_45 = arith.constant 15 : i32
      %eq3A_46 = arith.cmpi eq, %arg1, %eq3A_45 : i32
      %convert_element_type3A_47 = arith.extui %eq3A_46 : i1 to i32
      %cond3A_48 = arith.constant 0 : i32
      %cond3A_49 = arith.cmpi ne, %convert_element_type3A_47, %cond3A_48 : i32
      scf.if %cond3A_49 {
        %dma_wait3A = arith.constant 9600 : i32
        %dma_wait3A_79 = arith.constant 0 : i32
        %dma_wait3A_80 = tpu.memref_slice %arg13[%dma_wait3A, %dma_wait3A_79] : memref<10000x128xf32, #tpu.memory_space<vmem_shared>> -> memref<400x128xf32, #tpu.memory_space<vmem_shared>>
        %dma_wait3A_81 = arith.constant 9600 : i32
        %dma_wait3A_82 = arith.constant 0 : i32
        %dma_wait3A_83 = tpu.memref_slice %arg6[%dma_wait3A_81, %dma_wait3A_82] : memref<10000x128xf32, #tpu.memory_space<hbm>> -> memref<400x128xf32, #tpu.memory_space<hbm>>
        tpu.wait_dma2 semaphore(%arg16 : memref<!tpu.dma_semaphore, #tpu.memory_space<semaphore_mem>>) src(%dma_wait3A_83 : memref<400x128xf32, #tpu.memory_space<hbm>>) dst(%dma_wait3A_80 : memref<400x128xf32, #tpu.memory_space<vmem_shared>>)
      } else {
      }
      %barrier3A_50 = arith.constant 0 : index
      tpu.barrier barrier_id(%barrier3A_50)
      %scan3A = arith.constant 0 : i32
      %scan3A_51 = arith.constant 0 : i32
      %scan3A_52 = arith.constant 20 : i32
      %scan3A_53 = arith.addi %scan3A_51, %scan3A_52 : i32
      %scan3A_54 = arith.constant 1 : i32
      scf.for %scan3A_79 = %scan3A_51 to %scan3A_53 step %scan3A_54  : i32 {
        %mul3A_80 = arith.constant 2 : i32
        %mul3A_81 = arith.muli %scan3A_79, %mul3A_80 : i32
        %add3A_82 = arith.constant 1 : i32
        %add3A_83 = arith.addi %mul3A_81, %add3A_82 : i32
        %dma_wait3A = arith.constant 0 : i32
        %dma_wait3A_84 = arith.constant 0 : i32
        %dma_wait3A_85 = tpu.memref_slice %arg9[%dma_wait3A, %dma_wait3A_84] : memref<40x125xi32, #tpu.memory_space<vmem>> -> memref<1x125xi32, #tpu.memory_space<vmem>>
        %dma_wait3A_86 = tpu.memref_squeeze %dma_wait3A_85 : memref<1x125xi32, #tpu.memory_space<vmem>> -> memref<125xi32, #tpu.memory_space<vmem>>
        %dma_wait3A_87 = arith.constant 0 : i32
        %dma_wait3A_88 = arith.constant 0 : i32
        %dma_wait3A_89 = tpu.memref_slice %arg2[%dma_wait3A_87, %dma_wait3A_88] : memref<10000x128xf32, #tpu.memory_space<hbm>> -> memref<10000x128xf32, #tpu.memory_space<hbm>>
        tpu.wait_indirect_dma semaphore(%arg14 : memref<!tpu.dma_semaphore, #tpu.memory_space<semaphore_mem>>) src(%dma_wait3A_89 : memref<10000x128xf32, #tpu.memory_space<hbm>>) dst(%arg11 : memref<125x128xf32, #tpu.memory_space<vmem>>)
        "tpu.region"() ({
          %run_scoped3A = tpu.sem_alloc : memref<!tpu.dma_semaphore, #tpu.memory_space<semaphore_mem>>
          %dma_start3A_111 = arith.constant 0 : i32
          %dma_start3A_112 = tpu.memref_slice %arg10[%mul3A_81, %dma_start3A_111] : memref<40x125xi32, #tpu.memory_space<vmem>> -> memref<1x125xi32, #tpu.memory_space<vmem>>
          %dma_start3A_113 = tpu.memref_squeeze %dma_start3A_112 : memref<1x125xi32, #tpu.memory_space<vmem>> -> memref<125xi32, #tpu.memory_space<vmem>>
          %dma_start3A_114 = arith.constant 0 : i32
          %dma_start3A_115 = arith.constant 0 : i32
          %dma_start3A_116 = tpu.memref_slice %arg13[%dma_start3A_114, %dma_start3A_115] : memref<10000x128xf32, #tpu.memory_space<vmem_shared>> -> memref<10000x128xf32, #tpu.memory_space<vmem_shared>>
          tpu.enqueue_indirect_dma source(%arg11 : memref<125x128xf32, #tpu.memory_space<vmem>>) target(%dma_start3A_116 : memref<10000x128xf32, #tpu.memory_space<vmem_shared>>) offsets(%dma_start3A_113 : memref<125xi32, #tpu.memory_space<vmem>>) semaphore(%run_scoped3A : memref<!tpu.dma_semaphore, #tpu.memory_space<semaphore_mem>>) {add = true}
          %dma_wait3A_117 = arith.constant 0 : i32
          %dma_wait3A_118 = tpu.memref_slice %arg10[%mul3A_81, %dma_wait3A_117] : memref<40x125xi32, #tpu.memory_space<vmem>> -> memref<1x125xi32, #tpu.memory_space<vmem>>
          %dma_wait3A_119 = tpu.memref_squeeze %dma_wait3A_118 : memref<1x125xi32, #tpu.memory_space<vmem>> -> memref<125xi32, #tpu.memory_space<vmem>>
          %dma_wait3A_120 = arith.constant 0 : i32
          %dma_wait3A_121 = arith.constant 0 : i32
          %dma_wait3A_122 = tpu.memref_slice %arg13[%dma_wait3A_120, %dma_wait3A_121] : memref<10000x128xf32, #tpu.memory_space<vmem_shared>> -> memref<10000x128xf32, #tpu.memory_space<vmem_shared>>
          tpu.wait_indirect_dma semaphore(%run_scoped3A : memref<!tpu.dma_semaphore, #tpu.memory_space<semaphore_mem>>) src(%arg11 : memref<125x128xf32, #tpu.memory_space<vmem>>) dst(%dma_wait3A_122 : memref<10000x128xf32, #tpu.memory_space<vmem_shared>>)
          tpu.yield
        }) : () -> ()
        %add3A_90 = arith.constant 2 : i32
        %add3A_91 = arith.addi %mul3A_81, %add3A_90 : i32
        %lt3A_92 = arith.constant 40 : i32
        %lt3A_93 = arith.cmpi slt, %add3A_91, %lt3A_92 : i32
        %convert_element_type3A_94 = arith.extui %lt3A_93 : i1 to i32
        %cond3A_95 = arith.constant 0 : i32
        %cond3A_96 = arith.cmpi ne, %convert_element_type3A_94, %cond3A_95 : i32
        scf.if %cond3A_96 {
          %add3A_111 = arith.constant 2 : i32
          %add3A_112 = arith.addi %mul3A_81, %add3A_111 : i32
          %dma_start3A_113 = arith.constant 0 : i32
          %dma_start3A_114 = tpu.memref_slice %arg9[%add3A_112, %dma_start3A_113] : memref<40x125xi32, #tpu.memory_space<vmem>> -> memref<1x125xi32, #tpu.memory_space<vmem>>
          %dma_start3A_115 = tpu.memref_squeeze %dma_start3A_114 : memref<1x125xi32, #tpu.memory_space<vmem>> -> memref<125xi32, #tpu.memory_space<vmem>>
          %dma_start3A_116 = arith.constant 0 : i32
          %dma_start3A_117 = arith.constant 0 : i32
          %dma_start3A_118 = tpu.memref_slice %arg2[%dma_start3A_116, %dma_start3A_117] : memref<10000x128xf32, #tpu.memory_space<hbm>> -> memref<10000x128xf32, #tpu.memory_space<hbm>>
          tpu.enqueue_indirect_dma source(%dma_start3A_118 : memref<10000x128xf32, #tpu.memory_space<hbm>>) target(%arg11 : memref<125x128xf32, #tpu.memory_space<vmem>>) offsets(%dma_start3A_115 : memref<125xi32, #tpu.memory_space<vmem>>) semaphore(%arg14 : memref<!tpu.dma_semaphore, #tpu.memory_space<semaphore_mem>>)
        } else {
        }
        %dma_wait3A_97 = arith.constant 0 : i32
        %dma_wait3A_98 = arith.constant 0 : i32
        %dma_wait3A_99 = tpu.memref_slice %arg9[%dma_wait3A_97, %dma_wait3A_98] : memref<40x125xi32, #tpu.memory_space<vmem>> -> memref<1x125xi32, #tpu.memory_space<vmem>>
        %dma_wait3A_100 = tpu.memref_squeeze %dma_wait3A_99 : memref<1x125xi32, #tpu.memory_space<vmem>> -> memref<125xi32, #tpu.memory_space<vmem>>
        %dma_wait3A_101 = arith.constant 0 : i32
        %dma_wait3A_102 = arith.constant 0 : i32
        %dma_wait3A_103 = tpu.memref_slice %arg2[%dma_wait3A_101, %dma_wait3A_102] : memref<10000x128xf32, #tpu.memory_space<hbm>> -> memref<10000x128xf32, #tpu.memory_space<hbm>>
        tpu.wait_indirect_dma semaphore(%arg15 : memref<!tpu.dma_semaphore, #tpu.memory_space<semaphore_mem>>) src(%dma_wait3A_103 : memref<10000x128xf32, #tpu.memory_space<hbm>>) dst(%arg12 : memref<125x128xf32, #tpu.memory_space<vmem>>)
        "tpu.region"() ({
          %run_scoped3A = tpu.sem_alloc : memref<!tpu.dma_semaphore, #tpu.memory_space<semaphore_mem>>
          %dma_start3A_111 = arith.constant 0 : i32
          %dma_start3A_112 = tpu.memref_slice %arg10[%add3A_83, %dma_start3A_111] : memref<40x125xi32, #tpu.memory_space<vmem>> -> memref<1x125xi32, #tpu.memory_space<vmem>>
          %dma_start3A_113 = tpu.memref_squeeze %dma_start3A_112 : memref<1x125xi32, #tpu.memory_space<vmem>> -> memref<125xi32, #tpu.memory_space<vmem>>
          %dma_start3A_114 = arith.constant 0 : i32
          %dma_start3A_115 = arith.constant 0 : i32
          %dma_start3A_116 = tpu.memref_slice %arg13[%dma_start3A_114, %dma_start3A_115] : memref<10000x128xf32, #tpu.memory_space<vmem_shared>> -> memref<10000x128xf32, #tpu.memory_space<vmem_shared>>
          tpu.enqueue_indirect_dma source(%arg12 : memref<125x128xf32, #tpu.memory_space<vmem>>) target(%dma_start3A_116 : memref<10000x128xf32, #tpu.memory_space<vmem_shared>>) offsets(%dma_start3A_113 : memref<125xi32, #tpu.memory_space<vmem>>) semaphore(%run_scoped3A : memref<!tpu.dma_semaphore, #tpu.memory_space<semaphore_mem>>) {add = true}
          %dma_wait3A_117 = arith.constant 0 : i32
          %dma_wait3A_118 = tpu.memref_slice %arg10[%add3A_83, %dma_wait3A_117] : memref<40x125xi32, #tpu.memory_space<vmem>> -> memref<1x125xi32, #tpu.memory_space<vmem>>
          %dma_wait3A_119 = tpu.memref_squeeze %dma_wait3A_118 : memref<1x125xi32, #tpu.memory_space<vmem>> -> memref<125xi32, #tpu.memory_space<vmem>>
          %dma_wait3A_120 = arith.constant 0 : i32
          %dma_wait3A_121 = arith.constant 0 : i32
          %dma_wait3A_122 = tpu.memref_slice %arg13[%dma_wait3A_120, %dma_wait3A_121] : memref<10000x128xf32, #tpu.memory_space<vmem_shared>> -> memref<10000x128xf32, #tpu.memory_space<vmem_shared>>
          tpu.wait_indirect_dma semaphore(%run_scoped3A : memref<!tpu.dma_semaphore, #tpu.memory_space<semaphore_mem>>) src(%arg12 : memref<125x128xf32, #tpu.memory_space<vmem>>) dst(%dma_wait3A_122 : memref<10000x128xf32, #tpu.memory_space<vmem_shared>>)
          tpu.yield
        }) : () -> ()
        %add3A_104 = arith.constant 2 : i32
        %add3A_105 = arith.addi %add3A_83, %add3A_104 : i32
        %lt3A_106 = arith.constant 40 : i32
        %lt3A_107 = arith.cmpi slt, %add3A_105, %lt3A_106 : i32
        %convert_element_type3A_108 = arith.extui %lt3A_107 : i1 to i32
        %cond3A_109 = arith.constant 0 : i32
        %cond3A_110 = arith.cmpi ne, %convert_element_type3A_108, %cond3A_109 : i32
        scf.if %cond3A_110 {
          %add3A_111 = arith.constant 2 : i32
          %add3A_112 = arith.addi %add3A_83, %add3A_111 : i32
          %dma_start3A_113 = arith.constant 0 : i32
          %dma_start3A_114 = tpu.memref_slice %arg9[%add3A_112, %dma_start3A_113] : memref<40x125xi32, #tpu.memory_space<vmem>> -> memref<1x125xi32, #tpu.memory_space<vmem>>
          %dma_start3A_115 = tpu.memref_squeeze %dma_start3A_114 : memref<1x125xi32, #tpu.memory_space<vmem>> -> memref<125xi32, #tpu.memory_space<vmem>>
          %dma_start3A_116 = arith.constant 0 : i32
          %dma_start3A_117 = arith.constant 0 : i32
          %dma_start3A_118 = tpu.memref_slice %arg2[%dma_start3A_116, %dma_start3A_117] : memref<10000x128xf32, #tpu.memory_space<hbm>> -> memref<10000x128xf32, #tpu.memory_space<hbm>>
          tpu.enqueue_indirect_dma source(%dma_start3A_118 : memref<10000x128xf32, #tpu.memory_space<hbm>>) target(%arg12 : memref<125x128xf32, #tpu.memory_space<vmem>>) offsets(%dma_start3A_115 : memref<125xi32, #tpu.memory_space<vmem>>) semaphore(%arg15 : memref<!tpu.dma_semaphore, #tpu.memory_space<semaphore_mem>>)
        } else {
        }
      }
      %scan3A_55 = arith.constant 20 : i32
      %mul3A_56 = arith.constant 80 : i32
      %mul3A_57 = arith.muli %arg1, %mul3A_56 : i32
      %add3A = arith.constant 40 : i32
      %add3A_58 = arith.addi %mul3A_57, %add3A : i32
      "tpu.region"() ({
        %run_scoped3A = tpu.sem_alloc : memref<!tpu.dma_semaphore, #tpu.memory_space<semaphore_mem>>
        %dma_start3A_79 = arith.constant 0 : i32
        %dma_start3A_80 = tpu.memref_slice %arg4[%add3A_58, %dma_start3A_79] : memref<1280x125xi32, #tpu.memory_space<hbm>> -> memref<40x125xi32, #tpu.memory_space<hbm>>
        %dma_start3A_81 = arith.constant 0 : i32
        %dma_start3A_82 = tpu.memref_slice %arg4[%add3A_58, %dma_start3A_81] : memref<1280x125xi32, #tpu.memory_space<hbm>> -> memref<40x125xi32, #tpu.memory_space<hbm>>
        tpu.enqueue_dma source(%dma_start3A_82 : memref<40x125xi32, #tpu.memory_space<hbm>>) target(%arg9 : memref<40x125xi32, #tpu.memory_space<vmem>>) target_semaphore(%run_scoped3A : memref<!tpu.dma_semaphore, #tpu.memory_space<semaphore_mem>>)
        %dma_wait3A = arith.constant 0 : i32
        %dma_wait3A_83 = tpu.memref_slice %arg4[%add3A_58, %dma_wait3A] : memref<1280x125xi32, #tpu.memory_space<hbm>> -> memref<40x125xi32, #tpu.memory_space<hbm>>
        %dma_wait3A_84 = arith.constant 0 : i32
        %dma_wait3A_85 = tpu.memref_slice %arg4[%add3A_58, %dma_wait3A_84] : memref<1280x125xi32, #tpu.memory_space<hbm>> -> memref<40x125xi32, #tpu.memory_space<hbm>>
        tpu.wait_dma2 semaphore(%run_scoped3A : memref<!tpu.dma_semaphore, #tpu.memory_space<semaphore_mem>>) src(%dma_wait3A_85 : memref<40x125xi32, #tpu.memory_space<hbm>>) dst(%arg9 : memref<40x125xi32, #tpu.memory_space<vmem>>)
        tpu.yield
      }) : () -> ()
      "tpu.region"() ({
        %run_scoped3A = tpu.sem_alloc : memref<!tpu.dma_semaphore, #tpu.memory_space<semaphore_mem>>
        %dma_start3A_79 = arith.constant 0 : i32
        %dma_start3A_80 = tpu.memref_slice %arg5[%add3A_58, %dma_start3A_79] : memref<1280x125xi32, #tpu.memory_space<hbm>> -> memref<40x125xi32, #tpu.memory_space<hbm>>
        %dma_start3A_81 = arith.constant 0 : i32
        %dma_start3A_82 = tpu.memref_slice %arg5[%add3A_58, %dma_start3A_81] : memref<1280x125xi32, #tpu.memory_space<hbm>> -> memref<40x125xi32, #tpu.memory_space<hbm>>
        tpu.enqueue_dma source(%dma_start3A_82 : memref<40x125xi32, #tpu.memory_space<hbm>>) target(%arg10 : memref<40x125xi32, #tpu.memory_space<vmem>>) target_semaphore(%run_scoped3A : memref<!tpu.dma_semaphore, #tpu.memory_space<semaphore_mem>>)
        %dma_wait3A = arith.constant 0 : i32
        %dma_wait3A_83 = tpu.memref_slice %arg5[%add3A_58, %dma_wait3A] : memref<1280x125xi32, #tpu.memory_space<hbm>> -> memref<40x125xi32, #tpu.memory_space<hbm>>
        %dma_wait3A_84 = arith.constant 0 : i32
        %dma_wait3A_85 = tpu.memref_slice %arg5[%add3A_58, %dma_wait3A_84] : memref<1280x125xi32, #tpu.memory_space<hbm>> -> memref<40x125xi32, #tpu.memory_space<hbm>>
        tpu.wait_dma2 semaphore(%run_scoped3A : memref<!tpu.dma_semaphore, #tpu.memory_space<semaphore_mem>>) src(%dma_wait3A_85 : memref<40x125xi32, #tpu.memory_space<hbm>>) dst(%arg10 : memref<40x125xi32, #tpu.memory_space<vmem>>)
        tpu.yield
      }) : () -> ()
      %dma_start3A_59 = arith.constant 0 : i32
      %dma_start3A_60 = arith.constant 0 : i32
      %dma_start3A_61 = tpu.memref_slice %arg9[%dma_start3A_59, %dma_start3A_60] : memref<40x125xi32, #tpu.memory_space<vmem>> -> memref<1x125xi32, #tpu.memory_space<vmem>>
      %dma_start3A_62 = tpu.memref_squeeze %dma_start3A_61 : memref<1x125xi32, #tpu.memory_space<vmem>> -> memref<125xi32, #tpu.memory_space<vmem>>
      %dma_start3A_63 = arith.constant 0 : i32
      %dma_start3A_64 = arith.constant 0 : i32
      %dma_start3A_65 = tpu.memref_slice %arg2[%dma_start3A_63, %dma_start3A_64] : memref<10000x128xf32, #tpu.memory_space<hbm>> -> memref<10000x128xf32, #tpu.memory_space<hbm>>
      tpu.enqueue_indirect_dma source(%dma_start3A_65 : memref<10000x128xf32, #tpu.memory_space<hbm>>) target(%arg11 : memref<125x128xf32, #tpu.memory_space<vmem>>) offsets(%dma_start3A_62 : memref<125xi32, #tpu.memory_space<vmem>>) semaphore(%arg14 : memref<!tpu.dma_semaphore, #tpu.memory_space<semaphore_mem>>)
      %dma_start3A_66 = arith.constant 1 : i32
      %dma_start3A_67 = arith.constant 0 : i32
      %dma_start3A_68 = tpu.memref_slice %arg9[%dma_start3A_66, %dma_start3A_67] : memref<40x125xi32, #tpu.memory_space<vmem>> -> memref<1x125xi32, #tpu.memory_space<vmem>>
      %dma_start3A_69 = tpu.memref_squeeze %dma_start3A_68 : memref<1x125xi32, #tpu.memory_space<vmem>> -> memref<125xi32, #tpu.memory_space<vmem>>
      %dma_start3A_70 = arith.constant 0 : i32
      %dma_start3A_71 = arith.constant 0 : i32
      %dma_start3A_72 = tpu.memref_slice %arg2[%dma_start3A_70, %dma_start3A_71] : memref<10000x128xf32, #tpu.memory_space<hbm>> -> memref<10000x128xf32, #tpu.memory_space<hbm>>
      tpu.enqueue_indirect_dma source(%dma_start3A_72 : memref<10000x128xf32, #tpu.memory_space<hbm>>) target(%arg12 : memref<125x128xf32, #tpu.memory_space<vmem>>) offsets(%dma_start3A_69 : memref<125xi32, #tpu.memory_space<vmem>>) semaphore(%arg15 : memref<!tpu.dma_semaphore, #tpu.memory_space<semaphore_mem>>)
      %scan3A_73 = arith.constant 0 : i32
      %scan3A_74 = arith.constant 0 : i32
      %scan3A_75 = arith.constant 20 : i32
      %scan3A_76 = arith.addi %scan3A_74, %scan3A_75 : i32
      %scan3A_77 = arith.constant 1 : i32
      scf.for %scan3A_79 = %scan3A_74 to %scan3A_76 step %scan3A_77  : i32 {
        %mul3A_80 = arith.constant 2 : i32
        %mul3A_81 = arith.muli %scan3A_79, %mul3A_80 : i32
        %add3A_82 = arith.constant 1 : i32
        %add3A_83 = arith.addi %mul3A_81, %add3A_82 : i32
        %dma_wait3A = arith.constant 0 : i32
        %dma_wait3A_84 = arith.constant 0 : i32
        %dma_wait3A_85 = tpu.memref_slice %arg9[%dma_wait3A, %dma_wait3A_84] : memref<40x125xi32, #tpu.memory_space<vmem>> -> memref<1x125xi32, #tpu.memory_space<vmem>>
        %dma_wait3A_86 = tpu.memref_squeeze %dma_wait3A_85 : memref<1x125xi32, #tpu.memory_space<vmem>> -> memref<125xi32, #tpu.memory_space<vmem>>
        %dma_wait3A_87 = arith.constant 0 : i32
        %dma_wait3A_88 = arith.constant 0 : i32
        %dma_wait3A_89 = tpu.memref_slice %arg2[%dma_wait3A_87, %dma_wait3A_88] : memref<10000x128xf32, #tpu.memory_space<hbm>> -> memref<10000x128xf32, #tpu.memory_space<hbm>>
        tpu.wait_indirect_dma semaphore(%arg14 : memref<!tpu.dma_semaphore, #tpu.memory_space<semaphore_mem>>) src(%dma_wait3A_89 : memref<10000x128xf32, #tpu.memory_space<hbm>>) dst(%arg11 : memref<125x128xf32, #tpu.memory_space<vmem>>)
        "tpu.region"() ({
          %run_scoped3A = tpu.sem_alloc : memref<!tpu.dma_semaphore, #tpu.memory_space<semaphore_mem>>
          %dma_start3A_111 = arith.constant 0 : i32
          %dma_start3A_112 = tpu.memref_slice %arg10[%mul3A_81, %dma_start3A_111] : memref<40x125xi32, #tpu.memory_space<vmem>> -> memref<1x125xi32, #tpu.memory_space<vmem>>
          %dma_start3A_113 = tpu.memref_squeeze %dma_start3A_112 : memref<1x125xi32, #tpu.memory_space<vmem>> -> memref<125xi32, #tpu.memory_space<vmem>>
          %dma_start3A_114 = arith.constant 0 : i32
          %dma_start3A_115 = arith.constant 0 : i32
          %dma_start3A_116 = tpu.memref_slice %arg13[%dma_start3A_114, %dma_start3A_115] : memref<10000x128xf32, #tpu.memory_space<vmem_shared>> -> memref<10000x128xf32, #tpu.memory_space<vmem_shared>>
          tpu.enqueue_indirect_dma source(%arg11 : memref<125x128xf32, #tpu.memory_space<vmem>>) target(%dma_start3A_116 : memref<10000x128xf32, #tpu.memory_space<vmem_shared>>) offsets(%dma_start3A_113 : memref<125xi32, #tpu.memory_space<vmem>>) semaphore(%run_scoped3A : memref<!tpu.dma_semaphore, #tpu.memory_space<semaphore_mem>>) {add = true}
          %dma_wait3A_117 = arith.constant 0 : i32
          %dma_wait3A_118 = tpu.memref_slice %arg10[%mul3A_81, %dma_wait3A_117] : memref<40x125xi32, #tpu.memory_space<vmem>> -> memref<1x125xi32, #tpu.memory_space<vmem>>
          %dma_wait3A_119 = tpu.memref_squeeze %dma_wait3A_118 : memref<1x125xi32, #tpu.memory_space<vmem>> -> memref<125xi32, #tpu.memory_space<vmem>>
          %dma_wait3A_120 = arith.constant 0 : i32
          %dma_wait3A_121 = arith.constant 0 : i32
          %dma_wait3A_122 = tpu.memref_slice %arg13[%dma_wait3A_120, %dma_wait3A_121] : memref<10000x128xf32, #tpu.memory_space<vmem_shared>> -> memref<10000x128xf32, #tpu.memory_space<vmem_shared>>
          tpu.wait_indirect_dma semaphore(%run_scoped3A : memref<!tpu.dma_semaphore, #tpu.memory_space<semaphore_mem>>) src(%arg11 : memref<125x128xf32, #tpu.memory_space<vmem>>) dst(%dma_wait3A_122 : memref<10000x128xf32, #tpu.memory_space<vmem_shared>>)
          tpu.yield
        }) : () -> ()
        %add3A_90 = arith.constant 2 : i32
        %add3A_91 = arith.addi %mul3A_81, %add3A_90 : i32
        %lt3A_92 = arith.constant 40 : i32
        %lt3A_93 = arith.cmpi slt, %add3A_91, %lt3A_92 : i32
        %convert_element_type3A_94 = arith.extui %lt3A_93 : i1 to i32
        %cond3A_95 = arith.constant 0 : i32
        %cond3A_96 = arith.cmpi ne, %convert_element_type3A_94, %cond3A_95 : i32
        scf.if %cond3A_96 {
          %add3A_111 = arith.constant 2 : i32
          %add3A_112 = arith.addi %mul3A_81, %add3A_111 : i32
          %dma_start3A_113 = arith.constant 0 : i32
          %dma_start3A_114 = tpu.memref_slice %arg9[%add3A_112, %dma_start3A_113] : memref<40x125xi32, #tpu.memory_space<vmem>> -> memref<1x125xi32, #tpu.memory_space<vmem>>
          %dma_start3A_115 = tpu.memref_squeeze %dma_start3A_114 : memref<1x125xi32, #tpu.memory_space<vmem>> -> memref<125xi32, #tpu.memory_space<vmem>>
          %dma_start3A_116 = arith.constant 0 : i32
          %dma_start3A_117 = arith.constant 0 : i32
          %dma_start3A_118 = tpu.memref_slice %arg2[%dma_start3A_116, %dma_start3A_117] : memref<10000x128xf32, #tpu.memory_space<hbm>> -> memref<10000x128xf32, #tpu.memory_space<hbm>>
          tpu.enqueue_indirect_dma source(%dma_start3A_118 : memref<10000x128xf32, #tpu.memory_space<hbm>>) target(%arg11 : memref<125x128xf32, #tpu.memory_space<vmem>>) offsets(%dma_start3A_115 : memref<125xi32, #tpu.memory_space<vmem>>) semaphore(%arg14 : memref<!tpu.dma_semaphore, #tpu.memory_space<semaphore_mem>>)
        } else {
        }
        %dma_wait3A_97 = arith.constant 0 : i32
        %dma_wait3A_98 = arith.constant 0 : i32
        %dma_wait3A_99 = tpu.memref_slice %arg9[%dma_wait3A_97, %dma_wait3A_98] : memref<40x125xi32, #tpu.memory_space<vmem>> -> memref<1x125xi32, #tpu.memory_space<vmem>>
        %dma_wait3A_100 = tpu.memref_squeeze %dma_wait3A_99 : memref<1x125xi32, #tpu.memory_space<vmem>> -> memref<125xi32, #tpu.memory_space<vmem>>
        %dma_wait3A_101 = arith.constant 0 : i32
        %dma_wait3A_102 = arith.constant 0 : i32
        %dma_wait3A_103 = tpu.memref_slice %arg2[%dma_wait3A_101, %dma_wait3A_102] : memref<10000x128xf32, #tpu.memory_space<hbm>> -> memref<10000x128xf32, #tpu.memory_space<hbm>>
        tpu.wait_indirect_dma semaphore(%arg15 : memref<!tpu.dma_semaphore, #tpu.memory_space<semaphore_mem>>) src(%dma_wait3A_103 : memref<10000x128xf32, #tpu.memory_space<hbm>>) dst(%arg12 : memref<125x128xf32, #tpu.memory_space<vmem>>)
        "tpu.region"() ({
          %run_scoped3A = tpu.sem_alloc : memref<!tpu.dma_semaphore, #tpu.memory_space<semaphore_mem>>
          %dma_start3A_111 = arith.constant 0 : i32
          %dma_start3A_112 = tpu.memref_slice %arg10[%add3A_83, %dma_start3A_111] : memref<40x125xi32, #tpu.memory_space<vmem>> -> memref<1x125xi32, #tpu.memory_space<vmem>>
          %dma_start3A_113 = tpu.memref_squeeze %dma_start3A_112 : memref<1x125xi32, #tpu.memory_space<vmem>> -> memref<125xi32, #tpu.memory_space<vmem>>
          %dma_start3A_114 = arith.constant 0 : i32
          %dma_start3A_115 = arith.constant 0 : i32
          %dma_start3A_116 = tpu.memref_slice %arg13[%dma_start3A_114, %dma_start3A_115] : memref<10000x128xf32, #tpu.memory_space<vmem_shared>> -> memref<10000x128xf32, #tpu.memory_space<vmem_shared>>
          tpu.enqueue_indirect_dma source(%arg12 : memref<125x128xf32, #tpu.memory_space<vmem>>) target(%dma_start3A_116 : memref<10000x128xf32, #tpu.memory_space<vmem_shared>>) offsets(%dma_start3A_113 : memref<125xi32, #tpu.memory_space<vmem>>) semaphore(%run_scoped3A : memref<!tpu.dma_semaphore, #tpu.memory_space<semaphore_mem>>) {add = true}
          %dma_wait3A_117 = arith.constant 0 : i32
          %dma_wait3A_118 = tpu.memref_slice %arg10[%add3A_83, %dma_wait3A_117] : memref<40x125xi32, #tpu.memory_space<vmem>> -> memref<1x125xi32, #tpu.memory_space<vmem>>
          %dma_wait3A_119 = tpu.memref_squeeze %dma_wait3A_118 : memref<1x125xi32, #tpu.memory_space<vmem>> -> memref<125xi32, #tpu.memory_space<vmem>>
          %dma_wait3A_120 = arith.constant 0 : i32
          %dma_wait3A_121 = arith.constant 0 : i32
          %dma_wait3A_122 = tpu.memref_slice %arg13[%dma_wait3A_120, %dma_wait3A_121] : memref<10000x128xf32, #tpu.memory_space<vmem_shared>> -> memref<10000x128xf32, #tpu.memory_space<vmem_shared>>
          tpu.wait_indirect_dma semaphore(%run_scoped3A : memref<!tpu.dma_semaphore, #tpu.memory_space<semaphore_mem>>) src(%arg12 : memref<125x128xf32, #tpu.memory_space<vmem>>) dst(%dma_wait3A_122 : memref<10000x128xf32, #tpu.memory_space<vmem_shared>>)
          tpu.yield
        }) : () -> ()
        %add3A_104 = arith.constant 2 : i32
        %add3A_105 = arith.addi %add3A_83, %add3A_104 : i32
        %lt3A_106 = arith.constant 40 : i32
        %lt3A_107 = arith.cmpi slt, %add3A_105, %lt3A_106 : i32
        %convert_element_type3A_108 = arith.extui %lt3A_107 : i1 to i32
        %cond3A_109 = arith.constant 0 : i32
        %cond3A_110 = arith.cmpi ne, %convert_element_type3A_108, %cond3A_109 : i32
        scf.if %cond3A_110 {
          %add3A_111 = arith.constant 2 : i32
          %add3A_112 = arith.addi %add3A_83, %add3A_111 : i32
          %dma_start3A_113 = arith.constant 0 : i32
          %dma_start3A_114 = tpu.memref_slice %arg9[%add3A_112, %dma_start3A_113] : memref<40x125xi32, #tpu.memory_space<vmem>> -> memref<1x125xi32, #tpu.memory_space<vmem>>
          %dma_start3A_115 = tpu.memref_squeeze %dma_start3A_114 : memref<1x125xi32, #tpu.memory_space<vmem>> -> memref<125xi32, #tpu.memory_space<vmem>>
          %dma_start3A_116 = arith.constant 0 : i32
          %dma_start3A_117 = arith.constant 0 : i32
          %dma_start3A_118 = tpu.memref_slice %arg2[%dma_start3A_116, %dma_start3A_117] : memref<10000x128xf32, #tpu.memory_space<hbm>> -> memref<10000x128xf32, #tpu.memory_space<hbm>>
          tpu.enqueue_indirect_dma source(%dma_start3A_118 : memref<10000x128xf32, #tpu.memory_space<hbm>>) target(%arg12 : memref<125x128xf32, #tpu.memory_space<vmem>>) offsets(%dma_start3A_115 : memref<125xi32, #tpu.memory_space<vmem>>) semaphore(%arg15 : memref<!tpu.dma_semaphore, #tpu.memory_space<semaphore_mem>>)
        } else {
        }
      }
      %scan3A_78 = arith.constant 20 : i32
    } else {
    }
    %eq3A_11 = arith.constant 1 : i32
    %eq3A_12 = arith.cmpi eq, %arg0, %eq3A_11 : i32
    %convert_element_type3A_13 = arith.extui %eq3A_12 : i1 to i32
    %cond3A_14 = arith.constant 0 : i32
    %cond3A_15 = arith.cmpi ne, %convert_element_type3A_13, %cond3A_14 : i32
    scf.if %cond3A_15 {
      %mul3A = arith.constant 80 : i32
      %mul3A_26 = arith.muli %arg1, %mul3A : i32
      "tpu.region"() ({
        %run_scoped3A = tpu.sem_alloc : memref<!tpu.dma_semaphore, #tpu.memory_space<semaphore_mem>>
        %dma_start3A_79 = arith.constant 0 : i32
        %dma_start3A_80 = tpu.memref_slice %arg4[%mul3A_26, %dma_start3A_79] : memref<1280x125xi32, #tpu.memory_space<hbm>> -> memref<40x125xi32, #tpu.memory_space<hbm>>
        %dma_start3A_81 = arith.constant 0 : i32
        %dma_start3A_82 = tpu.memref_slice %arg4[%mul3A_26, %dma_start3A_81] : memref<1280x125xi32, #tpu.memory_space<hbm>> -> memref<40x125xi32, #tpu.memory_space<hbm>>
        tpu.enqueue_dma source(%dma_start3A_82 : memref<40x125xi32, #tpu.memory_space<hbm>>) target(%arg9 : memref<40x125xi32, #tpu.memory_space<vmem>>) target_semaphore(%run_scoped3A : memref<!tpu.dma_semaphore, #tpu.memory_space<semaphore_mem>>)
        %dma_wait3A = arith.constant 0 : i32
        %dma_wait3A_83 = tpu.memref_slice %arg4[%mul3A_26, %dma_wait3A] : memref<1280x125xi32, #tpu.memory_space<hbm>> -> memref<40x125xi32, #tpu.memory_space<hbm>>
        %dma_wait3A_84 = arith.constant 0 : i32
        %dma_wait3A_85 = tpu.memref_slice %arg4[%mul3A_26, %dma_wait3A_84] : memref<1280x125xi32, #tpu.memory_space<hbm>> -> memref<40x125xi32, #tpu.memory_space<hbm>>
        tpu.wait_dma2 semaphore(%run_scoped3A : memref<!tpu.dma_semaphore, #tpu.memory_space<semaphore_mem>>) src(%dma_wait3A_85 : memref<40x125xi32, #tpu.memory_space<hbm>>) dst(%arg9 : memref<40x125xi32, #tpu.memory_space<vmem>>)
        tpu.yield
      }) : () -> ()
      "tpu.region"() ({
        %run_scoped3A = tpu.sem_alloc : memref<!tpu.dma_semaphore, #tpu.memory_space<semaphore_mem>>
        %dma_start3A_79 = arith.constant 0 : i32
        %dma_start3A_80 = tpu.memref_slice %arg5[%mul3A_26, %dma_start3A_79] : memref<1280x125xi32, #tpu.memory_space<hbm>> -> memref<40x125xi32, #tpu.memory_space<hbm>>
        %dma_start3A_81 = arith.constant 0 : i32
        %dma_start3A_82 = tpu.memref_slice %arg5[%mul3A_26, %dma_start3A_81] : memref<1280x125xi32, #tpu.memory_space<hbm>> -> memref<40x125xi32, #tpu.memory_space<hbm>>
        tpu.enqueue_dma source(%dma_start3A_82 : memref<40x125xi32, #tpu.memory_space<hbm>>) target(%arg10 : memref<40x125xi32, #tpu.memory_space<vmem>>) target_semaphore(%run_scoped3A : memref<!tpu.dma_semaphore, #tpu.memory_space<semaphore_mem>>)
        %dma_wait3A = arith.constant 0 : i32
        %dma_wait3A_83 = tpu.memref_slice %arg5[%mul3A_26, %dma_wait3A] : memref<1280x125xi32, #tpu.memory_space<hbm>> -> memref<40x125xi32, #tpu.memory_space<hbm>>
        %dma_wait3A_84 = arith.constant 0 : i32
        %dma_wait3A_85 = tpu.memref_slice %arg5[%mul3A_26, %dma_wait3A_84] : memref<1280x125xi32, #tpu.memory_space<hbm>> -> memref<40x125xi32, #tpu.memory_space<hbm>>
        tpu.wait_dma2 semaphore(%run_scoped3A : memref<!tpu.dma_semaphore, #tpu.memory_space<semaphore_mem>>) src(%dma_wait3A_85 : memref<40x125xi32, #tpu.memory_space<hbm>>) dst(%arg10 : memref<40x125xi32, #tpu.memory_space<vmem>>)
        tpu.yield
      }) : () -> ()
      %dma_start3A = arith.constant 0 : i32
      %dma_start3A_27 = arith.constant 0 : i32
      %dma_start3A_28 = tpu.memref_slice %arg9[%dma_start3A, %dma_start3A_27] : memref<40x125xi32, #tpu.memory_space<vmem>> -> memref<1x125xi32, #tpu.memory_space<vmem>>
      %dma_start3A_29 = tpu.memref_squeeze %dma_start3A_28 : memref<1x125xi32, #tpu.memory_space<vmem>> -> memref<125xi32, #tpu.memory_space<vmem>>
      %dma_start3A_30 = arith.constant 0 : i32
      %dma_start3A_31 = arith.constant 0 : i32
      %dma_start3A_32 = tpu.memref_slice %arg3[%dma_start3A_30, %dma_start3A_31] : memref<10000x128xf32, #tpu.memory_space<hbm>> -> memref<10000x128xf32, #tpu.memory_space<hbm>>
      tpu.enqueue_indirect_dma source(%dma_start3A_32 : memref<10000x128xf32, #tpu.memory_space<hbm>>) target(%arg11 : memref<125x128xf32, #tpu.memory_space<vmem>>) offsets(%dma_start3A_29 : memref<125xi32, #tpu.memory_space<vmem>>) semaphore(%arg14 : memref<!tpu.dma_semaphore, #tpu.memory_space<semaphore_mem>>)
      %dma_start3A_33 = arith.constant 1 : i32
      %dma_start3A_34 = arith.constant 0 : i32
      %dma_start3A_35 = tpu.memref_slice %arg9[%dma_start3A_33, %dma_start3A_34] : memref<40x125xi32, #tpu.memory_space<vmem>> -> memref<1x125xi32, #tpu.memory_space<vmem>>
      %dma_start3A_36 = tpu.memref_squeeze %dma_start3A_35 : memref<1x125xi32, #tpu.memory_space<vmem>> -> memref<125xi32, #tpu.memory_space<vmem>>
      %dma_start3A_37 = arith.constant 0 : i32
      %dma_start3A_38 = arith.constant 0 : i32
      %dma_start3A_39 = tpu.memref_slice %arg3[%dma_start3A_37, %dma_start3A_38] : memref<10000x128xf32, #tpu.memory_space<hbm>> -> memref<10000x128xf32, #tpu.memory_space<hbm>>
      tpu.enqueue_indirect_dma source(%dma_start3A_39 : memref<10000x128xf32, #tpu.memory_space<hbm>>) target(%arg12 : memref<125x128xf32, #tpu.memory_space<vmem>>) offsets(%dma_start3A_36 : memref<125xi32, #tpu.memory_space<vmem>>) semaphore(%arg15 : memref<!tpu.dma_semaphore, #tpu.memory_space<semaphore_mem>>)
      %lt3A_40 = arith.constant 15 : i32
      %lt3A_41 = arith.cmpi slt, %arg1, %lt3A_40 : i32
      %convert_element_type3A_42 = arith.extui %lt3A_41 : i1 to i32
      %cond3A_43 = arith.constant 0 : i32
      %cond3A_44 = arith.cmpi ne, %convert_element_type3A_42, %cond3A_43 : i32
      scf.if %cond3A_44 {
        %mul3A_79 = arith.constant 640 : i32
        %mul3A_80 = arith.muli %arg1, %mul3A_79 : i32
        %mul3A_81 = arith.constant 640 : i32
        %mul3A_82 = arith.muli %arg1, %mul3A_81 : i32
        %dma_wait3A = arith.constant 0 : i32
        %dma_wait3A_83 = tpu.memref_slice %arg13[%mul3A_82, %dma_wait3A] : memref<10000x128xf32, #tpu.memory_space<vmem_shared>> -> memref<640x128xf32, #tpu.memory_space<vmem_shared>>
        %dma_wait3A_84 = arith.constant 0 : i32
        %dma_wait3A_85 = tpu.memref_slice %arg6[%mul3A_80, %dma_wait3A_84] : memref<10000x128xf32, #tpu.memory_space<hbm>> -> memref<640x128xf32, #tpu.memory_space<hbm>>
        tpu.wait_dma2 semaphore(%arg16 : memref<!tpu.dma_semaphore, #tpu.memory_space<semaphore_mem>>) src(%dma_wait3A_85 : memref<640x128xf32, #tpu.memory_space<hbm>>) dst(%dma_wait3A_83 : memref<640x128xf32, #tpu.memory_space<vmem_shared>>)
      } else {
      }
      %eq3A_45 = arith.constant 15 : i32
      %eq3A_46 = arith.cmpi eq, %arg1, %eq3A_45 : i32
      %convert_element_type3A_47 = arith.extui %eq3A_46 : i1 to i32
      %cond3A_48 = arith.constant 0 : i32
      %cond3A_49 = arith.cmpi ne, %convert_element_type3A_47, %cond3A_48 : i32
      scf.if %cond3A_49 {
        %dma_wait3A = arith.constant 9600 : i32
        %dma_wait3A_79 = arith.constant 0 : i32
        %dma_wait3A_80 = tpu.memref_slice %arg13[%dma_wait3A, %dma_wait3A_79] : memref<10000x128xf32, #tpu.memory_space<vmem_shared>> -> memref<400x128xf32, #tpu.memory_space<vmem_shared>>
        %dma_wait3A_81 = arith.constant 9600 : i32
        %dma_wait3A_82 = arith.constant 0 : i32
        %dma_wait3A_83 = tpu.memref_slice %arg6[%dma_wait3A_81, %dma_wait3A_82] : memref<10000x128xf32, #tpu.memory_space<hbm>> -> memref<400x128xf32, #tpu.memory_space<hbm>>
        tpu.wait_dma2 semaphore(%arg16 : memref<!tpu.dma_semaphore, #tpu.memory_space<semaphore_mem>>) src(%dma_wait3A_83 : memref<400x128xf32, #tpu.memory_space<hbm>>) dst(%dma_wait3A_80 : memref<400x128xf32, #tpu.memory_space<vmem_shared>>)
      } else {
      }
      %barrier3A_50 = arith.constant 0 : index
      tpu.barrier barrier_id(%barrier3A_50)
      %scan3A = arith.constant 0 : i32
      %scan3A_51 = arith.constant 0 : i32
      %scan3A_52 = arith.constant 20 : i32
      %scan3A_53 = arith.addi %scan3A_51, %scan3A_52 : i32
      %scan3A_54 = arith.constant 1 : i32
      scf.for %scan3A_79 = %scan3A_51 to %scan3A_53 step %scan3A_54  : i32 {
        %mul3A_80 = arith.constant 2 : i32
        %mul3A_81 = arith.muli %scan3A_79, %mul3A_80 : i32
        %add3A_82 = arith.constant 1 : i32
        %add3A_83 = arith.addi %mul3A_81, %add3A_82 : i32
        %dma_wait3A = arith.constant 0 : i32
        %dma_wait3A_84 = arith.constant 0 : i32
        %dma_wait3A_85 = tpu.memref_slice %arg9[%dma_wait3A, %dma_wait3A_84] : memref<40x125xi32, #tpu.memory_space<vmem>> -> memref<1x125xi32, #tpu.memory_space<vmem>>
        %dma_wait3A_86 = tpu.memref_squeeze %dma_wait3A_85 : memref<1x125xi32, #tpu.memory_space<vmem>> -> memref<125xi32, #tpu.memory_space<vmem>>
        %dma_wait3A_87 = arith.constant 0 : i32
        %dma_wait3A_88 = arith.constant 0 : i32
        %dma_wait3A_89 = tpu.memref_slice %arg3[%dma_wait3A_87, %dma_wait3A_88] : memref<10000x128xf32, #tpu.memory_space<hbm>> -> memref<10000x128xf32, #tpu.memory_space<hbm>>
        tpu.wait_indirect_dma semaphore(%arg14 : memref<!tpu.dma_semaphore, #tpu.memory_space<semaphore_mem>>) src(%dma_wait3A_89 : memref<10000x128xf32, #tpu.memory_space<hbm>>) dst(%arg11 : memref<125x128xf32, #tpu.memory_space<vmem>>)
        "tpu.region"() ({
          %run_scoped3A = tpu.sem_alloc : memref<!tpu.dma_semaphore, #tpu.memory_space<semaphore_mem>>
          %dma_start3A_111 = arith.constant 0 : i32
          %dma_start3A_112 = tpu.memref_slice %arg10[%mul3A_81, %dma_start3A_111] : memref<40x125xi32, #tpu.memory_space<vmem>> -> memref<1x125xi32, #tpu.memory_space<vmem>>
          %dma_start3A_113 = tpu.memref_squeeze %dma_start3A_112 : memref<1x125xi32, #tpu.memory_space<vmem>> -> memref<125xi32, #tpu.memory_space<vmem>>
          %dma_start3A_114 = arith.constant 0 : i32
          %dma_start3A_115 = arith.constant 0 : i32
          %dma_start3A_116 = tpu.memref_slice %arg13[%dma_start3A_114, %dma_start3A_115] : memref<10000x128xf32, #tpu.memory_space<vmem_shared>> -> memref<10000x128xf32, #tpu.memory_space<vmem_shared>>
          tpu.enqueue_indirect_dma source(%arg11 : memref<125x128xf32, #tpu.memory_space<vmem>>) target(%dma_start3A_116 : memref<10000x128xf32, #tpu.memory_space<vmem_shared>>) offsets(%dma_start3A_113 : memref<125xi32, #tpu.memory_space<vmem>>) semaphore(%run_scoped3A : memref<!tpu.dma_semaphore, #tpu.memory_space<semaphore_mem>>) {add = true}
          %dma_wait3A_117 = arith.constant 0 : i32
          %dma_wait3A_118 = tpu.memref_slice %arg10[%mul3A_81, %dma_wait3A_117] : memref<40x125xi32, #tpu.memory_space<vmem>> -> memref<1x125xi32, #tpu.memory_space<vmem>>
          %dma_wait3A_119 = tpu.memref_squeeze %dma_wait3A_118 : memref<1x125xi32, #tpu.memory_space<vmem>> -> memref<125xi32, #tpu.memory_space<vmem>>
          %dma_wait3A_120 = arith.constant 0 : i32
          %dma_wait3A_121 = arith.constant 0 : i32
          %dma_wait3A_122 = tpu.memref_slice %arg13[%dma_wait3A_120, %dma_wait3A_121] : memref<10000x128xf32, #tpu.memory_space<vmem_shared>> -> memref<10000x128xf32, #tpu.memory_space<vmem_shared>>
          tpu.wait_indirect_dma semaphore(%run_scoped3A : memref<!tpu.dma_semaphore, #tpu.memory_space<semaphore_mem>>) src(%arg11 : memref<125x128xf32, #tpu.memory_space<vmem>>) dst(%dma_wait3A_122 : memref<10000x128xf32, #tpu.memory_space<vmem_shared>>)
          tpu.yield
        }) : () -> ()
        %add3A_90 = arith.constant 2 : i32
        %add3A_91 = arith.addi %mul3A_81, %add3A_90 : i32
        %lt3A_92 = arith.constant 40 : i32
        %lt3A_93 = arith.cmpi slt, %add3A_91, %lt3A_92 : i32
        %convert_element_type3A_94 = arith.extui %lt3A_93 : i1 to i32
        %cond3A_95 = arith.constant 0 : i32
        %cond3A_96 = arith.cmpi ne, %convert_element_type3A_94, %cond3A_95 : i32
        scf.if %cond3A_96 {
          %add3A_111 = arith.constant 2 : i32
          %add3A_112 = arith.addi %mul3A_81, %add3A_111 : i32
          %dma_start3A_113 = arith.constant 0 : i32
          %dma_start3A_114 = tpu.memref_slice %arg9[%add3A_112, %dma_start3A_113] : memref<40x125xi32, #tpu.memory_space<vmem>> -> memref<1x125xi32, #tpu.memory_space<vmem>>
          %dma_start3A_115 = tpu.memref_squeeze %dma_start3A_114 : memref<1x125xi32, #tpu.memory_space<vmem>> -> memref<125xi32, #tpu.memory_space<vmem>>
          %dma_start3A_116 = arith.constant 0 : i32
          %dma_start3A_117 = arith.constant 0 : i32
          %dma_start3A_118 = tpu.memref_slice %arg3[%dma_start3A_116, %dma_start3A_117] : memref<10000x128xf32, #tpu.memory_space<hbm>> -> memref<10000x128xf32, #tpu.memory_space<hbm>>
          tpu.enqueue_indirect_dma source(%dma_start3A_118 : memref<10000x128xf32, #tpu.memory_space<hbm>>) target(%arg11 : memref<125x128xf32, #tpu.memory_space<vmem>>) offsets(%dma_start3A_115 : memref<125xi32, #tpu.memory_space<vmem>>) semaphore(%arg14 : memref<!tpu.dma_semaphore, #tpu.memory_space<semaphore_mem>>)
        } else {
        }
        %dma_wait3A_97 = arith.constant 0 : i32
        %dma_wait3A_98 = arith.constant 0 : i32
        %dma_wait3A_99 = tpu.memref_slice %arg9[%dma_wait3A_97, %dma_wait3A_98] : memref<40x125xi32, #tpu.memory_space<vmem>> -> memref<1x125xi32, #tpu.memory_space<vmem>>
        %dma_wait3A_100 = tpu.memref_squeeze %dma_wait3A_99 : memref<1x125xi32, #tpu.memory_space<vmem>> -> memref<125xi32, #tpu.memory_space<vmem>>
        %dma_wait3A_101 = arith.constant 0 : i32
        %dma_wait3A_102 = arith.constant 0 : i32
        %dma_wait3A_103 = tpu.memref_slice %arg3[%dma_wait3A_101, %dma_wait3A_102] : memref<10000x128xf32, #tpu.memory_space<hbm>> -> memref<10000x128xf32, #tpu.memory_space<hbm>>
        tpu.wait_indirect_dma semaphore(%arg15 : memref<!tpu.dma_semaphore, #tpu.memory_space<semaphore_mem>>) src(%dma_wait3A_103 : memref<10000x128xf32, #tpu.memory_space<hbm>>) dst(%arg12 : memref<125x128xf32, #tpu.memory_space<vmem>>)
        "tpu.region"() ({
          %run_scoped3A = tpu.sem_alloc : memref<!tpu.dma_semaphore, #tpu.memory_space<semaphore_mem>>
          %dma_start3A_111 = arith.constant 0 : i32
          %dma_start3A_112 = tpu.memref_slice %arg10[%add3A_83, %dma_start3A_111] : memref<40x125xi32, #tpu.memory_space<vmem>> -> memref<1x125xi32, #tpu.memory_space<vmem>>
          %dma_start3A_113 = tpu.memref_squeeze %dma_start3A_112 : memref<1x125xi32, #tpu.memory_space<vmem>> -> memref<125xi32, #tpu.memory_space<vmem>>
          %dma_start3A_114 = arith.constant 0 : i32
          %dma_start3A_115 = arith.constant 0 : i32
          %dma_start3A_116 = tpu.memref_slice %arg13[%dma_start3A_114, %dma_start3A_115] : memref<10000x128xf32, #tpu.memory_space<vmem_shared>> -> memref<10000x128xf32, #tpu.memory_space<vmem_shared>>
          tpu.enqueue_indirect_dma source(%arg12 : memref<125x128xf32, #tpu.memory_space<vmem>>) target(%dma_start3A_116 : memref<10000x128xf32, #tpu.memory_space<vmem_shared>>) offsets(%dma_start3A_113 : memref<125xi32, #tpu.memory_space<vmem>>) semaphore(%run_scoped3A : memref<!tpu.dma_semaphore, #tpu.memory_space<semaphore_mem>>) {add = true}
          %dma_wait3A_117 = arith.constant 0 : i32
          %dma_wait3A_118 = tpu.memref_slice %arg10[%add3A_83, %dma_wait3A_117] : memref<40x125xi32, #tpu.memory_space<vmem>> -> memref<1x125xi32, #tpu.memory_space<vmem>>
          %dma_wait3A_119 = tpu.memref_squeeze %dma_wait3A_118 : memref<1x125xi32, #tpu.memory_space<vmem>> -> memref<125xi32, #tpu.memory_space<vmem>>
          %dma_wait3A_120 = arith.constant 0 : i32
          %dma_wait3A_121 = arith.constant 0 : i32
          %dma_wait3A_122 = tpu.memref_slice %arg13[%dma_wait3A_120, %dma_wait3A_121] : memref<10000x128xf32, #tpu.memory_space<vmem_shared>> -> memref<10000x128xf32, #tpu.memory_space<vmem_shared>>
          tpu.wait_indirect_dma semaphore(%run_scoped3A : memref<!tpu.dma_semaphore, #tpu.memory_space<semaphore_mem>>) src(%arg12 : memref<125x128xf32, #tpu.memory_space<vmem>>) dst(%dma_wait3A_122 : memref<10000x128xf32, #tpu.memory_space<vmem_shared>>)
          tpu.yield
        }) : () -> ()
        %add3A_104 = arith.constant 2 : i32
        %add3A_105 = arith.addi %add3A_83, %add3A_104 : i32
        %lt3A_106 = arith.constant 40 : i32
        %lt3A_107 = arith.cmpi slt, %add3A_105, %lt3A_106 : i32
        %convert_element_type3A_108 = arith.extui %lt3A_107 : i1 to i32
        %cond3A_109 = arith.constant 0 : i32
        %cond3A_110 = arith.cmpi ne, %convert_element_type3A_108, %cond3A_109 : i32
        scf.if %cond3A_110 {
          %add3A_111 = arith.constant 2 : i32
          %add3A_112 = arith.addi %add3A_83, %add3A_111 : i32
          %dma_start3A_113 = arith.constant 0 : i32
          %dma_start3A_114 = tpu.memref_slice %arg9[%add3A_112, %dma_start3A_113] : memref<40x125xi32, #tpu.memory_space<vmem>> -> memref<1x125xi32, #tpu.memory_space<vmem>>
          %dma_start3A_115 = tpu.memref_squeeze %dma_start3A_114 : memref<1x125xi32, #tpu.memory_space<vmem>> -> memref<125xi32, #tpu.memory_space<vmem>>
          %dma_start3A_116 = arith.constant 0 : i32
          %dma_start3A_117 = arith.constant 0 : i32
          %dma_start3A_118 = tpu.memref_slice %arg3[%dma_start3A_116, %dma_start3A_117] : memref<10000x128xf32, #tpu.memory_space<hbm>> -> memref<10000x128xf32, #tpu.memory_space<hbm>>
          tpu.enqueue_indirect_dma source(%dma_start3A_118 : memref<10000x128xf32, #tpu.memory_space<hbm>>) target(%arg12 : memref<125x128xf32, #tpu.memory_space<vmem>>) offsets(%dma_start3A_115 : memref<125xi32, #tpu.memory_space<vmem>>) semaphore(%arg15 : memref<!tpu.dma_semaphore, #tpu.memory_space<semaphore_mem>>)
        } else {
        }
      }
      %scan3A_55 = arith.constant 20 : i32
      %mul3A_56 = arith.constant 80 : i32
      %mul3A_57 = arith.muli %arg1, %mul3A_56 : i32
      %add3A = arith.constant 40 : i32
      %add3A_58 = arith.addi %mul3A_57, %add3A : i32
      "tpu.region"() ({
        %run_scoped3A = tpu.sem_alloc : memref<!tpu.dma_semaphore, #tpu.memory_space<semaphore_mem>>
        %dma_start3A_79 = arith.constant 0 : i32
        %dma_start3A_80 = tpu.memref_slice %arg4[%add3A_58, %dma_start3A_79] : memref<1280x125xi32, #tpu.memory_space<hbm>> -> memref<40x125xi32, #tpu.memory_space<hbm>>
        %dma_start3A_81 = arith.constant 0 : i32
        %dma_start3A_82 = tpu.memref_slice %arg4[%add3A_58, %dma_start3A_81] : memref<1280x125xi32, #tpu.memory_space<hbm>> -> memref<40x125xi32, #tpu.memory_space<hbm>>
        tpu.enqueue_dma source(%dma_start3A_82 : memref<40x125xi32, #tpu.memory_space<hbm>>) target(%arg9 : memref<40x125xi32, #tpu.memory_space<vmem>>) target_semaphore(%run_scoped3A : memref<!tpu.dma_semaphore, #tpu.memory_space<semaphore_mem>>)
        %dma_wait3A = arith.constant 0 : i32
        %dma_wait3A_83 = tpu.memref_slice %arg4[%add3A_58, %dma_wait3A] : memref<1280x125xi32, #tpu.memory_space<hbm>> -> memref<40x125xi32, #tpu.memory_space<hbm>>
        %dma_wait3A_84 = arith.constant 0 : i32
        %dma_wait3A_85 = tpu.memref_slice %arg4[%add3A_58, %dma_wait3A_84] : memref<1280x125xi32, #tpu.memory_space<hbm>> -> memref<40x125xi32, #tpu.memory_space<hbm>>
        tpu.wait_dma2 semaphore(%run_scoped3A : memref<!tpu.dma_semaphore, #tpu.memory_space<semaphore_mem>>) src(%dma_wait3A_85 : memref<40x125xi32, #tpu.memory_space<hbm>>) dst(%arg9 : memref<40x125xi32, #tpu.memory_space<vmem>>)
        tpu.yield
      }) : () -> ()
      "tpu.region"() ({
        %run_scoped3A = tpu.sem_alloc : memref<!tpu.dma_semaphore, #tpu.memory_space<semaphore_mem>>
        %dma_start3A_79 = arith.constant 0 : i32
        %dma_start3A_80 = tpu.memref_slice %arg5[%add3A_58, %dma_start3A_79] : memref<1280x125xi32, #tpu.memory_space<hbm>> -> memref<40x125xi32, #tpu.memory_space<hbm>>
        %dma_start3A_81 = arith.constant 0 : i32
        %dma_start3A_82 = tpu.memref_slice %arg5[%add3A_58, %dma_start3A_81] : memref<1280x125xi32, #tpu.memory_space<hbm>> -> memref<40x125xi32, #tpu.memory_space<hbm>>
        tpu.enqueue_dma source(%dma_start3A_82 : memref<40x125xi32, #tpu.memory_space<hbm>>) target(%arg10 : memref<40x125xi32, #tpu.memory_space<vmem>>) target_semaphore(%run_scoped3A : memref<!tpu.dma_semaphore, #tpu.memory_space<semaphore_mem>>)
        %dma_wait3A = arith.constant 0 : i32
        %dma_wait3A_83 = tpu.memref_slice %arg5[%add3A_58, %dma_wait3A] : memref<1280x125xi32, #tpu.memory_space<hbm>> -> memref<40x125xi32, #tpu.memory_space<hbm>>
        %dma_wait3A_84 = arith.constant 0 : i32
        %dma_wait3A_85 = tpu.memref_slice %arg5[%add3A_58, %dma_wait3A_84] : memref<1280x125xi32, #tpu.memory_space<hbm>> -> memref<40x125xi32, #tpu.memory_space<hbm>>
        tpu.wait_dma2 semaphore(%run_scoped3A : memref<!tpu.dma_semaphore, #tpu.memory_space<semaphore_mem>>) src(%dma_wait3A_85 : memref<40x125xi32, #tpu.memory_space<hbm>>) dst(%arg10 : memref<40x125xi32, #tpu.memory_space<vmem>>)
        tpu.yield
      }) : () -> ()
      %dma_start3A_59 = arith.constant 0 : i32
      %dma_start3A_60 = arith.constant 0 : i32
      %dma_start3A_61 = tpu.memref_slice %arg9[%dma_start3A_59, %dma_start3A_60] : memref<40x125xi32, #tpu.memory_space<vmem>> -> memref<1x125xi32, #tpu.memory_space<vmem>>
      %dma_start3A_62 = tpu.memref_squeeze %dma_start3A_61 : memref<1x125xi32, #tpu.memory_space<vmem>> -> memref<125xi32, #tpu.memory_space<vmem>>
      %dma_start3A_63 = arith.constant 0 : i32
      %dma_start3A_64 = arith.constant 0 : i32
      %dma_start3A_65 = tpu.memref_slice %arg3[%dma_start3A_63, %dma_start3A_64] : memref<10000x128xf32, #tpu.memory_space<hbm>> -> memref<10000x128xf32, #tpu.memory_space<hbm>>
      tpu.enqueue_indirect_dma source(%dma_start3A_65 : memref<10000x128xf32, #tpu.memory_space<hbm>>) target(%arg11 : memref<125x128xf32, #tpu.memory_space<vmem>>) offsets(%dma_start3A_62 : memref<125xi32, #tpu.memory_space<vmem>>) semaphore(%arg14 : memref<!tpu.dma_semaphore, #tpu.memory_space<semaphore_mem>>)
      %dma_start3A_66 = arith.constant 1 : i32
      %dma_start3A_67 = arith.constant 0 : i32
      %dma_start3A_68 = tpu.memref_slice %arg9[%dma_start3A_66, %dma_start3A_67] : memref<40x125xi32, #tpu.memory_space<vmem>> -> memref<1x125xi32, #tpu.memory_space<vmem>>
      %dma_start3A_69 = tpu.memref_squeeze %dma_start3A_68 : memref<1x125xi32, #tpu.memory_space<vmem>> -> memref<125xi32, #tpu.memory_space<vmem>>
      %dma_start3A_70 = arith.constant 0 : i32
      %dma_start3A_71 = arith.constant 0 : i32
      %dma_start3A_72 = tpu.memref_slice %arg3[%dma_start3A_70, %dma_start3A_71] : memref<10000x128xf32, #tpu.memory_space<hbm>> -> memref<10000x128xf32, #tpu.memory_space<hbm>>
      tpu.enqueue_indirect_dma source(%dma_start3A_72 : memref<10000x128xf32, #tpu.memory_space<hbm>>) target(%arg12 : memref<125x128xf32, #tpu.memory_space<vmem>>) offsets(%dma_start3A_69 : memref<125xi32, #tpu.memory_space<vmem>>) semaphore(%arg15 : memref<!tpu.dma_semaphore, #tpu.memory_space<semaphore_mem>>)
      %scan3A_73 = arith.constant 0 : i32
      %scan3A_74 = arith.constant 0 : i32
      %scan3A_75 = arith.constant 20 : i32
      %scan3A_76 = arith.addi %scan3A_74, %scan3A_75 : i32
      %scan3A_77 = arith.constant 1 : i32
      scf.for %scan3A_79 = %scan3A_74 to %scan3A_76 step %scan3A_77  : i32 {
        %mul3A_80 = arith.constant 2 : i32
        %mul3A_81 = arith.muli %scan3A_79, %mul3A_80 : i32
        %add3A_82 = arith.constant 1 : i32
        %add3A_83 = arith.addi %mul3A_81, %add3A_82 : i32
        %dma_wait3A = arith.constant 0 : i32
        %dma_wait3A_84 = arith.constant 0 : i32
        %dma_wait3A_85 = tpu.memref_slice %arg9[%dma_wait3A, %dma_wait3A_84] : memref<40x125xi32, #tpu.memory_space<vmem>> -> memref<1x125xi32, #tpu.memory_space<vmem>>
        %dma_wait3A_86 = tpu.memref_squeeze %dma_wait3A_85 : memref<1x125xi32, #tpu.memory_space<vmem>> -> memref<125xi32, #tpu.memory_space<vmem>>
        %dma_wait3A_87 = arith.constant 0 : i32
        %dma_wait3A_88 = arith.constant 0 : i32
        %dma_wait3A_89 = tpu.memref_slice %arg3[%dma_wait3A_87, %dma_wait3A_88] : memref<10000x128xf32, #tpu.memory_space<hbm>> -> memref<10000x128xf32, #tpu.memory_space<hbm>>
        tpu.wait_indirect_dma semaphore(%arg14 : memref<!tpu.dma_semaphore, #tpu.memory_space<semaphore_mem>>) src(%dma_wait3A_89 : memref<10000x128xf32, #tpu.memory_space<hbm>>) dst(%arg11 : memref<125x128xf32, #tpu.memory_space<vmem>>)
        "tpu.region"() ({
          %run_scoped3A = tpu.sem_alloc : memref<!tpu.dma_semaphore, #tpu.memory_space<semaphore_mem>>
          %dma_start3A_111 = arith.constant 0 : i32
          %dma_start3A_112 = tpu.memref_slice %arg10[%mul3A_81, %dma_start3A_111] : memref<40x125xi32, #tpu.memory_space<vmem>> -> memref<1x125xi32, #tpu.memory_space<vmem>>
          %dma_start3A_113 = tpu.memref_squeeze %dma_start3A_112 : memref<1x125xi32, #tpu.memory_space<vmem>> -> memref<125xi32, #tpu.memory_space<vmem>>
          %dma_start3A_114 = arith.constant 0 : i32
          %dma_start3A_115 = arith.constant 0 : i32
          %dma_start3A_116 = tpu.memref_slice %arg13[%dma_start3A_114, %dma_start3A_115] : memref<10000x128xf32, #tpu.memory_space<vmem_shared>> -> memref<10000x128xf32, #tpu.memory_space<vmem_shared>>
          tpu.enqueue_indirect_dma source(%arg11 : memref<125x128xf32, #tpu.memory_space<vmem>>) target(%dma_start3A_116 : memref<10000x128xf32, #tpu.memory_space<vmem_shared>>) offsets(%dma_start3A_113 : memref<125xi32, #tpu.memory_space<vmem>>) semaphore(%run_scoped3A : memref<!tpu.dma_semaphore, #tpu.memory_space<semaphore_mem>>) {add = true}
          %dma_wait3A_117 = arith.constant 0 : i32
          %dma_wait3A_118 = tpu.memref_slice %arg10[%mul3A_81, %dma_wait3A_117] : memref<40x125xi32, #tpu.memory_space<vmem>> -> memref<1x125xi32, #tpu.memory_space<vmem>>
          %dma_wait3A_119 = tpu.memref_squeeze %dma_wait3A_118 : memref<1x125xi32, #tpu.memory_space<vmem>> -> memref<125xi32, #tpu.memory_space<vmem>>
          %dma_wait3A_120 = arith.constant 0 : i32
          %dma_wait3A_121 = arith.constant 0 : i32
          %dma_wait3A_122 = tpu.memref_slice %arg13[%dma_wait3A_120, %dma_wait3A_121] : memref<10000x128xf32, #tpu.memory_space<vmem_shared>> -> memref<10000x128xf32, #tpu.memory_space<vmem_shared>>
          tpu.wait_indirect_dma semaphore(%run_scoped3A : memref<!tpu.dma_semaphore, #tpu.memory_space<semaphore_mem>>) src(%arg11 : memref<125x128xf32, #tpu.memory_space<vmem>>) dst(%dma_wait3A_122 : memref<10000x128xf32, #tpu.memory_space<vmem_shared>>)
          tpu.yield
        }) : () -> ()
        %add3A_90 = arith.constant 2 : i32
        %add3A_91 = arith.addi %mul3A_81, %add3A_90 : i32
        %lt3A_92 = arith.constant 40 : i32
        %lt3A_93 = arith.cmpi slt, %add3A_91, %lt3A_92 : i32
        %convert_element_type3A_94 = arith.extui %lt3A_93 : i1 to i32
        %cond3A_95 = arith.constant 0 : i32
        %cond3A_96 = arith.cmpi ne, %convert_element_type3A_94, %cond3A_95 : i32
        scf.if %cond3A_96 {
          %add3A_111 = arith.constant 2 : i32
          %add3A_112 = arith.addi %mul3A_81, %add3A_111 : i32
          %dma_start3A_113 = arith.constant 0 : i32
          %dma_start3A_114 = tpu.memref_slice %arg9[%add3A_112, %dma_start3A_113] : memref<40x125xi32, #tpu.memory_space<vmem>> -> memref<1x125xi32, #tpu.memory_space<vmem>>
          %dma_start3A_115 = tpu.memref_squeeze %dma_start3A_114 : memref<1x125xi32, #tpu.memory_space<vmem>> -> memref<125xi32, #tpu.memory_space<vmem>>
          %dma_start3A_116 = arith.constant 0 : i32
          %dma_start3A_117 = arith.constant 0 : i32
          %dma_start3A_118 = tpu.memref_slice %arg3[%dma_start3A_116, %dma_start3A_117] : memref<10000x128xf32, #tpu.memory_space<hbm>> -> memref<10000x128xf32, #tpu.memory_space<hbm>>
          tpu.enqueue_indirect_dma source(%dma_start3A_118 : memref<10000x128xf32, #tpu.memory_space<hbm>>) target(%arg11 : memref<125x128xf32, #tpu.memory_space<vmem>>) offsets(%dma_start3A_115 : memref<125xi32, #tpu.memory_space<vmem>>) semaphore(%arg14 : memref<!tpu.dma_semaphore, #tpu.memory_space<semaphore_mem>>)
        } else {
        }
        %dma_wait3A_97 = arith.constant 0 : i32
        %dma_wait3A_98 = arith.constant 0 : i32
        %dma_wait3A_99 = tpu.memref_slice %arg9[%dma_wait3A_97, %dma_wait3A_98] : memref<40x125xi32, #tpu.memory_space<vmem>> -> memref<1x125xi32, #tpu.memory_space<vmem>>
        %dma_wait3A_100 = tpu.memref_squeeze %dma_wait3A_99 : memref<1x125xi32, #tpu.memory_space<vmem>> -> memref<125xi32, #tpu.memory_space<vmem>>
        %dma_wait3A_101 = arith.constant 0 : i32
        %dma_wait3A_102 = arith.constant 0 : i32
        %dma_wait3A_103 = tpu.memref_slice %arg3[%dma_wait3A_101, %dma_wait3A_102] : memref<10000x128xf32, #tpu.memory_space<hbm>> -> memref<10000x128xf32, #tpu.memory_space<hbm>>
        tpu.wait_indirect_dma semaphore(%arg15 : memref<!tpu.dma_semaphore, #tpu.memory_space<semaphore_mem>>) src(%dma_wait3A_103 : memref<10000x128xf32, #tpu.memory_space<hbm>>) dst(%arg12 : memref<125x128xf32, #tpu.memory_space<vmem>>)
        "tpu.region"() ({
          %run_scoped3A = tpu.sem_alloc : memref<!tpu.dma_semaphore, #tpu.memory_space<semaphore_mem>>
          %dma_start3A_111 = arith.constant 0 : i32
          %dma_start3A_112 = tpu.memref_slice %arg10[%add3A_83, %dma_start3A_111] : memref<40x125xi32, #tpu.memory_space<vmem>> -> memref<1x125xi32, #tpu.memory_space<vmem>>
          %dma_start3A_113 = tpu.memref_squeeze %dma_start3A_112 : memref<1x125xi32, #tpu.memory_space<vmem>> -> memref<125xi32, #tpu.memory_space<vmem>>
          %dma_start3A_114 = arith.constant 0 : i32
          %dma_start3A_115 = arith.constant 0 : i32
          %dma_start3A_116 = tpu.memref_slice %arg13[%dma_start3A_114, %dma_start3A_115] : memref<10000x128xf32, #tpu.memory_space<vmem_shared>> -> memref<10000x128xf32, #tpu.memory_space<vmem_shared>>
          tpu.enqueue_indirect_dma source(%arg12 : memref<125x128xf32, #tpu.memory_space<vmem>>) target(%dma_start3A_116 : memref<10000x128xf32, #tpu.memory_space<vmem_shared>>) offsets(%dma_start3A_113 : memref<125xi32, #tpu.memory_space<vmem>>) semaphore(%run_scoped3A : memref<!tpu.dma_semaphore, #tpu.memory_space<semaphore_mem>>) {add = true}
          %dma_wait3A_117 = arith.constant 0 : i32
          %dma_wait3A_118 = tpu.memref_slice %arg10[%add3A_83, %dma_wait3A_117] : memref<40x125xi32, #tpu.memory_space<vmem>> -> memref<1x125xi32, #tpu.memory_space<vmem>>
          %dma_wait3A_119 = tpu.memref_squeeze %dma_wait3A_118 : memref<1x125xi32, #tpu.memory_space<vmem>> -> memref<125xi32, #tpu.memory_space<vmem>>
          %dma_wait3A_120 = arith.constant 0 : i32
          %dma_wait3A_121 = arith.constant 0 : i32
          %dma_wait3A_122 = tpu.memref_slice %arg13[%dma_wait3A_120, %dma_wait3A_121] : memref<10000x128xf32, #tpu.memory_space<vmem_shared>> -> memref<10000x128xf32, #tpu.memory_space<vmem_shared>>
          tpu.wait_indirect_dma semaphore(%run_scoped3A : memref<!tpu.dma_semaphore, #tpu.memory_space<semaphore_mem>>) src(%arg12 : memref<125x128xf32, #tpu.memory_space<vmem>>) dst(%dma_wait3A_122 : memref<10000x128xf32, #tpu.memory_space<vmem_shared>>)
          tpu.yield
        }) : () -> ()
        %add3A_104 = arith.constant 2 : i32
        %add3A_105 = arith.addi %add3A_83, %add3A_104 : i32
        %lt3A_106 = arith.constant 40 : i32
        %lt3A_107 = arith.cmpi slt, %add3A_105, %lt3A_106 : i32
        %convert_element_type3A_108 = arith.extui %lt3A_107 : i1 to i32
        %cond3A_109 = arith.constant 0 : i32
        %cond3A_110 = arith.cmpi ne, %convert_element_type3A_108, %cond3A_109 : i32
        scf.if %cond3A_110 {
          %add3A_111 = arith.constant 2 : i32
          %add3A_112 = arith.addi %add3A_83, %add3A_111 : i32
          %dma_start3A_113 = arith.constant 0 : i32
          %dma_start3A_114 = tpu.memref_slice %arg9[%add3A_112, %dma_start3A_113] : memref<40x125xi32, #tpu.memory_space<vmem>> -> memref<1x125xi32, #tpu.memory_space<vmem>>
          %dma_start3A_115 = tpu.memref_squeeze %dma_start3A_114 : memref<1x125xi32, #tpu.memory_space<vmem>> -> memref<125xi32, #tpu.memory_space<vmem>>
          %dma_start3A_116 = arith.constant 0 : i32
          %dma_start3A_117 = arith.constant 0 : i32
          %dma_start3A_118 = tpu.memref_slice %arg3[%dma_start3A_116, %dma_start3A_117] : memref<10000x128xf32, #tpu.memory_space<hbm>> -> memref<10000x128xf32, #tpu.memory_space<hbm>>
          tpu.enqueue_indirect_dma source(%dma_start3A_118 : memref<10000x128xf32, #tpu.memory_space<hbm>>) target(%arg12 : memref<125x128xf32, #tpu.memory_space<vmem>>) offsets(%dma_start3A_115 : memref<125xi32, #tpu.memory_space<vmem>>) semaphore(%arg15 : memref<!tpu.dma_semaphore, #tpu.memory_space<semaphore_mem>>)
        } else {
        }
      }
      %scan3A_78 = arith.constant 20 : i32
    } else {
    }
    %barrier3A = arith.constant 0 : index
    tpu.barrier barrier_id(%barrier3A)
    %eq3A_16 = arith.constant 0 : i32
    %eq3A_17 = arith.cmpi eq, %arg0, %eq3A_16 : i32
    %convert_element_type3A_18 = arith.extui %eq3A_17 : i1 to i32
    %cond3A_19 = arith.constant 0 : i32
    %cond3A_20 = arith.cmpi ne, %convert_element_type3A_18, %cond3A_19 : i32
    scf.if %cond3A_20 {
      %lt3A_26 = arith.constant 15 : i32
      %lt3A_27 = arith.cmpi slt, %arg1, %lt3A_26 : i32
      %convert_element_type3A_28 = arith.extui %lt3A_27 : i1 to i32
      %cond3A_29 = arith.constant 0 : i32
      %cond3A_30 = arith.cmpi ne, %convert_element_type3A_28, %cond3A_29 : i32
      scf.if %cond3A_30 {
        %mul3A = arith.constant 640 : i32
        %mul3A_36 = arith.muli %arg1, %mul3A : i32
        %mul3A_37 = arith.constant 640 : i32
        %mul3A_38 = arith.muli %arg1, %mul3A_37 : i32
        "tpu.region"() ({
          %run_scoped3A = tpu.sem_alloc : memref<!tpu.dma_semaphore, #tpu.memory_space<semaphore_mem>>
          %dma_start3A = arith.constant 0 : i32
          %dma_start3A_39 = tpu.memref_slice %arg7[%mul3A_38, %dma_start3A] : memref<10000x128xf32, #tpu.memory_space<hbm>> -> memref<640x128xf32, #tpu.memory_space<hbm>>
          %dma_start3A_40 = arith.constant 0 : i32
          %dma_start3A_41 = tpu.memref_slice %arg13[%mul3A_36, %dma_start3A_40] : memref<10000x128xf32, #tpu.memory_space<vmem_shared>> -> memref<640x128xf32, #tpu.memory_space<vmem_shared>>
          tpu.enqueue_dma source(%dma_start3A_41 : memref<640x128xf32, #tpu.memory_space<vmem_shared>>) target(%dma_start3A_39 : memref<640x128xf32, #tpu.memory_space<hbm>>) target_semaphore(%run_scoped3A : memref<!tpu.dma_semaphore, #tpu.memory_space<semaphore_mem>>)
          %dma_wait3A = arith.constant 0 : i32
          %dma_wait3A_42 = tpu.memref_slice %arg7[%mul3A_38, %dma_wait3A] : memref<10000x128xf32, #tpu.memory_space<hbm>> -> memref<640x128xf32, #tpu.memory_space<hbm>>
          %dma_wait3A_43 = arith.constant 0 : i32
          %dma_wait3A_44 = tpu.memref_slice %arg13[%mul3A_36, %dma_wait3A_43] : memref<10000x128xf32, #tpu.memory_space<vmem_shared>> -> memref<640x128xf32, #tpu.memory_space<vmem_shared>>
          tpu.wait_dma2 semaphore(%run_scoped3A : memref<!tpu.dma_semaphore, #tpu.memory_space<semaphore_mem>>) src(%dma_wait3A_44 : memref<640x128xf32, #tpu.memory_space<vmem_shared>>) dst(%dma_wait3A_42 : memref<640x128xf32, #tpu.memory_space<hbm>>)
          tpu.yield
        }) : () -> ()
      } else {
      }
      %eq3A_31 = arith.constant 15 : i32
      %eq3A_32 = arith.cmpi eq, %arg1, %eq3A_31 : i32
      %convert_element_type3A_33 = arith.extui %eq3A_32 : i1 to i32
      %cond3A_34 = arith.constant 0 : i32
      %cond3A_35 = arith.cmpi ne, %convert_element_type3A_33, %cond3A_34 : i32
      scf.if %cond3A_35 {
        "tpu.region"() ({
          %run_scoped3A = tpu.sem_alloc : memref<!tpu.dma_semaphore, #tpu.memory_space<semaphore_mem>>
          %dma_start3A = arith.constant 9600 : i32
          %dma_start3A_36 = arith.constant 0 : i32
          %dma_start3A_37 = tpu.memref_slice %arg7[%dma_start3A, %dma_start3A_36] : memref<10000x128xf32, #tpu.memory_space<hbm>> -> memref<400x128xf32, #tpu.memory_space<hbm>>
          %dma_start3A_38 = arith.constant 9600 : i32
          %dma_start3A_39 = arith.constant 0 : i32
          %dma_start3A_40 = tpu.memref_slice %arg13[%dma_start3A_38, %dma_start3A_39] : memref<10000x128xf32, #tpu.memory_space<vmem_shared>> -> memref<400x128xf32, #tpu.memory_space<vmem_shared>>
          tpu.enqueue_dma source(%dma_start3A_40 : memref<400x128xf32, #tpu.memory_space<vmem_shared>>) target(%dma_start3A_37 : memref<400x128xf32, #tpu.memory_space<hbm>>) target_semaphore(%run_scoped3A : memref<!tpu.dma_semaphore, #tpu.memory_space<semaphore_mem>>)
          %dma_wait3A = arith.constant 9600 : i32
          %dma_wait3A_41 = arith.constant 0 : i32
          %dma_wait3A_42 = tpu.memref_slice %arg7[%dma_wait3A, %dma_wait3A_41] : memref<10000x128xf32, #tpu.memory_space<hbm>> -> memref<400x128xf32, #tpu.memory_space<hbm>>
          %dma_wait3A_43 = arith.constant 9600 : i32
          %dma_wait3A_44 = arith.constant 0 : i32
          %dma_wait3A_45 = tpu.memref_slice %arg13[%dma_wait3A_43, %dma_wait3A_44] : memref<10000x128xf32, #tpu.memory_space<vmem_shared>> -> memref<400x128xf32, #tpu.memory_space<vmem_shared>>
          tpu.wait_dma2 semaphore(%run_scoped3A : memref<!tpu.dma_semaphore, #tpu.memory_space<semaphore_mem>>) src(%dma_wait3A_45 : memref<400x128xf32, #tpu.memory_space<vmem_shared>>) dst(%dma_wait3A_42 : memref<400x128xf32, #tpu.memory_space<hbm>>)
          tpu.yield
        }) : () -> ()
      } else {
      }
    } else {
    }
    %eq3A_21 = arith.constant 1 : i32
    %eq3A_22 = arith.cmpi eq, %arg0, %eq3A_21 : i32
    %convert_element_type3A_23 = arith.extui %eq3A_22 : i1 to i32
    %cond3A_24 = arith.constant 0 : i32
    %cond3A_25 = arith.cmpi ne, %convert_element_type3A_23, %cond3A_24 : i32
    scf.if %cond3A_25 {
      %lt3A_26 = arith.constant 15 : i32
      %lt3A_27 = arith.cmpi slt, %arg1, %lt3A_26 : i32
      %convert_element_type3A_28 = arith.extui %lt3A_27 : i1 to i32
      %cond3A_29 = arith.constant 0 : i32
      %cond3A_30 = arith.cmpi ne, %convert_element_type3A_28, %cond3A_29 : i32
      scf.if %cond3A_30 {
        %mul3A = arith.constant 640 : i32
        %mul3A_36 = arith.muli %arg1, %mul3A : i32
        %mul3A_37 = arith.constant 640 : i32
        %mul3A_38 = arith.muli %arg1, %mul3A_37 : i32
        "tpu.region"() ({
          %run_scoped3A = tpu.sem_alloc : memref<!tpu.dma_semaphore, #tpu.memory_space<semaphore_mem>>
          %dma_start3A = arith.constant 0 : i32
          %dma_start3A_39 = tpu.memref_slice %arg8[%mul3A_38, %dma_start3A] : memref<10000x128xf32, #tpu.memory_space<hbm>> -> memref<640x128xf32, #tpu.memory_space<hbm>>
          %dma_start3A_40 = arith.constant 0 : i32
          %dma_start3A_41 = tpu.memref_slice %arg13[%mul3A_36, %dma_start3A_40] : memref<10000x128xf32, #tpu.memory_space<vmem_shared>> -> memref<640x128xf32, #tpu.memory_space<vmem_shared>>
          tpu.enqueue_dma source(%dma_start3A_41 : memref<640x128xf32, #tpu.memory_space<vmem_shared>>) target(%dma_start3A_39 : memref<640x128xf32, #tpu.memory_space<hbm>>) target_semaphore(%run_scoped3A : memref<!tpu.dma_semaphore, #tpu.memory_space<semaphore_mem>>)
          %dma_wait3A = arith.constant 0 : i32
          %dma_wait3A_42 = tpu.memref_slice %arg8[%mul3A_38, %dma_wait3A] : memref<10000x128xf32, #tpu.memory_space<hbm>> -> memref<640x128xf32, #tpu.memory_space<hbm>>
          %dma_wait3A_43 = arith.constant 0 : i32
          %dma_wait3A_44 = tpu.memref_slice %arg13[%mul3A_36, %dma_wait3A_43] : memref<10000x128xf32, #tpu.memory_space<vmem_shared>> -> memref<640x128xf32, #tpu.memory_space<vmem_shared>>
          tpu.wait_dma2 semaphore(%run_scoped3A : memref<!tpu.dma_semaphore, #tpu.memory_space<semaphore_mem>>) src(%dma_wait3A_44 : memref<640x128xf32, #tpu.memory_space<vmem_shared>>) dst(%dma_wait3A_42 : memref<640x128xf32, #tpu.memory_space<hbm>>)
          tpu.yield
        }) : () -> ()
      } else {
      }
      %eq3A_31 = arith.constant 15 : i32
      %eq3A_32 = arith.cmpi eq, %arg1, %eq3A_31 : i32
      %convert_element_type3A_33 = arith.extui %eq3A_32 : i1 to i32
      %cond3A_34 = arith.constant 0 : i32
      %cond3A_35 = arith.cmpi ne, %convert_element_type3A_33, %cond3A_34 : i32
      scf.if %cond3A_35 {
        "tpu.region"() ({
          %run_scoped3A = tpu.sem_alloc : memref<!tpu.dma_semaphore, #tpu.memory_space<semaphore_mem>>
          %dma_start3A = arith.constant 9600 : i32
          %dma_start3A_36 = arith.constant 0 : i32
          %dma_start3A_37 = tpu.memref_slice %arg8[%dma_start3A, %dma_start3A_36] : memref<10000x128xf32, #tpu.memory_space<hbm>> -> memref<400x128xf32, #tpu.memory_space<hbm>>
          %dma_start3A_38 = arith.constant 9600 : i32
          %dma_start3A_39 = arith.constant 0 : i32
          %dma_start3A_40 = tpu.memref_slice %arg13[%dma_start3A_38, %dma_start3A_39] : memref<10000x128xf32, #tpu.memory_space<vmem_shared>> -> memref<400x128xf32, #tpu.memory_space<vmem_shared>>
          tpu.enqueue_dma source(%dma_start3A_40 : memref<400x128xf32, #tpu.memory_space<vmem_shared>>) target(%dma_start3A_37 : memref<400x128xf32, #tpu.memory_space<hbm>>) target_semaphore(%run_scoped3A : memref<!tpu.dma_semaphore, #tpu.memory_space<semaphore_mem>>)
          %dma_wait3A = arith.constant 9600 : i32
          %dma_wait3A_41 = arith.constant 0 : i32
          %dma_wait3A_42 = tpu.memref_slice %arg8[%dma_wait3A, %dma_wait3A_41] : memref<10000x128xf32, #tpu.memory_space<hbm>> -> memref<400x128xf32, #tpu.memory_space<hbm>>
          %dma_wait3A_43 = arith.constant 9600 : i32
          %dma_wait3A_44 = arith.constant 0 : i32
          %dma_wait3A_45 = tpu.memref_slice %arg13[%dma_wait3A_43, %dma_wait3A_44] : memref<10000x128xf32, #tpu.memory_space<vmem_shared>> -> memref<400x128xf32, #tpu.memory_space<vmem_shared>>
          tpu.wait_dma2 semaphore(%run_scoped3A : memref<!tpu.dma_semaphore, #tpu.memory_space<semaphore_mem>>) src(%dma_wait3A_45 : memref<400x128xf32, #tpu.memory_space<vmem_shared>>) dst(%dma_wait3A_42 : memref<400x128xf32, #tpu.memory_space<hbm>>)
          tpu.yield
        }) : () -> ()
      } else {
      }
    } else {
    }
    return
  }
}

#map = affine_map<(d0, d1) -> (0, 0)>
module attributes {stable_mosaic.version = 14 : i64} {
  func.func @sc_aggregate(%arg0: i32, %arg1: i32, %arg2: memref<10000x128xf32, #tpu.memory_space<hbm>>, %arg3: memref<10000x128xf32, #tpu.memory_space<hbm>>, %arg4: memref<1280x125xi32, #tpu.memory_space<hbm>>, %arg5: memref<1280x125xi32, #tpu.memory_space<hbm>>, %arg6: memref<10000x128xf32, #tpu.memory_space<hbm>>, %arg7: memref<10000x128xf32, #tpu.memory_space<hbm>>, %arg8: memref<10000x128xf32, #tpu.memory_space<hbm>>, %arg9: memref<40x125xi32, #tpu.memory_space<vmem>>, %arg10: memref<40x125xi32, #tpu.memory_space<vmem>>, %arg11: memref<125x128xf32, #tpu.memory_space<vmem>>, %arg12: memref<125x128xf32, #tpu.memory_space<vmem>>, %arg13: memref<10000x128xf32, #tpu.memory_space<vmem_shared>>, %arg14: memref<!tpu.dma_semaphore, #tpu.memory_space<semaphore_mem>>, %arg15: memref<!tpu.dma_semaphore, #tpu.memory_space<semaphore_mem>>, %arg16: memref<!tpu.dma_semaphore, #tpu.memory_space<semaphore_mem>>) attributes {dimension_semantics = [#tpu.dimension_semantics<core_parallel>, #tpu.dimension_semantics<subcore_parallel>], iteration_bounds = array<i64: 2, 16>, scalar_prefetch = 0 : i64, scratch_operands = 8 : i64, tpu.core_type = #tpu.core_type<sc_vector_subcore>, window_params = [{transform_indices = #map}, {transform_indices = #map}, {transform_indices = #map}, {transform_indices = #map}, {transform_indices = #map}, {transform_indices = #map}, {transform_indices = #map}]} {
    %lt3A = arith.constant 15 : i32
    %lt3A_0 = arith.cmpi slt, %arg1, %lt3A : i32
    %convert_element_type3A = arith.extui %lt3A_0 : i1 to i32
    %cond3A = arith.constant 0 : i32
    %cond3A_1 = arith.cmpi ne, %convert_element_type3A, %cond3A : i32
    scf.if %cond3A_1 {
      %mul3A = arith.constant 640 : i32
      %mul3A_26 = arith.muli %arg1, %mul3A : i32
      %mul3A_27 = arith.constant 640 : i32
      %mul3A_28 = arith.muli %arg1, %mul3A_27 : i32
      %dma_start3A = arith.constant 0 : i32
      %dma_start3A_29 = tpu.memref_slice %arg13[%mul3A_28, %dma_start3A] : memref<10000x128xf32, #tpu.memory_space<vmem_shared>> -> memref<640x128xf32, #tpu.memory_space<vmem_shared>>
      %dma_start3A_30 = arith.constant 0 : i32
      %dma_start3A_31 = tpu.memref_slice %arg6[%mul3A_26, %dma_start3A_30] : memref<10000x128xf32, #tpu.memory_space<hbm>> -> memref<640x128xf32, #tpu.memory_space<hbm>>
      tpu.enqueue_dma source(%dma_start3A_31 : memref<640x128xf32, #tpu.memory_space<hbm>>) target(%dma_start3A_29 : memref<640x128xf32, #tpu.memory_space<vmem_shared>>) target_semaphore(%arg16 : memref<!tpu.dma_semaphore, #tpu.memory_space<semaphore_mem>>)
    } else {
    }
    %eq3A = arith.constant 15 : i32
    %eq3A_2 = arith.cmpi eq, %arg1, %eq3A : i32
    %convert_element_type3A_3 = arith.extui %eq3A_2 : i1 to i32
    %cond3A_4 = arith.constant 0 : i32
    %cond3A_5 = arith.cmpi ne, %convert_element_type3A_3, %cond3A_4 : i32
    scf.if %cond3A_5 {
      %dma_start3A = arith.constant 9600 : i32
      %dma_start3A_26 = arith.constant 0 : i32
      %dma_start3A_27 = tpu.memref_slice %arg13[%dma_start3A, %dma_start3A_26] : memref<10000x128xf32, #tpu.memory_space<vmem_shared>> -> memref<400x128xf32, #tpu.memory_space<vmem_shared>>
      %dma_start3A_28 = arith.constant 9600 : i32
      %dma_start3A_29 = arith.constant 0 : i32
      %dma_start3A_30 = tpu.memref_slice %arg6[%dma_start3A_28, %dma_start3A_29] : memref<10000x128xf32, #tpu.memory_space<hbm>> -> memref<400x128xf32, #tpu.memory_space<hbm>>
      tpu.enqueue_dma source(%dma_start3A_30 : memref<400x128xf32, #tpu.memory_space<hbm>>) target(%dma_start3A_27 : memref<400x128xf32, #tpu.memory_space<vmem_shared>>) target_semaphore(%arg16 : memref<!tpu.dma_semaphore, #tpu.memory_space<semaphore_mem>>)
    } else {
    }
    %eq3A_6 = arith.constant 0 : i32
    %eq3A_7 = arith.cmpi eq, %arg0, %eq3A_6 : i32
    %convert_element_type3A_8 = arith.extui %eq3A_7 : i1 to i32
    %cond3A_9 = arith.constant 0 : i32
    %cond3A_10 = arith.cmpi ne, %convert_element_type3A_8, %cond3A_9 : i32
    scf.if %cond3A_10 {
      %mul3A = arith.constant 80 : i32
      %mul3A_26 = arith.muli %arg1, %mul3A : i32
      "tpu.region"() ({
        %run_scoped3A = tpu.sem_alloc : memref<!tpu.dma_semaphore, #tpu.memory_space<semaphore_mem>>
        %dma_start3A_79 = arith.constant 0 : i32
        %dma_start3A_80 = tpu.memref_slice %arg4[%mul3A_26, %dma_start3A_79] : memref<1280x125xi32, #tpu.memory_space<hbm>> -> memref<40x125xi32, #tpu.memory_space<hbm>>
        %dma_start3A_81 = arith.constant 0 : i32
        %dma_start3A_82 = tpu.memref_slice %arg4[%mul3A_26, %dma_start3A_81] : memref<1280x125xi32, #tpu.memory_space<hbm>> -> memref<40x125xi32, #tpu.memory_space<hbm>>
        tpu.enqueue_dma source(%dma_start3A_82 : memref<40x125xi32, #tpu.memory_space<hbm>>) target(%arg9 : memref<40x125xi32, #tpu.memory_space<vmem>>) target_semaphore(%run_scoped3A : memref<!tpu.dma_semaphore, #tpu.memory_space<semaphore_mem>>)
        %dma_wait3A = arith.constant 0 : i32
        %dma_wait3A_83 = tpu.memref_slice %arg4[%mul3A_26, %dma_wait3A] : memref<1280x125xi32, #tpu.memory_space<hbm>> -> memref<40x125xi32, #tpu.memory_space<hbm>>
        %dma_wait3A_84 = arith.constant 0 : i32
        %dma_wait3A_85 = tpu.memref_slice %arg4[%mul3A_26, %dma_wait3A_84] : memref<1280x125xi32, #tpu.memory_space<hbm>> -> memref<40x125xi32, #tpu.memory_space<hbm>>
        tpu.wait_dma2 semaphore(%run_scoped3A : memref<!tpu.dma_semaphore, #tpu.memory_space<semaphore_mem>>) src(%dma_wait3A_85 : memref<40x125xi32, #tpu.memory_space<hbm>>) dst(%arg9 : memref<40x125xi32, #tpu.memory_space<vmem>>)
        tpu.yield
      }) : () -> ()
      "tpu.region"() ({
        %run_scoped3A = tpu.sem_alloc : memref<!tpu.dma_semaphore, #tpu.memory_space<semaphore_mem>>
        %dma_start3A_79 = arith.constant 0 : i32
        %dma_start3A_80 = tpu.memref_slice %arg5[%mul3A_26, %dma_start3A_79] : memref<1280x125xi32, #tpu.memory_space<hbm>> -> memref<40x125xi32, #tpu.memory_space<hbm>>
        %dma_start3A_81 = arith.constant 0 : i32
        %dma_start3A_82 = tpu.memref_slice %arg5[%mul3A_26, %dma_start3A_81] : memref<1280x125xi32, #tpu.memory_space<hbm>> -> memref<40x125xi32, #tpu.memory_space<hbm>>
        tpu.enqueue_dma source(%dma_start3A_82 : memref<40x125xi32, #tpu.memory_space<hbm>>) target(%arg10 : memref<40x125xi32, #tpu.memory_space<vmem>>) target_semaphore(%run_scoped3A : memref<!tpu.dma_semaphore, #tpu.memory_space<semaphore_mem>>)
        %dma_wait3A = arith.constant 0 : i32
        %dma_wait3A_83 = tpu.memref_slice %arg5[%mul3A_26, %dma_wait3A] : memref<1280x125xi32, #tpu.memory_space<hbm>> -> memref<40x125xi32, #tpu.memory_space<hbm>>
        %dma_wait3A_84 = arith.constant 0 : i32
        %dma_wait3A_85 = tpu.memref_slice %arg5[%mul3A_26, %dma_wait3A_84] : memref<1280x125xi32, #tpu.memory_space<hbm>> -> memref<40x125xi32, #tpu.memory_space<hbm>>
        tpu.wait_dma2 semaphore(%run_scoped3A : memref<!tpu.dma_semaphore, #tpu.memory_space<semaphore_mem>>) src(%dma_wait3A_85 : memref<40x125xi32, #tpu.memory_space<hbm>>) dst(%arg10 : memref<40x125xi32, #tpu.memory_space<vmem>>)
        tpu.yield
      }) : () -> ()
      %dma_start3A = arith.constant 0 : i32
      %dma_start3A_27 = arith.constant 0 : i32
      %dma_start3A_28 = tpu.memref_slice %arg9[%dma_start3A, %dma_start3A_27] : memref<40x125xi32, #tpu.memory_space<vmem>> -> memref<1x125xi32, #tpu.memory_space<vmem>>
      %dma_start3A_29 = tpu.memref_squeeze %dma_start3A_28 : memref<1x125xi32, #tpu.memory_space<vmem>> -> memref<125xi32, #tpu.memory_space<vmem>>
      %dma_start3A_30 = arith.constant 0 : i32
      %dma_start3A_31 = arith.constant 0 : i32
      %dma_start3A_32 = tpu.memref_slice %arg2[%dma_start3A_30, %dma_start3A_31] : memref<10000x128xf32, #tpu.memory_space<hbm>> -> memref<10000x128xf32, #tpu.memory_space<hbm>>
      tpu.enqueue_indirect_dma source(%dma_start3A_32 : memref<10000x128xf32, #tpu.memory_space<hbm>>) target(%arg11 : memref<125x128xf32, #tpu.memory_space<vmem>>) offsets(%dma_start3A_29 : memref<125xi32, #tpu.memory_space<vmem>>) semaphore(%arg14 : memref<!tpu.dma_semaphore, #tpu.memory_space<semaphore_mem>>)
      %dma_start3A_33 = arith.constant 1 : i32
      %dma_start3A_34 = arith.constant 0 : i32
      %dma_start3A_35 = tpu.memref_slice %arg9[%dma_start3A_33, %dma_start3A_34] : memref<40x125xi32, #tpu.memory_space<vmem>> -> memref<1x125xi32, #tpu.memory_space<vmem>>
      %dma_start3A_36 = tpu.memref_squeeze %dma_start3A_35 : memref<1x125xi32, #tpu.memory_space<vmem>> -> memref<125xi32, #tpu.memory_space<vmem>>
      %dma_start3A_37 = arith.constant 0 : i32
      %dma_start3A_38 = arith.constant 0 : i32
      %dma_start3A_39 = tpu.memref_slice %arg2[%dma_start3A_37, %dma_start3A_38] : memref<10000x128xf32, #tpu.memory_space<hbm>> -> memref<10000x128xf32, #tpu.memory_space<hbm>>
      tpu.enqueue_indirect_dma source(%dma_start3A_39 : memref<10000x128xf32, #tpu.memory_space<hbm>>) target(%arg12 : memref<125x128xf32, #tpu.memory_space<vmem>>) offsets(%dma_start3A_36 : memref<125xi32, #tpu.memory_space<vmem>>) semaphore(%arg15 : memref<!tpu.dma_semaphore, #tpu.memory_space<semaphore_mem>>)
      %lt3A_40 = arith.constant 15 : i32
      %lt3A_41 = arith.cmpi slt, %arg1, %lt3A_40 : i32
      %convert_element_type3A_42 = arith.extui %lt3A_41 : i1 to i32
      %cond3A_43 = arith.constant 0 : i32
      %cond3A_44 = arith.cmpi ne, %convert_element_type3A_42, %cond3A_43 : i32
      scf.if %cond3A_44 {
        %mul3A_79 = arith.constant 640 : i32
        %mul3A_80 = arith.muli %arg1, %mul3A_79 : i32
        %mul3A_81 = arith.constant 640 : i32
        %mul3A_82 = arith.muli %arg1, %mul3A_81 : i32
        %dma_wait3A = arith.constant 0 : i32
        %dma_wait3A_83 = tpu.memref_slice %arg13[%mul3A_82, %dma_wait3A] : memref<10000x128xf32, #tpu.memory_space<vmem_shared>> -> memref<640x128xf32, #tpu.memory_space<vmem_shared>>
        %dma_wait3A_84 = arith.constant 0 : i32
        %dma_wait3A_85 = tpu.memref_slice %arg6[%mul3A_80, %dma_wait3A_84] : memref<10000x128xf32, #tpu.memory_space<hbm>> -> memref<640x128xf32, #tpu.memory_space<hbm>>
        tpu.wait_dma2 semaphore(%arg16 : memref<!tpu.dma_semaphore, #tpu.memory_space<semaphore_mem>>) src(%dma_wait3A_85 : memref<640x128xf32, #tpu.memory_space<hbm>>) dst(%dma_wait3A_83 : memref<640x128xf32, #tpu.memory_space<vmem_shared>>)
      } else {
      }
      %eq3A_45 = arith.constant 15 : i32
      %eq3A_46 = arith.cmpi eq, %arg1, %eq3A_45 : i32
      %convert_element_type3A_47 = arith.extui %eq3A_46 : i1 to i32
      %cond3A_48 = arith.constant 0 : i32
      %cond3A_49 = arith.cmpi ne, %convert_element_type3A_47, %cond3A_48 : i32
      scf.if %cond3A_49 {
        %dma_wait3A = arith.constant 9600 : i32
        %dma_wait3A_79 = arith.constant 0 : i32
        %dma_wait3A_80 = tpu.memref_slice %arg13[%dma_wait3A, %dma_wait3A_79] : memref<10000x128xf32, #tpu.memory_space<vmem_shared>> -> memref<400x128xf32, #tpu.memory_space<vmem_shared>>
        %dma_wait3A_81 = arith.constant 9600 : i32
        %dma_wait3A_82 = arith.constant 0 : i32
        %dma_wait3A_83 = tpu.memref_slice %arg6[%dma_wait3A_81, %dma_wait3A_82] : memref<10000x128xf32, #tpu.memory_space<hbm>> -> memref<400x128xf32, #tpu.memory_space<hbm>>
        tpu.wait_dma2 semaphore(%arg16 : memref<!tpu.dma_semaphore, #tpu.memory_space<semaphore_mem>>) src(%dma_wait3A_83 : memref<400x128xf32, #tpu.memory_space<hbm>>) dst(%dma_wait3A_80 : memref<400x128xf32, #tpu.memory_space<vmem_shared>>)
      } else {
      }
      %barrier3A_50 = arith.constant 0 : index
      tpu.barrier barrier_id(%barrier3A_50)
      %scan3A = arith.constant 0 : i32
      %scan3A_51 = arith.constant 0 : i32
      %scan3A_52 = arith.constant 20 : i32
      %scan3A_53 = arith.addi %scan3A_51, %scan3A_52 : i32
      %scan3A_54 = arith.constant 1 : i32
      scf.for %scan3A_79 = %scan3A_51 to %scan3A_53 step %scan3A_54  : i32 {
        %mul3A_80 = arith.constant 2 : i32
        %mul3A_81 = arith.muli %scan3A_79, %mul3A_80 : i32
        %add3A_82 = arith.constant 1 : i32
        %add3A_83 = arith.addi %mul3A_81, %add3A_82 : i32
        %dma_wait3A = arith.constant 0 : i32
        %dma_wait3A_84 = arith.constant 0 : i32
        %dma_wait3A_85 = tpu.memref_slice %arg9[%dma_wait3A, %dma_wait3A_84] : memref<40x125xi32, #tpu.memory_space<vmem>> -> memref<1x125xi32, #tpu.memory_space<vmem>>
        %dma_wait3A_86 = tpu.memref_squeeze %dma_wait3A_85 : memref<1x125xi32, #tpu.memory_space<vmem>> -> memref<125xi32, #tpu.memory_space<vmem>>
        %dma_wait3A_87 = arith.constant 0 : i32
        %dma_wait3A_88 = arith.constant 0 : i32
        %dma_wait3A_89 = tpu.memref_slice %arg2[%dma_wait3A_87, %dma_wait3A_88] : memref<10000x128xf32, #tpu.memory_space<hbm>> -> memref<10000x128xf32, #tpu.memory_space<hbm>>
        tpu.wait_indirect_dma semaphore(%arg14 : memref<!tpu.dma_semaphore, #tpu.memory_space<semaphore_mem>>) src(%dma_wait3A_89 : memref<10000x128xf32, #tpu.memory_space<hbm>>) dst(%arg11 : memref<125x128xf32, #tpu.memory_space<vmem>>)
        "tpu.region"() ({
          %run_scoped3A = tpu.sem_alloc : memref<!tpu.dma_semaphore, #tpu.memory_space<semaphore_mem>>
          %dma_start3A_111 = arith.constant 0 : i32
          %dma_start3A_112 = tpu.memref_slice %arg10[%mul3A_81, %dma_start3A_111] : memref<40x125xi32, #tpu.memory_space<vmem>> -> memref<1x125xi32, #tpu.memory_space<vmem>>
          %dma_start3A_113 = tpu.memref_squeeze %dma_start3A_112 : memref<1x125xi32, #tpu.memory_space<vmem>> -> memref<125xi32, #tpu.memory_space<vmem>>
          %dma_start3A_114 = arith.constant 0 : i32
          %dma_start3A_115 = arith.constant 0 : i32
          %dma_start3A_116 = tpu.memref_slice %arg13[%dma_start3A_114, %dma_start3A_115] : memref<10000x128xf32, #tpu.memory_space<vmem_shared>> -> memref<10000x128xf32, #tpu.memory_space<vmem_shared>>
          tpu.enqueue_indirect_dma source(%arg11 : memref<125x128xf32, #tpu.memory_space<vmem>>) target(%dma_start3A_116 : memref<10000x128xf32, #tpu.memory_space<vmem_shared>>) offsets(%dma_start3A_113 : memref<125xi32, #tpu.memory_space<vmem>>) semaphore(%run_scoped3A : memref<!tpu.dma_semaphore, #tpu.memory_space<semaphore_mem>>) {add = true}
          %dma_wait3A_117 = arith.constant 0 : i32
          %dma_wait3A_118 = tpu.memref_slice %arg10[%mul3A_81, %dma_wait3A_117] : memref<40x125xi32, #tpu.memory_space<vmem>> -> memref<1x125xi32, #tpu.memory_space<vmem>>
          %dma_wait3A_119 = tpu.memref_squeeze %dma_wait3A_118 : memref<1x125xi32, #tpu.memory_space<vmem>> -> memref<125xi32, #tpu.memory_space<vmem>>
          %dma_wait3A_120 = arith.constant 0 : i32
          %dma_wait3A_121 = arith.constant 0 : i32
          %dma_wait3A_122 = tpu.memref_slice %arg13[%dma_wait3A_120, %dma_wait3A_121] : memref<10000x128xf32, #tpu.memory_space<vmem_shared>> -> memref<10000x128xf32, #tpu.memory_space<vmem_shared>>
          tpu.wait_indirect_dma semaphore(%run_scoped3A : memref<!tpu.dma_semaphore, #tpu.memory_space<semaphore_mem>>) src(%arg11 : memref<125x128xf32, #tpu.memory_space<vmem>>) dst(%dma_wait3A_122 : memref<10000x128xf32, #tpu.memory_space<vmem_shared>>)
          tpu.yield
        }) : () -> ()
        %add3A_90 = arith.constant 2 : i32
        %add3A_91 = arith.addi %mul3A_81, %add3A_90 : i32
        %lt3A_92 = arith.constant 40 : i32
        %lt3A_93 = arith.cmpi slt, %add3A_91, %lt3A_92 : i32
        %convert_element_type3A_94 = arith.extui %lt3A_93 : i1 to i32
        %cond3A_95 = arith.constant 0 : i32
        %cond3A_96 = arith.cmpi ne, %convert_element_type3A_94, %cond3A_95 : i32
        scf.if %cond3A_96 {
          %add3A_111 = arith.constant 2 : i32
          %add3A_112 = arith.addi %mul3A_81, %add3A_111 : i32
          %dma_start3A_113 = arith.constant 0 : i32
          %dma_start3A_114 = tpu.memref_slice %arg9[%add3A_112, %dma_start3A_113] : memref<40x125xi32, #tpu.memory_space<vmem>> -> memref<1x125xi32, #tpu.memory_space<vmem>>
          %dma_start3A_115 = tpu.memref_squeeze %dma_start3A_114 : memref<1x125xi32, #tpu.memory_space<vmem>> -> memref<125xi32, #tpu.memory_space<vmem>>
          %dma_start3A_116 = arith.constant 0 : i32
          %dma_start3A_117 = arith.constant 0 : i32
          %dma_start3A_118 = tpu.memref_slice %arg2[%dma_start3A_116, %dma_start3A_117] : memref<10000x128xf32, #tpu.memory_space<hbm>> -> memref<10000x128xf32, #tpu.memory_space<hbm>>
          tpu.enqueue_indirect_dma source(%dma_start3A_118 : memref<10000x128xf32, #tpu.memory_space<hbm>>) target(%arg11 : memref<125x128xf32, #tpu.memory_space<vmem>>) offsets(%dma_start3A_115 : memref<125xi32, #tpu.memory_space<vmem>>) semaphore(%arg14 : memref<!tpu.dma_semaphore, #tpu.memory_space<semaphore_mem>>)
        } else {
        }
        %dma_wait3A_97 = arith.constant 0 : i32
        %dma_wait3A_98 = arith.constant 0 : i32
        %dma_wait3A_99 = tpu.memref_slice %arg9[%dma_wait3A_97, %dma_wait3A_98] : memref<40x125xi32, #tpu.memory_space<vmem>> -> memref<1x125xi32, #tpu.memory_space<vmem>>
        %dma_wait3A_100 = tpu.memref_squeeze %dma_wait3A_99 : memref<1x125xi32, #tpu.memory_space<vmem>> -> memref<125xi32, #tpu.memory_space<vmem>>
        %dma_wait3A_101 = arith.constant 0 : i32
        %dma_wait3A_102 = arith.constant 0 : i32
        %dma_wait3A_103 = tpu.memref_slice %arg2[%dma_wait3A_101, %dma_wait3A_102] : memref<10000x128xf32, #tpu.memory_space<hbm>> -> memref<10000x128xf32, #tpu.memory_space<hbm>>
        tpu.wait_indirect_dma semaphore(%arg15 : memref<!tpu.dma_semaphore, #tpu.memory_space<semaphore_mem>>) src(%dma_wait3A_103 : memref<10000x128xf32, #tpu.memory_space<hbm>>) dst(%arg12 : memref<125x128xf32, #tpu.memory_space<vmem>>)
        "tpu.region"() ({
          %run_scoped3A = tpu.sem_alloc : memref<!tpu.dma_semaphore, #tpu.memory_space<semaphore_mem>>
          %dma_start3A_111 = arith.constant 0 : i32
          %dma_start3A_112 = tpu.memref_slice %arg10[%add3A_83, %dma_start3A_111] : memref<40x125xi32, #tpu.memory_space<vmem>> -> memref<1x125xi32, #tpu.memory_space<vmem>>
          %dma_start3A_113 = tpu.memref_squeeze %dma_start3A_112 : memref<1x125xi32, #tpu.memory_space<vmem>> -> memref<125xi32, #tpu.memory_space<vmem>>
          %dma_start3A_114 = arith.constant 0 : i32
          %dma_start3A_115 = arith.constant 0 : i32
          %dma_start3A_116 = tpu.memref_slice %arg13[%dma_start3A_114, %dma_start3A_115] : memref<10000x128xf32, #tpu.memory_space<vmem_shared>> -> memref<10000x128xf32, #tpu.memory_space<vmem_shared>>
          tpu.enqueue_indirect_dma source(%arg12 : memref<125x128xf32, #tpu.memory_space<vmem>>) target(%dma_start3A_116 : memref<10000x128xf32, #tpu.memory_space<vmem_shared>>) offsets(%dma_start3A_113 : memref<125xi32, #tpu.memory_space<vmem>>) semaphore(%run_scoped3A : memref<!tpu.dma_semaphore, #tpu.memory_space<semaphore_mem>>) {add = true}
          %dma_wait3A_117 = arith.constant 0 : i32
          %dma_wait3A_118 = tpu.memref_slice %arg10[%add3A_83, %dma_wait3A_117] : memref<40x125xi32, #tpu.memory_space<vmem>> -> memref<1x125xi32, #tpu.memory_space<vmem>>
          %dma_wait3A_119 = tpu.memref_squeeze %dma_wait3A_118 : memref<1x125xi32, #tpu.memory_space<vmem>> -> memref<125xi32, #tpu.memory_space<vmem>>
          %dma_wait3A_120 = arith.constant 0 : i32
          %dma_wait3A_121 = arith.constant 0 : i32
          %dma_wait3A_122 = tpu.memref_slice %arg13[%dma_wait3A_120, %dma_wait3A_121] : memref<10000x128xf32, #tpu.memory_space<vmem_shared>> -> memref<10000x128xf32, #tpu.memory_space<vmem_shared>>
          tpu.wait_indirect_dma semaphore(%run_scoped3A : memref<!tpu.dma_semaphore, #tpu.memory_space<semaphore_mem>>) src(%arg12 : memref<125x128xf32, #tpu.memory_space<vmem>>) dst(%dma_wait3A_122 : memref<10000x128xf32, #tpu.memory_space<vmem_shared>>)
          tpu.yield
        }) : () -> ()
        %add3A_104 = arith.constant 2 : i32
        %add3A_105 = arith.addi %add3A_83, %add3A_104 : i32
        %lt3A_106 = arith.constant 40 : i32
        %lt3A_107 = arith.cmpi slt, %add3A_105, %lt3A_106 : i32
        %convert_element_type3A_108 = arith.extui %lt3A_107 : i1 to i32
        %cond3A_109 = arith.constant 0 : i32
        %cond3A_110 = arith.cmpi ne, %convert_element_type3A_108, %cond3A_109 : i32
        scf.if %cond3A_110 {
          %add3A_111 = arith.constant 2 : i32
          %add3A_112 = arith.addi %add3A_83, %add3A_111 : i32
          %dma_start3A_113 = arith.constant 0 : i32
          %dma_start3A_114 = tpu.memref_slice %arg9[%add3A_112, %dma_start3A_113] : memref<40x125xi32, #tpu.memory_space<vmem>> -> memref<1x125xi32, #tpu.memory_space<vmem>>
          %dma_start3A_115 = tpu.memref_squeeze %dma_start3A_114 : memref<1x125xi32, #tpu.memory_space<vmem>> -> memref<125xi32, #tpu.memory_space<vmem>>
          %dma_start3A_116 = arith.constant 0 : i32
          %dma_start3A_117 = arith.constant 0 : i32
          %dma_start3A_118 = tpu.memref_slice %arg2[%dma_start3A_116, %dma_start3A_117] : memref<10000x128xf32, #tpu.memory_space<hbm>> -> memref<10000x128xf32, #tpu.memory_space<hbm>>
          tpu.enqueue_indirect_dma source(%dma_start3A_118 : memref<10000x128xf32, #tpu.memory_space<hbm>>) target(%arg12 : memref<125x128xf32, #tpu.memory_space<vmem>>) offsets(%dma_start3A_115 : memref<125xi32, #tpu.memory_space<vmem>>) semaphore(%arg15 : memref<!tpu.dma_semaphore, #tpu.memory_space<semaphore_mem>>)
        } else {
        }
      }
      %scan3A_55 = arith.constant 20 : i32
      %mul3A_56 = arith.constant 80 : i32
      %mul3A_57 = arith.muli %arg1, %mul3A_56 : i32
      %add3A = arith.constant 40 : i32
      %add3A_58 = arith.addi %mul3A_57, %add3A : i32
      "tpu.region"() ({
        %run_scoped3A = tpu.sem_alloc : memref<!tpu.dma_semaphore, #tpu.memory_space<semaphore_mem>>
        %dma_start3A_79 = arith.constant 0 : i32
        %dma_start3A_80 = tpu.memref_slice %arg4[%add3A_58, %dma_start3A_79] : memref<1280x125xi32, #tpu.memory_space<hbm>> -> memref<40x125xi32, #tpu.memory_space<hbm>>
        %dma_start3A_81 = arith.constant 0 : i32
        %dma_start3A_82 = tpu.memref_slice %arg4[%add3A_58, %dma_start3A_81] : memref<1280x125xi32, #tpu.memory_space<hbm>> -> memref<40x125xi32, #tpu.memory_space<hbm>>
        tpu.enqueue_dma source(%dma_start3A_82 : memref<40x125xi32, #tpu.memory_space<hbm>>) target(%arg9 : memref<40x125xi32, #tpu.memory_space<vmem>>) target_semaphore(%run_scoped3A : memref<!tpu.dma_semaphore, #tpu.memory_space<semaphore_mem>>)
        %dma_wait3A = arith.constant 0 : i32
        %dma_wait3A_83 = tpu.memref_slice %arg4[%add3A_58, %dma_wait3A] : memref<1280x125xi32, #tpu.memory_space<hbm>> -> memref<40x125xi32, #tpu.memory_space<hbm>>
        %dma_wait3A_84 = arith.constant 0 : i32
        %dma_wait3A_85 = tpu.memref_slice %arg4[%add3A_58, %dma_wait3A_84] : memref<1280x125xi32, #tpu.memory_space<hbm>> -> memref<40x125xi32, #tpu.memory_space<hbm>>
        tpu.wait_dma2 semaphore(%run_scoped3A : memref<!tpu.dma_semaphore, #tpu.memory_space<semaphore_mem>>) src(%dma_wait3A_85 : memref<40x125xi32, #tpu.memory_space<hbm>>) dst(%arg9 : memref<40x125xi32, #tpu.memory_space<vmem>>)
        tpu.yield
      }) : () -> ()
      "tpu.region"() ({
        %run_scoped3A = tpu.sem_alloc : memref<!tpu.dma_semaphore, #tpu.memory_space<semaphore_mem>>
        %dma_start3A_79 = arith.constant 0 : i32
        %dma_start3A_80 = tpu.memref_slice %arg5[%add3A_58, %dma_start3A_79] : memref<1280x125xi32, #tpu.memory_space<hbm>> -> memref<40x125xi32, #tpu.memory_space<hbm>>
        %dma_start3A_81 = arith.constant 0 : i32
        %dma_start3A_82 = tpu.memref_slice %arg5[%add3A_58, %dma_start3A_81] : memref<1280x125xi32, #tpu.memory_space<hbm>> -> memref<40x125xi32, #tpu.memory_space<hbm>>
        tpu.enqueue_dma source(%dma_start3A_82 : memref<40x125xi32, #tpu.memory_space<hbm>>) target(%arg10 : memref<40x125xi32, #tpu.memory_space<vmem>>) target_semaphore(%run_scoped3A : memref<!tpu.dma_semaphore, #tpu.memory_space<semaphore_mem>>)
        %dma_wait3A = arith.constant 0 : i32
        %dma_wait3A_83 = tpu.memref_slice %arg5[%add3A_58, %dma_wait3A] : memref<1280x125xi32, #tpu.memory_space<hbm>> -> memref<40x125xi32, #tpu.memory_space<hbm>>
        %dma_wait3A_84 = arith.constant 0 : i32
        %dma_wait3A_85 = tpu.memref_slice %arg5[%add3A_58, %dma_wait3A_84] : memref<1280x125xi32, #tpu.memory_space<hbm>> -> memref<40x125xi32, #tpu.memory_space<hbm>>
        tpu.wait_dma2 semaphore(%run_scoped3A : memref<!tpu.dma_semaphore, #tpu.memory_space<semaphore_mem>>) src(%dma_wait3A_85 : memref<40x125xi32, #tpu.memory_space<hbm>>) dst(%arg10 : memref<40x125xi32, #tpu.memory_space<vmem>>)
        tpu.yield
      }) : () -> ()
      %dma_start3A_59 = arith.constant 0 : i32
      %dma_start3A_60 = arith.constant 0 : i32
      %dma_start3A_61 = tpu.memref_slice %arg9[%dma_start3A_59, %dma_start3A_60] : memref<40x125xi32, #tpu.memory_space<vmem>> -> memref<1x125xi32, #tpu.memory_space<vmem>>
      %dma_start3A_62 = tpu.memref_squeeze %dma_start3A_61 : memref<1x125xi32, #tpu.memory_space<vmem>> -> memref<125xi32, #tpu.memory_space<vmem>>
      %dma_start3A_63 = arith.constant 0 : i32
      %dma_start3A_64 = arith.constant 0 : i32
      %dma_start3A_65 = tpu.memref_slice %arg2[%dma_start3A_63, %dma_start3A_64] : memref<10000x128xf32, #tpu.memory_space<hbm>> -> memref<10000x128xf32, #tpu.memory_space<hbm>>
      tpu.enqueue_indirect_dma source(%dma_start3A_65 : memref<10000x128xf32, #tpu.memory_space<hbm>>) target(%arg11 : memref<125x128xf32, #tpu.memory_space<vmem>>) offsets(%dma_start3A_62 : memref<125xi32, #tpu.memory_space<vmem>>) semaphore(%arg14 : memref<!tpu.dma_semaphore, #tpu.memory_space<semaphore_mem>>)
      %dma_start3A_66 = arith.constant 1 : i32
      %dma_start3A_67 = arith.constant 0 : i32
      %dma_start3A_68 = tpu.memref_slice %arg9[%dma_start3A_66, %dma_start3A_67] : memref<40x125xi32, #tpu.memory_space<vmem>> -> memref<1x125xi32, #tpu.memory_space<vmem>>
      %dma_start3A_69 = tpu.memref_squeeze %dma_start3A_68 : memref<1x125xi32, #tpu.memory_space<vmem>> -> memref<125xi32, #tpu.memory_space<vmem>>
      %dma_start3A_70 = arith.constant 0 : i32
      %dma_start3A_71 = arith.constant 0 : i32
      %dma_start3A_72 = tpu.memref_slice %arg2[%dma_start3A_70, %dma_start3A_71] : memref<10000x128xf32, #tpu.memory_space<hbm>> -> memref<10000x128xf32, #tpu.memory_space<hbm>>
      tpu.enqueue_indirect_dma source(%dma_start3A_72 : memref<10000x128xf32, #tpu.memory_space<hbm>>) target(%arg12 : memref<125x128xf32, #tpu.memory_space<vmem>>) offsets(%dma_start3A_69 : memref<125xi32, #tpu.memory_space<vmem>>) semaphore(%arg15 : memref<!tpu.dma_semaphore, #tpu.memory_space<semaphore_mem>>)
      %scan3A_73 = arith.constant 0 : i32
      %scan3A_74 = arith.constant 0 : i32
      %scan3A_75 = arith.constant 20 : i32
      %scan3A_76 = arith.addi %scan3A_74, %scan3A_75 : i32
      %scan3A_77 = arith.constant 1 : i32
      scf.for %scan3A_79 = %scan3A_74 to %scan3A_76 step %scan3A_77  : i32 {
        %mul3A_80 = arith.constant 2 : i32
        %mul3A_81 = arith.muli %scan3A_79, %mul3A_80 : i32
        %add3A_82 = arith.constant 1 : i32
        %add3A_83 = arith.addi %mul3A_81, %add3A_82 : i32
        %dma_wait3A = arith.constant 0 : i32
        %dma_wait3A_84 = arith.constant 0 : i32
        %dma_wait3A_85 = tpu.memref_slice %arg9[%dma_wait3A, %dma_wait3A_84] : memref<40x125xi32, #tpu.memory_space<vmem>> -> memref<1x125xi32, #tpu.memory_space<vmem>>
        %dma_wait3A_86 = tpu.memref_squeeze %dma_wait3A_85 : memref<1x125xi32, #tpu.memory_space<vmem>> -> memref<125xi32, #tpu.memory_space<vmem>>
        %dma_wait3A_87 = arith.constant 0 : i32
        %dma_wait3A_88 = arith.constant 0 : i32
        %dma_wait3A_89 = tpu.memref_slice %arg2[%dma_wait3A_87, %dma_wait3A_88] : memref<10000x128xf32, #tpu.memory_space<hbm>> -> memref<10000x128xf32, #tpu.memory_space<hbm>>
        tpu.wait_indirect_dma semaphore(%arg14 : memref<!tpu.dma_semaphore, #tpu.memory_space<semaphore_mem>>) src(%dma_wait3A_89 : memref<10000x128xf32, #tpu.memory_space<hbm>>) dst(%arg11 : memref<125x128xf32, #tpu.memory_space<vmem>>)
        "tpu.region"() ({
          %run_scoped3A = tpu.sem_alloc : memref<!tpu.dma_semaphore, #tpu.memory_space<semaphore_mem>>
          %dma_start3A_111 = arith.constant 0 : i32
          %dma_start3A_112 = tpu.memref_slice %arg10[%mul3A_81, %dma_start3A_111] : memref<40x125xi32, #tpu.memory_space<vmem>> -> memref<1x125xi32, #tpu.memory_space<vmem>>
          %dma_start3A_113 = tpu.memref_squeeze %dma_start3A_112 : memref<1x125xi32, #tpu.memory_space<vmem>> -> memref<125xi32, #tpu.memory_space<vmem>>
          %dma_start3A_114 = arith.constant 0 : i32
          %dma_start3A_115 = arith.constant 0 : i32
          %dma_start3A_116 = tpu.memref_slice %arg13[%dma_start3A_114, %dma_start3A_115] : memref<10000x128xf32, #tpu.memory_space<vmem_shared>> -> memref<10000x128xf32, #tpu.memory_space<vmem_shared>>
          tpu.enqueue_indirect_dma source(%arg11 : memref<125x128xf32, #tpu.memory_space<vmem>>) target(%dma_start3A_116 : memref<10000x128xf32, #tpu.memory_space<vmem_shared>>) offsets(%dma_start3A_113 : memref<125xi32, #tpu.memory_space<vmem>>) semaphore(%run_scoped3A : memref<!tpu.dma_semaphore, #tpu.memory_space<semaphore_mem>>) {add = true}
          %dma_wait3A_117 = arith.constant 0 : i32
          %dma_wait3A_118 = tpu.memref_slice %arg10[%mul3A_81, %dma_wait3A_117] : memref<40x125xi32, #tpu.memory_space<vmem>> -> memref<1x125xi32, #tpu.memory_space<vmem>>
          %dma_wait3A_119 = tpu.memref_squeeze %dma_wait3A_118 : memref<1x125xi32, #tpu.memory_space<vmem>> -> memref<125xi32, #tpu.memory_space<vmem>>
          %dma_wait3A_120 = arith.constant 0 : i32
          %dma_wait3A_121 = arith.constant 0 : i32
          %dma_wait3A_122 = tpu.memref_slice %arg13[%dma_wait3A_120, %dma_wait3A_121] : memref<10000x128xf32, #tpu.memory_space<vmem_shared>> -> memref<10000x128xf32, #tpu.memory_space<vmem_shared>>
          tpu.wait_indirect_dma semaphore(%run_scoped3A : memref<!tpu.dma_semaphore, #tpu.memory_space<semaphore_mem>>) src(%arg11 : memref<125x128xf32, #tpu.memory_space<vmem>>) dst(%dma_wait3A_122 : memref<10000x128xf32, #tpu.memory_space<vmem_shared>>)
          tpu.yield
        }) : () -> ()
        %add3A_90 = arith.constant 2 : i32
        %add3A_91 = arith.addi %mul3A_81, %add3A_90 : i32
        %lt3A_92 = arith.constant 40 : i32
        %lt3A_93 = arith.cmpi slt, %add3A_91, %lt3A_92 : i32
        %convert_element_type3A_94 = arith.extui %lt3A_93 : i1 to i32
        %cond3A_95 = arith.constant 0 : i32
        %cond3A_96 = arith.cmpi ne, %convert_element_type3A_94, %cond3A_95 : i32
        scf.if %cond3A_96 {
          %add3A_111 = arith.constant 2 : i32
          %add3A_112 = arith.addi %mul3A_81, %add3A_111 : i32
          %dma_start3A_113 = arith.constant 0 : i32
          %dma_start3A_114 = tpu.memref_slice %arg9[%add3A_112, %dma_start3A_113] : memref<40x125xi32, #tpu.memory_space<vmem>> -> memref<1x125xi32, #tpu.memory_space<vmem>>
          %dma_start3A_115 = tpu.memref_squeeze %dma_start3A_114 : memref<1x125xi32, #tpu.memory_space<vmem>> -> memref<125xi32, #tpu.memory_space<vmem>>
          %dma_start3A_116 = arith.constant 0 : i32
          %dma_start3A_117 = arith.constant 0 : i32
          %dma_start3A_118 = tpu.memref_slice %arg2[%dma_start3A_116, %dma_start3A_117] : memref<10000x128xf32, #tpu.memory_space<hbm>> -> memref<10000x128xf32, #tpu.memory_space<hbm>>
          tpu.enqueue_indirect_dma source(%dma_start3A_118 : memref<10000x128xf32, #tpu.memory_space<hbm>>) target(%arg11 : memref<125x128xf32, #tpu.memory_space<vmem>>) offsets(%dma_start3A_115 : memref<125xi32, #tpu.memory_space<vmem>>) semaphore(%arg14 : memref<!tpu.dma_semaphore, #tpu.memory_space<semaphore_mem>>)
        } else {
        }
        %dma_wait3A_97 = arith.constant 0 : i32
        %dma_wait3A_98 = arith.constant 0 : i32
        %dma_wait3A_99 = tpu.memref_slice %arg9[%dma_wait3A_97, %dma_wait3A_98] : memref<40x125xi32, #tpu.memory_space<vmem>> -> memref<1x125xi32, #tpu.memory_space<vmem>>
        %dma_wait3A_100 = tpu.memref_squeeze %dma_wait3A_99 : memref<1x125xi32, #tpu.memory_space<vmem>> -> memref<125xi32, #tpu.memory_space<vmem>>
        %dma_wait3A_101 = arith.constant 0 : i32
        %dma_wait3A_102 = arith.constant 0 : i32
        %dma_wait3A_103 = tpu.memref_slice %arg2[%dma_wait3A_101, %dma_wait3A_102] : memref<10000x128xf32, #tpu.memory_space<hbm>> -> memref<10000x128xf32, #tpu.memory_space<hbm>>
        tpu.wait_indirect_dma semaphore(%arg15 : memref<!tpu.dma_semaphore, #tpu.memory_space<semaphore_mem>>) src(%dma_wait3A_103 : memref<10000x128xf32, #tpu.memory_space<hbm>>) dst(%arg12 : memref<125x128xf32, #tpu.memory_space<vmem>>)
        "tpu.region"() ({
          %run_scoped3A = tpu.sem_alloc : memref<!tpu.dma_semaphore, #tpu.memory_space<semaphore_mem>>
          %dma_start3A_111 = arith.constant 0 : i32
          %dma_start3A_112 = tpu.memref_slice %arg10[%add3A_83, %dma_start3A_111] : memref<40x125xi32, #tpu.memory_space<vmem>> -> memref<1x125xi32, #tpu.memory_space<vmem>>
          %dma_start3A_113 = tpu.memref_squeeze %dma_start3A_112 : memref<1x125xi32, #tpu.memory_space<vmem>> -> memref<125xi32, #tpu.memory_space<vmem>>
          %dma_start3A_114 = arith.constant 0 : i32
          %dma_start3A_115 = arith.constant 0 : i32
          %dma_start3A_116 = tpu.memref_slice %arg13[%dma_start3A_114, %dma_start3A_115] : memref<10000x128xf32, #tpu.memory_space<vmem_shared>> -> memref<10000x128xf32, #tpu.memory_space<vmem_shared>>
          tpu.enqueue_indirect_dma source(%arg12 : memref<125x128xf32, #tpu.memory_space<vmem>>) target(%dma_start3A_116 : memref<10000x128xf32, #tpu.memory_space<vmem_shared>>) offsets(%dma_start3A_113 : memref<125xi32, #tpu.memory_space<vmem>>) semaphore(%run_scoped3A : memref<!tpu.dma_semaphore, #tpu.memory_space<semaphore_mem>>) {add = true}
          %dma_wait3A_117 = arith.constant 0 : i32
          %dma_wait3A_118 = tpu.memref_slice %arg10[%add3A_83, %dma_wait3A_117] : memref<40x125xi32, #tpu.memory_space<vmem>> -> memref<1x125xi32, #tpu.memory_space<vmem>>
          %dma_wait3A_119 = tpu.memref_squeeze %dma_wait3A_118 : memref<1x125xi32, #tpu.memory_space<vmem>> -> memref<125xi32, #tpu.memory_space<vmem>>
          %dma_wait3A_120 = arith.constant 0 : i32
          %dma_wait3A_121 = arith.constant 0 : i32
          %dma_wait3A_122 = tpu.memref_slice %arg13[%dma_wait3A_120, %dma_wait3A_121] : memref<10000x128xf32, #tpu.memory_space<vmem_shared>> -> memref<10000x128xf32, #tpu.memory_space<vmem_shared>>
          tpu.wait_indirect_dma semaphore(%run_scoped3A : memref<!tpu.dma_semaphore, #tpu.memory_space<semaphore_mem>>) src(%arg12 : memref<125x128xf32, #tpu.memory_space<vmem>>) dst(%dma_wait3A_122 : memref<10000x128xf32, #tpu.memory_space<vmem_shared>>)
          tpu.yield
        }) : () -> ()
        %add3A_104 = arith.constant 2 : i32
        %add3A_105 = arith.addi %add3A_83, %add3A_104 : i32
        %lt3A_106 = arith.constant 40 : i32
        %lt3A_107 = arith.cmpi slt, %add3A_105, %lt3A_106 : i32
        %convert_element_type3A_108 = arith.extui %lt3A_107 : i1 to i32
        %cond3A_109 = arith.constant 0 : i32
        %cond3A_110 = arith.cmpi ne, %convert_element_type3A_108, %cond3A_109 : i32
        scf.if %cond3A_110 {
          %add3A_111 = arith.constant 2 : i32
          %add3A_112 = arith.addi %add3A_83, %add3A_111 : i32
          %dma_start3A_113 = arith.constant 0 : i32
          %dma_start3A_114 = tpu.memref_slice %arg9[%add3A_112, %dma_start3A_113] : memref<40x125xi32, #tpu.memory_space<vmem>> -> memref<1x125xi32, #tpu.memory_space<vmem>>
          %dma_start3A_115 = tpu.memref_squeeze %dma_start3A_114 : memref<1x125xi32, #tpu.memory_space<vmem>> -> memref<125xi32, #tpu.memory_space<vmem>>
          %dma_start3A_116 = arith.constant 0 : i32
          %dma_start3A_117 = arith.constant 0 : i32
          %dma_start3A_118 = tpu.memref_slice %arg2[%dma_start3A_116, %dma_start3A_117] : memref<10000x128xf32, #tpu.memory_space<hbm>> -> memref<10000x128xf32, #tpu.memory_space<hbm>>
          tpu.enqueue_indirect_dma source(%dma_start3A_118 : memref<10000x128xf32, #tpu.memory_space<hbm>>) target(%arg12 : memref<125x128xf32, #tpu.memory_space<vmem>>) offsets(%dma_start3A_115 : memref<125xi32, #tpu.memory_space<vmem>>) semaphore(%arg15 : memref<!tpu.dma_semaphore, #tpu.memory_space<semaphore_mem>>)
        } else {
        }
      }
      %scan3A_78 = arith.constant 20 : i32
    } else {
    }
    %eq3A_11 = arith.constant 1 : i32
    %eq3A_12 = arith.cmpi eq, %arg0, %eq3A_11 : i32
    %convert_element_type3A_13 = arith.extui %eq3A_12 : i1 to i32
    %cond3A_14 = arith.constant 0 : i32
    %cond3A_15 = arith.cmpi ne, %convert_element_type3A_13, %cond3A_14 : i32
    scf.if %cond3A_15 {
      %mul3A = arith.constant 80 : i32
      %mul3A_26 = arith.muli %arg1, %mul3A : i32
      "tpu.region"() ({
        %run_scoped3A = tpu.sem_alloc : memref<!tpu.dma_semaphore, #tpu.memory_space<semaphore_mem>>
        %dma_start3A_79 = arith.constant 0 : i32
        %dma_start3A_80 = tpu.memref_slice %arg4[%mul3A_26, %dma_start3A_79] : memref<1280x125xi32, #tpu.memory_space<hbm>> -> memref<40x125xi32, #tpu.memory_space<hbm>>
        %dma_start3A_81 = arith.constant 0 : i32
        %dma_start3A_82 = tpu.memref_slice %arg4[%mul3A_26, %dma_start3A_81] : memref<1280x125xi32, #tpu.memory_space<hbm>> -> memref<40x125xi32, #tpu.memory_space<hbm>>
        tpu.enqueue_dma source(%dma_start3A_82 : memref<40x125xi32, #tpu.memory_space<hbm>>) target(%arg9 : memref<40x125xi32, #tpu.memory_space<vmem>>) target_semaphore(%run_scoped3A : memref<!tpu.dma_semaphore, #tpu.memory_space<semaphore_mem>>)
        %dma_wait3A = arith.constant 0 : i32
        %dma_wait3A_83 = tpu.memref_slice %arg4[%mul3A_26, %dma_wait3A] : memref<1280x125xi32, #tpu.memory_space<hbm>> -> memref<40x125xi32, #tpu.memory_space<hbm>>
        %dma_wait3A_84 = arith.constant 0 : i32
        %dma_wait3A_85 = tpu.memref_slice %arg4[%mul3A_26, %dma_wait3A_84] : memref<1280x125xi32, #tpu.memory_space<hbm>> -> memref<40x125xi32, #tpu.memory_space<hbm>>
        tpu.wait_dma2 semaphore(%run_scoped3A : memref<!tpu.dma_semaphore, #tpu.memory_space<semaphore_mem>>) src(%dma_wait3A_85 : memref<40x125xi32, #tpu.memory_space<hbm>>) dst(%arg9 : memref<40x125xi32, #tpu.memory_space<vmem>>)
        tpu.yield
      }) : () -> ()
      "tpu.region"() ({
        %run_scoped3A = tpu.sem_alloc : memref<!tpu.dma_semaphore, #tpu.memory_space<semaphore_mem>>
        %dma_start3A_79 = arith.constant 0 : i32
        %dma_start3A_80 = tpu.memref_slice %arg5[%mul3A_26, %dma_start3A_79] : memref<1280x125xi32, #tpu.memory_space<hbm>> -> memref<40x125xi32, #tpu.memory_space<hbm>>
        %dma_start3A_81 = arith.constant 0 : i32
        %dma_start3A_82 = tpu.memref_slice %arg5[%mul3A_26, %dma_start3A_81] : memref<1280x125xi32, #tpu.memory_space<hbm>> -> memref<40x125xi32, #tpu.memory_space<hbm>>
        tpu.enqueue_dma source(%dma_start3A_82 : memref<40x125xi32, #tpu.memory_space<hbm>>) target(%arg10 : memref<40x125xi32, #tpu.memory_space<vmem>>) target_semaphore(%run_scoped3A : memref<!tpu.dma_semaphore, #tpu.memory_space<semaphore_mem>>)
        %dma_wait3A = arith.constant 0 : i32
        %dma_wait3A_83 = tpu.memref_slice %arg5[%mul3A_26, %dma_wait3A] : memref<1280x125xi32, #tpu.memory_space<hbm>> -> memref<40x125xi32, #tpu.memory_space<hbm>>
        %dma_wait3A_84 = arith.constant 0 : i32
        %dma_wait3A_85 = tpu.memref_slice %arg5[%mul3A_26, %dma_wait3A_84] : memref<1280x125xi32, #tpu.memory_space<hbm>> -> memref<40x125xi32, #tpu.memory_space<hbm>>
        tpu.wait_dma2 semaphore(%run_scoped3A : memref<!tpu.dma_semaphore, #tpu.memory_space<semaphore_mem>>) src(%dma_wait3A_85 : memref<40x125xi32, #tpu.memory_space<hbm>>) dst(%arg10 : memref<40x125xi32, #tpu.memory_space<vmem>>)
        tpu.yield
      }) : () -> ()
      %dma_start3A = arith.constant 0 : i32
      %dma_start3A_27 = arith.constant 0 : i32
      %dma_start3A_28 = tpu.memref_slice %arg9[%dma_start3A, %dma_start3A_27] : memref<40x125xi32, #tpu.memory_space<vmem>> -> memref<1x125xi32, #tpu.memory_space<vmem>>
      %dma_start3A_29 = tpu.memref_squeeze %dma_start3A_28 : memref<1x125xi32, #tpu.memory_space<vmem>> -> memref<125xi32, #tpu.memory_space<vmem>>
      %dma_start3A_30 = arith.constant 0 : i32
      %dma_start3A_31 = arith.constant 0 : i32
      %dma_start3A_32 = tpu.memref_slice %arg3[%dma_start3A_30, %dma_start3A_31] : memref<10000x128xf32, #tpu.memory_space<hbm>> -> memref<10000x128xf32, #tpu.memory_space<hbm>>
      tpu.enqueue_indirect_dma source(%dma_start3A_32 : memref<10000x128xf32, #tpu.memory_space<hbm>>) target(%arg11 : memref<125x128xf32, #tpu.memory_space<vmem>>) offsets(%dma_start3A_29 : memref<125xi32, #tpu.memory_space<vmem>>) semaphore(%arg14 : memref<!tpu.dma_semaphore, #tpu.memory_space<semaphore_mem>>)
      %dma_start3A_33 = arith.constant 1 : i32
      %dma_start3A_34 = arith.constant 0 : i32
      %dma_start3A_35 = tpu.memref_slice %arg9[%dma_start3A_33, %dma_start3A_34] : memref<40x125xi32, #tpu.memory_space<vmem>> -> memref<1x125xi32, #tpu.memory_space<vmem>>
      %dma_start3A_36 = tpu.memref_squeeze %dma_start3A_35 : memref<1x125xi32, #tpu.memory_space<vmem>> -> memref<125xi32, #tpu.memory_space<vmem>>
      %dma_start3A_37 = arith.constant 0 : i32
      %dma_start3A_38 = arith.constant 0 : i32
      %dma_start3A_39 = tpu.memref_slice %arg3[%dma_start3A_37, %dma_start3A_38] : memref<10000x128xf32, #tpu.memory_space<hbm>> -> memref<10000x128xf32, #tpu.memory_space<hbm>>
      tpu.enqueue_indirect_dma source(%dma_start3A_39 : memref<10000x128xf32, #tpu.memory_space<hbm>>) target(%arg12 : memref<125x128xf32, #tpu.memory_space<vmem>>) offsets(%dma_start3A_36 : memref<125xi32, #tpu.memory_space<vmem>>) semaphore(%arg15 : memref<!tpu.dma_semaphore, #tpu.memory_space<semaphore_mem>>)
      %lt3A_40 = arith.constant 15 : i32
      %lt3A_41 = arith.cmpi slt, %arg1, %lt3A_40 : i32
      %convert_element_type3A_42 = arith.extui %lt3A_41 : i1 to i32
      %cond3A_43 = arith.constant 0 : i32
      %cond3A_44 = arith.cmpi ne, %convert_element_type3A_42, %cond3A_43 : i32
      scf.if %cond3A_44 {
        %mul3A_79 = arith.constant 640 : i32
        %mul3A_80 = arith.muli %arg1, %mul3A_79 : i32
        %mul3A_81 = arith.constant 640 : i32
        %mul3A_82 = arith.muli %arg1, %mul3A_81 : i32
        %dma_wait3A = arith.constant 0 : i32
        %dma_wait3A_83 = tpu.memref_slice %arg13[%mul3A_82, %dma_wait3A] : memref<10000x128xf32, #tpu.memory_space<vmem_shared>> -> memref<640x128xf32, #tpu.memory_space<vmem_shared>>
        %dma_wait3A_84 = arith.constant 0 : i32
        %dma_wait3A_85 = tpu.memref_slice %arg6[%mul3A_80, %dma_wait3A_84] : memref<10000x128xf32, #tpu.memory_space<hbm>> -> memref<640x128xf32, #tpu.memory_space<hbm>>
        tpu.wait_dma2 semaphore(%arg16 : memref<!tpu.dma_semaphore, #tpu.memory_space<semaphore_mem>>) src(%dma_wait3A_85 : memref<640x128xf32, #tpu.memory_space<hbm>>) dst(%dma_wait3A_83 : memref<640x128xf32, #tpu.memory_space<vmem_shared>>)
      } else {
      }
      %eq3A_45 = arith.constant 15 : i32
      %eq3A_46 = arith.cmpi eq, %arg1, %eq3A_45 : i32
      %convert_element_type3A_47 = arith.extui %eq3A_46 : i1 to i32
      %cond3A_48 = arith.constant 0 : i32
      %cond3A_49 = arith.cmpi ne, %convert_element_type3A_47, %cond3A_48 : i32
      scf.if %cond3A_49 {
        %dma_wait3A = arith.constant 9600 : i32
        %dma_wait3A_79 = arith.constant 0 : i32
        %dma_wait3A_80 = tpu.memref_slice %arg13[%dma_wait3A, %dma_wait3A_79] : memref<10000x128xf32, #tpu.memory_space<vmem_shared>> -> memref<400x128xf32, #tpu.memory_space<vmem_shared>>
        %dma_wait3A_81 = arith.constant 9600 : i32
        %dma_wait3A_82 = arith.constant 0 : i32
        %dma_wait3A_83 = tpu.memref_slice %arg6[%dma_wait3A_81, %dma_wait3A_82] : memref<10000x128xf32, #tpu.memory_space<hbm>> -> memref<400x128xf32, #tpu.memory_space<hbm>>
        tpu.wait_dma2 semaphore(%arg16 : memref<!tpu.dma_semaphore, #tpu.memory_space<semaphore_mem>>) src(%dma_wait3A_83 : memref<400x128xf32, #tpu.memory_space<hbm>>) dst(%dma_wait3A_80 : memref<400x128xf32, #tpu.memory_space<vmem_shared>>)
      } else {
      }
      %barrier3A_50 = arith.constant 0 : index
      tpu.barrier barrier_id(%barrier3A_50)
      %scan3A = arith.constant 0 : i32
      %scan3A_51 = arith.constant 0 : i32
      %scan3A_52 = arith.constant 20 : i32
      %scan3A_53 = arith.addi %scan3A_51, %scan3A_52 : i32
      %scan3A_54 = arith.constant 1 : i32
      scf.for %scan3A_79 = %scan3A_51 to %scan3A_53 step %scan3A_54  : i32 {
        %mul3A_80 = arith.constant 2 : i32
        %mul3A_81 = arith.muli %scan3A_79, %mul3A_80 : i32
        %add3A_82 = arith.constant 1 : i32
        %add3A_83 = arith.addi %mul3A_81, %add3A_82 : i32
        %dma_wait3A = arith.constant 0 : i32
        %dma_wait3A_84 = arith.constant 0 : i32
        %dma_wait3A_85 = tpu.memref_slice %arg9[%dma_wait3A, %dma_wait3A_84] : memref<40x125xi32, #tpu.memory_space<vmem>> -> memref<1x125xi32, #tpu.memory_space<vmem>>
        %dma_wait3A_86 = tpu.memref_squeeze %dma_wait3A_85 : memref<1x125xi32, #tpu.memory_space<vmem>> -> memref<125xi32, #tpu.memory_space<vmem>>
        %dma_wait3A_87 = arith.constant 0 : i32
        %dma_wait3A_88 = arith.constant 0 : i32
        %dma_wait3A_89 = tpu.memref_slice %arg3[%dma_wait3A_87, %dma_wait3A_88] : memref<10000x128xf32, #tpu.memory_space<hbm>> -> memref<10000x128xf32, #tpu.memory_space<hbm>>
        tpu.wait_indirect_dma semaphore(%arg14 : memref<!tpu.dma_semaphore, #tpu.memory_space<semaphore_mem>>) src(%dma_wait3A_89 : memref<10000x128xf32, #tpu.memory_space<hbm>>) dst(%arg11 : memref<125x128xf32, #tpu.memory_space<vmem>>)
        "tpu.region"() ({
          %run_scoped3A = tpu.sem_alloc : memref<!tpu.dma_semaphore, #tpu.memory_space<semaphore_mem>>
          %dma_start3A_111 = arith.constant 0 : i32
          %dma_start3A_112 = tpu.memref_slice %arg10[%mul3A_81, %dma_start3A_111] : memref<40x125xi32, #tpu.memory_space<vmem>> -> memref<1x125xi32, #tpu.memory_space<vmem>>
          %dma_start3A_113 = tpu.memref_squeeze %dma_start3A_112 : memref<1x125xi32, #tpu.memory_space<vmem>> -> memref<125xi32, #tpu.memory_space<vmem>>
          %dma_start3A_114 = arith.constant 0 : i32
          %dma_start3A_115 = arith.constant 0 : i32
          %dma_start3A_116 = tpu.memref_slice %arg13[%dma_start3A_114, %dma_start3A_115] : memref<10000x128xf32, #tpu.memory_space<vmem_shared>> -> memref<10000x128xf32, #tpu.memory_space<vmem_shared>>
          tpu.enqueue_indirect_dma source(%arg11 : memref<125x128xf32, #tpu.memory_space<vmem>>) target(%dma_start3A_116 : memref<10000x128xf32, #tpu.memory_space<vmem_shared>>) offsets(%dma_start3A_113 : memref<125xi32, #tpu.memory_space<vmem>>) semaphore(%run_scoped3A : memref<!tpu.dma_semaphore, #tpu.memory_space<semaphore_mem>>) {add = true}
          %dma_wait3A_117 = arith.constant 0 : i32
          %dma_wait3A_118 = tpu.memref_slice %arg10[%mul3A_81, %dma_wait3A_117] : memref<40x125xi32, #tpu.memory_space<vmem>> -> memref<1x125xi32, #tpu.memory_space<vmem>>
          %dma_wait3A_119 = tpu.memref_squeeze %dma_wait3A_118 : memref<1x125xi32, #tpu.memory_space<vmem>> -> memref<125xi32, #tpu.memory_space<vmem>>
          %dma_wait3A_120 = arith.constant 0 : i32
          %dma_wait3A_121 = arith.constant 0 : i32
          %dma_wait3A_122 = tpu.memref_slice %arg13[%dma_wait3A_120, %dma_wait3A_121] : memref<10000x128xf32, #tpu.memory_space<vmem_shared>> -> memref<10000x128xf32, #tpu.memory_space<vmem_shared>>
          tpu.wait_indirect_dma semaphore(%run_scoped3A : memref<!tpu.dma_semaphore, #tpu.memory_space<semaphore_mem>>) src(%arg11 : memref<125x128xf32, #tpu.memory_space<vmem>>) dst(%dma_wait3A_122 : memref<10000x128xf32, #tpu.memory_space<vmem_shared>>)
          tpu.yield
        }) : () -> ()
        %add3A_90 = arith.constant 2 : i32
        %add3A_91 = arith.addi %mul3A_81, %add3A_90 : i32
        %lt3A_92 = arith.constant 40 : i32
        %lt3A_93 = arith.cmpi slt, %add3A_91, %lt3A_92 : i32
        %convert_element_type3A_94 = arith.extui %lt3A_93 : i1 to i32
        %cond3A_95 = arith.constant 0 : i32
        %cond3A_96 = arith.cmpi ne, %convert_element_type3A_94, %cond3A_95 : i32
        scf.if %cond3A_96 {
          %add3A_111 = arith.constant 2 : i32
          %add3A_112 = arith.addi %mul3A_81, %add3A_111 : i32
          %dma_start3A_113 = arith.constant 0 : i32
          %dma_start3A_114 = tpu.memref_slice %arg9[%add3A_112, %dma_start3A_113] : memref<40x125xi32, #tpu.memory_space<vmem>> -> memref<1x125xi32, #tpu.memory_space<vmem>>
          %dma_start3A_115 = tpu.memref_squeeze %dma_start3A_114 : memref<1x125xi32, #tpu.memory_space<vmem>> -> memref<125xi32, #tpu.memory_space<vmem>>
          %dma_start3A_116 = arith.constant 0 : i32
          %dma_start3A_117 = arith.constant 0 : i32
          %dma_start3A_118 = tpu.memref_slice %arg3[%dma_start3A_116, %dma_start3A_117] : memref<10000x128xf32, #tpu.memory_space<hbm>> -> memref<10000x128xf32, #tpu.memory_space<hbm>>
          tpu.enqueue_indirect_dma source(%dma_start3A_118 : memref<10000x128xf32, #tpu.memory_space<hbm>>) target(%arg11 : memref<125x128xf32, #tpu.memory_space<vmem>>) offsets(%dma_start3A_115 : memref<125xi32, #tpu.memory_space<vmem>>) semaphore(%arg14 : memref<!tpu.dma_semaphore, #tpu.memory_space<semaphore_mem>>)
        } else {
        }
        %dma_wait3A_97 = arith.constant 0 : i32
        %dma_wait3A_98 = arith.constant 0 : i32
        %dma_wait3A_99 = tpu.memref_slice %arg9[%dma_wait3A_97, %dma_wait3A_98] : memref<40x125xi32, #tpu.memory_space<vmem>> -> memref<1x125xi32, #tpu.memory_space<vmem>>
        %dma_wait3A_100 = tpu.memref_squeeze %dma_wait3A_99 : memref<1x125xi32, #tpu.memory_space<vmem>> -> memref<125xi32, #tpu.memory_space<vmem>>
        %dma_wait3A_101 = arith.constant 0 : i32
        %dma_wait3A_102 = arith.constant 0 : i32
        %dma_wait3A_103 = tpu.memref_slice %arg3[%dma_wait3A_101, %dma_wait3A_102] : memref<10000x128xf32, #tpu.memory_space<hbm>> -> memref<10000x128xf32, #tpu.memory_space<hbm>>
        tpu.wait_indirect_dma semaphore(%arg15 : memref<!tpu.dma_semaphore, #tpu.memory_space<semaphore_mem>>) src(%dma_wait3A_103 : memref<10000x128xf32, #tpu.memory_space<hbm>>) dst(%arg12 : memref<125x128xf32, #tpu.memory_space<vmem>>)
        "tpu.region"() ({
          %run_scoped3A = tpu.sem_alloc : memref<!tpu.dma_semaphore, #tpu.memory_space<semaphore_mem>>
          %dma_start3A_111 = arith.constant 0 : i32
          %dma_start3A_112 = tpu.memref_slice %arg10[%add3A_83, %dma_start3A_111] : memref<40x125xi32, #tpu.memory_space<vmem>> -> memref<1x125xi32, #tpu.memory_space<vmem>>
          %dma_start3A_113 = tpu.memref_squeeze %dma_start3A_112 : memref<1x125xi32, #tpu.memory_space<vmem>> -> memref<125xi32, #tpu.memory_space<vmem>>
          %dma_start3A_114 = arith.constant 0 : i32
          %dma_start3A_115 = arith.constant 0 : i32
          %dma_start3A_116 = tpu.memref_slice %arg13[%dma_start3A_114, %dma_start3A_115] : memref<10000x128xf32, #tpu.memory_space<vmem_shared>> -> memref<10000x128xf32, #tpu.memory_space<vmem_shared>>
          tpu.enqueue_indirect_dma source(%arg12 : memref<125x128xf32, #tpu.memory_space<vmem>>) target(%dma_start3A_116 : memref<10000x128xf32, #tpu.memory_space<vmem_shared>>) offsets(%dma_start3A_113 : memref<125xi32, #tpu.memory_space<vmem>>) semaphore(%run_scoped3A : memref<!tpu.dma_semaphore, #tpu.memory_space<semaphore_mem>>) {add = true}
          %dma_wait3A_117 = arith.constant 0 : i32
          %dma_wait3A_118 = tpu.memref_slice %arg10[%add3A_83, %dma_wait3A_117] : memref<40x125xi32, #tpu.memory_space<vmem>> -> memref<1x125xi32, #tpu.memory_space<vmem>>
          %dma_wait3A_119 = tpu.memref_squeeze %dma_wait3A_118 : memref<1x125xi32, #tpu.memory_space<vmem>> -> memref<125xi32, #tpu.memory_space<vmem>>
          %dma_wait3A_120 = arith.constant 0 : i32
          %dma_wait3A_121 = arith.constant 0 : i32
          %dma_wait3A_122 = tpu.memref_slice %arg13[%dma_wait3A_120, %dma_wait3A_121] : memref<10000x128xf32, #tpu.memory_space<vmem_shared>> -> memref<10000x128xf32, #tpu.memory_space<vmem_shared>>
          tpu.wait_indirect_dma semaphore(%run_scoped3A : memref<!tpu.dma_semaphore, #tpu.memory_space<semaphore_mem>>) src(%arg12 : memref<125x128xf32, #tpu.memory_space<vmem>>) dst(%dma_wait3A_122 : memref<10000x128xf32, #tpu.memory_space<vmem_shared>>)
          tpu.yield
        }) : () -> ()
        %add3A_104 = arith.constant 2 : i32
        %add3A_105 = arith.addi %add3A_83, %add3A_104 : i32
        %lt3A_106 = arith.constant 40 : i32
        %lt3A_107 = arith.cmpi slt, %add3A_105, %lt3A_106 : i32
        %convert_element_type3A_108 = arith.extui %lt3A_107 : i1 to i32
        %cond3A_109 = arith.constant 0 : i32
        %cond3A_110 = arith.cmpi ne, %convert_element_type3A_108, %cond3A_109 : i32
        scf.if %cond3A_110 {
          %add3A_111 = arith.constant 2 : i32
          %add3A_112 = arith.addi %add3A_83, %add3A_111 : i32
          %dma_start3A_113 = arith.constant 0 : i32
          %dma_start3A_114 = tpu.memref_slice %arg9[%add3A_112, %dma_start3A_113] : memref<40x125xi32, #tpu.memory_space<vmem>> -> memref<1x125xi32, #tpu.memory_space<vmem>>
          %dma_start3A_115 = tpu.memref_squeeze %dma_start3A_114 : memref<1x125xi32, #tpu.memory_space<vmem>> -> memref<125xi32, #tpu.memory_space<vmem>>
          %dma_start3A_116 = arith.constant 0 : i32
          %dma_start3A_117 = arith.constant 0 : i32
          %dma_start3A_118 = tpu.memref_slice %arg3[%dma_start3A_116, %dma_start3A_117] : memref<10000x128xf32, #tpu.memory_space<hbm>> -> memref<10000x128xf32, #tpu.memory_space<hbm>>
          tpu.enqueue_indirect_dma source(%dma_start3A_118 : memref<10000x128xf32, #tpu.memory_space<hbm>>) target(%arg12 : memref<125x128xf32, #tpu.memory_space<vmem>>) offsets(%dma_start3A_115 : memref<125xi32, #tpu.memory_space<vmem>>) semaphore(%arg15 : memref<!tpu.dma_semaphore, #tpu.memory_space<semaphore_mem>>)
        } else {
        }
      }
      %scan3A_55 = arith.constant 20 : i32
      %mul3A_56 = arith.constant 80 : i32
      %mul3A_57 = arith.muli %arg1, %mul3A_56 : i32
      %add3A = arith.constant 40 : i32
      %add3A_58 = arith.addi %mul3A_57, %add3A : i32
      "tpu.region"() ({
        %run_scoped3A = tpu.sem_alloc : memref<!tpu.dma_semaphore, #tpu.memory_space<semaphore_mem>>
        %dma_start3A_79 = arith.constant 0 : i32
        %dma_start3A_80 = tpu.memref_slice %arg4[%add3A_58, %dma_start3A_79] : memref<1280x125xi32, #tpu.memory_space<hbm>> -> memref<40x125xi32, #tpu.memory_space<hbm>>
        %dma_start3A_81 = arith.constant 0 : i32
        %dma_start3A_82 = tpu.memref_slice %arg4[%add3A_58, %dma_start3A_81] : memref<1280x125xi32, #tpu.memory_space<hbm>> -> memref<40x125xi32, #tpu.memory_space<hbm>>
        tpu.enqueue_dma source(%dma_start3A_82 : memref<40x125xi32, #tpu.memory_space<hbm>>) target(%arg9 : memref<40x125xi32, #tpu.memory_space<vmem>>) target_semaphore(%run_scoped3A : memref<!tpu.dma_semaphore, #tpu.memory_space<semaphore_mem>>)
        %dma_wait3A = arith.constant 0 : i32
        %dma_wait3A_83 = tpu.memref_slice %arg4[%add3A_58, %dma_wait3A] : memref<1280x125xi32, #tpu.memory_space<hbm>> -> memref<40x125xi32, #tpu.memory_space<hbm>>
        %dma_wait3A_84 = arith.constant 0 : i32
        %dma_wait3A_85 = tpu.memref_slice %arg4[%add3A_58, %dma_wait3A_84] : memref<1280x125xi32, #tpu.memory_space<hbm>> -> memref<40x125xi32, #tpu.memory_space<hbm>>
        tpu.wait_dma2 semaphore(%run_scoped3A : memref<!tpu.dma_semaphore, #tpu.memory_space<semaphore_mem>>) src(%dma_wait3A_85 : memref<40x125xi32, #tpu.memory_space<hbm>>) dst(%arg9 : memref<40x125xi32, #tpu.memory_space<vmem>>)
        tpu.yield
      }) : () -> ()
      "tpu.region"() ({
        %run_scoped3A = tpu.sem_alloc : memref<!tpu.dma_semaphore, #tpu.memory_space<semaphore_mem>>
        %dma_start3A_79 = arith.constant 0 : i32
        %dma_start3A_80 = tpu.memref_slice %arg5[%add3A_58, %dma_start3A_79] : memref<1280x125xi32, #tpu.memory_space<hbm>> -> memref<40x125xi32, #tpu.memory_space<hbm>>
        %dma_start3A_81 = arith.constant 0 : i32
        %dma_start3A_82 = tpu.memref_slice %arg5[%add3A_58, %dma_start3A_81] : memref<1280x125xi32, #tpu.memory_space<hbm>> -> memref<40x125xi32, #tpu.memory_space<hbm>>
        tpu.enqueue_dma source(%dma_start3A_82 : memref<40x125xi32, #tpu.memory_space<hbm>>) target(%arg10 : memref<40x125xi32, #tpu.memory_space<vmem>>) target_semaphore(%run_scoped3A : memref<!tpu.dma_semaphore, #tpu.memory_space<semaphore_mem>>)
        %dma_wait3A = arith.constant 0 : i32
        %dma_wait3A_83 = tpu.memref_slice %arg5[%add3A_58, %dma_wait3A] : memref<1280x125xi32, #tpu.memory_space<hbm>> -> memref<40x125xi32, #tpu.memory_space<hbm>>
        %dma_wait3A_84 = arith.constant 0 : i32
        %dma_wait3A_85 = tpu.memref_slice %arg5[%add3A_58, %dma_wait3A_84] : memref<1280x125xi32, #tpu.memory_space<hbm>> -> memref<40x125xi32, #tpu.memory_space<hbm>>
        tpu.wait_dma2 semaphore(%run_scoped3A : memref<!tpu.dma_semaphore, #tpu.memory_space<semaphore_mem>>) src(%dma_wait3A_85 : memref<40x125xi32, #tpu.memory_space<hbm>>) dst(%arg10 : memref<40x125xi32, #tpu.memory_space<vmem>>)
        tpu.yield
      }) : () -> ()
      %dma_start3A_59 = arith.constant 0 : i32
      %dma_start3A_60 = arith.constant 0 : i32
      %dma_start3A_61 = tpu.memref_slice %arg9[%dma_start3A_59, %dma_start3A_60] : memref<40x125xi32, #tpu.memory_space<vmem>> -> memref<1x125xi32, #tpu.memory_space<vmem>>
      %dma_start3A_62 = tpu.memref_squeeze %dma_start3A_61 : memref<1x125xi32, #tpu.memory_space<vmem>> -> memref<125xi32, #tpu.memory_space<vmem>>
      %dma_start3A_63 = arith.constant 0 : i32
      %dma_start3A_64 = arith.constant 0 : i32
      %dma_start3A_65 = tpu.memref_slice %arg3[%dma_start3A_63, %dma_start3A_64] : memref<10000x128xf32, #tpu.memory_space<hbm>> -> memref<10000x128xf32, #tpu.memory_space<hbm>>
      tpu.enqueue_indirect_dma source(%dma_start3A_65 : memref<10000x128xf32, #tpu.memory_space<hbm>>) target(%arg11 : memref<125x128xf32, #tpu.memory_space<vmem>>) offsets(%dma_start3A_62 : memref<125xi32, #tpu.memory_space<vmem>>) semaphore(%arg14 : memref<!tpu.dma_semaphore, #tpu.memory_space<semaphore_mem>>)
      %dma_start3A_66 = arith.constant 1 : i32
      %dma_start3A_67 = arith.constant 0 : i32
      %dma_start3A_68 = tpu.memref_slice %arg9[%dma_start3A_66, %dma_start3A_67] : memref<40x125xi32, #tpu.memory_space<vmem>> -> memref<1x125xi32, #tpu.memory_space<vmem>>
      %dma_start3A_69 = tpu.memref_squeeze %dma_start3A_68 : memref<1x125xi32, #tpu.memory_space<vmem>> -> memref<125xi32, #tpu.memory_space<vmem>>
      %dma_start3A_70 = arith.constant 0 : i32
      %dma_start3A_71 = arith.constant 0 : i32
      %dma_start3A_72 = tpu.memref_slice %arg3[%dma_start3A_70, %dma_start3A_71] : memref<10000x128xf32, #tpu.memory_space<hbm>> -> memref<10000x128xf32, #tpu.memory_space<hbm>>
      tpu.enqueue_indirect_dma source(%dma_start3A_72 : memref<10000x128xf32, #tpu.memory_space<hbm>>) target(%arg12 : memref<125x128xf32, #tpu.memory_space<vmem>>) offsets(%dma_start3A_69 : memref<125xi32, #tpu.memory_space<vmem>>) semaphore(%arg15 : memref<!tpu.dma_semaphore, #tpu.memory_space<semaphore_mem>>)
      %scan3A_73 = arith.constant 0 : i32
      %scan3A_74 = arith.constant 0 : i32
      %scan3A_75 = arith.constant 20 : i32
      %scan3A_76 = arith.addi %scan3A_74, %scan3A_75 : i32
      %scan3A_77 = arith.constant 1 : i32
      scf.for %scan3A_79 = %scan3A_74 to %scan3A_76 step %scan3A_77  : i32 {
        %mul3A_80 = arith.constant 2 : i32
        %mul3A_81 = arith.muli %scan3A_79, %mul3A_80 : i32
        %add3A_82 = arith.constant 1 : i32
        %add3A_83 = arith.addi %mul3A_81, %add3A_82 : i32
        %dma_wait3A = arith.constant 0 : i32
        %dma_wait3A_84 = arith.constant 0 : i32
        %dma_wait3A_85 = tpu.memref_slice %arg9[%dma_wait3A, %dma_wait3A_84] : memref<40x125xi32, #tpu.memory_space<vmem>> -> memref<1x125xi32, #tpu.memory_space<vmem>>
        %dma_wait3A_86 = tpu.memref_squeeze %dma_wait3A_85 : memref<1x125xi32, #tpu.memory_space<vmem>> -> memref<125xi32, #tpu.memory_space<vmem>>
        %dma_wait3A_87 = arith.constant 0 : i32
        %dma_wait3A_88 = arith.constant 0 : i32
        %dma_wait3A_89 = tpu.memref_slice %arg3[%dma_wait3A_87, %dma_wait3A_88] : memref<10000x128xf32, #tpu.memory_space<hbm>> -> memref<10000x128xf32, #tpu.memory_space<hbm>>
        tpu.wait_indirect_dma semaphore(%arg14 : memref<!tpu.dma_semaphore, #tpu.memory_space<semaphore_mem>>) src(%dma_wait3A_89 : memref<10000x128xf32, #tpu.memory_space<hbm>>) dst(%arg11 : memref<125x128xf32, #tpu.memory_space<vmem>>)
        "tpu.region"() ({
          %run_scoped3A = tpu.sem_alloc : memref<!tpu.dma_semaphore, #tpu.memory_space<semaphore_mem>>
          %dma_start3A_111 = arith.constant 0 : i32
          %dma_start3A_112 = tpu.memref_slice %arg10[%mul3A_81, %dma_start3A_111] : memref<40x125xi32, #tpu.memory_space<vmem>> -> memref<1x125xi32, #tpu.memory_space<vmem>>
          %dma_start3A_113 = tpu.memref_squeeze %dma_start3A_112 : memref<1x125xi32, #tpu.memory_space<vmem>> -> memref<125xi32, #tpu.memory_space<vmem>>
          %dma_start3A_114 = arith.constant 0 : i32
          %dma_start3A_115 = arith.constant 0 : i32
          %dma_start3A_116 = tpu.memref_slice %arg13[%dma_start3A_114, %dma_start3A_115] : memref<10000x128xf32, #tpu.memory_space<vmem_shared>> -> memref<10000x128xf32, #tpu.memory_space<vmem_shared>>
          tpu.enqueue_indirect_dma source(%arg11 : memref<125x128xf32, #tpu.memory_space<vmem>>) target(%dma_start3A_116 : memref<10000x128xf32, #tpu.memory_space<vmem_shared>>) offsets(%dma_start3A_113 : memref<125xi32, #tpu.memory_space<vmem>>) semaphore(%run_scoped3A : memref<!tpu.dma_semaphore, #tpu.memory_space<semaphore_mem>>) {add = true}
          %dma_wait3A_117 = arith.constant 0 : i32
          %dma_wait3A_118 = tpu.memref_slice %arg10[%mul3A_81, %dma_wait3A_117] : memref<40x125xi32, #tpu.memory_space<vmem>> -> memref<1x125xi32, #tpu.memory_space<vmem>>
          %dma_wait3A_119 = tpu.memref_squeeze %dma_wait3A_118 : memref<1x125xi32, #tpu.memory_space<vmem>> -> memref<125xi32, #tpu.memory_space<vmem>>
          %dma_wait3A_120 = arith.constant 0 : i32
          %dma_wait3A_121 = arith.constant 0 : i32
          %dma_wait3A_122 = tpu.memref_slice %arg13[%dma_wait3A_120, %dma_wait3A_121] : memref<10000x128xf32, #tpu.memory_space<vmem_shared>> -> memref<10000x128xf32, #tpu.memory_space<vmem_shared>>
          tpu.wait_indirect_dma semaphore(%run_scoped3A : memref<!tpu.dma_semaphore, #tpu.memory_space<semaphore_mem>>) src(%arg11 : memref<125x128xf32, #tpu.memory_space<vmem>>) dst(%dma_wait3A_122 : memref<10000x128xf32, #tpu.memory_space<vmem_shared>>)
          tpu.yield
        }) : () -> ()
        %add3A_90 = arith.constant 2 : i32
        %add3A_91 = arith.addi %mul3A_81, %add3A_90 : i32
        %lt3A_92 = arith.constant 40 : i32
        %lt3A_93 = arith.cmpi slt, %add3A_91, %lt3A_92 : i32
        %convert_element_type3A_94 = arith.extui %lt3A_93 : i1 to i32
        %cond3A_95 = arith.constant 0 : i32
        %cond3A_96 = arith.cmpi ne, %convert_element_type3A_94, %cond3A_95 : i32
        scf.if %cond3A_96 {
          %add3A_111 = arith.constant 2 : i32
          %add3A_112 = arith.addi %mul3A_81, %add3A_111 : i32
          %dma_start3A_113 = arith.constant 0 : i32
          %dma_start3A_114 = tpu.memref_slice %arg9[%add3A_112, %dma_start3A_113] : memref<40x125xi32, #tpu.memory_space<vmem>> -> memref<1x125xi32, #tpu.memory_space<vmem>>
          %dma_start3A_115 = tpu.memref_squeeze %dma_start3A_114 : memref<1x125xi32, #tpu.memory_space<vmem>> -> memref<125xi32, #tpu.memory_space<vmem>>
          %dma_start3A_116 = arith.constant 0 : i32
          %dma_start3A_117 = arith.constant 0 : i32
          %dma_start3A_118 = tpu.memref_slice %arg3[%dma_start3A_116, %dma_start3A_117] : memref<10000x128xf32, #tpu.memory_space<hbm>> -> memref<10000x128xf32, #tpu.memory_space<hbm>>
          tpu.enqueue_indirect_dma source(%dma_start3A_118 : memref<10000x128xf32, #tpu.memory_space<hbm>>) target(%arg11 : memref<125x128xf32, #tpu.memory_space<vmem>>) offsets(%dma_start3A_115 : memref<125xi32, #tpu.memory_space<vmem>>) semaphore(%arg14 : memref<!tpu.dma_semaphore, #tpu.memory_space<semaphore_mem>>)
        } else {
        }
        %dma_wait3A_97 = arith.constant 0 : i32
        %dma_wait3A_98 = arith.constant 0 : i32
        %dma_wait3A_99 = tpu.memref_slice %arg9[%dma_wait3A_97, %dma_wait3A_98] : memref<40x125xi32, #tpu.memory_space<vmem>> -> memref<1x125xi32, #tpu.memory_space<vmem>>
        %dma_wait3A_100 = tpu.memref_squeeze %dma_wait3A_99 : memref<1x125xi32, #tpu.memory_space<vmem>> -> memref<125xi32, #tpu.memory_space<vmem>>
        %dma_wait3A_101 = arith.constant 0 : i32
        %dma_wait3A_102 = arith.constant 0 : i32
        %dma_wait3A_103 = tpu.memref_slice %arg3[%dma_wait3A_101, %dma_wait3A_102] : memref<10000x128xf32, #tpu.memory_space<hbm>> -> memref<10000x128xf32, #tpu.memory_space<hbm>>
        tpu.wait_indirect_dma semaphore(%arg15 : memref<!tpu.dma_semaphore, #tpu.memory_space<semaphore_mem>>) src(%dma_wait3A_103 : memref<10000x128xf32, #tpu.memory_space<hbm>>) dst(%arg12 : memref<125x128xf32, #tpu.memory_space<vmem>>)
        "tpu.region"() ({
          %run_scoped3A = tpu.sem_alloc : memref<!tpu.dma_semaphore, #tpu.memory_space<semaphore_mem>>
          %dma_start3A_111 = arith.constant 0 : i32
          %dma_start3A_112 = tpu.memref_slice %arg10[%add3A_83, %dma_start3A_111] : memref<40x125xi32, #tpu.memory_space<vmem>> -> memref<1x125xi32, #tpu.memory_space<vmem>>
          %dma_start3A_113 = tpu.memref_squeeze %dma_start3A_112 : memref<1x125xi32, #tpu.memory_space<vmem>> -> memref<125xi32, #tpu.memory_space<vmem>>
          %dma_start3A_114 = arith.constant 0 : i32
          %dma_start3A_115 = arith.constant 0 : i32
          %dma_start3A_116 = tpu.memref_slice %arg13[%dma_start3A_114, %dma_start3A_115] : memref<10000x128xf32, #tpu.memory_space<vmem_shared>> -> memref<10000x128xf32, #tpu.memory_space<vmem_shared>>
          tpu.enqueue_indirect_dma source(%arg12 : memref<125x128xf32, #tpu.memory_space<vmem>>) target(%dma_start3A_116 : memref<10000x128xf32, #tpu.memory_space<vmem_shared>>) offsets(%dma_start3A_113 : memref<125xi32, #tpu.memory_space<vmem>>) semaphore(%run_scoped3A : memref<!tpu.dma_semaphore, #tpu.memory_space<semaphore_mem>>) {add = true}
          %dma_wait3A_117 = arith.constant 0 : i32
          %dma_wait3A_118 = tpu.memref_slice %arg10[%add3A_83, %dma_wait3A_117] : memref<40x125xi32, #tpu.memory_space<vmem>> -> memref<1x125xi32, #tpu.memory_space<vmem>>
          %dma_wait3A_119 = tpu.memref_squeeze %dma_wait3A_118 : memref<1x125xi32, #tpu.memory_space<vmem>> -> memref<125xi32, #tpu.memory_space<vmem>>
          %dma_wait3A_120 = arith.constant 0 : i32
          %dma_wait3A_121 = arith.constant 0 : i32
          %dma_wait3A_122 = tpu.memref_slice %arg13[%dma_wait3A_120, %dma_wait3A_121] : memref<10000x128xf32, #tpu.memory_space<vmem_shared>> -> memref<10000x128xf32, #tpu.memory_space<vmem_shared>>
          tpu.wait_indirect_dma semaphore(%run_scoped3A : memref<!tpu.dma_semaphore, #tpu.memory_space<semaphore_mem>>) src(%arg12 : memref<125x128xf32, #tpu.memory_space<vmem>>) dst(%dma_wait3A_122 : memref<10000x128xf32, #tpu.memory_space<vmem_shared>>)
          tpu.yield
        }) : () -> ()
        %add3A_104 = arith.constant 2 : i32
        %add3A_105 = arith.addi %add3A_83, %add3A_104 : i32
        %lt3A_106 = arith.constant 40 : i32
        %lt3A_107 = arith.cmpi slt, %add3A_105, %lt3A_106 : i32
        %convert_element_type3A_108 = arith.extui %lt3A_107 : i1 to i32
        %cond3A_109 = arith.constant 0 : i32
        %cond3A_110 = arith.cmpi ne, %convert_element_type3A_108, %cond3A_109 : i32
        scf.if %cond3A_110 {
          %add3A_111 = arith.constant 2 : i32
          %add3A_112 = arith.addi %add3A_83, %add3A_111 : i32
          %dma_start3A_113 = arith.constant 0 : i32
          %dma_start3A_114 = tpu.memref_slice %arg9[%add3A_112, %dma_start3A_113] : memref<40x125xi32, #tpu.memory_space<vmem>> -> memref<1x125xi32, #tpu.memory_space<vmem>>
          %dma_start3A_115 = tpu.memref_squeeze %dma_start3A_114 : memref<1x125xi32, #tpu.memory_space<vmem>> -> memref<125xi32, #tpu.memory_space<vmem>>
          %dma_start3A_116 = arith.constant 0 : i32
          %dma_start3A_117 = arith.constant 0 : i32
          %dma_start3A_118 = tpu.memref_slice %arg3[%dma_start3A_116, %dma_start3A_117] : memref<10000x128xf32, #tpu.memory_space<hbm>> -> memref<10000x128xf32, #tpu.memory_space<hbm>>
          tpu.enqueue_indirect_dma source(%dma_start3A_118 : memref<10000x128xf32, #tpu.memory_space<hbm>>) target(%arg12 : memref<125x128xf32, #tpu.memory_space<vmem>>) offsets(%dma_start3A_115 : memref<125xi32, #tpu.memory_space<vmem>>) semaphore(%arg15 : memref<!tpu.dma_semaphore, #tpu.memory_space<semaphore_mem>>)
        } else {
        }
      }
      %scan3A_78 = arith.constant 20 : i32
    } else {
    }
    %barrier3A = arith.constant 0 : index
    tpu.barrier barrier_id(%barrier3A)
    %eq3A_16 = arith.constant 0 : i32
    %eq3A_17 = arith.cmpi eq, %arg0, %eq3A_16 : i32
    %convert_element_type3A_18 = arith.extui %eq3A_17 : i1 to i32
    %cond3A_19 = arith.constant 0 : i32
    %cond3A_20 = arith.cmpi ne, %convert_element_type3A_18, %cond3A_19 : i32
    scf.if %cond3A_20 {
      %lt3A_26 = arith.constant 15 : i32
      %lt3A_27 = arith.cmpi slt, %arg1, %lt3A_26 : i32
      %convert_element_type3A_28 = arith.extui %lt3A_27 : i1 to i32
      %cond3A_29 = arith.constant 0 : i32
      %cond3A_30 = arith.cmpi ne, %convert_element_type3A_28, %cond3A_29 : i32
      scf.if %cond3A_30 {
        %mul3A = arith.constant 640 : i32
        %mul3A_36 = arith.muli %arg1, %mul3A : i32
        %mul3A_37 = arith.constant 640 : i32
        %mul3A_38 = arith.muli %arg1, %mul3A_37 : i32
        "tpu.region"() ({
          %run_scoped3A = tpu.sem_alloc : memref<!tpu.dma_semaphore, #tpu.memory_space<semaphore_mem>>
          %dma_start3A = arith.constant 0 : i32
          %dma_start3A_39 = tpu.memref_slice %arg7[%mul3A_38, %dma_start3A] : memref<10000x128xf32, #tpu.memory_space<hbm>> -> memref<640x128xf32, #tpu.memory_space<hbm>>
          %dma_start3A_40 = arith.constant 0 : i32
          %dma_start3A_41 = tpu.memref_slice %arg13[%mul3A_36, %dma_start3A_40] : memref<10000x128xf32, #tpu.memory_space<vmem_shared>> -> memref<640x128xf32, #tpu.memory_space<vmem_shared>>
          tpu.enqueue_dma source(%dma_start3A_41 : memref<640x128xf32, #tpu.memory_space<vmem_shared>>) target(%dma_start3A_39 : memref<640x128xf32, #tpu.memory_space<hbm>>) target_semaphore(%run_scoped3A : memref<!tpu.dma_semaphore, #tpu.memory_space<semaphore_mem>>)
          %dma_wait3A = arith.constant 0 : i32
          %dma_wait3A_42 = tpu.memref_slice %arg7[%mul3A_38, %dma_wait3A] : memref<10000x128xf32, #tpu.memory_space<hbm>> -> memref<640x128xf32, #tpu.memory_space<hbm>>
          %dma_wait3A_43 = arith.constant 0 : i32
          %dma_wait3A_44 = tpu.memref_slice %arg13[%mul3A_36, %dma_wait3A_43] : memref<10000x128xf32, #tpu.memory_space<vmem_shared>> -> memref<640x128xf32, #tpu.memory_space<vmem_shared>>
          tpu.wait_dma2 semaphore(%run_scoped3A : memref<!tpu.dma_semaphore, #tpu.memory_space<semaphore_mem>>) src(%dma_wait3A_44 : memref<640x128xf32, #tpu.memory_space<vmem_shared>>) dst(%dma_wait3A_42 : memref<640x128xf32, #tpu.memory_space<hbm>>)
          tpu.yield
        }) : () -> ()
      } else {
      }
      %eq3A_31 = arith.constant 15 : i32
      %eq3A_32 = arith.cmpi eq, %arg1, %eq3A_31 : i32
      %convert_element_type3A_33 = arith.extui %eq3A_32 : i1 to i32
      %cond3A_34 = arith.constant 0 : i32
      %cond3A_35 = arith.cmpi ne, %convert_element_type3A_33, %cond3A_34 : i32
      scf.if %cond3A_35 {
        "tpu.region"() ({
          %run_scoped3A = tpu.sem_alloc : memref<!tpu.dma_semaphore, #tpu.memory_space<semaphore_mem>>
          %dma_start3A = arith.constant 9600 : i32
          %dma_start3A_36 = arith.constant 0 : i32
          %dma_start3A_37 = tpu.memref_slice %arg7[%dma_start3A, %dma_start3A_36] : memref<10000x128xf32, #tpu.memory_space<hbm>> -> memref<400x128xf32, #tpu.memory_space<hbm>>
          %dma_start3A_38 = arith.constant 9600 : i32
          %dma_start3A_39 = arith.constant 0 : i32
          %dma_start3A_40 = tpu.memref_slice %arg13[%dma_start3A_38, %dma_start3A_39] : memref<10000x128xf32, #tpu.memory_space<vmem_shared>> -> memref<400x128xf32, #tpu.memory_space<vmem_shared>>
          tpu.enqueue_dma source(%dma_start3A_40 : memref<400x128xf32, #tpu.memory_space<vmem_shared>>) target(%dma_start3A_37 : memref<400x128xf32, #tpu.memory_space<hbm>>) target_semaphore(%run_scoped3A : memref<!tpu.dma_semaphore, #tpu.memory_space<semaphore_mem>>)
          %dma_wait3A = arith.constant 9600 : i32
          %dma_wait3A_41 = arith.constant 0 : i32
          %dma_wait3A_42 = tpu.memref_slice %arg7[%dma_wait3A, %dma_wait3A_41] : memref<10000x128xf32, #tpu.memory_space<hbm>> -> memref<400x128xf32, #tpu.memory_space<hbm>>
          %dma_wait3A_43 = arith.constant 9600 : i32
          %dma_wait3A_44 = arith.constant 0 : i32
          %dma_wait3A_45 = tpu.memref_slice %arg13[%dma_wait3A_43, %dma_wait3A_44] : memref<10000x128xf32, #tpu.memory_space<vmem_shared>> -> memref<400x128xf32, #tpu.memory_space<vmem_shared>>
          tpu.wait_dma2 semaphore(%run_scoped3A : memref<!tpu.dma_semaphore, #tpu.memory_space<semaphore_mem>>) src(%dma_wait3A_45 : memref<400x128xf32, #tpu.memory_space<vmem_shared>>) dst(%dma_wait3A_42 : memref<400x128xf32, #tpu.memory_space<hbm>>)
          tpu.yield
        }) : () -> ()
      } else {
      }
    } else {
    }
    %eq3A_21 = arith.constant 1 : i32
    %eq3A_22 = arith.cmpi eq, %arg0, %eq3A_21 : i32
    %convert_element_type3A_23 = arith.extui %eq3A_22 : i1 to i32
    %cond3A_24 = arith.constant 0 : i32
    %cond3A_25 = arith.cmpi ne, %convert_element_type3A_23, %cond3A_24 : i32
    scf.if %cond3A_25 {
      %lt3A_26 = arith.constant 15 : i32
      %lt3A_27 = arith.cmpi slt, %arg1, %lt3A_26 : i32
      %convert_element_type3A_28 = arith.extui %lt3A_27 : i1 to i32
      %cond3A_29 = arith.constant 0 : i32
      %cond3A_30 = arith.cmpi ne, %convert_element_type3A_28, %cond3A_29 : i32
      scf.if %cond3A_30 {
        %mul3A = arith.constant 640 : i32
        %mul3A_36 = arith.muli %arg1, %mul3A : i32
        %mul3A_37 = arith.constant 640 : i32
        %mul3A_38 = arith.muli %arg1, %mul3A_37 : i32
        "tpu.region"() ({
          %run_scoped3A = tpu.sem_alloc : memref<!tpu.dma_semaphore, #tpu.memory_space<semaphore_mem>>
          %dma_start3A = arith.constant 0 : i32
          %dma_start3A_39 = tpu.memref_slice %arg8[%mul3A_38, %dma_start3A] : memref<10000x128xf32, #tpu.memory_space<hbm>> -> memref<640x128xf32, #tpu.memory_space<hbm>>
          %dma_start3A_40 = arith.constant 0 : i32
          %dma_start3A_41 = tpu.memref_slice %arg13[%mul3A_36, %dma_start3A_40] : memref<10000x128xf32, #tpu.memory_space<vmem_shared>> -> memref<640x128xf32, #tpu.memory_space<vmem_shared>>
          tpu.enqueue_dma source(%dma_start3A_41 : memref<640x128xf32, #tpu.memory_space<vmem_shared>>) target(%dma_start3A_39 : memref<640x128xf32, #tpu.memory_space<hbm>>) target_semaphore(%run_scoped3A : memref<!tpu.dma_semaphore, #tpu.memory_space<semaphore_mem>>)
          %dma_wait3A = arith.constant 0 : i32
          %dma_wait3A_42 = tpu.memref_slice %arg8[%mul3A_38, %dma_wait3A] : memref<10000x128xf32, #tpu.memory_space<hbm>> -> memref<640x128xf32, #tpu.memory_space<hbm>>
          %dma_wait3A_43 = arith.constant 0 : i32
          %dma_wait3A_44 = tpu.memref_slice %arg13[%mul3A_36, %dma_wait3A_43] : memref<10000x128xf32, #tpu.memory_space<vmem_shared>> -> memref<640x128xf32, #tpu.memory_space<vmem_shared>>
          tpu.wait_dma2 semaphore(%run_scoped3A : memref<!tpu.dma_semaphore, #tpu.memory_space<semaphore_mem>>) src(%dma_wait3A_44 : memref<640x128xf32, #tpu.memory_space<vmem_shared>>) dst(%dma_wait3A_42 : memref<640x128xf32, #tpu.memory_space<hbm>>)
          tpu.yield
        }) : () -> ()
      } else {
      }
      %eq3A_31 = arith.constant 15 : i32
      %eq3A_32 = arith.cmpi eq, %arg1, %eq3A_31 : i32
      %convert_element_type3A_33 = arith.extui %eq3A_32 : i1 to i32
      %cond3A_34 = arith.constant 0 : i32
      %cond3A_35 = arith.cmpi ne, %convert_element_type3A_33, %cond3A_34 : i32
      scf.if %cond3A_35 {
        "tpu.region"() ({
          %run_scoped3A = tpu.sem_alloc : memref<!tpu.dma_semaphore, #tpu.memory_space<semaphore_mem>>
          %dma_start3A = arith.constant 9600 : i32
          %dma_start3A_36 = arith.constant 0 : i32
          %dma_start3A_37 = tpu.memref_slice %arg8[%dma_start3A, %dma_start3A_36] : memref<10000x128xf32, #tpu.memory_space<hbm>> -> memref<400x128xf32, #tpu.memory_space<hbm>>
          %dma_start3A_38 = arith.constant 9600 : i32
          %dma_start3A_39 = arith.constant 0 : i32
          %dma_start3A_40 = tpu.memref_slice %arg13[%dma_start3A_38, %dma_start3A_39] : memref<10000x128xf32, #tpu.memory_space<vmem_shared>> -> memref<400x128xf32, #tpu.memory_space<vmem_shared>>
          tpu.enqueue_dma source(%dma_start3A_40 : memref<400x128xf32, #tpu.memory_space<vmem_shared>>) target(%dma_start3A_37 : memref<400x128xf32, #tpu.memory_space<hbm>>) target_semaphore(%run_scoped3A : memref<!tpu.dma_semaphore, #tpu.memory_space<semaphore_mem>>)
          %dma_wait3A = arith.constant 9600 : i32
          %dma_wait3A_41 = arith.constant 0 : i32
          %dma_wait3A_42 = tpu.memref_slice %arg8[%dma_wait3A, %dma_wait3A_41] : memref<10000x128xf32, #tpu.memory_space<hbm>> -> memref<400x128xf32, #tpu.memory_space<hbm>>
          %dma_wait3A_43 = arith.constant 9600 : i32
          %dma_wait3A_44 = arith.constant 0 : i32
          %dma_wait3A_45 = tpu.memref_slice %arg13[%dma_wait3A_43, %dma_wait3A_44] : memref<10000x128xf32, #tpu.memory_space<vmem_shared>> -> memref<400x128xf32, #tpu.memory_space<vmem_shared>>
          tpu.wait_dma2 semaphore(%run_scoped3A : memref<!tpu.dma_semaphore, #tpu.memory_space<semaphore_mem>>) src(%dma_wait3A_45 : memref<400x128xf32, #tpu.memory_space<vmem_shared>>) dst(%dma_wait3A_42 : memref<400x128xf32, #tpu.memory_space<hbm>>)
          tpu.yield
        }) : () -> ()
      } else {
      }
    } else {
    }
    return
  }
}

#map = affine_map<(d0, d1) -> (0)>
#map1 = affine_map<(d0, d1) -> (0, 0)>
module attributes {stable_mosaic.version = 14 : i64} {
  func.func @sc_counts(%arg0: i32, %arg1: i32, %arg2: memref<160000xi32, #tpu.memory_space<hbm>>, %arg3: memref<10000x128xf32, #tpu.memory_space<hbm>>, %arg4: memref<80x128xf32, #tpu.memory_space<hbm>>, %arg5: memref<10000xi32, #tpu.memory_space<vmem>>, %arg6: memref<80x128xf32, #tpu.memory_space<vmem>>, %arg7: memref<80xi32, #tpu.memory_space<vmem>>, %arg8: memref<8x128xf32, #tpu.memory_space<vmem>>, %arg9: memref<80x128xf32, #tpu.memory_space<vmem_shared>>) attributes {dimension_semantics = [#tpu.dimension_semantics<core_parallel>, #tpu.dimension_semantics<subcore_parallel>], iteration_bounds = array<i64: 2, 16>, scalar_prefetch = 0 : i64, scratch_operands = 5 : i64, tpu.core_type = #tpu.core_type<sc_vector_subcore>, window_params = [{transform_indices = #map}, {transform_indices = #map1}, {transform_indices = #map1}]} {
    %lt3A = arith.constant 10 : i32
    %lt3A_0 = arith.cmpi slt, %arg1, %lt3A : i32
    %convert_element_type3A = arith.extui %lt3A_0 : i1 to i32
    %cond3A = arith.constant 0 : i32
    %cond3A_1 = arith.cmpi ne, %convert_element_type3A, %cond3A : i32
    scf.if %cond3A_1 {
      %mul3A_50 = arith.constant 8 : i32
      %mul3A_51 = arith.muli %arg1, %mul3A_50 : i32
      %mul3A_52 = arith.constant 8 : i32
      %mul3A_53 = arith.muli %arg1, %mul3A_52 : i32
      "tpu.region"() ({
        %run_scoped3A = tpu.sem_alloc : memref<!tpu.dma_semaphore, #tpu.memory_space<semaphore_mem>>
        %dma_start3A = arith.constant 0 : i32
        %dma_start3A_54 = tpu.memref_slice %arg9[%mul3A_53, %dma_start3A] : memref<80x128xf32, #tpu.memory_space<vmem_shared>> -> memref<8x128xf32, #tpu.memory_space<vmem_shared>>
        %dma_start3A_55 = arith.constant 0 : i32
        %dma_start3A_56 = tpu.memref_slice %arg3[%mul3A_51, %dma_start3A_55] : memref<10000x128xf32, #tpu.memory_space<hbm>> -> memref<8x128xf32, #tpu.memory_space<hbm>>
        tpu.enqueue_dma source(%dma_start3A_56 : memref<8x128xf32, #tpu.memory_space<hbm>>) target(%dma_start3A_54 : memref<8x128xf32, #tpu.memory_space<vmem_shared>>) target_semaphore(%run_scoped3A : memref<!tpu.dma_semaphore, #tpu.memory_space<semaphore_mem>>)
        %dma_wait3A = arith.constant 0 : i32
        %dma_wait3A_57 = tpu.memref_slice %arg9[%mul3A_53, %dma_wait3A] : memref<80x128xf32, #tpu.memory_space<vmem_shared>> -> memref<8x128xf32, #tpu.memory_space<vmem_shared>>
        %dma_wait3A_58 = arith.constant 0 : i32
        %dma_wait3A_59 = tpu.memref_slice %arg3[%mul3A_51, %dma_wait3A_58] : memref<10000x128xf32, #tpu.memory_space<hbm>> -> memref<8x128xf32, #tpu.memory_space<hbm>>
        tpu.wait_dma2 semaphore(%run_scoped3A : memref<!tpu.dma_semaphore, #tpu.memory_space<semaphore_mem>>) src(%dma_wait3A_59 : memref<8x128xf32, #tpu.memory_space<hbm>>) dst(%dma_wait3A_57 : memref<8x128xf32, #tpu.memory_space<vmem_shared>>)
        tpu.yield
      }) : () -> ()
    } else {
    }
    %mul3A = arith.constant 10000 : i32
    %mul3A_2 = arith.muli %arg1, %mul3A : i32
    "tpu.region"() ({
      %run_scoped3A = tpu.sem_alloc : memref<!tpu.dma_semaphore, #tpu.memory_space<semaphore_mem>>
      %dma_start3A = tpu.memref_slice %arg2[%mul3A_2] : memref<160000xi32, #tpu.memory_space<hbm>> -> memref<10000xi32, #tpu.memory_space<hbm>>
      %dma_start3A_50 = tpu.memref_slice %arg2[%mul3A_2] : memref<160000xi32, #tpu.memory_space<hbm>> -> memref<10000xi32, #tpu.memory_space<hbm>>
      tpu.enqueue_dma source(%dma_start3A_50 : memref<10000xi32, #tpu.memory_space<hbm>>) target(%arg5 : memref<10000xi32, #tpu.memory_space<vmem>>) target_semaphore(%run_scoped3A : memref<!tpu.dma_semaphore, #tpu.memory_space<semaphore_mem>>)
      %dma_wait3A = tpu.memref_slice %arg2[%mul3A_2] : memref<160000xi32, #tpu.memory_space<hbm>> -> memref<10000xi32, #tpu.memory_space<hbm>>
      %dma_wait3A_51 = tpu.memref_slice %arg2[%mul3A_2] : memref<160000xi32, #tpu.memory_space<hbm>> -> memref<10000xi32, #tpu.memory_space<hbm>>
      tpu.wait_dma2 semaphore(%run_scoped3A : memref<!tpu.dma_semaphore, #tpu.memory_space<semaphore_mem>>) src(%dma_wait3A_51 : memref<10000xi32, #tpu.memory_space<hbm>>) dst(%arg5 : memref<10000xi32, #tpu.memory_space<vmem>>)
      tpu.yield
    }) : () -> ()
    %iota3A = tpu.iota {dimensions = array<i32: 0>} : vector<16xi32>
    %add3A = arith.constant 0 : i32
    %add3A_3 = vector.broadcast %add3A : i32 to vector<16xi32>
    %add3A_4 = arith.addi %iota3A, %add3A_3 : vector<16xi32>
    %swap3A = arith.constant 0 : index
    %swap3A_5 = tpu.vector_load %arg7[%swap3A] {strides = array<i32>} : memref<80xi32, #tpu.memory_space<vmem>>, vector<16xi32>,
    tpu.vector_store %arg7[%swap3A], %add3A_4 {strides = array<i32>} : memref<80xi32, #tpu.memory_space<vmem>>, vector<16xi32>,
    %iota3A_6 = tpu.iota {dimensions = array<i32: 0>} : vector<16xi32>
    %add3A_7 = arith.constant 16 : i32
    %add3A_8 = vector.broadcast %add3A_7 : i32 to vector<16xi32>
    %add3A_9 = arith.addi %iota3A_6, %add3A_8 : vector<16xi32>
    %swap3A_10 = arith.constant 16 : index
    %swap3A_11 = tpu.vector_load %arg7[%swap3A_10] {strides = array<i32>} : memref<80xi32, #tpu.memory_space<vmem>>, vector<16xi32>,
    tpu.vector_store %arg7[%swap3A_10], %add3A_9 {strides = array<i32>} : memref<80xi32, #tpu.memory_space<vmem>>, vector<16xi32>,
    %iota3A_12 = tpu.iota {dimensions = array<i32: 0>} : vector<16xi32>
    %add3A_13 = arith.constant 32 : i32
    %add3A_14 = vector.broadcast %add3A_13 : i32 to vector<16xi32>
    %add3A_15 = arith.addi %iota3A_12, %add3A_14 : vector<16xi32>
    %swap3A_16 = arith.constant 32 : index
    %swap3A_17 = tpu.vector_load %arg7[%swap3A_16] {strides = array<i32>} : memref<80xi32, #tpu.memory_space<vmem>>, vector<16xi32>,
    tpu.vector_store %arg7[%swap3A_16], %add3A_15 {strides = array<i32>} : memref<80xi32, #tpu.memory_space<vmem>>, vector<16xi32>,
    %iota3A_18 = tpu.iota {dimensions = array<i32: 0>} : vector<16xi32>
    %add3A_19 = arith.constant 48 : i32
    %add3A_20 = vector.broadcast %add3A_19 : i32 to vector<16xi32>
    %add3A_21 = arith.addi %iota3A_18, %add3A_20 : vector<16xi32>
    %swap3A_22 = arith.constant 48 : index
    %swap3A_23 = tpu.vector_load %arg7[%swap3A_22] {strides = array<i32>} : memref<80xi32, #tpu.memory_space<vmem>>, vector<16xi32>,
    tpu.vector_store %arg7[%swap3A_22], %add3A_21 {strides = array<i32>} : memref<80xi32, #tpu.memory_space<vmem>>, vector<16xi32>,
    %iota3A_24 = tpu.iota {dimensions = array<i32: 0>} : vector<16xi32>
    %add3A_25 = arith.constant 64 : i32
    %add3A_26 = vector.broadcast %add3A_25 : i32 to vector<16xi32>
    %add3A_27 = arith.addi %iota3A_24, %add3A_26 : vector<16xi32>
    %swap3A_28 = arith.constant 64 : index
    %swap3A_29 = tpu.vector_load %arg7[%swap3A_28] {strides = array<i32>} : memref<80xi32, #tpu.memory_space<vmem>>, vector<16xi32>,
    tpu.vector_store %arg7[%swap3A_28], %add3A_27 {strides = array<i32>} : memref<80xi32, #tpu.memory_space<vmem>>, vector<16xi32>,
    %broadcast_in_dim3A = arith.constant 0.000000e+00 : f32
    %broadcast_in_dim3A_30 = vector.broadcast %broadcast_in_dim3A : f32 to vector<16xf32>
    %scan3A = arith.constant 0 : i32
    %scan3A_31 = arith.constant 0 : i32
    %scan3A_32 = arith.constant 640 : i32
    %scan3A_33 = arith.addi %scan3A_31, %scan3A_32 : i32
    %scan3A_34 = arith.constant 1 : i32
    scf.for %scan3A_50 = %scan3A_31 to %scan3A_33 step %scan3A_34  : i32 {
      %jit3A = arith.constant 8 : i32
      %div3A = arith.divsi %scan3A_50, %jit3A : i32
      %sign3A = arith.constant 0 : i32
      %sign3A_51 = arith.cmpi sgt, %scan3A_50, %sign3A : i32
      %sign3A_52 = arith.extui %sign3A_51 : i1 to i32
      %sign3A_53 = arith.constant 0 : i32
      %sign3A_54 = arith.cmpi slt, %scan3A_50, %sign3A_53 : i32
      %sign3A_55 = arith.extui %sign3A_54 : i1 to i32
      %sign3A_56 = arith.subi %sign3A_52, %sign3A_55 : i32
      %sign3A_57 = arith.constant 0 : i32
      %sign3A_58 = arith.cmpi sgt, %jit3A, %sign3A_57 : i32
      %sign3A_59 = arith.extui %sign3A_58 : i1 to i32
      %sign3A_60 = arith.constant 0 : i32
      %sign3A_61 = arith.cmpi slt, %jit3A, %sign3A_60 : i32
      %sign3A_62 = arith.extui %sign3A_61 : i1 to i32
      %sign3A_63 = arith.subi %sign3A_59, %sign3A_62 : i32
      %ne3A = arith.cmpi ne, %sign3A_56, %sign3A_63 : i32
      %rem3A = arith.remsi %scan3A_50, %jit3A : i32
      %ne3A_64 = arith.constant 0 : i32
      %ne3A_65 = arith.cmpi ne, %rem3A, %ne3A_64 : i32
      %and3A = arith.andi %ne3A, %ne3A_65 : i1
      %sub3A = arith.constant 1 : i32
      %sub3A_66 = arith.subi %div3A, %sub3A : i32
      %select_n3A = arith.select %and3A, %sub3A_66, %div3A : i32
      %mul3A_67 = arith.constant 8 : i32
      %mul3A_68 = arith.muli %select_n3A, %mul3A_67 : i32
      %sub3A_69 = arith.subi %scan3A_50, %mul3A_68 : i32
      %mul3A_70 = arith.constant 16 : i32
      %mul3A_71 = arith.muli %sub3A_69, %mul3A_70 : i32
      %swap3A_72 = arith.index_cast %select_n3A : i32 to index
      %swap3A_73 = arith.index_cast %mul3A_71 : i32 to index
      %swap3A_74 = tpu.vector_load %arg6[%swap3A_72, %swap3A_73] {strides = array<i32>} : memref<80x128xf32, #tpu.memory_space<vmem>>, vector<16xf32>,
      tpu.vector_store %arg6[%swap3A_72, %swap3A_73], %broadcast_in_dim3A_30 {strides = array<i32>} : memref<80x128xf32, #tpu.memory_space<vmem>>, vector<16xf32>,
    }
    %scan3A_35 = arith.constant 640 : i32
    %broadcast_in_dim3A_36 = arith.constant 1.000000e+00 : f32
    %broadcast_in_dim3A_37 = vector.broadcast %broadcast_in_dim3A_36 : f32 to vector<16xf32>
    %scan3A_38 = arith.constant 0 : i32
    %scan3A_39 = arith.constant 0 : i32
    %scan3A_40 = arith.constant 625 : i32
    %scan3A_41 = arith.addi %scan3A_39, %scan3A_40 : i32
    %scan3A_42 = arith.constant 1 : i32
    scf.for %scan3A_50 = %scan3A_39 to %scan3A_41 step %scan3A_42  : i32 {
      %mul3A_51 = arith.constant 16 : i32
      %mul3A_52 = arith.muli %scan3A_50, %mul3A_51 : i32
      %get3A = arith.index_cast %mul3A_52 : i32 to index
      %get3A_53 = tpu.vector_load %arg5[%get3A] {strides = array<i32>} : memref<10000xi32, #tpu.memory_space<vmem>>, vector<16xi32>,
      %shift_right_logical3A = arith.constant 7 : i32
      %shift_right_logical3A_54 = vector.broadcast %shift_right_logical3A : i32 to vector<16xi32>
      %shift_right_logical3A_55 = arith.shrui %get3A_53, %shift_right_logical3A_54 : vector<16xi32>
      %and3A = arith.constant 127 : i32
      %and3A_56 = vector.broadcast %and3A : i32 to vector<16xi32>
      %and3A_57 = arith.andi %get3A_53, %and3A_56 : vector<16xi32>
      tpu.vector_store_idx %arg6[%shift_right_logical3A_55, %and3A_57], %broadcast_in_dim3A_37 {add = true} : memref<80x128xf32, #tpu.memory_space<vmem>>[vector<16xi32>, vector<16xi32>], vector<16xf32>,
    }
    %scan3A_43 = arith.constant 625 : i32
    %barrier3A = arith.constant 0 : index
    tpu.barrier barrier_id(%barrier3A)
    "tpu.region"() ({
      %run_scoped3A = tpu.sem_alloc : memref<!tpu.dma_semaphore, #tpu.memory_space<semaphore_mem>>
      %dma_start3A = arith.constant 0 : i32
      %dma_start3A_50 = arith.constant 0 : i32
      %dma_start3A_51 = tpu.memref_slice %arg9[%dma_start3A, %dma_start3A_50] : memref<80x128xf32, #tpu.memory_space<vmem_shared>> -> memref<80x128xf32, #tpu.memory_space<vmem_shared>>
      tpu.enqueue_indirect_dma source(%arg6 : memref<80x128xf32, #tpu.memory_space<vmem>>) target(%dma_start3A_51 : memref<80x128xf32, #tpu.memory_space<vmem_shared>>) offsets(%arg7 : memref<80xi32, #tpu.memory_space<vmem>>) semaphore(%run_scoped3A : memref<!tpu.dma_semaphore, #tpu.memory_space<semaphore_mem>>) {add = true}
      %dma_wait3A = arith.constant 0 : i32
      %dma_wait3A_52 = arith.constant 0 : i32
      %dma_wait3A_53 = tpu.memref_slice %arg9[%dma_wait3A, %dma_wait3A_52] : memref<80x128xf32, #tpu.memory_space<vmem_shared>> -> memref<80x128xf32, #tpu.memory_space<vmem_shared>>
      tpu.wait_indirect_dma semaphore(%run_scoped3A : memref<!tpu.dma_semaphore, #tpu.memory_space<semaphore_mem>>) src(%arg6 : memref<80x128xf32, #tpu.memory_space<vmem>>) dst(%dma_wait3A_53 : memref<80x128xf32, #tpu.memory_space<vmem_shared>>)
      tpu.yield
    }) : () -> ()
    %barrier3A_44 = arith.constant 0 : index
    tpu.barrier barrier_id(%barrier3A_44)
    %lt3A_45 = arith.constant 5 : i32
    %lt3A_46 = arith.cmpi slt, %arg1, %lt3A_45 : i32
    %convert_element_type3A_47 = arith.extui %lt3A_46 : i1 to i32
    %cond3A_48 = arith.constant 0 : i32
    %cond3A_49 = arith.cmpi ne, %convert_element_type3A_47, %cond3A_48 : i32
    scf.if %cond3A_49 {
      %mul3A_50 = arith.constant 5 : i32
      %mul3A_51 = arith.muli %arg0, %mul3A_50 : i32
      %add3A_52 = arith.addi %mul3A_51, %arg1 : i32
      %mul3A_53 = arith.constant 8 : i32
      %mul3A_54 = arith.muli %add3A_52, %mul3A_53 : i32
      "tpu.region"() ({
        %run_scoped3A = tpu.sem_alloc : memref<!tpu.dma_semaphore, #tpu.memory_space<semaphore_mem>>
        %dma_start3A = arith.constant 0 : i32
        %dma_start3A_950 = tpu.memref_slice %arg9[%mul3A_54, %dma_start3A] : memref<80x128xf32, #tpu.memory_space<vmem_shared>> -> memref<8x128xf32, #tpu.memory_space<vmem_shared>>
        %dma_start3A_951 = arith.constant 0 : i32
        %dma_start3A_952 = tpu.memref_slice %arg9[%mul3A_54, %dma_start3A_951] : memref<80x128xf32, #tpu.memory_space<vmem_shared>> -> memref<8x128xf32, #tpu.memory_space<vmem_shared>>
        tpu.enqueue_dma source(%dma_start3A_952 : memref<8x128xf32, #tpu.memory_space<vmem_shared>>) target(%arg8 : memref<8x128xf32, #tpu.memory_space<vmem>>) target_semaphore(%run_scoped3A : memref<!tpu.dma_semaphore, #tpu.memory_space<semaphore_mem>>)
        %dma_wait3A = arith.constant 0 : i32
        %dma_wait3A_953 = tpu.memref_slice %arg9[%mul3A_54, %dma_wait3A] : memref<80x128xf32, #tpu.memory_space<vmem_shared>> -> memref<8x128xf32, #tpu.memory_space<vmem_shared>>
        %dma_wait3A_954 = arith.constant 0 : i32
        %dma_wait3A_955 = tpu.memref_slice %arg9[%mul3A_54, %dma_wait3A_954] : memref<80x128xf32, #tpu.memory_space<vmem_shared>> -> memref<8x128xf32, #tpu.memory_space<vmem_shared>>
        tpu.wait_dma2 semaphore(%run_scoped3A : memref<!tpu.dma_semaphore, #tpu.memory_space<semaphore_mem>>) src(%dma_wait3A_955 : memref<8x128xf32, #tpu.memory_space<vmem_shared>>) dst(%arg8 : memref<8x128xf32, #tpu.memory_space<vmem>>)
        tpu.yield
      }) : () -> ()
      %get3A = arith.constant 0 : i32
      %get3A_55 = arith.index_cast %get3A : i32 to index
      %get3A_56 = arith.constant 0 : index
      %get3A_57 = tpu.vector_load %arg8[%get3A_55, %get3A_56] {strides = array<i32>} : memref<8x128xf32, #tpu.memory_space<vmem>>, vector<16xf32>,
      %max3A = arith.constant 1.000000e+00 : f32
      %max3A_58 = vector.broadcast %max3A : f32 to vector<16xf32>
      %max3A_59 = arith.maximumf %get3A_57, %max3A_58 : vector<16xf32>
      %div3A = arith.constant 1.000000e+00 : f32
      %div3A_60 = vector.broadcast %div3A : f32 to vector<16xf32>
      %div3A_61 = arith.divf %div3A_60, %max3A_59 : vector<16xf32>
      %swap3A_62 = arith.constant 0 : i32
      %swap3A_63 = arith.index_cast %swap3A_62 : i32 to index
      %swap3A_64 = arith.constant 0 : index
      %swap3A_65 = tpu.vector_load %arg8[%swap3A_63, %swap3A_64] {strides = array<i32>} : memref<8x128xf32, #tpu.memory_space<vmem>>, vector<16xf32>,
      tpu.vector_store %arg8[%swap3A_63, %swap3A_64], %div3A_61 {strides = array<i32>} : memref<8x128xf32, #tpu.memory_space<vmem>>, vector<16xf32>,
      %get3A_66 = arith.constant 0 : i32
      %get3A_67 = arith.index_cast %get3A_66 : i32 to index
      %get3A_68 = arith.constant 16 : index
      %get3A_69 = tpu.vector_load %arg8[%get3A_67, %get3A_68] {strides = array<i32>} : memref<8x128xf32, #tpu.memory_space<vmem>>, vector<16xf32>,
      %max3A_70 = arith.constant 1.000000e+00 : f32
      %max3A_71 = vector.broadcast %max3A_70 : f32 to vector<16xf32>
      %max3A_72 = arith.maximumf %get3A_69, %max3A_71 : vector<16xf32>
      %div3A_73 = arith.constant 1.000000e+00 : f32
      %div3A_74 = vector.broadcast %div3A_73 : f32 to vector<16xf32>
      %div3A_75 = arith.divf %div3A_74, %max3A_72 : vector<16xf32>
      %swap3A_76 = arith.constant 0 : i32
      %swap3A_77 = arith.index_cast %swap3A_76 : i32 to index
      %swap3A_78 = arith.constant 16 : index
      %swap3A_79 = tpu.vector_load %arg8[%swap3A_77, %swap3A_78] {strides = array<i32>} : memref<8x128xf32, #tpu.memory_space<vmem>>, vector<16xf32>,
      tpu.vector_store %arg8[%swap3A_77, %swap3A_78], %div3A_75 {strides = array<i32>} : memref<8x128xf32, #tpu.memory_space<vmem>>, vector<16xf32>,
      %get3A_80 = arith.constant 0 : i32
      %get3A_81 = arith.index_cast %get3A_80 : i32 to index
      %get3A_82 = arith.constant 32 : index
      %get3A_83 = tpu.vector_load %arg8[%get3A_81, %get3A_82] {strides = array<i32>} : memref<8x128xf32, #tpu.memory_space<vmem>>, vector<16xf32>,
      %max3A_84 = arith.constant 1.000000e+00 : f32
      %max3A_85 = vector.broadcast %max3A_84 : f32 to vector<16xf32>
      %max3A_86 = arith.maximumf %get3A_83, %max3A_85 : vector<16xf32>
      %div3A_87 = arith.constant 1.000000e+00 : f32
      %div3A_88 = vector.broadcast %div3A_87 : f32 to vector<16xf32>
      %div3A_89 = arith.divf %div3A_88, %max3A_86 : vector<16xf32>
      %swap3A_90 = arith.constant 0 : i32
      %swap3A_91 = arith.index_cast %swap3A_90 : i32 to index
      %swap3A_92 = arith.constant 32 : index
      %swap3A_93 = tpu.vector_load %arg8[%swap3A_91, %swap3A_92] {strides = array<i32>} : memref<8x128xf32, #tpu.memory_space<vmem>>, vector<16xf32>,
      tpu.vector_store %arg8[%swap3A_91, %swap3A_92], %div3A_89 {strides = array<i32>} : memref<8x128xf32, #tpu.memory_space<vmem>>, vector<16xf32>,
      %get3A_94 = arith.constant 0 : i32
      %get3A_95 = arith.index_cast %get3A_94 : i32 to index
      %get3A_96 = arith.constant 48 : index
      %get3A_97 = tpu.vector_load %arg8[%get3A_95, %get3A_96] {strides = array<i32>} : memref<8x128xf32, #tpu.memory_space<vmem>>, vector<16xf32>,
      %max3A_98 = arith.constant 1.000000e+00 : f32
      %max3A_99 = vector.broadcast %max3A_98 : f32 to vector<16xf32>
      %max3A_100 = arith.maximumf %get3A_97, %max3A_99 : vector<16xf32>
      %div3A_101 = arith.constant 1.000000e+00 : f32
      %div3A_102 = vector.broadcast %div3A_101 : f32 to vector<16xf32>
      %div3A_103 = arith.divf %div3A_102, %max3A_100 : vector<16xf32>
      %swap3A_104 = arith.constant 0 : i32
      %swap3A_105 = arith.index_cast %swap3A_104 : i32 to index
      %swap3A_106 = arith.constant 48 : index
      %swap3A_107 = tpu.vector_load %arg8[%swap3A_105, %swap3A_106] {strides = array<i32>} : memref<8x128xf32, #tpu.memory_space<vmem>>, vector<16xf32>,
      tpu.vector_store %arg8[%swap3A_105, %swap3A_106], %div3A_103 {strides = array<i32>} : memref<8x128xf32, #tpu.memory_space<vmem>>, vector<16xf32>,
      %get3A_108 = arith.constant 0 : i32
      %get3A_109 = arith.index_cast %get3A_108 : i32 to index
      %get3A_110 = arith.constant 64 : index
      %get3A_111 = tpu.vector_load %arg8[%get3A_109, %get3A_110] {strides = array<i32>} : memref<8x128xf32, #tpu.memory_space<vmem>>, vector<16xf32>,
      %max3A_112 = arith.constant 1.000000e+00 : f32
      %max3A_113 = vector.broadcast %max3A_112 : f32 to vector<16xf32>
      %max3A_114 = arith.maximumf %get3A_111, %max3A_113 : vector<16xf32>
      %div3A_115 = arith.constant 1.000000e+00 : f32
      %div3A_116 = vector.broadcast %div3A_115 : f32 to vector<16xf32>
      %div3A_117 = arith.divf %div3A_116, %max3A_114 : vector<16xf32>
      %swap3A_118 = arith.constant 0 : i32
      %swap3A_119 = arith.index_cast %swap3A_118 : i32 to index
      %swap3A_120 = arith.constant 64 : index
      %swap3A_121 = tpu.vector_load %arg8[%swap3A_119, %swap3A_120] {strides = array<i32>} : memref<8x128xf32, #tpu.memory_space<vmem>>, vector<16xf32>,
      tpu.vector_store %arg8[%swap3A_119, %swap3A_120], %div3A_117 {strides = array<i32>} : memref<8x128xf32, #tpu.memory_space<vmem>>, vector<16xf32>,
      %get3A_122 = arith.constant 0 : i32
      %get3A_123 = arith.index_cast %get3A_122 : i32 to index
      %get3A_124 = arith.constant 80 : index
      %get3A_125 = tpu.vector_load %arg8[%get3A_123, %get3A_124] {strides = array<i32>} : memref<8x128xf32, #tpu.memory_space<vmem>>, vector<16xf32>,
      %max3A_126 = arith.constant 1.000000e+00 : f32
      %max3A_127 = vector.broadcast %max3A_126 : f32 to vector<16xf32>
      %max3A_128 = arith.maximumf %get3A_125, %max3A_127 : vector<16xf32>
      %div3A_129 = arith.constant 1.000000e+00 : f32
      %div3A_130 = vector.broadcast %div3A_129 : f32 to vector<16xf32>
      %div3A_131 = arith.divf %div3A_130, %max3A_128 : vector<16xf32>
      %swap3A_132 = arith.constant 0 : i32
      %swap3A_133 = arith.index_cast %swap3A_132 : i32 to index
      %swap3A_134 = arith.constant 80 : index
      %swap3A_135 = tpu.vector_load %arg8[%swap3A_133, %swap3A_134] {strides = array<i32>} : memref<8x128xf32, #tpu.memory_space<vmem>>, vector<16xf32>,
      tpu.vector_store %arg8[%swap3A_133, %swap3A_134], %div3A_131 {strides = array<i32>} : memref<8x128xf32, #tpu.memory_space<vmem>>, vector<16xf32>,
      %get3A_136 = arith.constant 0 : i32
      %get3A_137 = arith.index_cast %get3A_136 : i32 to index
      %get3A_138 = arith.constant 96 : index
      %get3A_139 = tpu.vector_load %arg8[%get3A_137, %get3A_138] {strides = array<i32>} : memref<8x128xf32, #tpu.memory_space<vmem>>, vector<16xf32>,
      %max3A_140 = arith.constant 1.000000e+00 : f32
      %max3A_141 = vector.broadcast %max3A_140 : f32 to vector<16xf32>
      %max3A_142 = arith.maximumf %get3A_139, %max3A_141 : vector<16xf32>
      %div3A_143 = arith.constant 1.000000e+00 : f32
      %div3A_144 = vector.broadcast %div3A_143 : f32 to vector<16xf32>
      %div3A_145 = arith.divf %div3A_144, %max3A_142 : vector<16xf32>
      %swap3A_146 = arith.constant 0 : i32
      %swap3A_147 = arith.index_cast %swap3A_146 : i32 to index
      %swap3A_148 = arith.constant 96 : index
      %swap3A_149 = tpu.vector_load %arg8[%swap3A_147, %swap3A_148] {strides = array<i32>} : memref<8x128xf32, #tpu.memory_space<vmem>>, vector<16xf32>,
      tpu.vector_store %arg8[%swap3A_147, %swap3A_148], %div3A_145 {strides = array<i32>} : memref<8x128xf32, #tpu.memory_space<vmem>>, vector<16xf32>,
      %get3A_150 = arith.constant 0 : i32
      %get3A_151 = arith.index_cast %get3A_150 : i32 to index
      %get3A_152 = arith.constant 112 : index
      %get3A_153 = tpu.vector_load %arg8[%get3A_151, %get3A_152] {strides = array<i32>} : memref<8x128xf32, #tpu.memory_space<vmem>>, vector<16xf32>,
      %max3A_154 = arith.constant 1.000000e+00 : f32
      %max3A_155 = vector.broadcast %max3A_154 : f32 to vector<16xf32>
      %max3A_156 = arith.maximumf %get3A_153, %max3A_155 : vector<16xf32>
      %div3A_157 = arith.constant 1.000000e+00 : f32
      %div3A_158 = vector.broadcast %div3A_157 : f32 to vector<16xf32>
      %div3A_159 = arith.divf %div3A_158, %max3A_156 : vector<16xf32>
      %swap3A_160 = arith.constant 0 : i32
      %swap3A_161 = arith.index_cast %swap3A_160 : i32 to index
      %swap3A_162 = arith.constant 112 : index
      %swap3A_163 = tpu.vector_load %arg8[%swap3A_161, %swap3A_162] {strides = array<i32>} : memref<8x128xf32, #tpu.memory_space<vmem>>, vector<16xf32>,
      tpu.vector_store %arg8[%swap3A_161, %swap3A_162], %div3A_159 {strides = array<i32>} : memref<8x128xf32, #tpu.memory_space<vmem>>, vector<16xf32>,
      %get3A_164 = arith.constant 1 : i32
      %get3A_165 = arith.index_cast %get3A_164 : i32 to index
      %get3A_166 = arith.constant 0 : index
      %get3A_167 = tpu.vector_load %arg8[%get3A_165, %get3A_166] {strides = array<i32>} : memref<8x128xf32, #tpu.memory_space<vmem>>, vector<16xf32>,
      %max3A_168 = arith.constant 1.000000e+00 : f32
      %max3A_169 = vector.broadcast %max3A_168 : f32 to vector<16xf32>
      %max3A_170 = arith.maximumf %get3A_167, %max3A_169 : vector<16xf32>
      %div3A_171 = arith.constant 1.000000e+00 : f32
      %div3A_172 = vector.broadcast %div3A_171 : f32 to vector<16xf32>
      %div3A_173 = arith.divf %div3A_172, %max3A_170 : vector<16xf32>
      %swap3A_174 = arith.constant 1 : i32
      %swap3A_175 = arith.index_cast %swap3A_174 : i32 to index
      %swap3A_176 = arith.constant 0 : index
      %swap3A_177 = tpu.vector_load %arg8[%swap3A_175, %swap3A_176] {strides = array<i32>} : memref<8x128xf32, #tpu.memory_space<vmem>>, vector<16xf32>,
      tpu.vector_store %arg8[%swap3A_175, %swap3A_176], %div3A_173 {strides = array<i32>} : memref<8x128xf32, #tpu.memory_space<vmem>>, vector<16xf32>,
      %get3A_178 = arith.constant 1 : i32
      %get3A_179 = arith.index_cast %get3A_178 : i32 to index
      %get3A_180 = arith.constant 16 : index
      %get3A_181 = tpu.vector_load %arg8[%get3A_179, %get3A_180] {strides = array<i32>} : memref<8x128xf32, #tpu.memory_space<vmem>>, vector<16xf32>,
      %max3A_182 = arith.constant 1.000000e+00 : f32
      %max3A_183 = vector.broadcast %max3A_182 : f32 to vector<16xf32>
      %max3A_184 = arith.maximumf %get3A_181, %max3A_183 : vector<16xf32>
      %div3A_185 = arith.constant 1.000000e+00 : f32
      %div3A_186 = vector.broadcast %div3A_185 : f32 to vector<16xf32>
      %div3A_187 = arith.divf %div3A_186, %max3A_184 : vector<16xf32>
      %swap3A_188 = arith.constant 1 : i32
      %swap3A_189 = arith.index_cast %swap3A_188 : i32 to index
      %swap3A_190 = arith.constant 16 : index
      %swap3A_191 = tpu.vector_load %arg8[%swap3A_189, %swap3A_190] {strides = array<i32>} : memref<8x128xf32, #tpu.memory_space<vmem>>, vector<16xf32>,
      tpu.vector_store %arg8[%swap3A_189, %swap3A_190], %div3A_187 {strides = array<i32>} : memref<8x128xf32, #tpu.memory_space<vmem>>, vector<16xf32>,
      %get3A_192 = arith.constant 1 : i32
      %get3A_193 = arith.index_cast %get3A_192 : i32 to index
      %get3A_194 = arith.constant 32 : index
      %get3A_195 = tpu.vector_load %arg8[%get3A_193, %get3A_194] {strides = array<i32>} : memref<8x128xf32, #tpu.memory_space<vmem>>, vector<16xf32>,
      %max3A_196 = arith.constant 1.000000e+00 : f32
      %max3A_197 = vector.broadcast %max3A_196 : f32 to vector<16xf32>
      %max3A_198 = arith.maximumf %get3A_195, %max3A_197 : vector<16xf32>
      %div3A_199 = arith.constant 1.000000e+00 : f32
      %div3A_200 = vector.broadcast %div3A_199 : f32 to vector<16xf32>
      %div3A_201 = arith.divf %div3A_200, %max3A_198 : vector<16xf32>
      %swap3A_202 = arith.constant 1 : i32
      %swap3A_203 = arith.index_cast %swap3A_202 : i32 to index
      %swap3A_204 = arith.constant 32 : index
      %swap3A_205 = tpu.vector_load %arg8[%swap3A_203, %swap3A_204] {strides = array<i32>} : memref<8x128xf32, #tpu.memory_space<vmem>>, vector<16xf32>,
      tpu.vector_store %arg8[%swap3A_203, %swap3A_204], %div3A_201 {strides = array<i32>} : memref<8x128xf32, #tpu.memory_space<vmem>>, vector<16xf32>,
      %get3A_206 = arith.constant 1 : i32
      %get3A_207 = arith.index_cast %get3A_206 : i32 to index
      %get3A_208 = arith.constant 48 : index
      %get3A_209 = tpu.vector_load %arg8[%get3A_207, %get3A_208] {strides = array<i32>} : memref<8x128xf32, #tpu.memory_space<vmem>>, vector<16xf32>,
      %max3A_210 = arith.constant 1.000000e+00 : f32
      %max3A_211 = vector.broadcast %max3A_210 : f32 to vector<16xf32>
      %max3A_212 = arith.maximumf %get3A_209, %max3A_211 : vector<16xf32>
      %div3A_213 = arith.constant 1.000000e+00 : f32
      %div3A_214 = vector.broadcast %div3A_213 : f32 to vector<16xf32>
      %div3A_215 = arith.divf %div3A_214, %max3A_212 : vector<16xf32>
      %swap3A_216 = arith.constant 1 : i32
      %swap3A_217 = arith.index_cast %swap3A_216 : i32 to index
      %swap3A_218 = arith.constant 48 : index
      %swap3A_219 = tpu.vector_load %arg8[%swap3A_217, %swap3A_218] {strides = array<i32>} : memref<8x128xf32, #tpu.memory_space<vmem>>, vector<16xf32>,
      tpu.vector_store %arg8[%swap3A_217, %swap3A_218], %div3A_215 {strides = array<i32>} : memref<8x128xf32, #tpu.memory_space<vmem>>, vector<16xf32>,
      %get3A_220 = arith.constant 1 : i32
      %get3A_221 = arith.index_cast %get3A_220 : i32 to index
      %get3A_222 = arith.constant 64 : index
      %get3A_223 = tpu.vector_load %arg8[%get3A_221, %get3A_222] {strides = array<i32>} : memref<8x128xf32, #tpu.memory_space<vmem>>, vector<16xf32>,
      %max3A_224 = arith.constant 1.000000e+00 : f32
      %max3A_225 = vector.broadcast %max3A_224 : f32 to vector<16xf32>
      %max3A_226 = arith.maximumf %get3A_223, %max3A_225 : vector<16xf32>
      %div3A_227 = arith.constant 1.000000e+00 : f32
      %div3A_228 = vector.broadcast %div3A_227 : f32 to vector<16xf32>
      %div3A_229 = arith.divf %div3A_228, %max3A_226 : vector<16xf32>
      %swap3A_230 = arith.constant 1 : i32
      %swap3A_231 = arith.index_cast %swap3A_230 : i32 to index
      %swap3A_232 = arith.constant 64 : index
      %swap3A_233 = tpu.vector_load %arg8[%swap3A_231, %swap3A_232] {strides = array<i32>} : memref<8x128xf32, #tpu.memory_space<vmem>>, vector<16xf32>,
      tpu.vector_store %arg8[%swap3A_231, %swap3A_232], %div3A_229 {strides = array<i32>} : memref<8x128xf32, #tpu.memory_space<vmem>>, vector<16xf32>,
      %get3A_234 = arith.constant 1 : i32
      %get3A_235 = arith.index_cast %get3A_234 : i32 to index
      %get3A_236 = arith.constant 80 : index
      %get3A_237 = tpu.vector_load %arg8[%get3A_235, %get3A_236] {strides = array<i32>} : memref<8x128xf32, #tpu.memory_space<vmem>>, vector<16xf32>,
      %max3A_238 = arith.constant 1.000000e+00 : f32
      %max3A_239 = vector.broadcast %max3A_238 : f32 to vector<16xf32>
      %max3A_240 = arith.maximumf %get3A_237, %max3A_239 : vector<16xf32>
      %div3A_241 = arith.constant 1.000000e+00 : f32
      %div3A_242 = vector.broadcast %div3A_241 : f32 to vector<16xf32>
      %div3A_243 = arith.divf %div3A_242, %max3A_240 : vector<16xf32>
      %swap3A_244 = arith.constant 1 : i32
      %swap3A_245 = arith.index_cast %swap3A_244 : i32 to index
      %swap3A_246 = arith.constant 80 : index
      %swap3A_247 = tpu.vector_load %arg8[%swap3A_245, %swap3A_246] {strides = array<i32>} : memref<8x128xf32, #tpu.memory_space<vmem>>, vector<16xf32>,
      tpu.vector_store %arg8[%swap3A_245, %swap3A_246], %div3A_243 {strides = array<i32>} : memref<8x128xf32, #tpu.memory_space<vmem>>, vector<16xf32>,
      %get3A_248 = arith.constant 1 : i32
      %get3A_249 = arith.index_cast %get3A_248 : i32 to index
      %get3A_250 = arith.constant 96 : index
      %get3A_251 = tpu.vector_load %arg8[%get3A_249, %get3A_250] {strides = array<i32>} : memref<8x128xf32, #tpu.memory_space<vmem>>, vector<16xf32>,
      %max3A_252 = arith.constant 1.000000e+00 : f32
      %max3A_253 = vector.broadcast %max3A_252 : f32 to vector<16xf32>
      %max3A_254 = arith.maximumf %get3A_251, %max3A_253 : vector<16xf32>
      %div3A_255 = arith.constant 1.000000e+00 : f32
      %div3A_256 = vector.broadcast %div3A_255 : f32 to vector<16xf32>
      %div3A_257 = arith.divf %div3A_256, %max3A_254 : vector<16xf32>
      %swap3A_258 = arith.constant 1 : i32
      %swap3A_259 = arith.index_cast %swap3A_258 : i32 to index
      %swap3A_260 = arith.constant 96 : index
      %swap3A_261 = tpu.vector_load %arg8[%swap3A_259, %swap3A_260] {strides = array<i32>} : memref<8x128xf32, #tpu.memory_space<vmem>>, vector<16xf32>,
      tpu.vector_store %arg8[%swap3A_259, %swap3A_260], %div3A_257 {strides = array<i32>} : memref<8x128xf32, #tpu.memory_space<vmem>>, vector<16xf32>,
      %get3A_262 = arith.constant 1 : i32
      %get3A_263 = arith.index_cast %get3A_262 : i32 to index
      %get3A_264 = arith.constant 112 : index
      %get3A_265 = tpu.vector_load %arg8[%get3A_263, %get3A_264] {strides = array<i32>} : memref<8x128xf32, #tpu.memory_space<vmem>>, vector<16xf32>,
      %max3A_266 = arith.constant 1.000000e+00 : f32
      %max3A_267 = vector.broadcast %max3A_266 : f32 to vector<16xf32>
      %max3A_268 = arith.maximumf %get3A_265, %max3A_267 : vector<16xf32>
      %div3A_269 = arith.constant 1.000000e+00 : f32
      %div3A_270 = vector.broadcast %div3A_269 : f32 to vector<16xf32>
      %div3A_271 = arith.divf %div3A_270, %max3A_268 : vector<16xf32>
      %swap3A_272 = arith.constant 1 : i32
      %swap3A_273 = arith.index_cast %swap3A_272 : i32 to index
      %swap3A_274 = arith.constant 112 : index
      %swap3A_275 = tpu.vector_load %arg8[%swap3A_273, %swap3A_274] {strides = array<i32>} : memref<8x128xf32, #tpu.memory_space<vmem>>, vector<16xf32>,
      tpu.vector_store %arg8[%swap3A_273, %swap3A_274], %div3A_271 {strides = array<i32>} : memref<8x128xf32, #tpu.memory_space<vmem>>, vector<16xf32>,
      %get3A_276 = arith.constant 2 : i32
      %get3A_277 = arith.index_cast %get3A_276 : i32 to index
      %get3A_278 = arith.constant 0 : index
      %get3A_279 = tpu.vector_load %arg8[%get3A_277, %get3A_278] {strides = array<i32>} : memref<8x128xf32, #tpu.memory_space<vmem>>, vector<16xf32>,
      %max3A_280 = arith.constant 1.000000e+00 : f32
      %max3A_281 = vector.broadcast %max3A_280 : f32 to vector<16xf32>
      %max3A_282 = arith.maximumf %get3A_279, %max3A_281 : vector<16xf32>
      %div3A_283 = arith.constant 1.000000e+00 : f32
      %div3A_284 = vector.broadcast %div3A_283 : f32 to vector<16xf32>
      %div3A_285 = arith.divf %div3A_284, %max3A_282 : vector<16xf32>
      %swap3A_286 = arith.constant 2 : i32
      %swap3A_287 = arith.index_cast %swap3A_286 : i32 to index
      %swap3A_288 = arith.constant 0 : index
      %swap3A_289 = tpu.vector_load %arg8[%swap3A_287, %swap3A_288] {strides = array<i32>} : memref<8x128xf32, #tpu.memory_space<vmem>>, vector<16xf32>,
      tpu.vector_store %arg8[%swap3A_287, %swap3A_288], %div3A_285 {strides = array<i32>} : memref<8x128xf32, #tpu.memory_space<vmem>>, vector<16xf32>,
      %get3A_290 = arith.constant 2 : i32
      %get3A_291 = arith.index_cast %get3A_290 : i32 to index
      %get3A_292 = arith.constant 16 : index
      %get3A_293 = tpu.vector_load %arg8[%get3A_291, %get3A_292] {strides = array<i32>} : memref<8x128xf32, #tpu.memory_space<vmem>>, vector<16xf32>,
      %max3A_294 = arith.constant 1.000000e+00 : f32
      %max3A_295 = vector.broadcast %max3A_294 : f32 to vector<16xf32>
      %max3A_296 = arith.maximumf %get3A_293, %max3A_295 : vector<16xf32>
      %div3A_297 = arith.constant 1.000000e+00 : f32
      %div3A_298 = vector.broadcast %div3A_297 : f32 to vector<16xf32>
      %div3A_299 = arith.divf %div3A_298, %max3A_296 : vector<16xf32>
      %swap3A_300 = arith.constant 2 : i32
      %swap3A_301 = arith.index_cast %swap3A_300 : i32 to index
      %swap3A_302 = arith.constant 16 : index
      %swap3A_303 = tpu.vector_load %arg8[%swap3A_301, %swap3A_302] {strides = array<i32>} : memref<8x128xf32, #tpu.memory_space<vmem>>, vector<16xf32>,
      tpu.vector_store %arg8[%swap3A_301, %swap3A_302], %div3A_299 {strides = array<i32>} : memref<8x128xf32, #tpu.memory_space<vmem>>, vector<16xf32>,
      %get3A_304 = arith.constant 2 : i32
      %get3A_305 = arith.index_cast %get3A_304 : i32 to index
      %get3A_306 = arith.constant 32 : index
      %get3A_307 = tpu.vector_load %arg8[%get3A_305, %get3A_306] {strides = array<i32>} : memref<8x128xf32, #tpu.memory_space<vmem>>, vector<16xf32>,
      %max3A_308 = arith.constant 1.000000e+00 : f32
      %max3A_309 = vector.broadcast %max3A_308 : f32 to vector<16xf32>
      %max3A_310 = arith.maximumf %get3A_307, %max3A_309 : vector<16xf32>
      %div3A_311 = arith.constant 1.000000e+00 : f32
      %div3A_312 = vector.broadcast %div3A_311 : f32 to vector<16xf32>
      %div3A_313 = arith.divf %div3A_312, %max3A_310 : vector<16xf32>
      %swap3A_314 = arith.constant 2 : i32
      %swap3A_315 = arith.index_cast %swap3A_314 : i32 to index
      %swap3A_316 = arith.constant 32 : index
      %swap3A_317 = tpu.vector_load %arg8[%swap3A_315, %swap3A_316] {strides = array<i32>} : memref<8x128xf32, #tpu.memory_space<vmem>>, vector<16xf32>,
      tpu.vector_store %arg8[%swap3A_315, %swap3A_316], %div3A_313 {strides = array<i32>} : memref<8x128xf32, #tpu.memory_space<vmem>>, vector<16xf32>,
      %get3A_318 = arith.constant 2 : i32
      %get3A_319 = arith.index_cast %get3A_318 : i32 to index
      %get3A_320 = arith.constant 48 : index
      %get3A_321 = tpu.vector_load %arg8[%get3A_319, %get3A_320] {strides = array<i32>} : memref<8x128xf32, #tpu.memory_space<vmem>>, vector<16xf32>,
      %max3A_322 = arith.constant 1.000000e+00 : f32
      %max3A_323 = vector.broadcast %max3A_322 : f32 to vector<16xf32>
      %max3A_324 = arith.maximumf %get3A_321, %max3A_323 : vector<16xf32>
      %div3A_325 = arith.constant 1.000000e+00 : f32
      %div3A_326 = vector.broadcast %div3A_325 : f32 to vector<16xf32>
      %div3A_327 = arith.divf %div3A_326, %max3A_324 : vector<16xf32>
      %swap3A_328 = arith.constant 2 : i32
      %swap3A_329 = arith.index_cast %swap3A_328 : i32 to index
      %swap3A_330 = arith.constant 48 : index
      %swap3A_331 = tpu.vector_load %arg8[%swap3A_329, %swap3A_330] {strides = array<i32>} : memref<8x128xf32, #tpu.memory_space<vmem>>, vector<16xf32>,
      tpu.vector_store %arg8[%swap3A_329, %swap3A_330], %div3A_327 {strides = array<i32>} : memref<8x128xf32, #tpu.memory_space<vmem>>, vector<16xf32>,
      %get3A_332 = arith.constant 2 : i32
      %get3A_333 = arith.index_cast %get3A_332 : i32 to index
      %get3A_334 = arith.constant 64 : index
      %get3A_335 = tpu.vector_load %arg8[%get3A_333, %get3A_334] {strides = array<i32>} : memref<8x128xf32, #tpu.memory_space<vmem>>, vector<16xf32>,
      %max3A_336 = arith.constant 1.000000e+00 : f32
      %max3A_337 = vector.broadcast %max3A_336 : f32 to vector<16xf32>
      %max3A_338 = arith.maximumf %get3A_335, %max3A_337 : vector<16xf32>
      %div3A_339 = arith.constant 1.000000e+00 : f32
      %div3A_340 = vector.broadcast %div3A_339 : f32 to vector<16xf32>
      %div3A_341 = arith.divf %div3A_340, %max3A_338 : vector<16xf32>
      %swap3A_342 = arith.constant 2 : i32
      %swap3A_343 = arith.index_cast %swap3A_342 : i32 to index
      %swap3A_344 = arith.constant 64 : index
      %swap3A_345 = tpu.vector_load %arg8[%swap3A_343, %swap3A_344] {strides = array<i32>} : memref<8x128xf32, #tpu.memory_space<vmem>>, vector<16xf32>,
      tpu.vector_store %arg8[%swap3A_343, %swap3A_344], %div3A_341 {strides = array<i32>} : memref<8x128xf32, #tpu.memory_space<vmem>>, vector<16xf32>,
      %get3A_346 = arith.constant 2 : i32
      %get3A_347 = arith.index_cast %get3A_346 : i32 to index
      %get3A_348 = arith.constant 80 : index
      %get3A_349 = tpu.vector_load %arg8[%get3A_347, %get3A_348] {strides = array<i32>} : memref<8x128xf32, #tpu.memory_space<vmem>>, vector<16xf32>,
      %max3A_350 = arith.constant 1.000000e+00 : f32
      %max3A_351 = vector.broadcast %max3A_350 : f32 to vector<16xf32>
      %max3A_352 = arith.maximumf %get3A_349, %max3A_351 : vector<16xf32>
      %div3A_353 = arith.constant 1.000000e+00 : f32
      %div3A_354 = vector.broadcast %div3A_353 : f32 to vector<16xf32>
      %div3A_355 = arith.divf %div3A_354, %max3A_352 : vector<16xf32>
      %swap3A_356 = arith.constant 2 : i32
      %swap3A_357 = arith.index_cast %swap3A_356 : i32 to index
      %swap3A_358 = arith.constant 80 : index
      %swap3A_359 = tpu.vector_load %arg8[%swap3A_357, %swap3A_358] {strides = array<i32>} : memref<8x128xf32, #tpu.memory_space<vmem>>, vector<16xf32>,
      tpu.vector_store %arg8[%swap3A_357, %swap3A_358], %div3A_355 {strides = array<i32>} : memref<8x128xf32, #tpu.memory_space<vmem>>, vector<16xf32>,
      %get3A_360 = arith.constant 2 : i32
      %get3A_361 = arith.index_cast %get3A_360 : i32 to index
      %get3A_362 = arith.constant 96 : index
      %get3A_363 = tpu.vector_load %arg8[%get3A_361, %get3A_362] {strides = array<i32>} : memref<8x128xf32, #tpu.memory_space<vmem>>, vector<16xf32>,
      %max3A_364 = arith.constant 1.000000e+00 : f32
      %max3A_365 = vector.broadcast %max3A_364 : f32 to vector<16xf32>
      %max3A_366 = arith.maximumf %get3A_363, %max3A_365 : vector<16xf32>
      %div3A_367 = arith.constant 1.000000e+00 : f32
      %div3A_368 = vector.broadcast %div3A_367 : f32 to vector<16xf32>
      %div3A_369 = arith.divf %div3A_368, %max3A_366 : vector<16xf32>
      %swap3A_370 = arith.constant 2 : i32
      %swap3A_371 = arith.index_cast %swap3A_370 : i32 to index
      %swap3A_372 = arith.constant 96 : index
      %swap3A_373 = tpu.vector_load %arg8[%swap3A_371, %swap3A_372] {strides = array<i32>} : memref<8x128xf32, #tpu.memory_space<vmem>>, vector<16xf32>,
      tpu.vector_store %arg8[%swap3A_371, %swap3A_372], %div3A_369 {strides = array<i32>} : memref<8x128xf32, #tpu.memory_space<vmem>>, vector<16xf32>,
      %get3A_374 = arith.constant 2 : i32
      %get3A_375 = arith.index_cast %get3A_374 : i32 to index
      %get3A_376 = arith.constant 112 : index
      %get3A_377 = tpu.vector_load %arg8[%get3A_375, %get3A_376] {strides = array<i32>} : memref<8x128xf32, #tpu.memory_space<vmem>>, vector<16xf32>,
      %max3A_378 = arith.constant 1.000000e+00 : f32
      %max3A_379 = vector.broadcast %max3A_378 : f32 to vector<16xf32>
      %max3A_380 = arith.maximumf %get3A_377, %max3A_379 : vector<16xf32>
      %div3A_381 = arith.constant 1.000000e+00 : f32
      %div3A_382 = vector.broadcast %div3A_381 : f32 to vector<16xf32>
      %div3A_383 = arith.divf %div3A_382, %max3A_380 : vector<16xf32>
      %swap3A_384 = arith.constant 2 : i32
      %swap3A_385 = arith.index_cast %swap3A_384 : i32 to index
      %swap3A_386 = arith.constant 112 : index
      %swap3A_387 = tpu.vector_load %arg8[%swap3A_385, %swap3A_386] {strides = array<i32>} : memref<8x128xf32, #tpu.memory_space<vmem>>, vector<16xf32>,
      tpu.vector_store %arg8[%swap3A_385, %swap3A_386], %div3A_383 {strides = array<i32>} : memref<8x128xf32, #tpu.memory_space<vmem>>, vector<16xf32>,
      %get3A_388 = arith.constant 3 : i32
      %get3A_389 = arith.index_cast %get3A_388 : i32 to index
      %get3A_390 = arith.constant 0 : index
      %get3A_391 = tpu.vector_load %arg8[%get3A_389, %get3A_390] {strides = array<i32>} : memref<8x128xf32, #tpu.memory_space<vmem>>, vector<16xf32>,
      %max3A_392 = arith.constant 1.000000e+00 : f32
      %max3A_393 = vector.broadcast %max3A_392 : f32 to vector<16xf32>
      %max3A_394 = arith.maximumf %get3A_391, %max3A_393 : vector<16xf32>
      %div3A_395 = arith.constant 1.000000e+00 : f32
      %div3A_396 = vector.broadcast %div3A_395 : f32 to vector<16xf32>
      %div3A_397 = arith.divf %div3A_396, %max3A_394 : vector<16xf32>
      %swap3A_398 = arith.constant 3 : i32
      %swap3A_399 = arith.index_cast %swap3A_398 : i32 to index
      %swap3A_400 = arith.constant 0 : index
      %swap3A_401 = tpu.vector_load %arg8[%swap3A_399, %swap3A_400] {strides = array<i32>} : memref<8x128xf32, #tpu.memory_space<vmem>>, vector<16xf32>,
      tpu.vector_store %arg8[%swap3A_399, %swap3A_400], %div3A_397 {strides = array<i32>} : memref<8x128xf32, #tpu.memory_space<vmem>>, vector<16xf32>,
      %get3A_402 = arith.constant 3 : i32
      %get3A_403 = arith.index_cast %get3A_402 : i32 to index
      %get3A_404 = arith.constant 16 : index
      %get3A_405 = tpu.vector_load %arg8[%get3A_403, %get3A_404] {strides = array<i32>} : memref<8x128xf32, #tpu.memory_space<vmem>>, vector<16xf32>,
      %max3A_406 = arith.constant 1.000000e+00 : f32
      %max3A_407 = vector.broadcast %max3A_406 : f32 to vector<16xf32>
      %max3A_408 = arith.maximumf %get3A_405, %max3A_407 : vector<16xf32>
      %div3A_409 = arith.constant 1.000000e+00 : f32
      %div3A_410 = vector.broadcast %div3A_409 : f32 to vector<16xf32>
      %div3A_411 = arith.divf %div3A_410, %max3A_408 : vector<16xf32>
      %swap3A_412 = arith.constant 3 : i32
      %swap3A_413 = arith.index_cast %swap3A_412 : i32 to index
      %swap3A_414 = arith.constant 16 : index
      %swap3A_415 = tpu.vector_load %arg8[%swap3A_413, %swap3A_414] {strides = array<i32>} : memref<8x128xf32, #tpu.memory_space<vmem>>, vector<16xf32>,
      tpu.vector_store %arg8[%swap3A_413, %swap3A_414], %div3A_411 {strides = array<i32>} : memref<8x128xf32, #tpu.memory_space<vmem>>, vector<16xf32>,
      %get3A_416 = arith.constant 3 : i32
      %get3A_417 = arith.index_cast %get3A_416 : i32 to index
      %get3A_418 = arith.constant 32 : index
      %get3A_419 = tpu.vector_load %arg8[%get3A_417, %get3A_418] {strides = array<i32>} : memref<8x128xf32, #tpu.memory_space<vmem>>, vector<16xf32>,
      %max3A_420 = arith.constant 1.000000e+00 : f32
      %max3A_421 = vector.broadcast %max3A_420 : f32 to vector<16xf32>
      %max3A_422 = arith.maximumf %get3A_419, %max3A_421 : vector<16xf32>
      %div3A_423 = arith.constant 1.000000e+00 : f32
      %div3A_424 = vector.broadcast %div3A_423 : f32 to vector<16xf32>
      %div3A_425 = arith.divf %div3A_424, %max3A_422 : vector<16xf32>
      %swap3A_426 = arith.constant 3 : i32
      %swap3A_427 = arith.index_cast %swap3A_426 : i32 to index
      %swap3A_428 = arith.constant 32 : index
      %swap3A_429 = tpu.vector_load %arg8[%swap3A_427, %swap3A_428] {strides = array<i32>} : memref<8x128xf32, #tpu.memory_space<vmem>>, vector<16xf32>,
      tpu.vector_store %arg8[%swap3A_427, %swap3A_428], %div3A_425 {strides = array<i32>} : memref<8x128xf32, #tpu.memory_space<vmem>>, vector<16xf32>,
      %get3A_430 = arith.constant 3 : i32
      %get3A_431 = arith.index_cast %get3A_430 : i32 to index
      %get3A_432 = arith.constant 48 : index
      %get3A_433 = tpu.vector_load %arg8[%get3A_431, %get3A_432] {strides = array<i32>} : memref<8x128xf32, #tpu.memory_space<vmem>>, vector<16xf32>,
      %max3A_434 = arith.constant 1.000000e+00 : f32
      %max3A_435 = vector.broadcast %max3A_434 : f32 to vector<16xf32>
      %max3A_436 = arith.maximumf %get3A_433, %max3A_435 : vector<16xf32>
      %div3A_437 = arith.constant 1.000000e+00 : f32
      %div3A_438 = vector.broadcast %div3A_437 : f32 to vector<16xf32>
      %div3A_439 = arith.divf %div3A_438, %max3A_436 : vector<16xf32>
      %swap3A_440 = arith.constant 3 : i32
      %swap3A_441 = arith.index_cast %swap3A_440 : i32 to index
      %swap3A_442 = arith.constant 48 : index
      %swap3A_443 = tpu.vector_load %arg8[%swap3A_441, %swap3A_442] {strides = array<i32>} : memref<8x128xf32, #tpu.memory_space<vmem>>, vector<16xf32>,
      tpu.vector_store %arg8[%swap3A_441, %swap3A_442], %div3A_439 {strides = array<i32>} : memref<8x128xf32, #tpu.memory_space<vmem>>, vector<16xf32>,
      %get3A_444 = arith.constant 3 : i32
      %get3A_445 = arith.index_cast %get3A_444 : i32 to index
      %get3A_446 = arith.constant 64 : index
      %get3A_447 = tpu.vector_load %arg8[%get3A_445, %get3A_446] {strides = array<i32>} : memref<8x128xf32, #tpu.memory_space<vmem>>, vector<16xf32>,
      %max3A_448 = arith.constant 1.000000e+00 : f32
      %max3A_449 = vector.broadcast %max3A_448 : f32 to vector<16xf32>
      %max3A_450 = arith.maximumf %get3A_447, %max3A_449 : vector<16xf32>
      %div3A_451 = arith.constant 1.000000e+00 : f32
      %div3A_452 = vector.broadcast %div3A_451 : f32 to vector<16xf32>
      %div3A_453 = arith.divf %div3A_452, %max3A_450 : vector<16xf32>
      %swap3A_454 = arith.constant 3 : i32
      %swap3A_455 = arith.index_cast %swap3A_454 : i32 to index
      %swap3A_456 = arith.constant 64 : index
      %swap3A_457 = tpu.vector_load %arg8[%swap3A_455, %swap3A_456] {strides = array<i32>} : memref<8x128xf32, #tpu.memory_space<vmem>>, vector<16xf32>,
      tpu.vector_store %arg8[%swap3A_455, %swap3A_456], %div3A_453 {strides = array<i32>} : memref<8x128xf32, #tpu.memory_space<vmem>>, vector<16xf32>,
      %get3A_458 = arith.constant 3 : i32
      %get3A_459 = arith.index_cast %get3A_458 : i32 to index
      %get3A_460 = arith.constant 80 : index
      %get3A_461 = tpu.vector_load %arg8[%get3A_459, %get3A_460] {strides = array<i32>} : memref<8x128xf32, #tpu.memory_space<vmem>>, vector<16xf32>,
      %max3A_462 = arith.constant 1.000000e+00 : f32
      %max3A_463 = vector.broadcast %max3A_462 : f32 to vector<16xf32>
      %max3A_464 = arith.maximumf %get3A_461, %max3A_463 : vector<16xf32>
      %div3A_465 = arith.constant 1.000000e+00 : f32
      %div3A_466 = vector.broadcast %div3A_465 : f32 to vector<16xf32>
      %div3A_467 = arith.divf %div3A_466, %max3A_464 : vector<16xf32>
      %swap3A_468 = arith.constant 3 : i32
      %swap3A_469 = arith.index_cast %swap3A_468 : i32 to index
      %swap3A_470 = arith.constant 80 : index
      %swap3A_471 = tpu.vector_load %arg8[%swap3A_469, %swap3A_470] {strides = array<i32>} : memref<8x128xf32, #tpu.memory_space<vmem>>, vector<16xf32>,
      tpu.vector_store %arg8[%swap3A_469, %swap3A_470], %div3A_467 {strides = array<i32>} : memref<8x128xf32, #tpu.memory_space<vmem>>, vector<16xf32>,
      %get3A_472 = arith.constant 3 : i32
      %get3A_473 = arith.index_cast %get3A_472 : i32 to index
      %get3A_474 = arith.constant 96 : index
      %get3A_475 = tpu.vector_load %arg8[%get3A_473, %get3A_474] {strides = array<i32>} : memref<8x128xf32, #tpu.memory_space<vmem>>, vector<16xf32>,
      %max3A_476 = arith.constant 1.000000e+00 : f32
      %max3A_477 = vector.broadcast %max3A_476 : f32 to vector<16xf32>
      %max3A_478 = arith.maximumf %get3A_475, %max3A_477 : vector<16xf32>
      %div3A_479 = arith.constant 1.000000e+00 : f32
      %div3A_480 = vector.broadcast %div3A_479 : f32 to vector<16xf32>
      %div3A_481 = arith.divf %div3A_480, %max3A_478 : vector<16xf32>
      %swap3A_482 = arith.constant 3 : i32
      %swap3A_483 = arith.index_cast %swap3A_482 : i32 to index
      %swap3A_484 = arith.constant 96 : index
      %swap3A_485 = tpu.vector_load %arg8[%swap3A_483, %swap3A_484] {strides = array<i32>} : memref<8x128xf32, #tpu.memory_space<vmem>>, vector<16xf32>,
      tpu.vector_store %arg8[%swap3A_483, %swap3A_484], %div3A_481 {strides = array<i32>} : memref<8x128xf32, #tpu.memory_space<vmem>>, vector<16xf32>,
      %get3A_486 = arith.constant 3 : i32
      %get3A_487 = arith.index_cast %get3A_486 : i32 to index
      %get3A_488 = arith.constant 112 : index
      %get3A_489 = tpu.vector_load %arg8[%get3A_487, %get3A_488] {strides = array<i32>} : memref<8x128xf32, #tpu.memory_space<vmem>>, vector<16xf32>,
      %max3A_490 = arith.constant 1.000000e+00 : f32
      %max3A_491 = vector.broadcast %max3A_490 : f32 to vector<16xf32>
      %max3A_492 = arith.maximumf %get3A_489, %max3A_491 : vector<16xf32>
      %div3A_493 = arith.constant 1.000000e+00 : f32
      %div3A_494 = vector.broadcast %div3A_493 : f32 to vector<16xf32>
      %div3A_495 = arith.divf %div3A_494, %max3A_492 : vector<16xf32>
      %swap3A_496 = arith.constant 3 : i32
      %swap3A_497 = arith.index_cast %swap3A_496 : i32 to index
      %swap3A_498 = arith.constant 112 : index
      %swap3A_499 = tpu.vector_load %arg8[%swap3A_497, %swap3A_498] {strides = array<i32>} : memref<8x128xf32, #tpu.memory_space<vmem>>, vector<16xf32>,
      tpu.vector_store %arg8[%swap3A_497, %swap3A_498], %div3A_495 {strides = array<i32>} : memref<8x128xf32, #tpu.memory_space<vmem>>, vector<16xf32>,
      %get3A_500 = arith.constant 4 : i32
      %get3A_501 = arith.index_cast %get3A_500 : i32 to index
      %get3A_502 = arith.constant 0 : index
      %get3A_503 = tpu.vector_load %arg8[%get3A_501, %get3A_502] {strides = array<i32>} : memref<8x128xf32, #tpu.memory_space<vmem>>, vector<16xf32>,
      %max3A_504 = arith.constant 1.000000e+00 : f32
      %max3A_505 = vector.broadcast %max3A_504 : f32 to vector<16xf32>
      %max3A_506 = arith.maximumf %get3A_503, %max3A_505 : vector<16xf32>
      %div3A_507 = arith.constant 1.000000e+00 : f32
      %div3A_508 = vector.broadcast %div3A_507 : f32 to vector<16xf32>
      %div3A_509 = arith.divf %div3A_508, %max3A_506 : vector<16xf32>
      %swap3A_510 = arith.constant 4 : i32
      %swap3A_511 = arith.index_cast %swap3A_510 : i32 to index
      %swap3A_512 = arith.constant 0 : index
      %swap3A_513 = tpu.vector_load %arg8[%swap3A_511, %swap3A_512] {strides = array<i32>} : memref<8x128xf32, #tpu.memory_space<vmem>>, vector<16xf32>,
      tpu.vector_store %arg8[%swap3A_511, %swap3A_512], %div3A_509 {strides = array<i32>} : memref<8x128xf32, #tpu.memory_space<vmem>>, vector<16xf32>,
      %get3A_514 = arith.constant 4 : i32
      %get3A_515 = arith.index_cast %get3A_514 : i32 to index
      %get3A_516 = arith.constant 16 : index
      %get3A_517 = tpu.vector_load %arg8[%get3A_515, %get3A_516] {strides = array<i32>} : memref<8x128xf32, #tpu.memory_space<vmem>>, vector<16xf32>,
      %max3A_518 = arith.constant 1.000000e+00 : f32
      %max3A_519 = vector.broadcast %max3A_518 : f32 to vector<16xf32>
      %max3A_520 = arith.maximumf %get3A_517, %max3A_519 : vector<16xf32>
      %div3A_521 = arith.constant 1.000000e+00 : f32
      %div3A_522 = vector.broadcast %div3A_521 : f32 to vector<16xf32>
      %div3A_523 = arith.divf %div3A_522, %max3A_520 : vector<16xf32>
      %swap3A_524 = arith.constant 4 : i32
      %swap3A_525 = arith.index_cast %swap3A_524 : i32 to index
      %swap3A_526 = arith.constant 16 : index
      %swap3A_527 = tpu.vector_load %arg8[%swap3A_525, %swap3A_526] {strides = array<i32>} : memref<8x128xf32, #tpu.memory_space<vmem>>, vector<16xf32>,
      tpu.vector_store %arg8[%swap3A_525, %swap3A_526], %div3A_523 {strides = array<i32>} : memref<8x128xf32, #tpu.memory_space<vmem>>, vector<16xf32>,
      %get3A_528 = arith.constant 4 : i32
      %get3A_529 = arith.index_cast %get3A_528 : i32 to index
      %get3A_530 = arith.constant 32 : index
      %get3A_531 = tpu.vector_load %arg8[%get3A_529, %get3A_530] {strides = array<i32>} : memref<8x128xf32, #tpu.memory_space<vmem>>, vector<16xf32>,
      %max3A_532 = arith.constant 1.000000e+00 : f32
      %max3A_533 = vector.broadcast %max3A_532 : f32 to vector<16xf32>
      %max3A_534 = arith.maximumf %get3A_531, %max3A_533 : vector<16xf32>
      %div3A_535 = arith.constant 1.000000e+00 : f32
      %div3A_536 = vector.broadcast %div3A_535 : f32 to vector<16xf32>
      %div3A_537 = arith.divf %div3A_536, %max3A_534 : vector<16xf32>
      %swap3A_538 = arith.constant 4 : i32
      %swap3A_539 = arith.index_cast %swap3A_538 : i32 to index
      %swap3A_540 = arith.constant 32 : index
      %swap3A_541 = tpu.vector_load %arg8[%swap3A_539, %swap3A_540] {strides = array<i32>} : memref<8x128xf32, #tpu.memory_space<vmem>>, vector<16xf32>,
      tpu.vector_store %arg8[%swap3A_539, %swap3A_540], %div3A_537 {strides = array<i32>} : memref<8x128xf32, #tpu.memory_space<vmem>>, vector<16xf32>,
      %get3A_542 = arith.constant 4 : i32
      %get3A_543 = arith.index_cast %get3A_542 : i32 to index
      %get3A_544 = arith.constant 48 : index
      %get3A_545 = tpu.vector_load %arg8[%get3A_543, %get3A_544] {strides = array<i32>} : memref<8x128xf32, #tpu.memory_space<vmem>>, vector<16xf32>,
      %max3A_546 = arith.constant 1.000000e+00 : f32
      %max3A_547 = vector.broadcast %max3A_546 : f32 to vector<16xf32>
      %max3A_548 = arith.maximumf %get3A_545, %max3A_547 : vector<16xf32>
      %div3A_549 = arith.constant 1.000000e+00 : f32
      %div3A_550 = vector.broadcast %div3A_549 : f32 to vector<16xf32>
      %div3A_551 = arith.divf %div3A_550, %max3A_548 : vector<16xf32>
      %swap3A_552 = arith.constant 4 : i32
      %swap3A_553 = arith.index_cast %swap3A_552 : i32 to index
      %swap3A_554 = arith.constant 48 : index
      %swap3A_555 = tpu.vector_load %arg8[%swap3A_553, %swap3A_554] {strides = array<i32>} : memref<8x128xf32, #tpu.memory_space<vmem>>, vector<16xf32>,
      tpu.vector_store %arg8[%swap3A_553, %swap3A_554], %div3A_551 {strides = array<i32>} : memref<8x128xf32, #tpu.memory_space<vmem>>, vector<16xf32>,
      %get3A_556 = arith.constant 4 : i32
      %get3A_557 = arith.index_cast %get3A_556 : i32 to index
      %get3A_558 = arith.constant 64 : index
      %get3A_559 = tpu.vector_load %arg8[%get3A_557, %get3A_558] {strides = array<i32>} : memref<8x128xf32, #tpu.memory_space<vmem>>, vector<16xf32>,
      %max3A_560 = arith.constant 1.000000e+00 : f32
      %max3A_561 = vector.broadcast %max3A_560 : f32 to vector<16xf32>
      %max3A_562 = arith.maximumf %get3A_559, %max3A_561 : vector<16xf32>
      %div3A_563 = arith.constant 1.000000e+00 : f32
      %div3A_564 = vector.broadcast %div3A_563 : f32 to vector<16xf32>
      %div3A_565 = arith.divf %div3A_564, %max3A_562 : vector<16xf32>
      %swap3A_566 = arith.constant 4 : i32
      %swap3A_567 = arith.index_cast %swap3A_566 : i32 to index
      %swap3A_568 = arith.constant 64 : index
      %swap3A_569 = tpu.vector_load %arg8[%swap3A_567, %swap3A_568] {strides = array<i32>} : memref<8x128xf32, #tpu.memory_space<vmem>>, vector<16xf32>,
      tpu.vector_store %arg8[%swap3A_567, %swap3A_568], %div3A_565 {strides = array<i32>} : memref<8x128xf32, #tpu.memory_space<vmem>>, vector<16xf32>,
      %get3A_570 = arith.constant 4 : i32
      %get3A_571 = arith.index_cast %get3A_570 : i32 to index
      %get3A_572 = arith.constant 80 : index
      %get3A_573 = tpu.vector_load %arg8[%get3A_571, %get3A_572] {strides = array<i32>} : memref<8x128xf32, #tpu.memory_space<vmem>>, vector<16xf32>,
      %max3A_574 = arith.constant 1.000000e+00 : f32
      %max3A_575 = vector.broadcast %max3A_574 : f32 to vector<16xf32>
      %max3A_576 = arith.maximumf %get3A_573, %max3A_575 : vector<16xf32>
      %div3A_577 = arith.constant 1.000000e+00 : f32
      %div3A_578 = vector.broadcast %div3A_577 : f32 to vector<16xf32>
      %div3A_579 = arith.divf %div3A_578, %max3A_576 : vector<16xf32>
      %swap3A_580 = arith.constant 4 : i32
      %swap3A_581 = arith.index_cast %swap3A_580 : i32 to index
      %swap3A_582 = arith.constant 80 : index
      %swap3A_583 = tpu.vector_load %arg8[%swap3A_581, %swap3A_582] {strides = array<i32>} : memref<8x128xf32, #tpu.memory_space<vmem>>, vector<16xf32>,
      tpu.vector_store %arg8[%swap3A_581, %swap3A_582], %div3A_579 {strides = array<i32>} : memref<8x128xf32, #tpu.memory_space<vmem>>, vector<16xf32>,
      %get3A_584 = arith.constant 4 : i32
      %get3A_585 = arith.index_cast %get3A_584 : i32 to index
      %get3A_586 = arith.constant 96 : index
      %get3A_587 = tpu.vector_load %arg8[%get3A_585, %get3A_586] {strides = array<i32>} : memref<8x128xf32, #tpu.memory_space<vmem>>, vector<16xf32>,
      %max3A_588 = arith.constant 1.000000e+00 : f32
      %max3A_589 = vector.broadcast %max3A_588 : f32 to vector<16xf32>
      %max3A_590 = arith.maximumf %get3A_587, %max3A_589 : vector<16xf32>
      %div3A_591 = arith.constant 1.000000e+00 : f32
      %div3A_592 = vector.broadcast %div3A_591 : f32 to vector<16xf32>
      %div3A_593 = arith.divf %div3A_592, %max3A_590 : vector<16xf32>
      %swap3A_594 = arith.constant 4 : i32
      %swap3A_595 = arith.index_cast %swap3A_594 : i32 to index
      %swap3A_596 = arith.constant 96 : index
      %swap3A_597 = tpu.vector_load %arg8[%swap3A_595, %swap3A_596] {strides = array<i32>} : memref<8x128xf32, #tpu.memory_space<vmem>>, vector<16xf32>,
      tpu.vector_store %arg8[%swap3A_595, %swap3A_596], %div3A_593 {strides = array<i32>} : memref<8x128xf32, #tpu.memory_space<vmem>>, vector<16xf32>,
      %get3A_598 = arith.constant 4 : i32
      %get3A_599 = arith.index_cast %get3A_598 : i32 to index
      %get3A_600 = arith.constant 112 : index
      %get3A_601 = tpu.vector_load %arg8[%get3A_599, %get3A_600] {strides = array<i32>} : memref<8x128xf32, #tpu.memory_space<vmem>>, vector<16xf32>,
      %max3A_602 = arith.constant 1.000000e+00 : f32
      %max3A_603 = vector.broadcast %max3A_602 : f32 to vector<16xf32>
      %max3A_604 = arith.maximumf %get3A_601, %max3A_603 : vector<16xf32>
      %div3A_605 = arith.constant 1.000000e+00 : f32
      %div3A_606 = vector.broadcast %div3A_605 : f32 to vector<16xf32>
      %div3A_607 = arith.divf %div3A_606, %max3A_604 : vector<16xf32>
      %swap3A_608 = arith.constant 4 : i32
      %swap3A_609 = arith.index_cast %swap3A_608 : i32 to index
      %swap3A_610 = arith.constant 112 : index
      %swap3A_611 = tpu.vector_load %arg8[%swap3A_609, %swap3A_610] {strides = array<i32>} : memref<8x128xf32, #tpu.memory_space<vmem>>, vector<16xf32>,
      tpu.vector_store %arg8[%swap3A_609, %swap3A_610], %div3A_607 {strides = array<i32>} : memref<8x128xf32, #tpu.memory_space<vmem>>, vector<16xf32>,
      %get3A_612 = arith.constant 5 : i32
      %get3A_613 = arith.index_cast %get3A_612 : i32 to index
      %get3A_614 = arith.constant 0 : index
      %get3A_615 = tpu.vector_load %arg8[%get3A_613, %get3A_614] {strides = array<i32>} : memref<8x128xf32, #tpu.memory_space<vmem>>, vector<16xf32>,
      %max3A_616 = arith.constant 1.000000e+00 : f32
      %max3A_617 = vector.broadcast %max3A_616 : f32 to vector<16xf32>
      %max3A_618 = arith.maximumf %get3A_615, %max3A_617 : vector<16xf32>
      %div3A_619 = arith.constant 1.000000e+00 : f32
      %div3A_620 = vector.broadcast %div3A_619 : f32 to vector<16xf32>
      %div3A_621 = arith.divf %div3A_620, %max3A_618 : vector<16xf32>
      %swap3A_622 = arith.constant 5 : i32
      %swap3A_623 = arith.index_cast %swap3A_622 : i32 to index
      %swap3A_624 = arith.constant 0 : index
      %swap3A_625 = tpu.vector_load %arg8[%swap3A_623, %swap3A_624] {strides = array<i32>} : memref<8x128xf32, #tpu.memory_space<vmem>>, vector<16xf32>,
      tpu.vector_store %arg8[%swap3A_623, %swap3A_624], %div3A_621 {strides = array<i32>} : memref<8x128xf32, #tpu.memory_space<vmem>>, vector<16xf32>,
      %get3A_626 = arith.constant 5 : i32
      %get3A_627 = arith.index_cast %get3A_626 : i32 to index
      %get3A_628 = arith.constant 16 : index
      %get3A_629 = tpu.vector_load %arg8[%get3A_627, %get3A_628] {strides = array<i32>} : memref<8x128xf32, #tpu.memory_space<vmem>>, vector<16xf32>,
      %max3A_630 = arith.constant 1.000000e+00 : f32
      %max3A_631 = vector.broadcast %max3A_630 : f32 to vector<16xf32>
      %max3A_632 = arith.maximumf %get3A_629, %max3A_631 : vector<16xf32>
      %div3A_633 = arith.constant 1.000000e+00 : f32
      %div3A_634 = vector.broadcast %div3A_633 : f32 to vector<16xf32>
      %div3A_635 = arith.divf %div3A_634, %max3A_632 : vector<16xf32>
      %swap3A_636 = arith.constant 5 : i32
      %swap3A_637 = arith.index_cast %swap3A_636 : i32 to index
      %swap3A_638 = arith.constant 16 : index
      %swap3A_639 = tpu.vector_load %arg8[%swap3A_637, %swap3A_638] {strides = array<i32>} : memref<8x128xf32, #tpu.memory_space<vmem>>, vector<16xf32>,
      tpu.vector_store %arg8[%swap3A_637, %swap3A_638], %div3A_635 {strides = array<i32>} : memref<8x128xf32, #tpu.memory_space<vmem>>, vector<16xf32>,
      %get3A_640 = arith.constant 5 : i32
      %get3A_641 = arith.index_cast %get3A_640 : i32 to index
      %get3A_642 = arith.constant 32 : index
      %get3A_643 = tpu.vector_load %arg8[%get3A_641, %get3A_642] {strides = array<i32>} : memref<8x128xf32, #tpu.memory_space<vmem>>, vector<16xf32>,
      %max3A_644 = arith.constant 1.000000e+00 : f32
      %max3A_645 = vector.broadcast %max3A_644 : f32 to vector<16xf32>
      %max3A_646 = arith.maximumf %get3A_643, %max3A_645 : vector<16xf32>
      %div3A_647 = arith.constant 1.000000e+00 : f32
      %div3A_648 = vector.broadcast %div3A_647 : f32 to vector<16xf32>
      %div3A_649 = arith.divf %div3A_648, %max3A_646 : vector<16xf32>
      %swap3A_650 = arith.constant 5 : i32
      %swap3A_651 = arith.index_cast %swap3A_650 : i32 to index
      %swap3A_652 = arith.constant 32 : index
      %swap3A_653 = tpu.vector_load %arg8[%swap3A_651, %swap3A_652] {strides = array<i32>} : memref<8x128xf32, #tpu.memory_space<vmem>>, vector<16xf32>,
      tpu.vector_store %arg8[%swap3A_651, %swap3A_652], %div3A_649 {strides = array<i32>} : memref<8x128xf32, #tpu.memory_space<vmem>>, vector<16xf32>,
      %get3A_654 = arith.constant 5 : i32
      %get3A_655 = arith.index_cast %get3A_654 : i32 to index
      %get3A_656 = arith.constant 48 : index
      %get3A_657 = tpu.vector_load %arg8[%get3A_655, %get3A_656] {strides = array<i32>} : memref<8x128xf32, #tpu.memory_space<vmem>>, vector<16xf32>,
      %max3A_658 = arith.constant 1.000000e+00 : f32
      %max3A_659 = vector.broadcast %max3A_658 : f32 to vector<16xf32>
      %max3A_660 = arith.maximumf %get3A_657, %max3A_659 : vector<16xf32>
      %div3A_661 = arith.constant 1.000000e+00 : f32
      %div3A_662 = vector.broadcast %div3A_661 : f32 to vector<16xf32>
      %div3A_663 = arith.divf %div3A_662, %max3A_660 : vector<16xf32>
      %swap3A_664 = arith.constant 5 : i32
      %swap3A_665 = arith.index_cast %swap3A_664 : i32 to index
      %swap3A_666 = arith.constant 48 : index
      %swap3A_667 = tpu.vector_load %arg8[%swap3A_665, %swap3A_666] {strides = array<i32>} : memref<8x128xf32, #tpu.memory_space<vmem>>, vector<16xf32>,
      tpu.vector_store %arg8[%swap3A_665, %swap3A_666], %div3A_663 {strides = array<i32>} : memref<8x128xf32, #tpu.memory_space<vmem>>, vector<16xf32>,
      %get3A_668 = arith.constant 5 : i32
      %get3A_669 = arith.index_cast %get3A_668 : i32 to index
      %get3A_670 = arith.constant 64 : index
      %get3A_671 = tpu.vector_load %arg8[%get3A_669, %get3A_670] {strides = array<i32>} : memref<8x128xf32, #tpu.memory_space<vmem>>, vector<16xf32>,
      %max3A_672 = arith.constant 1.000000e+00 : f32
      %max3A_673 = vector.broadcast %max3A_672 : f32 to vector<16xf32>
      %max3A_674 = arith.maximumf %get3A_671, %max3A_673 : vector<16xf32>
      %div3A_675 = arith.constant 1.000000e+00 : f32
      %div3A_676 = vector.broadcast %div3A_675 : f32 to vector<16xf32>
      %div3A_677 = arith.divf %div3A_676, %max3A_674 : vector<16xf32>
      %swap3A_678 = arith.constant 5 : i32
      %swap3A_679 = arith.index_cast %swap3A_678 : i32 to index
      %swap3A_680 = arith.constant 64 : index
      %swap3A_681 = tpu.vector_load %arg8[%swap3A_679, %swap3A_680] {strides = array<i32>} : memref<8x128xf32, #tpu.memory_space<vmem>>, vector<16xf32>,
      tpu.vector_store %arg8[%swap3A_679, %swap3A_680], %div3A_677 {strides = array<i32>} : memref<8x128xf32, #tpu.memory_space<vmem>>, vector<16xf32>,
      %get3A_682 = arith.constant 5 : i32
      %get3A_683 = arith.index_cast %get3A_682 : i32 to index
      %get3A_684 = arith.constant 80 : index
      %get3A_685 = tpu.vector_load %arg8[%get3A_683, %get3A_684] {strides = array<i32>} : memref<8x128xf32, #tpu.memory_space<vmem>>, vector<16xf32>,
      %max3A_686 = arith.constant 1.000000e+00 : f32
      %max3A_687 = vector.broadcast %max3A_686 : f32 to vector<16xf32>
      %max3A_688 = arith.maximumf %get3A_685, %max3A_687 : vector<16xf32>
      %div3A_689 = arith.constant 1.000000e+00 : f32
      %div3A_690 = vector.broadcast %div3A_689 : f32 to vector<16xf32>
      %div3A_691 = arith.divf %div3A_690, %max3A_688 : vector<16xf32>
      %swap3A_692 = arith.constant 5 : i32
      %swap3A_693 = arith.index_cast %swap3A_692 : i32 to index
      %swap3A_694 = arith.constant 80 : index
      %swap3A_695 = tpu.vector_load %arg8[%swap3A_693, %swap3A_694] {strides = array<i32>} : memref<8x128xf32, #tpu.memory_space<vmem>>, vector<16xf32>,
      tpu.vector_store %arg8[%swap3A_693, %swap3A_694], %div3A_691 {strides = array<i32>} : memref<8x128xf32, #tpu.memory_space<vmem>>, vector<16xf32>,
      %get3A_696 = arith.constant 5 : i32
      %get3A_697 = arith.index_cast %get3A_696 : i32 to index
      %get3A_698 = arith.constant 96 : index
      %get3A_699 = tpu.vector_load %arg8[%get3A_697, %get3A_698] {strides = array<i32>} : memref<8x128xf32, #tpu.memory_space<vmem>>, vector<16xf32>,
      %max3A_700 = arith.constant 1.000000e+00 : f32
      %max3A_701 = vector.broadcast %max3A_700 : f32 to vector<16xf32>
      %max3A_702 = arith.maximumf %get3A_699, %max3A_701 : vector<16xf32>
      %div3A_703 = arith.constant 1.000000e+00 : f32
      %div3A_704 = vector.broadcast %div3A_703 : f32 to vector<16xf32>
      %div3A_705 = arith.divf %div3A_704, %max3A_702 : vector<16xf32>
      %swap3A_706 = arith.constant 5 : i32
      %swap3A_707 = arith.index_cast %swap3A_706 : i32 to index
      %swap3A_708 = arith.constant 96 : index
      %swap3A_709 = tpu.vector_load %arg8[%swap3A_707, %swap3A_708] {strides = array<i32>} : memref<8x128xf32, #tpu.memory_space<vmem>>, vector<16xf32>,
      tpu.vector_store %arg8[%swap3A_707, %swap3A_708], %div3A_705 {strides = array<i32>} : memref<8x128xf32, #tpu.memory_space<vmem>>, vector<16xf32>,
      %get3A_710 = arith.constant 5 : i32
      %get3A_711 = arith.index_cast %get3A_710 : i32 to index
      %get3A_712 = arith.constant 112 : index
      %get3A_713 = tpu.vector_load %arg8[%get3A_711, %get3A_712] {strides = array<i32>} : memref<8x128xf32, #tpu.memory_space<vmem>>, vector<16xf32>,
      %max3A_714 = arith.constant 1.000000e+00 : f32
      %max3A_715 = vector.broadcast %max3A_714 : f32 to vector<16xf32>
      %max3A_716 = arith.maximumf %get3A_713, %max3A_715 : vector<16xf32>
      %div3A_717 = arith.constant 1.000000e+00 : f32
      %div3A_718 = vector.broadcast %div3A_717 : f32 to vector<16xf32>
      %div3A_719 = arith.divf %div3A_718, %max3A_716 : vector<16xf32>
      %swap3A_720 = arith.constant 5 : i32
      %swap3A_721 = arith.index_cast %swap3A_720 : i32 to index
      %swap3A_722 = arith.constant 112 : index
      %swap3A_723 = tpu.vector_load %arg8[%swap3A_721, %swap3A_722] {strides = array<i32>} : memref<8x128xf32, #tpu.memory_space<vmem>>, vector<16xf32>,
      tpu.vector_store %arg8[%swap3A_721, %swap3A_722], %div3A_719 {strides = array<i32>} : memref<8x128xf32, #tpu.memory_space<vmem>>, vector<16xf32>,
      %get3A_724 = arith.constant 6 : i32
      %get3A_725 = arith.index_cast %get3A_724 : i32 to index
      %get3A_726 = arith.constant 0 : index
      %get3A_727 = tpu.vector_load %arg8[%get3A_725, %get3A_726] {strides = array<i32>} : memref<8x128xf32, #tpu.memory_space<vmem>>, vector<16xf32>,
      %max3A_728 = arith.constant 1.000000e+00 : f32
      %max3A_729 = vector.broadcast %max3A_728 : f32 to vector<16xf32>
      %max3A_730 = arith.maximumf %get3A_727, %max3A_729 : vector<16xf32>
      %div3A_731 = arith.constant 1.000000e+00 : f32
      %div3A_732 = vector.broadcast %div3A_731 : f32 to vector<16xf32>
      %div3A_733 = arith.divf %div3A_732, %max3A_730 : vector<16xf32>
      %swap3A_734 = arith.constant 6 : i32
      %swap3A_735 = arith.index_cast %swap3A_734 : i32 to index
      %swap3A_736 = arith.constant 0 : index
      %swap3A_737 = tpu.vector_load %arg8[%swap3A_735, %swap3A_736] {strides = array<i32>} : memref<8x128xf32, #tpu.memory_space<vmem>>, vector<16xf32>,
      tpu.vector_store %arg8[%swap3A_735, %swap3A_736], %div3A_733 {strides = array<i32>} : memref<8x128xf32, #tpu.memory_space<vmem>>, vector<16xf32>,
      %get3A_738 = arith.constant 6 : i32
      %get3A_739 = arith.index_cast %get3A_738 : i32 to index
      %get3A_740 = arith.constant 16 : index
      %get3A_741 = tpu.vector_load %arg8[%get3A_739, %get3A_740] {strides = array<i32>} : memref<8x128xf32, #tpu.memory_space<vmem>>, vector<16xf32>,
      %max3A_742 = arith.constant 1.000000e+00 : f32
      %max3A_743 = vector.broadcast %max3A_742 : f32 to vector<16xf32>
      %max3A_744 = arith.maximumf %get3A_741, %max3A_743 : vector<16xf32>
      %div3A_745 = arith.constant 1.000000e+00 : f32
      %div3A_746 = vector.broadcast %div3A_745 : f32 to vector<16xf32>
      %div3A_747 = arith.divf %div3A_746, %max3A_744 : vector<16xf32>
      %swap3A_748 = arith.constant 6 : i32
      %swap3A_749 = arith.index_cast %swap3A_748 : i32 to index
      %swap3A_750 = arith.constant 16 : index
      %swap3A_751 = tpu.vector_load %arg8[%swap3A_749, %swap3A_750] {strides = array<i32>} : memref<8x128xf32, #tpu.memory_space<vmem>>, vector<16xf32>,
      tpu.vector_store %arg8[%swap3A_749, %swap3A_750], %div3A_747 {strides = array<i32>} : memref<8x128xf32, #tpu.memory_space<vmem>>, vector<16xf32>,
      %get3A_752 = arith.constant 6 : i32
      %get3A_753 = arith.index_cast %get3A_752 : i32 to index
      %get3A_754 = arith.constant 32 : index
      %get3A_755 = tpu.vector_load %arg8[%get3A_753, %get3A_754] {strides = array<i32>} : memref<8x128xf32, #tpu.memory_space<vmem>>, vector<16xf32>,
      %max3A_756 = arith.constant 1.000000e+00 : f32
      %max3A_757 = vector.broadcast %max3A_756 : f32 to vector<16xf32>
      %max3A_758 = arith.maximumf %get3A_755, %max3A_757 : vector<16xf32>
      %div3A_759 = arith.constant 1.000000e+00 : f32
      %div3A_760 = vector.broadcast %div3A_759 : f32 to vector<16xf32>
      %div3A_761 = arith.divf %div3A_760, %max3A_758 : vector<16xf32>
      %swap3A_762 = arith.constant 6 : i32
      %swap3A_763 = arith.index_cast %swap3A_762 : i32 to index
      %swap3A_764 = arith.constant 32 : index
      %swap3A_765 = tpu.vector_load %arg8[%swap3A_763, %swap3A_764] {strides = array<i32>} : memref<8x128xf32, #tpu.memory_space<vmem>>, vector<16xf32>,
      tpu.vector_store %arg8[%swap3A_763, %swap3A_764], %div3A_761 {strides = array<i32>} : memref<8x128xf32, #tpu.memory_space<vmem>>, vector<16xf32>,
      %get3A_766 = arith.constant 6 : i32
      %get3A_767 = arith.index_cast %get3A_766 : i32 to index
      %get3A_768 = arith.constant 48 : index
      %get3A_769 = tpu.vector_load %arg8[%get3A_767, %get3A_768] {strides = array<i32>} : memref<8x128xf32, #tpu.memory_space<vmem>>, vector<16xf32>,
      %max3A_770 = arith.constant 1.000000e+00 : f32
      %max3A_771 = vector.broadcast %max3A_770 : f32 to vector<16xf32>
      %max3A_772 = arith.maximumf %get3A_769, %max3A_771 : vector<16xf32>
      %div3A_773 = arith.constant 1.000000e+00 : f32
      %div3A_774 = vector.broadcast %div3A_773 : f32 to vector<16xf32>
      %div3A_775 = arith.divf %div3A_774, %max3A_772 : vector<16xf32>
      %swap3A_776 = arith.constant 6 : i32
      %swap3A_777 = arith.index_cast %swap3A_776 : i32 to index
      %swap3A_778 = arith.constant 48 : index
      %swap3A_779 = tpu.vector_load %arg8[%swap3A_777, %swap3A_778] {strides = array<i32>} : memref<8x128xf32, #tpu.memory_space<vmem>>, vector<16xf32>,
      tpu.vector_store %arg8[%swap3A_777, %swap3A_778], %div3A_775 {strides = array<i32>} : memref<8x128xf32, #tpu.memory_space<vmem>>, vector<16xf32>,
      %get3A_780 = arith.constant 6 : i32
      %get3A_781 = arith.index_cast %get3A_780 : i32 to index
      %get3A_782 = arith.constant 64 : index
      %get3A_783 = tpu.vector_load %arg8[%get3A_781, %get3A_782] {strides = array<i32>} : memref<8x128xf32, #tpu.memory_space<vmem>>, vector<16xf32>,
      %max3A_784 = arith.constant 1.000000e+00 : f32
      %max3A_785 = vector.broadcast %max3A_784 : f32 to vector<16xf32>
      %max3A_786 = arith.maximumf %get3A_783, %max3A_785 : vector<16xf32>
      %div3A_787 = arith.constant 1.000000e+00 : f32
      %div3A_788 = vector.broadcast %div3A_787 : f32 to vector<16xf32>
      %div3A_789 = arith.divf %div3A_788, %max3A_786 : vector<16xf32>
      %swap3A_790 = arith.constant 6 : i32
      %swap3A_791 = arith.index_cast %swap3A_790 : i32 to index
      %swap3A_792 = arith.constant 64 : index
      %swap3A_793 = tpu.vector_load %arg8[%swap3A_791, %swap3A_792] {strides = array<i32>} : memref<8x128xf32, #tpu.memory_space<vmem>>, vector<16xf32>,
      tpu.vector_store %arg8[%swap3A_791, %swap3A_792], %div3A_789 {strides = array<i32>} : memref<8x128xf32, #tpu.memory_space<vmem>>, vector<16xf32>,
      %get3A_794 = arith.constant 6 : i32
      %get3A_795 = arith.index_cast %get3A_794 : i32 to index
      %get3A_796 = arith.constant 80 : index
      %get3A_797 = tpu.vector_load %arg8[%get3A_795, %get3A_796] {strides = array<i32>} : memref<8x128xf32, #tpu.memory_space<vmem>>, vector<16xf32>,
      %max3A_798 = arith.constant 1.000000e+00 : f32
      %max3A_799 = vector.broadcast %max3A_798 : f32 to vector<16xf32>
      %max3A_800 = arith.maximumf %get3A_797, %max3A_799 : vector<16xf32>
      %div3A_801 = arith.constant 1.000000e+00 : f32
      %div3A_802 = vector.broadcast %div3A_801 : f32 to vector<16xf32>
      %div3A_803 = arith.divf %div3A_802, %max3A_800 : vector<16xf32>
      %swap3A_804 = arith.constant 6 : i32
      %swap3A_805 = arith.index_cast %swap3A_804 : i32 to index
      %swap3A_806 = arith.constant 80 : index
      %swap3A_807 = tpu.vector_load %arg8[%swap3A_805, %swap3A_806] {strides = array<i32>} : memref<8x128xf32, #tpu.memory_space<vmem>>, vector<16xf32>,
      tpu.vector_store %arg8[%swap3A_805, %swap3A_806], %div3A_803 {strides = array<i32>} : memref<8x128xf32, #tpu.memory_space<vmem>>, vector<16xf32>,
      %get3A_808 = arith.constant 6 : i32
      %get3A_809 = arith.index_cast %get3A_808 : i32 to index
      %get3A_810 = arith.constant 96 : index
      %get3A_811 = tpu.vector_load %arg8[%get3A_809, %get3A_810] {strides = array<i32>} : memref<8x128xf32, #tpu.memory_space<vmem>>, vector<16xf32>,
      %max3A_812 = arith.constant 1.000000e+00 : f32
      %max3A_813 = vector.broadcast %max3A_812 : f32 to vector<16xf32>
      %max3A_814 = arith.maximumf %get3A_811, %max3A_813 : vector<16xf32>
      %div3A_815 = arith.constant 1.000000e+00 : f32
      %div3A_816 = vector.broadcast %div3A_815 : f32 to vector<16xf32>
      %div3A_817 = arith.divf %div3A_816, %max3A_814 : vector<16xf32>
      %swap3A_818 = arith.constant 6 : i32
      %swap3A_819 = arith.index_cast %swap3A_818 : i32 to index
      %swap3A_820 = arith.constant 96 : index
      %swap3A_821 = tpu.vector_load %arg8[%swap3A_819, %swap3A_820] {strides = array<i32>} : memref<8x128xf32, #tpu.memory_space<vmem>>, vector<16xf32>,
      tpu.vector_store %arg8[%swap3A_819, %swap3A_820], %div3A_817 {strides = array<i32>} : memref<8x128xf32, #tpu.memory_space<vmem>>, vector<16xf32>,
      %get3A_822 = arith.constant 6 : i32
      %get3A_823 = arith.index_cast %get3A_822 : i32 to index
      %get3A_824 = arith.constant 112 : index
      %get3A_825 = tpu.vector_load %arg8[%get3A_823, %get3A_824] {strides = array<i32>} : memref<8x128xf32, #tpu.memory_space<vmem>>, vector<16xf32>,
      %max3A_826 = arith.constant 1.000000e+00 : f32
      %max3A_827 = vector.broadcast %max3A_826 : f32 to vector<16xf32>
      %max3A_828 = arith.maximumf %get3A_825, %max3A_827 : vector<16xf32>
      %div3A_829 = arith.constant 1.000000e+00 : f32
      %div3A_830 = vector.broadcast %div3A_829 : f32 to vector<16xf32>
      %div3A_831 = arith.divf %div3A_830, %max3A_828 : vector<16xf32>
      %swap3A_832 = arith.constant 6 : i32
      %swap3A_833 = arith.index_cast %swap3A_832 : i32 to index
      %swap3A_834 = arith.constant 112 : index
      %swap3A_835 = tpu.vector_load %arg8[%swap3A_833, %swap3A_834] {strides = array<i32>} : memref<8x128xf32, #tpu.memory_space<vmem>>, vector<16xf32>,
      tpu.vector_store %arg8[%swap3A_833, %swap3A_834], %div3A_831 {strides = array<i32>} : memref<8x128xf32, #tpu.memory_space<vmem>>, vector<16xf32>,
      %get3A_836 = arith.constant 7 : i32
      %get3A_837 = arith.index_cast %get3A_836 : i32 to index
      %get3A_838 = arith.constant 0 : index
      %get3A_839 = tpu.vector_load %arg8[%get3A_837, %get3A_838] {strides = array<i32>} : memref<8x128xf32, #tpu.memory_space<vmem>>, vector<16xf32>,
      %max3A_840 = arith.constant 1.000000e+00 : f32
      %max3A_841 = vector.broadcast %max3A_840 : f32 to vector<16xf32>
      %max3A_842 = arith.maximumf %get3A_839, %max3A_841 : vector<16xf32>
      %div3A_843 = arith.constant 1.000000e+00 : f32
      %div3A_844 = vector.broadcast %div3A_843 : f32 to vector<16xf32>
      %div3A_845 = arith.divf %div3A_844, %max3A_842 : vector<16xf32>
      %swap3A_846 = arith.constant 7 : i32
      %swap3A_847 = arith.index_cast %swap3A_846 : i32 to index
      %swap3A_848 = arith.constant 0 : index
      %swap3A_849 = tpu.vector_load %arg8[%swap3A_847, %swap3A_848] {strides = array<i32>} : memref<8x128xf32, #tpu.memory_space<vmem>>, vector<16xf32>,
      tpu.vector_store %arg8[%swap3A_847, %swap3A_848], %div3A_845 {strides = array<i32>} : memref<8x128xf32, #tpu.memory_space<vmem>>, vector<16xf32>,
      %get3A_850 = arith.constant 7 : i32
      %get3A_851 = arith.index_cast %get3A_850 : i32 to index
      %get3A_852 = arith.constant 16 : index
      %get3A_853 = tpu.vector_load %arg8[%get3A_851, %get3A_852] {strides = array<i32>} : memref<8x128xf32, #tpu.memory_space<vmem>>, vector<16xf32>,
      %max3A_854 = arith.constant 1.000000e+00 : f32
      %max3A_855 = vector.broadcast %max3A_854 : f32 to vector<16xf32>
      %max3A_856 = arith.maximumf %get3A_853, %max3A_855 : vector<16xf32>
      %div3A_857 = arith.constant 1.000000e+00 : f32
      %div3A_858 = vector.broadcast %div3A_857 : f32 to vector<16xf32>
      %div3A_859 = arith.divf %div3A_858, %max3A_856 : vector<16xf32>
      %swap3A_860 = arith.constant 7 : i32
      %swap3A_861 = arith.index_cast %swap3A_860 : i32 to index
      %swap3A_862 = arith.constant 16 : index
      %swap3A_863 = tpu.vector_load %arg8[%swap3A_861, %swap3A_862] {strides = array<i32>} : memref<8x128xf32, #tpu.memory_space<vmem>>, vector<16xf32>,
      tpu.vector_store %arg8[%swap3A_861, %swap3A_862], %div3A_859 {strides = array<i32>} : memref<8x128xf32, #tpu.memory_space<vmem>>, vector<16xf32>,
      %get3A_864 = arith.constant 7 : i32
      %get3A_865 = arith.index_cast %get3A_864 : i32 to index
      %get3A_866 = arith.constant 32 : index
      %get3A_867 = tpu.vector_load %arg8[%get3A_865, %get3A_866] {strides = array<i32>} : memref<8x128xf32, #tpu.memory_space<vmem>>, vector<16xf32>,
      %max3A_868 = arith.constant 1.000000e+00 : f32
      %max3A_869 = vector.broadcast %max3A_868 : f32 to vector<16xf32>
      %max3A_870 = arith.maximumf %get3A_867, %max3A_869 : vector<16xf32>
      %div3A_871 = arith.constant 1.000000e+00 : f32
      %div3A_872 = vector.broadcast %div3A_871 : f32 to vector<16xf32>
      %div3A_873 = arith.divf %div3A_872, %max3A_870 : vector<16xf32>
      %swap3A_874 = arith.constant 7 : i32
      %swap3A_875 = arith.index_cast %swap3A_874 : i32 to index
      %swap3A_876 = arith.constant 32 : index
      %swap3A_877 = tpu.vector_load %arg8[%swap3A_875, %swap3A_876] {strides = array<i32>} : memref<8x128xf32, #tpu.memory_space<vmem>>, vector<16xf32>,
      tpu.vector_store %arg8[%swap3A_875, %swap3A_876], %div3A_873 {strides = array<i32>} : memref<8x128xf32, #tpu.memory_space<vmem>>, vector<16xf32>,
      %get3A_878 = arith.constant 7 : i32
      %get3A_879 = arith.index_cast %get3A_878 : i32 to index
      %get3A_880 = arith.constant 48 : index
      %get3A_881 = tpu.vector_load %arg8[%get3A_879, %get3A_880] {strides = array<i32>} : memref<8x128xf32, #tpu.memory_space<vmem>>, vector<16xf32>,
      %max3A_882 = arith.constant 1.000000e+00 : f32
      %max3A_883 = vector.broadcast %max3A_882 : f32 to vector<16xf32>
      %max3A_884 = arith.maximumf %get3A_881, %max3A_883 : vector<16xf32>
      %div3A_885 = arith.constant 1.000000e+00 : f32
      %div3A_886 = vector.broadcast %div3A_885 : f32 to vector<16xf32>
      %div3A_887 = arith.divf %div3A_886, %max3A_884 : vector<16xf32>
      %swap3A_888 = arith.constant 7 : i32
      %swap3A_889 = arith.index_cast %swap3A_888 : i32 to index
      %swap3A_890 = arith.constant 48 : index
      %swap3A_891 = tpu.vector_load %arg8[%swap3A_889, %swap3A_890] {strides = array<i32>} : memref<8x128xf32, #tpu.memory_space<vmem>>, vector<16xf32>,
      tpu.vector_store %arg8[%swap3A_889, %swap3A_890], %div3A_887 {strides = array<i32>} : memref<8x128xf32, #tpu.memory_space<vmem>>, vector<16xf32>,
      %get3A_892 = arith.constant 7 : i32
      %get3A_893 = arith.index_cast %get3A_892 : i32 to index
      %get3A_894 = arith.constant 64 : index
      %get3A_895 = tpu.vector_load %arg8[%get3A_893, %get3A_894] {strides = array<i32>} : memref<8x128xf32, #tpu.memory_space<vmem>>, vector<16xf32>,
      %max3A_896 = arith.constant 1.000000e+00 : f32
      %max3A_897 = vector.broadcast %max3A_896 : f32 to vector<16xf32>
      %max3A_898 = arith.maximumf %get3A_895, %max3A_897 : vector<16xf32>
      %div3A_899 = arith.constant 1.000000e+00 : f32
      %div3A_900 = vector.broadcast %div3A_899 : f32 to vector<16xf32>
      %div3A_901 = arith.divf %div3A_900, %max3A_898 : vector<16xf32>
      %swap3A_902 = arith.constant 7 : i32
      %swap3A_903 = arith.index_cast %swap3A_902 : i32 to index
      %swap3A_904 = arith.constant 64 : index
      %swap3A_905 = tpu.vector_load %arg8[%swap3A_903, %swap3A_904] {strides = array<i32>} : memref<8x128xf32, #tpu.memory_space<vmem>>, vector<16xf32>,
      tpu.vector_store %arg8[%swap3A_903, %swap3A_904], %div3A_901 {strides = array<i32>} : memref<8x128xf32, #tpu.memory_space<vmem>>, vector<16xf32>,
      %get3A_906 = arith.constant 7 : i32
      %get3A_907 = arith.index_cast %get3A_906 : i32 to index
      %get3A_908 = arith.constant 80 : index
      %get3A_909 = tpu.vector_load %arg8[%get3A_907, %get3A_908] {strides = array<i32>} : memref<8x128xf32, #tpu.memory_space<vmem>>, vector<16xf32>,
      %max3A_910 = arith.constant 1.000000e+00 : f32
      %max3A_911 = vector.broadcast %max3A_910 : f32 to vector<16xf32>
      %max3A_912 = arith.maximumf %get3A_909, %max3A_911 : vector<16xf32>
      %div3A_913 = arith.constant 1.000000e+00 : f32
      %div3A_914 = vector.broadcast %div3A_913 : f32 to vector<16xf32>
      %div3A_915 = arith.divf %div3A_914, %max3A_912 : vector<16xf32>
      %swap3A_916 = arith.constant 7 : i32
      %swap3A_917 = arith.index_cast %swap3A_916 : i32 to index
      %swap3A_918 = arith.constant 80 : index
      %swap3A_919 = tpu.vector_load %arg8[%swap3A_917, %swap3A_918] {strides = array<i32>} : memref<8x128xf32, #tpu.memory_space<vmem>>, vector<16xf32>,
      tpu.vector_store %arg8[%swap3A_917, %swap3A_918], %div3A_915 {strides = array<i32>} : memref<8x128xf32, #tpu.memory_space<vmem>>, vector<16xf32>,
      %get3A_920 = arith.constant 7 : i32
      %get3A_921 = arith.index_cast %get3A_920 : i32 to index
      %get3A_922 = arith.constant 96 : index
      %get3A_923 = tpu.vector_load %arg8[%get3A_921, %get3A_922] {strides = array<i32>} : memref<8x128xf32, #tpu.memory_space<vmem>>, vector<16xf32>,
      %max3A_924 = arith.constant 1.000000e+00 : f32
      %max3A_925 = vector.broadcast %max3A_924 : f32 to vector<16xf32>
      %max3A_926 = arith.maximumf %get3A_923, %max3A_925 : vector<16xf32>
      %div3A_927 = arith.constant 1.000000e+00 : f32
      %div3A_928 = vector.broadcast %div3A_927 : f32 to vector<16xf32>
      %div3A_929 = arith.divf %div3A_928, %max3A_926 : vector<16xf32>
      %swap3A_930 = arith.constant 7 : i32
      %swap3A_931 = arith.index_cast %swap3A_930 : i32 to index
      %swap3A_932 = arith.constant 96 : index
      %swap3A_933 = tpu.vector_load %arg8[%swap3A_931, %swap3A_932] {strides = array<i32>} : memref<8x128xf32, #tpu.memory_space<vmem>>, vector<16xf32>,
      tpu.vector_store %arg8[%swap3A_931, %swap3A_932], %div3A_929 {strides = array<i32>} : memref<8x128xf32, #tpu.memory_space<vmem>>, vector<16xf32>,
      %get3A_934 = arith.constant 7 : i32
      %get3A_935 = arith.index_cast %get3A_934 : i32 to index
      %get3A_936 = arith.constant 112 : index
      %get3A_937 = tpu.vector_load %arg8[%get3A_935, %get3A_936] {strides = array<i32>} : memref<8x128xf32, #tpu.memory_space<vmem>>, vector<16xf32>,
      %max3A_938 = arith.constant 1.000000e+00 : f32
      %max3A_939 = vector.broadcast %max3A_938 : f32 to vector<16xf32>
      %max3A_940 = arith.maximumf %get3A_937, %max3A_939 : vector<16xf32>
      %div3A_941 = arith.constant 1.000000e+00 : f32
      %div3A_942 = vector.broadcast %div3A_941 : f32 to vector<16xf32>
      %div3A_943 = arith.divf %div3A_942, %max3A_940 : vector<16xf32>
      %swap3A_944 = arith.constant 7 : i32
      %swap3A_945 = arith.index_cast %swap3A_944 : i32 to index
      %swap3A_946 = arith.constant 112 : index
      %swap3A_947 = tpu.vector_load %arg8[%swap3A_945, %swap3A_946] {strides = array<i32>} : memref<8x128xf32, #tpu.memory_space<vmem>>, vector<16xf32>,
      tpu.vector_store %arg8[%swap3A_945, %swap3A_946], %div3A_943 {strides = array<i32>} : memref<8x128xf32, #tpu.memory_space<vmem>>, vector<16xf32>,
      %mul3A_948 = arith.constant 8 : i32
      %mul3A_949 = arith.muli %add3A_52, %mul3A_948 : i32
      "tpu.region"() ({
        %run_scoped3A = tpu.sem_alloc : memref<!tpu.dma_semaphore, #tpu.memory_space<semaphore_mem>>
        %dma_start3A = arith.constant 0 : i32
        %dma_start3A_950 = tpu.memref_slice %arg4[%mul3A_949, %dma_start3A] : memref<80x128xf32, #tpu.memory_space<hbm>> -> memref<8x128xf32, #tpu.memory_space<hbm>>
        %dma_start3A_951 = arith.constant 0 : i32
        %dma_start3A_952 = tpu.memref_slice %arg4[%mul3A_949, %dma_start3A_951] : memref<80x128xf32, #tpu.memory_space<hbm>> -> memref<8x128xf32, #tpu.memory_space<hbm>>
        tpu.enqueue_dma source(%arg8 : memref<8x128xf32, #tpu.memory_space<vmem>>) target(%dma_start3A_952 : memref<8x128xf32, #tpu.memory_space<hbm>>) target_semaphore(%run_scoped3A : memref<!tpu.dma_semaphore, #tpu.memory_space<semaphore_mem>>)
        %dma_wait3A = arith.constant 0 : i32
        %dma_wait3A_953 = tpu.memref_slice %arg4[%mul3A_949, %dma_wait3A] : memref<80x128xf32, #tpu.memory_space<hbm>> -> memref<8x128xf32, #tpu.memory_space<hbm>>
        %dma_wait3A_954 = arith.constant 0 : i32
        %dma_wait3A_955 = tpu.memref_slice %arg4[%mul3A_949, %dma_wait3A_954] : memref<80x128xf32, #tpu.memory_space<hbm>> -> memref<8x128xf32, #tpu.memory_space<hbm>>
        tpu.wait_dma2 semaphore(%run_scoped3A : memref<!tpu.dma_semaphore, #tpu.memory_space<semaphore_mem>>) src(%arg8 : memref<8x128xf32, #tpu.memory_space<vmem>>) dst(%dma_wait3A_955 : memref<8x128xf32, #tpu.memory_space<hbm>>)
        tpu.yield
      }) : () -> ()
    } else {
    }
    return
  }
}

#map = affine_map<(d0, d1) -> (0, 0)>
module attributes {stable_mosaic.version = 14 : i64} {
  func.func @sc_aggregate(%arg0: i32, %arg1: i32, %arg2: memref<10000x128xf32, #tpu.memory_space<hbm>>, %arg3: memref<10000x128xf32, #tpu.memory_space<hbm>>, %arg4: memref<1280x125xi32, #tpu.memory_space<hbm>>, %arg5: memref<1280x125xi32, #tpu.memory_space<hbm>>, %arg6: memref<10000x128xf32, #tpu.memory_space<hbm>>, %arg7: memref<10000x128xf32, #tpu.memory_space<hbm>>, %arg8: memref<10000x128xf32, #tpu.memory_space<hbm>>, %arg9: memref<40x125xi32, #tpu.memory_space<vmem>>, %arg10: memref<40x125xi32, #tpu.memory_space<vmem>>, %arg11: memref<125x128xf32, #tpu.memory_space<vmem>>, %arg12: memref<125x128xf32, #tpu.memory_space<vmem>>, %arg13: memref<10000x128xf32, #tpu.memory_space<vmem_shared>>, %arg14: memref<!tpu.dma_semaphore, #tpu.memory_space<semaphore_mem>>, %arg15: memref<!tpu.dma_semaphore, #tpu.memory_space<semaphore_mem>>, %arg16: memref<!tpu.dma_semaphore, #tpu.memory_space<semaphore_mem>>) attributes {dimension_semantics = [#tpu.dimension_semantics<core_parallel>, #tpu.dimension_semantics<subcore_parallel>], iteration_bounds = array<i64: 2, 16>, scalar_prefetch = 0 : i64, scratch_operands = 8 : i64, tpu.core_type = #tpu.core_type<sc_vector_subcore>, window_params = [{transform_indices = #map}, {transform_indices = #map}, {transform_indices = #map}, {transform_indices = #map}, {transform_indices = #map}, {transform_indices = #map}, {transform_indices = #map}]} {
    %lt3A = arith.constant 15 : i32
    %lt3A_0 = arith.cmpi slt, %arg1, %lt3A : i32
    %convert_element_type3A = arith.extui %lt3A_0 : i1 to i32
    %cond3A = arith.constant 0 : i32
    %cond3A_1 = arith.cmpi ne, %convert_element_type3A, %cond3A : i32
    scf.if %cond3A_1 {
      %mul3A = arith.constant 640 : i32
      %mul3A_26 = arith.muli %arg1, %mul3A : i32
      %mul3A_27 = arith.constant 640 : i32
      %mul3A_28 = arith.muli %arg1, %mul3A_27 : i32
      %dma_start3A = arith.constant 0 : i32
      %dma_start3A_29 = tpu.memref_slice %arg13[%mul3A_28, %dma_start3A] : memref<10000x128xf32, #tpu.memory_space<vmem_shared>> -> memref<640x128xf32, #tpu.memory_space<vmem_shared>>
      %dma_start3A_30 = arith.constant 0 : i32
      %dma_start3A_31 = tpu.memref_slice %arg6[%mul3A_26, %dma_start3A_30] : memref<10000x128xf32, #tpu.memory_space<hbm>> -> memref<640x128xf32, #tpu.memory_space<hbm>>
      tpu.enqueue_dma source(%dma_start3A_31 : memref<640x128xf32, #tpu.memory_space<hbm>>) target(%dma_start3A_29 : memref<640x128xf32, #tpu.memory_space<vmem_shared>>) target_semaphore(%arg16 : memref<!tpu.dma_semaphore, #tpu.memory_space<semaphore_mem>>)
    } else {
    }
    %eq3A = arith.constant 15 : i32
    %eq3A_2 = arith.cmpi eq, %arg1, %eq3A : i32
    %convert_element_type3A_3 = arith.extui %eq3A_2 : i1 to i32
    %cond3A_4 = arith.constant 0 : i32
    %cond3A_5 = arith.cmpi ne, %convert_element_type3A_3, %cond3A_4 : i32
    scf.if %cond3A_5 {
      %dma_start3A = arith.constant 9600 : i32
      %dma_start3A_26 = arith.constant 0 : i32
      %dma_start3A_27 = tpu.memref_slice %arg13[%dma_start3A, %dma_start3A_26] : memref<10000x128xf32, #tpu.memory_space<vmem_shared>> -> memref<400x128xf32, #tpu.memory_space<vmem_shared>>
      %dma_start3A_28 = arith.constant 9600 : i32
      %dma_start3A_29 = arith.constant 0 : i32
      %dma_start3A_30 = tpu.memref_slice %arg6[%dma_start3A_28, %dma_start3A_29] : memref<10000x128xf32, #tpu.memory_space<hbm>> -> memref<400x128xf32, #tpu.memory_space<hbm>>
      tpu.enqueue_dma source(%dma_start3A_30 : memref<400x128xf32, #tpu.memory_space<hbm>>) target(%dma_start3A_27 : memref<400x128xf32, #tpu.memory_space<vmem_shared>>) target_semaphore(%arg16 : memref<!tpu.dma_semaphore, #tpu.memory_space<semaphore_mem>>)
    } else {
    }
    %eq3A_6 = arith.constant 0 : i32
    %eq3A_7 = arith.cmpi eq, %arg0, %eq3A_6 : i32
    %convert_element_type3A_8 = arith.extui %eq3A_7 : i1 to i32
    %cond3A_9 = arith.constant 0 : i32
    %cond3A_10 = arith.cmpi ne, %convert_element_type3A_8, %cond3A_9 : i32
    scf.if %cond3A_10 {
      %mul3A = arith.constant 80 : i32
      %mul3A_26 = arith.muli %arg1, %mul3A : i32
      "tpu.region"() ({
        %run_scoped3A = tpu.sem_alloc : memref<!tpu.dma_semaphore, #tpu.memory_space<semaphore_mem>>
        %dma_start3A_79 = arith.constant 0 : i32
        %dma_start3A_80 = tpu.memref_slice %arg4[%mul3A_26, %dma_start3A_79] : memref<1280x125xi32, #tpu.memory_space<hbm>> -> memref<40x125xi32, #tpu.memory_space<hbm>>
        %dma_start3A_81 = arith.constant 0 : i32
        %dma_start3A_82 = tpu.memref_slice %arg4[%mul3A_26, %dma_start3A_81] : memref<1280x125xi32, #tpu.memory_space<hbm>> -> memref<40x125xi32, #tpu.memory_space<hbm>>
        tpu.enqueue_dma source(%dma_start3A_82 : memref<40x125xi32, #tpu.memory_space<hbm>>) target(%arg9 : memref<40x125xi32, #tpu.memory_space<vmem>>) target_semaphore(%run_scoped3A : memref<!tpu.dma_semaphore, #tpu.memory_space<semaphore_mem>>)
        %dma_wait3A = arith.constant 0 : i32
        %dma_wait3A_83 = tpu.memref_slice %arg4[%mul3A_26, %dma_wait3A] : memref<1280x125xi32, #tpu.memory_space<hbm>> -> memref<40x125xi32, #tpu.memory_space<hbm>>
        %dma_wait3A_84 = arith.constant 0 : i32
        %dma_wait3A_85 = tpu.memref_slice %arg4[%mul3A_26, %dma_wait3A_84] : memref<1280x125xi32, #tpu.memory_space<hbm>> -> memref<40x125xi32, #tpu.memory_space<hbm>>
        tpu.wait_dma2 semaphore(%run_scoped3A : memref<!tpu.dma_semaphore, #tpu.memory_space<semaphore_mem>>) src(%dma_wait3A_85 : memref<40x125xi32, #tpu.memory_space<hbm>>) dst(%arg9 : memref<40x125xi32, #tpu.memory_space<vmem>>)
        tpu.yield
      }) : () -> ()
      "tpu.region"() ({
        %run_scoped3A = tpu.sem_alloc : memref<!tpu.dma_semaphore, #tpu.memory_space<semaphore_mem>>
        %dma_start3A_79 = arith.constant 0 : i32
        %dma_start3A_80 = tpu.memref_slice %arg5[%mul3A_26, %dma_start3A_79] : memref<1280x125xi32, #tpu.memory_space<hbm>> -> memref<40x125xi32, #tpu.memory_space<hbm>>
        %dma_start3A_81 = arith.constant 0 : i32
        %dma_start3A_82 = tpu.memref_slice %arg5[%mul3A_26, %dma_start3A_81] : memref<1280x125xi32, #tpu.memory_space<hbm>> -> memref<40x125xi32, #tpu.memory_space<hbm>>
        tpu.enqueue_dma source(%dma_start3A_82 : memref<40x125xi32, #tpu.memory_space<hbm>>) target(%arg10 : memref<40x125xi32, #tpu.memory_space<vmem>>) target_semaphore(%run_scoped3A : memref<!tpu.dma_semaphore, #tpu.memory_space<semaphore_mem>>)
        %dma_wait3A = arith.constant 0 : i32
        %dma_wait3A_83 = tpu.memref_slice %arg5[%mul3A_26, %dma_wait3A] : memref<1280x125xi32, #tpu.memory_space<hbm>> -> memref<40x125xi32, #tpu.memory_space<hbm>>
        %dma_wait3A_84 = arith.constant 0 : i32
        %dma_wait3A_85 = tpu.memref_slice %arg5[%mul3A_26, %dma_wait3A_84] : memref<1280x125xi32, #tpu.memory_space<hbm>> -> memref<40x125xi32, #tpu.memory_space<hbm>>
        tpu.wait_dma2 semaphore(%run_scoped3A : memref<!tpu.dma_semaphore, #tpu.memory_space<semaphore_mem>>) src(%dma_wait3A_85 : memref<40x125xi32, #tpu.memory_space<hbm>>) dst(%arg10 : memref<40x125xi32, #tpu.memory_space<vmem>>)
        tpu.yield
      }) : () -> ()
      %dma_start3A = arith.constant 0 : i32
      %dma_start3A_27 = arith.constant 0 : i32
      %dma_start3A_28 = tpu.memref_slice %arg9[%dma_start3A, %dma_start3A_27] : memref<40x125xi32, #tpu.memory_space<vmem>> -> memref<1x125xi32, #tpu.memory_space<vmem>>
      %dma_start3A_29 = tpu.memref_squeeze %dma_start3A_28 : memref<1x125xi32, #tpu.memory_space<vmem>> -> memref<125xi32, #tpu.memory_space<vmem>>
      %dma_start3A_30 = arith.constant 0 : i32
      %dma_start3A_31 = arith.constant 0 : i32
      %dma_start3A_32 = tpu.memref_slice %arg2[%dma_start3A_30, %dma_start3A_31] : memref<10000x128xf32, #tpu.memory_space<hbm>> -> memref<10000x128xf32, #tpu.memory_space<hbm>>
      tpu.enqueue_indirect_dma source(%dma_start3A_32 : memref<10000x128xf32, #tpu.memory_space<hbm>>) target(%arg11 : memref<125x128xf32, #tpu.memory_space<vmem>>) offsets(%dma_start3A_29 : memref<125xi32, #tpu.memory_space<vmem>>) semaphore(%arg14 : memref<!tpu.dma_semaphore, #tpu.memory_space<semaphore_mem>>)
      %dma_start3A_33 = arith.constant 1 : i32
      %dma_start3A_34 = arith.constant 0 : i32
      %dma_start3A_35 = tpu.memref_slice %arg9[%dma_start3A_33, %dma_start3A_34] : memref<40x125xi32, #tpu.memory_space<vmem>> -> memref<1x125xi32, #tpu.memory_space<vmem>>
      %dma_start3A_36 = tpu.memref_squeeze %dma_start3A_35 : memref<1x125xi32, #tpu.memory_space<vmem>> -> memref<125xi32, #tpu.memory_space<vmem>>
      %dma_start3A_37 = arith.constant 0 : i32
      %dma_start3A_38 = arith.constant 0 : i32
      %dma_start3A_39 = tpu.memref_slice %arg2[%dma_start3A_37, %dma_start3A_38] : memref<10000x128xf32, #tpu.memory_space<hbm>> -> memref<10000x128xf32, #tpu.memory_space<hbm>>
      tpu.enqueue_indirect_dma source(%dma_start3A_39 : memref<10000x128xf32, #tpu.memory_space<hbm>>) target(%arg12 : memref<125x128xf32, #tpu.memory_space<vmem>>) offsets(%dma_start3A_36 : memref<125xi32, #tpu.memory_space<vmem>>) semaphore(%arg15 : memref<!tpu.dma_semaphore, #tpu.memory_space<semaphore_mem>>)
      %lt3A_40 = arith.constant 15 : i32
      %lt3A_41 = arith.cmpi slt, %arg1, %lt3A_40 : i32
      %convert_element_type3A_42 = arith.extui %lt3A_41 : i1 to i32
      %cond3A_43 = arith.constant 0 : i32
      %cond3A_44 = arith.cmpi ne, %convert_element_type3A_42, %cond3A_43 : i32
      scf.if %cond3A_44 {
        %mul3A_79 = arith.constant 640 : i32
        %mul3A_80 = arith.muli %arg1, %mul3A_79 : i32
        %mul3A_81 = arith.constant 640 : i32
        %mul3A_82 = arith.muli %arg1, %mul3A_81 : i32
        %dma_wait3A = arith.constant 0 : i32
        %dma_wait3A_83 = tpu.memref_slice %arg13[%mul3A_82, %dma_wait3A] : memref<10000x128xf32, #tpu.memory_space<vmem_shared>> -> memref<640x128xf32, #tpu.memory_space<vmem_shared>>
        %dma_wait3A_84 = arith.constant 0 : i32
        %dma_wait3A_85 = tpu.memref_slice %arg6[%mul3A_80, %dma_wait3A_84] : memref<10000x128xf32, #tpu.memory_space<hbm>> -> memref<640x128xf32, #tpu.memory_space<hbm>>
        tpu.wait_dma2 semaphore(%arg16 : memref<!tpu.dma_semaphore, #tpu.memory_space<semaphore_mem>>) src(%dma_wait3A_85 : memref<640x128xf32, #tpu.memory_space<hbm>>) dst(%dma_wait3A_83 : memref<640x128xf32, #tpu.memory_space<vmem_shared>>)
      } else {
      }
      %eq3A_45 = arith.constant 15 : i32
      %eq3A_46 = arith.cmpi eq, %arg1, %eq3A_45 : i32
      %convert_element_type3A_47 = arith.extui %eq3A_46 : i1 to i32
      %cond3A_48 = arith.constant 0 : i32
      %cond3A_49 = arith.cmpi ne, %convert_element_type3A_47, %cond3A_48 : i32
      scf.if %cond3A_49 {
        %dma_wait3A = arith.constant 9600 : i32
        %dma_wait3A_79 = arith.constant 0 : i32
        %dma_wait3A_80 = tpu.memref_slice %arg13[%dma_wait3A, %dma_wait3A_79] : memref<10000x128xf32, #tpu.memory_space<vmem_shared>> -> memref<400x128xf32, #tpu.memory_space<vmem_shared>>
        %dma_wait3A_81 = arith.constant 9600 : i32
        %dma_wait3A_82 = arith.constant 0 : i32
        %dma_wait3A_83 = tpu.memref_slice %arg6[%dma_wait3A_81, %dma_wait3A_82] : memref<10000x128xf32, #tpu.memory_space<hbm>> -> memref<400x128xf32, #tpu.memory_space<hbm>>
        tpu.wait_dma2 semaphore(%arg16 : memref<!tpu.dma_semaphore, #tpu.memory_space<semaphore_mem>>) src(%dma_wait3A_83 : memref<400x128xf32, #tpu.memory_space<hbm>>) dst(%dma_wait3A_80 : memref<400x128xf32, #tpu.memory_space<vmem_shared>>)
      } else {
      }
      %barrier3A_50 = arith.constant 0 : index
      tpu.barrier barrier_id(%barrier3A_50)
      %scan3A = arith.constant 0 : i32
      %scan3A_51 = arith.constant 0 : i32
      %scan3A_52 = arith.constant 20 : i32
      %scan3A_53 = arith.addi %scan3A_51, %scan3A_52 : i32
      %scan3A_54 = arith.constant 1 : i32
      scf.for %scan3A_79 = %scan3A_51 to %scan3A_53 step %scan3A_54  : i32 {
        %mul3A_80 = arith.constant 2 : i32
        %mul3A_81 = arith.muli %scan3A_79, %mul3A_80 : i32
        %add3A_82 = arith.constant 1 : i32
        %add3A_83 = arith.addi %mul3A_81, %add3A_82 : i32
        %dma_wait3A = arith.constant 0 : i32
        %dma_wait3A_84 = arith.constant 0 : i32
        %dma_wait3A_85 = tpu.memref_slice %arg9[%dma_wait3A, %dma_wait3A_84] : memref<40x125xi32, #tpu.memory_space<vmem>> -> memref<1x125xi32, #tpu.memory_space<vmem>>
        %dma_wait3A_86 = tpu.memref_squeeze %dma_wait3A_85 : memref<1x125xi32, #tpu.memory_space<vmem>> -> memref<125xi32, #tpu.memory_space<vmem>>
        %dma_wait3A_87 = arith.constant 0 : i32
        %dma_wait3A_88 = arith.constant 0 : i32
        %dma_wait3A_89 = tpu.memref_slice %arg2[%dma_wait3A_87, %dma_wait3A_88] : memref<10000x128xf32, #tpu.memory_space<hbm>> -> memref<10000x128xf32, #tpu.memory_space<hbm>>
        tpu.wait_indirect_dma semaphore(%arg14 : memref<!tpu.dma_semaphore, #tpu.memory_space<semaphore_mem>>) src(%dma_wait3A_89 : memref<10000x128xf32, #tpu.memory_space<hbm>>) dst(%arg11 : memref<125x128xf32, #tpu.memory_space<vmem>>)
        "tpu.region"() ({
          %run_scoped3A = tpu.sem_alloc : memref<!tpu.dma_semaphore, #tpu.memory_space<semaphore_mem>>
          %dma_start3A_111 = arith.constant 0 : i32
          %dma_start3A_112 = tpu.memref_slice %arg10[%mul3A_81, %dma_start3A_111] : memref<40x125xi32, #tpu.memory_space<vmem>> -> memref<1x125xi32, #tpu.memory_space<vmem>>
          %dma_start3A_113 = tpu.memref_squeeze %dma_start3A_112 : memref<1x125xi32, #tpu.memory_space<vmem>> -> memref<125xi32, #tpu.memory_space<vmem>>
          %dma_start3A_114 = arith.constant 0 : i32
          %dma_start3A_115 = arith.constant 0 : i32
          %dma_start3A_116 = tpu.memref_slice %arg13[%dma_start3A_114, %dma_start3A_115] : memref<10000x128xf32, #tpu.memory_space<vmem_shared>> -> memref<10000x128xf32, #tpu.memory_space<vmem_shared>>
          tpu.enqueue_indirect_dma source(%arg11 : memref<125x128xf32, #tpu.memory_space<vmem>>) target(%dma_start3A_116 : memref<10000x128xf32, #tpu.memory_space<vmem_shared>>) offsets(%dma_start3A_113 : memref<125xi32, #tpu.memory_space<vmem>>) semaphore(%run_scoped3A : memref<!tpu.dma_semaphore, #tpu.memory_space<semaphore_mem>>) {add = true}
          %dma_wait3A_117 = arith.constant 0 : i32
          %dma_wait3A_118 = tpu.memref_slice %arg10[%mul3A_81, %dma_wait3A_117] : memref<40x125xi32, #tpu.memory_space<vmem>> -> memref<1x125xi32, #tpu.memory_space<vmem>>
          %dma_wait3A_119 = tpu.memref_squeeze %dma_wait3A_118 : memref<1x125xi32, #tpu.memory_space<vmem>> -> memref<125xi32, #tpu.memory_space<vmem>>
          %dma_wait3A_120 = arith.constant 0 : i32
          %dma_wait3A_121 = arith.constant 0 : i32
          %dma_wait3A_122 = tpu.memref_slice %arg13[%dma_wait3A_120, %dma_wait3A_121] : memref<10000x128xf32, #tpu.memory_space<vmem_shared>> -> memref<10000x128xf32, #tpu.memory_space<vmem_shared>>
          tpu.wait_indirect_dma semaphore(%run_scoped3A : memref<!tpu.dma_semaphore, #tpu.memory_space<semaphore_mem>>) src(%arg11 : memref<125x128xf32, #tpu.memory_space<vmem>>) dst(%dma_wait3A_122 : memref<10000x128xf32, #tpu.memory_space<vmem_shared>>)
          tpu.yield
        }) : () -> ()
        %add3A_90 = arith.constant 2 : i32
        %add3A_91 = arith.addi %mul3A_81, %add3A_90 : i32
        %lt3A_92 = arith.constant 40 : i32
        %lt3A_93 = arith.cmpi slt, %add3A_91, %lt3A_92 : i32
        %convert_element_type3A_94 = arith.extui %lt3A_93 : i1 to i32
        %cond3A_95 = arith.constant 0 : i32
        %cond3A_96 = arith.cmpi ne, %convert_element_type3A_94, %cond3A_95 : i32
        scf.if %cond3A_96 {
          %add3A_111 = arith.constant 2 : i32
          %add3A_112 = arith.addi %mul3A_81, %add3A_111 : i32
          %dma_start3A_113 = arith.constant 0 : i32
          %dma_start3A_114 = tpu.memref_slice %arg9[%add3A_112, %dma_start3A_113] : memref<40x125xi32, #tpu.memory_space<vmem>> -> memref<1x125xi32, #tpu.memory_space<vmem>>
          %dma_start3A_115 = tpu.memref_squeeze %dma_start3A_114 : memref<1x125xi32, #tpu.memory_space<vmem>> -> memref<125xi32, #tpu.memory_space<vmem>>
          %dma_start3A_116 = arith.constant 0 : i32
          %dma_start3A_117 = arith.constant 0 : i32
          %dma_start3A_118 = tpu.memref_slice %arg2[%dma_start3A_116, %dma_start3A_117] : memref<10000x128xf32, #tpu.memory_space<hbm>> -> memref<10000x128xf32, #tpu.memory_space<hbm>>
          tpu.enqueue_indirect_dma source(%dma_start3A_118 : memref<10000x128xf32, #tpu.memory_space<hbm>>) target(%arg11 : memref<125x128xf32, #tpu.memory_space<vmem>>) offsets(%dma_start3A_115 : memref<125xi32, #tpu.memory_space<vmem>>) semaphore(%arg14 : memref<!tpu.dma_semaphore, #tpu.memory_space<semaphore_mem>>)
        } else {
        }
        %dma_wait3A_97 = arith.constant 0 : i32
        %dma_wait3A_98 = arith.constant 0 : i32
        %dma_wait3A_99 = tpu.memref_slice %arg9[%dma_wait3A_97, %dma_wait3A_98] : memref<40x125xi32, #tpu.memory_space<vmem>> -> memref<1x125xi32, #tpu.memory_space<vmem>>
        %dma_wait3A_100 = tpu.memref_squeeze %dma_wait3A_99 : memref<1x125xi32, #tpu.memory_space<vmem>> -> memref<125xi32, #tpu.memory_space<vmem>>
        %dma_wait3A_101 = arith.constant 0 : i32
        %dma_wait3A_102 = arith.constant 0 : i32
        %dma_wait3A_103 = tpu.memref_slice %arg2[%dma_wait3A_101, %dma_wait3A_102] : memref<10000x128xf32, #tpu.memory_space<hbm>> -> memref<10000x128xf32, #tpu.memory_space<hbm>>
        tpu.wait_indirect_dma semaphore(%arg15 : memref<!tpu.dma_semaphore, #tpu.memory_space<semaphore_mem>>) src(%dma_wait3A_103 : memref<10000x128xf32, #tpu.memory_space<hbm>>) dst(%arg12 : memref<125x128xf32, #tpu.memory_space<vmem>>)
        "tpu.region"() ({
          %run_scoped3A = tpu.sem_alloc : memref<!tpu.dma_semaphore, #tpu.memory_space<semaphore_mem>>
          %dma_start3A_111 = arith.constant 0 : i32
          %dma_start3A_112 = tpu.memref_slice %arg10[%add3A_83, %dma_start3A_111] : memref<40x125xi32, #tpu.memory_space<vmem>> -> memref<1x125xi32, #tpu.memory_space<vmem>>
          %dma_start3A_113 = tpu.memref_squeeze %dma_start3A_112 : memref<1x125xi32, #tpu.memory_space<vmem>> -> memref<125xi32, #tpu.memory_space<vmem>>
          %dma_start3A_114 = arith.constant 0 : i32
          %dma_start3A_115 = arith.constant 0 : i32
          %dma_start3A_116 = tpu.memref_slice %arg13[%dma_start3A_114, %dma_start3A_115] : memref<10000x128xf32, #tpu.memory_space<vmem_shared>> -> memref<10000x128xf32, #tpu.memory_space<vmem_shared>>
          tpu.enqueue_indirect_dma source(%arg12 : memref<125x128xf32, #tpu.memory_space<vmem>>) target(%dma_start3A_116 : memref<10000x128xf32, #tpu.memory_space<vmem_shared>>) offsets(%dma_start3A_113 : memref<125xi32, #tpu.memory_space<vmem>>) semaphore(%run_scoped3A : memref<!tpu.dma_semaphore, #tpu.memory_space<semaphore_mem>>) {add = true}
          %dma_wait3A_117 = arith.constant 0 : i32
          %dma_wait3A_118 = tpu.memref_slice %arg10[%add3A_83, %dma_wait3A_117] : memref<40x125xi32, #tpu.memory_space<vmem>> -> memref<1x125xi32, #tpu.memory_space<vmem>>
          %dma_wait3A_119 = tpu.memref_squeeze %dma_wait3A_118 : memref<1x125xi32, #tpu.memory_space<vmem>> -> memref<125xi32, #tpu.memory_space<vmem>>
          %dma_wait3A_120 = arith.constant 0 : i32
          %dma_wait3A_121 = arith.constant 0 : i32
          %dma_wait3A_122 = tpu.memref_slice %arg13[%dma_wait3A_120, %dma_wait3A_121] : memref<10000x128xf32, #tpu.memory_space<vmem_shared>> -> memref<10000x128xf32, #tpu.memory_space<vmem_shared>>
          tpu.wait_indirect_dma semaphore(%run_scoped3A : memref<!tpu.dma_semaphore, #tpu.memory_space<semaphore_mem>>) src(%arg12 : memref<125x128xf32, #tpu.memory_space<vmem>>) dst(%dma_wait3A_122 : memref<10000x128xf32, #tpu.memory_space<vmem_shared>>)
          tpu.yield
        }) : () -> ()
        %add3A_104 = arith.constant 2 : i32
        %add3A_105 = arith.addi %add3A_83, %add3A_104 : i32
        %lt3A_106 = arith.constant 40 : i32
        %lt3A_107 = arith.cmpi slt, %add3A_105, %lt3A_106 : i32
        %convert_element_type3A_108 = arith.extui %lt3A_107 : i1 to i32
        %cond3A_109 = arith.constant 0 : i32
        %cond3A_110 = arith.cmpi ne, %convert_element_type3A_108, %cond3A_109 : i32
        scf.if %cond3A_110 {
          %add3A_111 = arith.constant 2 : i32
          %add3A_112 = arith.addi %add3A_83, %add3A_111 : i32
          %dma_start3A_113 = arith.constant 0 : i32
          %dma_start3A_114 = tpu.memref_slice %arg9[%add3A_112, %dma_start3A_113] : memref<40x125xi32, #tpu.memory_space<vmem>> -> memref<1x125xi32, #tpu.memory_space<vmem>>
          %dma_start3A_115 = tpu.memref_squeeze %dma_start3A_114 : memref<1x125xi32, #tpu.memory_space<vmem>> -> memref<125xi32, #tpu.memory_space<vmem>>
          %dma_start3A_116 = arith.constant 0 : i32
          %dma_start3A_117 = arith.constant 0 : i32
          %dma_start3A_118 = tpu.memref_slice %arg2[%dma_start3A_116, %dma_start3A_117] : memref<10000x128xf32, #tpu.memory_space<hbm>> -> memref<10000x128xf32, #tpu.memory_space<hbm>>
          tpu.enqueue_indirect_dma source(%dma_start3A_118 : memref<10000x128xf32, #tpu.memory_space<hbm>>) target(%arg12 : memref<125x128xf32, #tpu.memory_space<vmem>>) offsets(%dma_start3A_115 : memref<125xi32, #tpu.memory_space<vmem>>) semaphore(%arg15 : memref<!tpu.dma_semaphore, #tpu.memory_space<semaphore_mem>>)
        } else {
        }
      }
      %scan3A_55 = arith.constant 20 : i32
      %mul3A_56 = arith.constant 80 : i32
      %mul3A_57 = arith.muli %arg1, %mul3A_56 : i32
      %add3A = arith.constant 40 : i32
      %add3A_58 = arith.addi %mul3A_57, %add3A : i32
      "tpu.region"() ({
        %run_scoped3A = tpu.sem_alloc : memref<!tpu.dma_semaphore, #tpu.memory_space<semaphore_mem>>
        %dma_start3A_79 = arith.constant 0 : i32
        %dma_start3A_80 = tpu.memref_slice %arg4[%add3A_58, %dma_start3A_79] : memref<1280x125xi32, #tpu.memory_space<hbm>> -> memref<40x125xi32, #tpu.memory_space<hbm>>
        %dma_start3A_81 = arith.constant 0 : i32
        %dma_start3A_82 = tpu.memref_slice %arg4[%add3A_58, %dma_start3A_81] : memref<1280x125xi32, #tpu.memory_space<hbm>> -> memref<40x125xi32, #tpu.memory_space<hbm>>
        tpu.enqueue_dma source(%dma_start3A_82 : memref<40x125xi32, #tpu.memory_space<hbm>>) target(%arg9 : memref<40x125xi32, #tpu.memory_space<vmem>>) target_semaphore(%run_scoped3A : memref<!tpu.dma_semaphore, #tpu.memory_space<semaphore_mem>>)
        %dma_wait3A = arith.constant 0 : i32
        %dma_wait3A_83 = tpu.memref_slice %arg4[%add3A_58, %dma_wait3A] : memref<1280x125xi32, #tpu.memory_space<hbm>> -> memref<40x125xi32, #tpu.memory_space<hbm>>
        %dma_wait3A_84 = arith.constant 0 : i32
        %dma_wait3A_85 = tpu.memref_slice %arg4[%add3A_58, %dma_wait3A_84] : memref<1280x125xi32, #tpu.memory_space<hbm>> -> memref<40x125xi32, #tpu.memory_space<hbm>>
        tpu.wait_dma2 semaphore(%run_scoped3A : memref<!tpu.dma_semaphore, #tpu.memory_space<semaphore_mem>>) src(%dma_wait3A_85 : memref<40x125xi32, #tpu.memory_space<hbm>>) dst(%arg9 : memref<40x125xi32, #tpu.memory_space<vmem>>)
        tpu.yield
      }) : () -> ()
      "tpu.region"() ({
        %run_scoped3A = tpu.sem_alloc : memref<!tpu.dma_semaphore, #tpu.memory_space<semaphore_mem>>
        %dma_start3A_79 = arith.constant 0 : i32
        %dma_start3A_80 = tpu.memref_slice %arg5[%add3A_58, %dma_start3A_79] : memref<1280x125xi32, #tpu.memory_space<hbm>> -> memref<40x125xi32, #tpu.memory_space<hbm>>
        %dma_start3A_81 = arith.constant 0 : i32
        %dma_start3A_82 = tpu.memref_slice %arg5[%add3A_58, %dma_start3A_81] : memref<1280x125xi32, #tpu.memory_space<hbm>> -> memref<40x125xi32, #tpu.memory_space<hbm>>
        tpu.enqueue_dma source(%dma_start3A_82 : memref<40x125xi32, #tpu.memory_space<hbm>>) target(%arg10 : memref<40x125xi32, #tpu.memory_space<vmem>>) target_semaphore(%run_scoped3A : memref<!tpu.dma_semaphore, #tpu.memory_space<semaphore_mem>>)
        %dma_wait3A = arith.constant 0 : i32
        %dma_wait3A_83 = tpu.memref_slice %arg5[%add3A_58, %dma_wait3A] : memref<1280x125xi32, #tpu.memory_space<hbm>> -> memref<40x125xi32, #tpu.memory_space<hbm>>
        %dma_wait3A_84 = arith.constant 0 : i32
        %dma_wait3A_85 = tpu.memref_slice %arg5[%add3A_58, %dma_wait3A_84] : memref<1280x125xi32, #tpu.memory_space<hbm>> -> memref<40x125xi32, #tpu.memory_space<hbm>>
        tpu.wait_dma2 semaphore(%run_scoped3A : memref<!tpu.dma_semaphore, #tpu.memory_space<semaphore_mem>>) src(%dma_wait3A_85 : memref<40x125xi32, #tpu.memory_space<hbm>>) dst(%arg10 : memref<40x125xi32, #tpu.memory_space<vmem>>)
        tpu.yield
      }) : () -> ()
      %dma_start3A_59 = arith.constant 0 : i32
      %dma_start3A_60 = arith.constant 0 : i32
      %dma_start3A_61 = tpu.memref_slice %arg9[%dma_start3A_59, %dma_start3A_60] : memref<40x125xi32, #tpu.memory_space<vmem>> -> memref<1x125xi32, #tpu.memory_space<vmem>>
      %dma_start3A_62 = tpu.memref_squeeze %dma_start3A_61 : memref<1x125xi32, #tpu.memory_space<vmem>> -> memref<125xi32, #tpu.memory_space<vmem>>
      %dma_start3A_63 = arith.constant 0 : i32
      %dma_start3A_64 = arith.constant 0 : i32
      %dma_start3A_65 = tpu.memref_slice %arg2[%dma_start3A_63, %dma_start3A_64] : memref<10000x128xf32, #tpu.memory_space<hbm>> -> memref<10000x128xf32, #tpu.memory_space<hbm>>
      tpu.enqueue_indirect_dma source(%dma_start3A_65 : memref<10000x128xf32, #tpu.memory_space<hbm>>) target(%arg11 : memref<125x128xf32, #tpu.memory_space<vmem>>) offsets(%dma_start3A_62 : memref<125xi32, #tpu.memory_space<vmem>>) semaphore(%arg14 : memref<!tpu.dma_semaphore, #tpu.memory_space<semaphore_mem>>)
      %dma_start3A_66 = arith.constant 1 : i32
      %dma_start3A_67 = arith.constant 0 : i32
      %dma_start3A_68 = tpu.memref_slice %arg9[%dma_start3A_66, %dma_start3A_67] : memref<40x125xi32, #tpu.memory_space<vmem>> -> memref<1x125xi32, #tpu.memory_space<vmem>>
      %dma_start3A_69 = tpu.memref_squeeze %dma_start3A_68 : memref<1x125xi32, #tpu.memory_space<vmem>> -> memref<125xi32, #tpu.memory_space<vmem>>
      %dma_start3A_70 = arith.constant 0 : i32
      %dma_start3A_71 = arith.constant 0 : i32
      %dma_start3A_72 = tpu.memref_slice %arg2[%dma_start3A_70, %dma_start3A_71] : memref<10000x128xf32, #tpu.memory_space<hbm>> -> memref<10000x128xf32, #tpu.memory_space<hbm>>
      tpu.enqueue_indirect_dma source(%dma_start3A_72 : memref<10000x128xf32, #tpu.memory_space<hbm>>) target(%arg12 : memref<125x128xf32, #tpu.memory_space<vmem>>) offsets(%dma_start3A_69 : memref<125xi32, #tpu.memory_space<vmem>>) semaphore(%arg15 : memref<!tpu.dma_semaphore, #tpu.memory_space<semaphore_mem>>)
      %scan3A_73 = arith.constant 0 : i32
      %scan3A_74 = arith.constant 0 : i32
      %scan3A_75 = arith.constant 20 : i32
      %scan3A_76 = arith.addi %scan3A_74, %scan3A_75 : i32
      %scan3A_77 = arith.constant 1 : i32
      scf.for %scan3A_79 = %scan3A_74 to %scan3A_76 step %scan3A_77  : i32 {
        %mul3A_80 = arith.constant 2 : i32
        %mul3A_81 = arith.muli %scan3A_79, %mul3A_80 : i32
        %add3A_82 = arith.constant 1 : i32
        %add3A_83 = arith.addi %mul3A_81, %add3A_82 : i32
        %dma_wait3A = arith.constant 0 : i32
        %dma_wait3A_84 = arith.constant 0 : i32
        %dma_wait3A_85 = tpu.memref_slice %arg9[%dma_wait3A, %dma_wait3A_84] : memref<40x125xi32, #tpu.memory_space<vmem>> -> memref<1x125xi32, #tpu.memory_space<vmem>>
        %dma_wait3A_86 = tpu.memref_squeeze %dma_wait3A_85 : memref<1x125xi32, #tpu.memory_space<vmem>> -> memref<125xi32, #tpu.memory_space<vmem>>
        %dma_wait3A_87 = arith.constant 0 : i32
        %dma_wait3A_88 = arith.constant 0 : i32
        %dma_wait3A_89 = tpu.memref_slice %arg2[%dma_wait3A_87, %dma_wait3A_88] : memref<10000x128xf32, #tpu.memory_space<hbm>> -> memref<10000x128xf32, #tpu.memory_space<hbm>>
        tpu.wait_indirect_dma semaphore(%arg14 : memref<!tpu.dma_semaphore, #tpu.memory_space<semaphore_mem>>) src(%dma_wait3A_89 : memref<10000x128xf32, #tpu.memory_space<hbm>>) dst(%arg11 : memref<125x128xf32, #tpu.memory_space<vmem>>)
        "tpu.region"() ({
          %run_scoped3A = tpu.sem_alloc : memref<!tpu.dma_semaphore, #tpu.memory_space<semaphore_mem>>
          %dma_start3A_111 = arith.constant 0 : i32
          %dma_start3A_112 = tpu.memref_slice %arg10[%mul3A_81, %dma_start3A_111] : memref<40x125xi32, #tpu.memory_space<vmem>> -> memref<1x125xi32, #tpu.memory_space<vmem>>
          %dma_start3A_113 = tpu.memref_squeeze %dma_start3A_112 : memref<1x125xi32, #tpu.memory_space<vmem>> -> memref<125xi32, #tpu.memory_space<vmem>>
          %dma_start3A_114 = arith.constant 0 : i32
          %dma_start3A_115 = arith.constant 0 : i32
          %dma_start3A_116 = tpu.memref_slice %arg13[%dma_start3A_114, %dma_start3A_115] : memref<10000x128xf32, #tpu.memory_space<vmem_shared>> -> memref<10000x128xf32, #tpu.memory_space<vmem_shared>>
          tpu.enqueue_indirect_dma source(%arg11 : memref<125x128xf32, #tpu.memory_space<vmem>>) target(%dma_start3A_116 : memref<10000x128xf32, #tpu.memory_space<vmem_shared>>) offsets(%dma_start3A_113 : memref<125xi32, #tpu.memory_space<vmem>>) semaphore(%run_scoped3A : memref<!tpu.dma_semaphore, #tpu.memory_space<semaphore_mem>>) {add = true}
          %dma_wait3A_117 = arith.constant 0 : i32
          %dma_wait3A_118 = tpu.memref_slice %arg10[%mul3A_81, %dma_wait3A_117] : memref<40x125xi32, #tpu.memory_space<vmem>> -> memref<1x125xi32, #tpu.memory_space<vmem>>
          %dma_wait3A_119 = tpu.memref_squeeze %dma_wait3A_118 : memref<1x125xi32, #tpu.memory_space<vmem>> -> memref<125xi32, #tpu.memory_space<vmem>>
          %dma_wait3A_120 = arith.constant 0 : i32
          %dma_wait3A_121 = arith.constant 0 : i32
          %dma_wait3A_122 = tpu.memref_slice %arg13[%dma_wait3A_120, %dma_wait3A_121] : memref<10000x128xf32, #tpu.memory_space<vmem_shared>> -> memref<10000x128xf32, #tpu.memory_space<vmem_shared>>
          tpu.wait_indirect_dma semaphore(%run_scoped3A : memref<!tpu.dma_semaphore, #tpu.memory_space<semaphore_mem>>) src(%arg11 : memref<125x128xf32, #tpu.memory_space<vmem>>) dst(%dma_wait3A_122 : memref<10000x128xf32, #tpu.memory_space<vmem_shared>>)
          tpu.yield
        }) : () -> ()
        %add3A_90 = arith.constant 2 : i32
        %add3A_91 = arith.addi %mul3A_81, %add3A_90 : i32
        %lt3A_92 = arith.constant 40 : i32
        %lt3A_93 = arith.cmpi slt, %add3A_91, %lt3A_92 : i32
        %convert_element_type3A_94 = arith.extui %lt3A_93 : i1 to i32
        %cond3A_95 = arith.constant 0 : i32
        %cond3A_96 = arith.cmpi ne, %convert_element_type3A_94, %cond3A_95 : i32
        scf.if %cond3A_96 {
          %add3A_111 = arith.constant 2 : i32
          %add3A_112 = arith.addi %mul3A_81, %add3A_111 : i32
          %dma_start3A_113 = arith.constant 0 : i32
          %dma_start3A_114 = tpu.memref_slice %arg9[%add3A_112, %dma_start3A_113] : memref<40x125xi32, #tpu.memory_space<vmem>> -> memref<1x125xi32, #tpu.memory_space<vmem>>
          %dma_start3A_115 = tpu.memref_squeeze %dma_start3A_114 : memref<1x125xi32, #tpu.memory_space<vmem>> -> memref<125xi32, #tpu.memory_space<vmem>>
          %dma_start3A_116 = arith.constant 0 : i32
          %dma_start3A_117 = arith.constant 0 : i32
          %dma_start3A_118 = tpu.memref_slice %arg2[%dma_start3A_116, %dma_start3A_117] : memref<10000x128xf32, #tpu.memory_space<hbm>> -> memref<10000x128xf32, #tpu.memory_space<hbm>>
          tpu.enqueue_indirect_dma source(%dma_start3A_118 : memref<10000x128xf32, #tpu.memory_space<hbm>>) target(%arg11 : memref<125x128xf32, #tpu.memory_space<vmem>>) offsets(%dma_start3A_115 : memref<125xi32, #tpu.memory_space<vmem>>) semaphore(%arg14 : memref<!tpu.dma_semaphore, #tpu.memory_space<semaphore_mem>>)
        } else {
        }
        %dma_wait3A_97 = arith.constant 0 : i32
        %dma_wait3A_98 = arith.constant 0 : i32
        %dma_wait3A_99 = tpu.memref_slice %arg9[%dma_wait3A_97, %dma_wait3A_98] : memref<40x125xi32, #tpu.memory_space<vmem>> -> memref<1x125xi32, #tpu.memory_space<vmem>>
        %dma_wait3A_100 = tpu.memref_squeeze %dma_wait3A_99 : memref<1x125xi32, #tpu.memory_space<vmem>> -> memref<125xi32, #tpu.memory_space<vmem>>
        %dma_wait3A_101 = arith.constant 0 : i32
        %dma_wait3A_102 = arith.constant 0 : i32
        %dma_wait3A_103 = tpu.memref_slice %arg2[%dma_wait3A_101, %dma_wait3A_102] : memref<10000x128xf32, #tpu.memory_space<hbm>> -> memref<10000x128xf32, #tpu.memory_space<hbm>>
        tpu.wait_indirect_dma semaphore(%arg15 : memref<!tpu.dma_semaphore, #tpu.memory_space<semaphore_mem>>) src(%dma_wait3A_103 : memref<10000x128xf32, #tpu.memory_space<hbm>>) dst(%arg12 : memref<125x128xf32, #tpu.memory_space<vmem>>)
        "tpu.region"() ({
          %run_scoped3A = tpu.sem_alloc : memref<!tpu.dma_semaphore, #tpu.memory_space<semaphore_mem>>
          %dma_start3A_111 = arith.constant 0 : i32
          %dma_start3A_112 = tpu.memref_slice %arg10[%add3A_83, %dma_start3A_111] : memref<40x125xi32, #tpu.memory_space<vmem>> -> memref<1x125xi32, #tpu.memory_space<vmem>>
          %dma_start3A_113 = tpu.memref_squeeze %dma_start3A_112 : memref<1x125xi32, #tpu.memory_space<vmem>> -> memref<125xi32, #tpu.memory_space<vmem>>
          %dma_start3A_114 = arith.constant 0 : i32
          %dma_start3A_115 = arith.constant 0 : i32
          %dma_start3A_116 = tpu.memref_slice %arg13[%dma_start3A_114, %dma_start3A_115] : memref<10000x128xf32, #tpu.memory_space<vmem_shared>> -> memref<10000x128xf32, #tpu.memory_space<vmem_shared>>
          tpu.enqueue_indirect_dma source(%arg12 : memref<125x128xf32, #tpu.memory_space<vmem>>) target(%dma_start3A_116 : memref<10000x128xf32, #tpu.memory_space<vmem_shared>>) offsets(%dma_start3A_113 : memref<125xi32, #tpu.memory_space<vmem>>) semaphore(%run_scoped3A : memref<!tpu.dma_semaphore, #tpu.memory_space<semaphore_mem>>) {add = true}
          %dma_wait3A_117 = arith.constant 0 : i32
          %dma_wait3A_118 = tpu.memref_slice %arg10[%add3A_83, %dma_wait3A_117] : memref<40x125xi32, #tpu.memory_space<vmem>> -> memref<1x125xi32, #tpu.memory_space<vmem>>
          %dma_wait3A_119 = tpu.memref_squeeze %dma_wait3A_118 : memref<1x125xi32, #tpu.memory_space<vmem>> -> memref<125xi32, #tpu.memory_space<vmem>>
          %dma_wait3A_120 = arith.constant 0 : i32
          %dma_wait3A_121 = arith.constant 0 : i32
          %dma_wait3A_122 = tpu.memref_slice %arg13[%dma_wait3A_120, %dma_wait3A_121] : memref<10000x128xf32, #tpu.memory_space<vmem_shared>> -> memref<10000x128xf32, #tpu.memory_space<vmem_shared>>
          tpu.wait_indirect_dma semaphore(%run_scoped3A : memref<!tpu.dma_semaphore, #tpu.memory_space<semaphore_mem>>) src(%arg12 : memref<125x128xf32, #tpu.memory_space<vmem>>) dst(%dma_wait3A_122 : memref<10000x128xf32, #tpu.memory_space<vmem_shared>>)
          tpu.yield
        }) : () -> ()
        %add3A_104 = arith.constant 2 : i32
        %add3A_105 = arith.addi %add3A_83, %add3A_104 : i32
        %lt3A_106 = arith.constant 40 : i32
        %lt3A_107 = arith.cmpi slt, %add3A_105, %lt3A_106 : i32
        %convert_element_type3A_108 = arith.extui %lt3A_107 : i1 to i32
        %cond3A_109 = arith.constant 0 : i32
        %cond3A_110 = arith.cmpi ne, %convert_element_type3A_108, %cond3A_109 : i32
        scf.if %cond3A_110 {
          %add3A_111 = arith.constant 2 : i32
          %add3A_112 = arith.addi %add3A_83, %add3A_111 : i32
          %dma_start3A_113 = arith.constant 0 : i32
          %dma_start3A_114 = tpu.memref_slice %arg9[%add3A_112, %dma_start3A_113] : memref<40x125xi32, #tpu.memory_space<vmem>> -> memref<1x125xi32, #tpu.memory_space<vmem>>
          %dma_start3A_115 = tpu.memref_squeeze %dma_start3A_114 : memref<1x125xi32, #tpu.memory_space<vmem>> -> memref<125xi32, #tpu.memory_space<vmem>>
          %dma_start3A_116 = arith.constant 0 : i32
          %dma_start3A_117 = arith.constant 0 : i32
          %dma_start3A_118 = tpu.memref_slice %arg2[%dma_start3A_116, %dma_start3A_117] : memref<10000x128xf32, #tpu.memory_space<hbm>> -> memref<10000x128xf32, #tpu.memory_space<hbm>>
          tpu.enqueue_indirect_dma source(%dma_start3A_118 : memref<10000x128xf32, #tpu.memory_space<hbm>>) target(%arg12 : memref<125x128xf32, #tpu.memory_space<vmem>>) offsets(%dma_start3A_115 : memref<125xi32, #tpu.memory_space<vmem>>) semaphore(%arg15 : memref<!tpu.dma_semaphore, #tpu.memory_space<semaphore_mem>>)
        } else {
        }
      }
      %scan3A_78 = arith.constant 20 : i32
    } else {
    }
    %eq3A_11 = arith.constant 1 : i32
    %eq3A_12 = arith.cmpi eq, %arg0, %eq3A_11 : i32
    %convert_element_type3A_13 = arith.extui %eq3A_12 : i1 to i32
    %cond3A_14 = arith.constant 0 : i32
    %cond3A_15 = arith.cmpi ne, %convert_element_type3A_13, %cond3A_14 : i32
    scf.if %cond3A_15 {
      %mul3A = arith.constant 80 : i32
      %mul3A_26 = arith.muli %arg1, %mul3A : i32
      "tpu.region"() ({
        %run_scoped3A = tpu.sem_alloc : memref<!tpu.dma_semaphore, #tpu.memory_space<semaphore_mem>>
        %dma_start3A_79 = arith.constant 0 : i32
        %dma_start3A_80 = tpu.memref_slice %arg4[%mul3A_26, %dma_start3A_79] : memref<1280x125xi32, #tpu.memory_space<hbm>> -> memref<40x125xi32, #tpu.memory_space<hbm>>
        %dma_start3A_81 = arith.constant 0 : i32
        %dma_start3A_82 = tpu.memref_slice %arg4[%mul3A_26, %dma_start3A_81] : memref<1280x125xi32, #tpu.memory_space<hbm>> -> memref<40x125xi32, #tpu.memory_space<hbm>>
        tpu.enqueue_dma source(%dma_start3A_82 : memref<40x125xi32, #tpu.memory_space<hbm>>) target(%arg9 : memref<40x125xi32, #tpu.memory_space<vmem>>) target_semaphore(%run_scoped3A : memref<!tpu.dma_semaphore, #tpu.memory_space<semaphore_mem>>)
        %dma_wait3A = arith.constant 0 : i32
        %dma_wait3A_83 = tpu.memref_slice %arg4[%mul3A_26, %dma_wait3A] : memref<1280x125xi32, #tpu.memory_space<hbm>> -> memref<40x125xi32, #tpu.memory_space<hbm>>
        %dma_wait3A_84 = arith.constant 0 : i32
        %dma_wait3A_85 = tpu.memref_slice %arg4[%mul3A_26, %dma_wait3A_84] : memref<1280x125xi32, #tpu.memory_space<hbm>> -> memref<40x125xi32, #tpu.memory_space<hbm>>
        tpu.wait_dma2 semaphore(%run_scoped3A : memref<!tpu.dma_semaphore, #tpu.memory_space<semaphore_mem>>) src(%dma_wait3A_85 : memref<40x125xi32, #tpu.memory_space<hbm>>) dst(%arg9 : memref<40x125xi32, #tpu.memory_space<vmem>>)
        tpu.yield
      }) : () -> ()
      "tpu.region"() ({
        %run_scoped3A = tpu.sem_alloc : memref<!tpu.dma_semaphore, #tpu.memory_space<semaphore_mem>>
        %dma_start3A_79 = arith.constant 0 : i32
        %dma_start3A_80 = tpu.memref_slice %arg5[%mul3A_26, %dma_start3A_79] : memref<1280x125xi32, #tpu.memory_space<hbm>> -> memref<40x125xi32, #tpu.memory_space<hbm>>
        %dma_start3A_81 = arith.constant 0 : i32
        %dma_start3A_82 = tpu.memref_slice %arg5[%mul3A_26, %dma_start3A_81] : memref<1280x125xi32, #tpu.memory_space<hbm>> -> memref<40x125xi32, #tpu.memory_space<hbm>>
        tpu.enqueue_dma source(%dma_start3A_82 : memref<40x125xi32, #tpu.memory_space<hbm>>) target(%arg10 : memref<40x125xi32, #tpu.memory_space<vmem>>) target_semaphore(%run_scoped3A : memref<!tpu.dma_semaphore, #tpu.memory_space<semaphore_mem>>)
        %dma_wait3A = arith.constant 0 : i32
        %dma_wait3A_83 = tpu.memref_slice %arg5[%mul3A_26, %dma_wait3A] : memref<1280x125xi32, #tpu.memory_space<hbm>> -> memref<40x125xi32, #tpu.memory_space<hbm>>
        %dma_wait3A_84 = arith.constant 0 : i32
        %dma_wait3A_85 = tpu.memref_slice %arg5[%mul3A_26, %dma_wait3A_84] : memref<1280x125xi32, #tpu.memory_space<hbm>> -> memref<40x125xi32, #tpu.memory_space<hbm>>
        tpu.wait_dma2 semaphore(%run_scoped3A : memref<!tpu.dma_semaphore, #tpu.memory_space<semaphore_mem>>) src(%dma_wait3A_85 : memref<40x125xi32, #tpu.memory_space<hbm>>) dst(%arg10 : memref<40x125xi32, #tpu.memory_space<vmem>>)
        tpu.yield
      }) : () -> ()
      %dma_start3A = arith.constant 0 : i32
      %dma_start3A_27 = arith.constant 0 : i32
      %dma_start3A_28 = tpu.memref_slice %arg9[%dma_start3A, %dma_start3A_27] : memref<40x125xi32, #tpu.memory_space<vmem>> -> memref<1x125xi32, #tpu.memory_space<vmem>>
      %dma_start3A_29 = tpu.memref_squeeze %dma_start3A_28 : memref<1x125xi32, #tpu.memory_space<vmem>> -> memref<125xi32, #tpu.memory_space<vmem>>
      %dma_start3A_30 = arith.constant 0 : i32
      %dma_start3A_31 = arith.constant 0 : i32
      %dma_start3A_32 = tpu.memref_slice %arg3[%dma_start3A_30, %dma_start3A_31] : memref<10000x128xf32, #tpu.memory_space<hbm>> -> memref<10000x128xf32, #tpu.memory_space<hbm>>
      tpu.enqueue_indirect_dma source(%dma_start3A_32 : memref<10000x128xf32, #tpu.memory_space<hbm>>) target(%arg11 : memref<125x128xf32, #tpu.memory_space<vmem>>) offsets(%dma_start3A_29 : memref<125xi32, #tpu.memory_space<vmem>>) semaphore(%arg14 : memref<!tpu.dma_semaphore, #tpu.memory_space<semaphore_mem>>)
      %dma_start3A_33 = arith.constant 1 : i32
      %dma_start3A_34 = arith.constant 0 : i32
      %dma_start3A_35 = tpu.memref_slice %arg9[%dma_start3A_33, %dma_start3A_34] : memref<40x125xi32, #tpu.memory_space<vmem>> -> memref<1x125xi32, #tpu.memory_space<vmem>>
      %dma_start3A_36 = tpu.memref_squeeze %dma_start3A_35 : memref<1x125xi32, #tpu.memory_space<vmem>> -> memref<125xi32, #tpu.memory_space<vmem>>
      %dma_start3A_37 = arith.constant 0 : i32
      %dma_start3A_38 = arith.constant 0 : i32
      %dma_start3A_39 = tpu.memref_slice %arg3[%dma_start3A_37, %dma_start3A_38] : memref<10000x128xf32, #tpu.memory_space<hbm>> -> memref<10000x128xf32, #tpu.memory_space<hbm>>
      tpu.enqueue_indirect_dma source(%dma_start3A_39 : memref<10000x128xf32, #tpu.memory_space<hbm>>) target(%arg12 : memref<125x128xf32, #tpu.memory_space<vmem>>) offsets(%dma_start3A_36 : memref<125xi32, #tpu.memory_space<vmem>>) semaphore(%arg15 : memref<!tpu.dma_semaphore, #tpu.memory_space<semaphore_mem>>)
      %lt3A_40 = arith.constant 15 : i32
      %lt3A_41 = arith.cmpi slt, %arg1, %lt3A_40 : i32
      %convert_element_type3A_42 = arith.extui %lt3A_41 : i1 to i32
      %cond3A_43 = arith.constant 0 : i32
      %cond3A_44 = arith.cmpi ne, %convert_element_type3A_42, %cond3A_43 : i32
      scf.if %cond3A_44 {
        %mul3A_79 = arith.constant 640 : i32
        %mul3A_80 = arith.muli %arg1, %mul3A_79 : i32
        %mul3A_81 = arith.constant 640 : i32
        %mul3A_82 = arith.muli %arg1, %mul3A_81 : i32
        %dma_wait3A = arith.constant 0 : i32
        %dma_wait3A_83 = tpu.memref_slice %arg13[%mul3A_82, %dma_wait3A] : memref<10000x128xf32, #tpu.memory_space<vmem_shared>> -> memref<640x128xf32, #tpu.memory_space<vmem_shared>>
        %dma_wait3A_84 = arith.constant 0 : i32
        %dma_wait3A_85 = tpu.memref_slice %arg6[%mul3A_80, %dma_wait3A_84] : memref<10000x128xf32, #tpu.memory_space<hbm>> -> memref<640x128xf32, #tpu.memory_space<hbm>>
        tpu.wait_dma2 semaphore(%arg16 : memref<!tpu.dma_semaphore, #tpu.memory_space<semaphore_mem>>) src(%dma_wait3A_85 : memref<640x128xf32, #tpu.memory_space<hbm>>) dst(%dma_wait3A_83 : memref<640x128xf32, #tpu.memory_space<vmem_shared>>)
      } else {
      }
      %eq3A_45 = arith.constant 15 : i32
      %eq3A_46 = arith.cmpi eq, %arg1, %eq3A_45 : i32
      %convert_element_type3A_47 = arith.extui %eq3A_46 : i1 to i32
      %cond3A_48 = arith.constant 0 : i32
      %cond3A_49 = arith.cmpi ne, %convert_element_type3A_47, %cond3A_48 : i32
      scf.if %cond3A_49 {
        %dma_wait3A = arith.constant 9600 : i32
        %dma_wait3A_79 = arith.constant 0 : i32
        %dma_wait3A_80 = tpu.memref_slice %arg13[%dma_wait3A, %dma_wait3A_79] : memref<10000x128xf32, #tpu.memory_space<vmem_shared>> -> memref<400x128xf32, #tpu.memory_space<vmem_shared>>
        %dma_wait3A_81 = arith.constant 9600 : i32
        %dma_wait3A_82 = arith.constant 0 : i32
        %dma_wait3A_83 = tpu.memref_slice %arg6[%dma_wait3A_81, %dma_wait3A_82] : memref<10000x128xf32, #tpu.memory_space<hbm>> -> memref<400x128xf32, #tpu.memory_space<hbm>>
        tpu.wait_dma2 semaphore(%arg16 : memref<!tpu.dma_semaphore, #tpu.memory_space<semaphore_mem>>) src(%dma_wait3A_83 : memref<400x128xf32, #tpu.memory_space<hbm>>) dst(%dma_wait3A_80 : memref<400x128xf32, #tpu.memory_space<vmem_shared>>)
      } else {
      }
      %barrier3A_50 = arith.constant 0 : index
      tpu.barrier barrier_id(%barrier3A_50)
      %scan3A = arith.constant 0 : i32
      %scan3A_51 = arith.constant 0 : i32
      %scan3A_52 = arith.constant 20 : i32
      %scan3A_53 = arith.addi %scan3A_51, %scan3A_52 : i32
      %scan3A_54 = arith.constant 1 : i32
      scf.for %scan3A_79 = %scan3A_51 to %scan3A_53 step %scan3A_54  : i32 {
        %mul3A_80 = arith.constant 2 : i32
        %mul3A_81 = arith.muli %scan3A_79, %mul3A_80 : i32
        %add3A_82 = arith.constant 1 : i32
        %add3A_83 = arith.addi %mul3A_81, %add3A_82 : i32
        %dma_wait3A = arith.constant 0 : i32
        %dma_wait3A_84 = arith.constant 0 : i32
        %dma_wait3A_85 = tpu.memref_slice %arg9[%dma_wait3A, %dma_wait3A_84] : memref<40x125xi32, #tpu.memory_space<vmem>> -> memref<1x125xi32, #tpu.memory_space<vmem>>
        %dma_wait3A_86 = tpu.memref_squeeze %dma_wait3A_85 : memref<1x125xi32, #tpu.memory_space<vmem>> -> memref<125xi32, #tpu.memory_space<vmem>>
        %dma_wait3A_87 = arith.constant 0 : i32
        %dma_wait3A_88 = arith.constant 0 : i32
        %dma_wait3A_89 = tpu.memref_slice %arg3[%dma_wait3A_87, %dma_wait3A_88] : memref<10000x128xf32, #tpu.memory_space<hbm>> -> memref<10000x128xf32, #tpu.memory_space<hbm>>
        tpu.wait_indirect_dma semaphore(%arg14 : memref<!tpu.dma_semaphore, #tpu.memory_space<semaphore_mem>>) src(%dma_wait3A_89 : memref<10000x128xf32, #tpu.memory_space<hbm>>) dst(%arg11 : memref<125x128xf32, #tpu.memory_space<vmem>>)
        "tpu.region"() ({
          %run_scoped3A = tpu.sem_alloc : memref<!tpu.dma_semaphore, #tpu.memory_space<semaphore_mem>>
          %dma_start3A_111 = arith.constant 0 : i32
          %dma_start3A_112 = tpu.memref_slice %arg10[%mul3A_81, %dma_start3A_111] : memref<40x125xi32, #tpu.memory_space<vmem>> -> memref<1x125xi32, #tpu.memory_space<vmem>>
          %dma_start3A_113 = tpu.memref_squeeze %dma_start3A_112 : memref<1x125xi32, #tpu.memory_space<vmem>> -> memref<125xi32, #tpu.memory_space<vmem>>
          %dma_start3A_114 = arith.constant 0 : i32
          %dma_start3A_115 = arith.constant 0 : i32
          %dma_start3A_116 = tpu.memref_slice %arg13[%dma_start3A_114, %dma_start3A_115] : memref<10000x128xf32, #tpu.memory_space<vmem_shared>> -> memref<10000x128xf32, #tpu.memory_space<vmem_shared>>
          tpu.enqueue_indirect_dma source(%arg11 : memref<125x128xf32, #tpu.memory_space<vmem>>) target(%dma_start3A_116 : memref<10000x128xf32, #tpu.memory_space<vmem_shared>>) offsets(%dma_start3A_113 : memref<125xi32, #tpu.memory_space<vmem>>) semaphore(%run_scoped3A : memref<!tpu.dma_semaphore, #tpu.memory_space<semaphore_mem>>) {add = true}
          %dma_wait3A_117 = arith.constant 0 : i32
          %dma_wait3A_118 = tpu.memref_slice %arg10[%mul3A_81, %dma_wait3A_117] : memref<40x125xi32, #tpu.memory_space<vmem>> -> memref<1x125xi32, #tpu.memory_space<vmem>>
          %dma_wait3A_119 = tpu.memref_squeeze %dma_wait3A_118 : memref<1x125xi32, #tpu.memory_space<vmem>> -> memref<125xi32, #tpu.memory_space<vmem>>
          %dma_wait3A_120 = arith.constant 0 : i32
          %dma_wait3A_121 = arith.constant 0 : i32
          %dma_wait3A_122 = tpu.memref_slice %arg13[%dma_wait3A_120, %dma_wait3A_121] : memref<10000x128xf32, #tpu.memory_space<vmem_shared>> -> memref<10000x128xf32, #tpu.memory_space<vmem_shared>>
          tpu.wait_indirect_dma semaphore(%run_scoped3A : memref<!tpu.dma_semaphore, #tpu.memory_space<semaphore_mem>>) src(%arg11 : memref<125x128xf32, #tpu.memory_space<vmem>>) dst(%dma_wait3A_122 : memref<10000x128xf32, #tpu.memory_space<vmem_shared>>)
          tpu.yield
        }) : () -> ()
        %add3A_90 = arith.constant 2 : i32
        %add3A_91 = arith.addi %mul3A_81, %add3A_90 : i32
        %lt3A_92 = arith.constant 40 : i32
        %lt3A_93 = arith.cmpi slt, %add3A_91, %lt3A_92 : i32
        %convert_element_type3A_94 = arith.extui %lt3A_93 : i1 to i32
        %cond3A_95 = arith.constant 0 : i32
        %cond3A_96 = arith.cmpi ne, %convert_element_type3A_94, %cond3A_95 : i32
        scf.if %cond3A_96 {
          %add3A_111 = arith.constant 2 : i32
          %add3A_112 = arith.addi %mul3A_81, %add3A_111 : i32
          %dma_start3A_113 = arith.constant 0 : i32
          %dma_start3A_114 = tpu.memref_slice %arg9[%add3A_112, %dma_start3A_113] : memref<40x125xi32, #tpu.memory_space<vmem>> -> memref<1x125xi32, #tpu.memory_space<vmem>>
          %dma_start3A_115 = tpu.memref_squeeze %dma_start3A_114 : memref<1x125xi32, #tpu.memory_space<vmem>> -> memref<125xi32, #tpu.memory_space<vmem>>
          %dma_start3A_116 = arith.constant 0 : i32
          %dma_start3A_117 = arith.constant 0 : i32
          %dma_start3A_118 = tpu.memref_slice %arg3[%dma_start3A_116, %dma_start3A_117] : memref<10000x128xf32, #tpu.memory_space<hbm>> -> memref<10000x128xf32, #tpu.memory_space<hbm>>
          tpu.enqueue_indirect_dma source(%dma_start3A_118 : memref<10000x128xf32, #tpu.memory_space<hbm>>) target(%arg11 : memref<125x128xf32, #tpu.memory_space<vmem>>) offsets(%dma_start3A_115 : memref<125xi32, #tpu.memory_space<vmem>>) semaphore(%arg14 : memref<!tpu.dma_semaphore, #tpu.memory_space<semaphore_mem>>)
        } else {
        }
        %dma_wait3A_97 = arith.constant 0 : i32
        %dma_wait3A_98 = arith.constant 0 : i32
        %dma_wait3A_99 = tpu.memref_slice %arg9[%dma_wait3A_97, %dma_wait3A_98] : memref<40x125xi32, #tpu.memory_space<vmem>> -> memref<1x125xi32, #tpu.memory_space<vmem>>
        %dma_wait3A_100 = tpu.memref_squeeze %dma_wait3A_99 : memref<1x125xi32, #tpu.memory_space<vmem>> -> memref<125xi32, #tpu.memory_space<vmem>>
        %dma_wait3A_101 = arith.constant 0 : i32
        %dma_wait3A_102 = arith.constant 0 : i32
        %dma_wait3A_103 = tpu.memref_slice %arg3[%dma_wait3A_101, %dma_wait3A_102] : memref<10000x128xf32, #tpu.memory_space<hbm>> -> memref<10000x128xf32, #tpu.memory_space<hbm>>
        tpu.wait_indirect_dma semaphore(%arg15 : memref<!tpu.dma_semaphore, #tpu.memory_space<semaphore_mem>>) src(%dma_wait3A_103 : memref<10000x128xf32, #tpu.memory_space<hbm>>) dst(%arg12 : memref<125x128xf32, #tpu.memory_space<vmem>>)
        "tpu.region"() ({
          %run_scoped3A = tpu.sem_alloc : memref<!tpu.dma_semaphore, #tpu.memory_space<semaphore_mem>>
          %dma_start3A_111 = arith.constant 0 : i32
          %dma_start3A_112 = tpu.memref_slice %arg10[%add3A_83, %dma_start3A_111] : memref<40x125xi32, #tpu.memory_space<vmem>> -> memref<1x125xi32, #tpu.memory_space<vmem>>
          %dma_start3A_113 = tpu.memref_squeeze %dma_start3A_112 : memref<1x125xi32, #tpu.memory_space<vmem>> -> memref<125xi32, #tpu.memory_space<vmem>>
          %dma_start3A_114 = arith.constant 0 : i32
          %dma_start3A_115 = arith.constant 0 : i32
          %dma_start3A_116 = tpu.memref_slice %arg13[%dma_start3A_114, %dma_start3A_115] : memref<10000x128xf32, #tpu.memory_space<vmem_shared>> -> memref<10000x128xf32, #tpu.memory_space<vmem_shared>>
          tpu.enqueue_indirect_dma source(%arg12 : memref<125x128xf32, #tpu.memory_space<vmem>>) target(%dma_start3A_116 : memref<10000x128xf32, #tpu.memory_space<vmem_shared>>) offsets(%dma_start3A_113 : memref<125xi32, #tpu.memory_space<vmem>>) semaphore(%run_scoped3A : memref<!tpu.dma_semaphore, #tpu.memory_space<semaphore_mem>>) {add = true}
          %dma_wait3A_117 = arith.constant 0 : i32
          %dma_wait3A_118 = tpu.memref_slice %arg10[%add3A_83, %dma_wait3A_117] : memref<40x125xi32, #tpu.memory_space<vmem>> -> memref<1x125xi32, #tpu.memory_space<vmem>>
          %dma_wait3A_119 = tpu.memref_squeeze %dma_wait3A_118 : memref<1x125xi32, #tpu.memory_space<vmem>> -> memref<125xi32, #tpu.memory_space<vmem>>
          %dma_wait3A_120 = arith.constant 0 : i32
          %dma_wait3A_121 = arith.constant 0 : i32
          %dma_wait3A_122 = tpu.memref_slice %arg13[%dma_wait3A_120, %dma_wait3A_121] : memref<10000x128xf32, #tpu.memory_space<vmem_shared>> -> memref<10000x128xf32, #tpu.memory_space<vmem_shared>>
          tpu.wait_indirect_dma semaphore(%run_scoped3A : memref<!tpu.dma_semaphore, #tpu.memory_space<semaphore_mem>>) src(%arg12 : memref<125x128xf32, #tpu.memory_space<vmem>>) dst(%dma_wait3A_122 : memref<10000x128xf32, #tpu.memory_space<vmem_shared>>)
          tpu.yield
        }) : () -> ()
        %add3A_104 = arith.constant 2 : i32
        %add3A_105 = arith.addi %add3A_83, %add3A_104 : i32
        %lt3A_106 = arith.constant 40 : i32
        %lt3A_107 = arith.cmpi slt, %add3A_105, %lt3A_106 : i32
        %convert_element_type3A_108 = arith.extui %lt3A_107 : i1 to i32
        %cond3A_109 = arith.constant 0 : i32
        %cond3A_110 = arith.cmpi ne, %convert_element_type3A_108, %cond3A_109 : i32
        scf.if %cond3A_110 {
          %add3A_111 = arith.constant 2 : i32
          %add3A_112 = arith.addi %add3A_83, %add3A_111 : i32
          %dma_start3A_113 = arith.constant 0 : i32
          %dma_start3A_114 = tpu.memref_slice %arg9[%add3A_112, %dma_start3A_113] : memref<40x125xi32, #tpu.memory_space<vmem>> -> memref<1x125xi32, #tpu.memory_space<vmem>>
          %dma_start3A_115 = tpu.memref_squeeze %dma_start3A_114 : memref<1x125xi32, #tpu.memory_space<vmem>> -> memref<125xi32, #tpu.memory_space<vmem>>
          %dma_start3A_116 = arith.constant 0 : i32
          %dma_start3A_117 = arith.constant 0 : i32
          %dma_start3A_118 = tpu.memref_slice %arg3[%dma_start3A_116, %dma_start3A_117] : memref<10000x128xf32, #tpu.memory_space<hbm>> -> memref<10000x128xf32, #tpu.memory_space<hbm>>
          tpu.enqueue_indirect_dma source(%dma_start3A_118 : memref<10000x128xf32, #tpu.memory_space<hbm>>) target(%arg12 : memref<125x128xf32, #tpu.memory_space<vmem>>) offsets(%dma_start3A_115 : memref<125xi32, #tpu.memory_space<vmem>>) semaphore(%arg15 : memref<!tpu.dma_semaphore, #tpu.memory_space<semaphore_mem>>)
        } else {
        }
      }
      %scan3A_55 = arith.constant 20 : i32
      %mul3A_56 = arith.constant 80 : i32
      %mul3A_57 = arith.muli %arg1, %mul3A_56 : i32
      %add3A = arith.constant 40 : i32
      %add3A_58 = arith.addi %mul3A_57, %add3A : i32
      "tpu.region"() ({
        %run_scoped3A = tpu.sem_alloc : memref<!tpu.dma_semaphore, #tpu.memory_space<semaphore_mem>>
        %dma_start3A_79 = arith.constant 0 : i32
        %dma_start3A_80 = tpu.memref_slice %arg4[%add3A_58, %dma_start3A_79] : memref<1280x125xi32, #tpu.memory_space<hbm>> -> memref<40x125xi32, #tpu.memory_space<hbm>>
        %dma_start3A_81 = arith.constant 0 : i32
        %dma_start3A_82 = tpu.memref_slice %arg4[%add3A_58, %dma_start3A_81] : memref<1280x125xi32, #tpu.memory_space<hbm>> -> memref<40x125xi32, #tpu.memory_space<hbm>>
        tpu.enqueue_dma source(%dma_start3A_82 : memref<40x125xi32, #tpu.memory_space<hbm>>) target(%arg9 : memref<40x125xi32, #tpu.memory_space<vmem>>) target_semaphore(%run_scoped3A : memref<!tpu.dma_semaphore, #tpu.memory_space<semaphore_mem>>)
        %dma_wait3A = arith.constant 0 : i32
        %dma_wait3A_83 = tpu.memref_slice %arg4[%add3A_58, %dma_wait3A] : memref<1280x125xi32, #tpu.memory_space<hbm>> -> memref<40x125xi32, #tpu.memory_space<hbm>>
        %dma_wait3A_84 = arith.constant 0 : i32
        %dma_wait3A_85 = tpu.memref_slice %arg4[%add3A_58, %dma_wait3A_84] : memref<1280x125xi32, #tpu.memory_space<hbm>> -> memref<40x125xi32, #tpu.memory_space<hbm>>
        tpu.wait_dma2 semaphore(%run_scoped3A : memref<!tpu.dma_semaphore, #tpu.memory_space<semaphore_mem>>) src(%dma_wait3A_85 : memref<40x125xi32, #tpu.memory_space<hbm>>) dst(%arg9 : memref<40x125xi32, #tpu.memory_space<vmem>>)
        tpu.yield
      }) : () -> ()
      "tpu.region"() ({
        %run_scoped3A = tpu.sem_alloc : memref<!tpu.dma_semaphore, #tpu.memory_space<semaphore_mem>>
        %dma_start3A_79 = arith.constant 0 : i32
        %dma_start3A_80 = tpu.memref_slice %arg5[%add3A_58, %dma_start3A_79] : memref<1280x125xi32, #tpu.memory_space<hbm>> -> memref<40x125xi32, #tpu.memory_space<hbm>>
        %dma_start3A_81 = arith.constant 0 : i32
        %dma_start3A_82 = tpu.memref_slice %arg5[%add3A_58, %dma_start3A_81] : memref<1280x125xi32, #tpu.memory_space<hbm>> -> memref<40x125xi32, #tpu.memory_space<hbm>>
        tpu.enqueue_dma source(%dma_start3A_82 : memref<40x125xi32, #tpu.memory_space<hbm>>) target(%arg10 : memref<40x125xi32, #tpu.memory_space<vmem>>) target_semaphore(%run_scoped3A : memref<!tpu.dma_semaphore, #tpu.memory_space<semaphore_mem>>)
        %dma_wait3A = arith.constant 0 : i32
        %dma_wait3A_83 = tpu.memref_slice %arg5[%add3A_58, %dma_wait3A] : memref<1280x125xi32, #tpu.memory_space<hbm>> -> memref<40x125xi32, #tpu.memory_space<hbm>>
        %dma_wait3A_84 = arith.constant 0 : i32
        %dma_wait3A_85 = tpu.memref_slice %arg5[%add3A_58, %dma_wait3A_84] : memref<1280x125xi32, #tpu.memory_space<hbm>> -> memref<40x125xi32, #tpu.memory_space<hbm>>
        tpu.wait_dma2 semaphore(%run_scoped3A : memref<!tpu.dma_semaphore, #tpu.memory_space<semaphore_mem>>) src(%dma_wait3A_85 : memref<40x125xi32, #tpu.memory_space<hbm>>) dst(%arg10 : memref<40x125xi32, #tpu.memory_space<vmem>>)
        tpu.yield
      }) : () -> ()
      %dma_start3A_59 = arith.constant 0 : i32
      %dma_start3A_60 = arith.constant 0 : i32
      %dma_start3A_61 = tpu.memref_slice %arg9[%dma_start3A_59, %dma_start3A_60] : memref<40x125xi32, #tpu.memory_space<vmem>> -> memref<1x125xi32, #tpu.memory_space<vmem>>
      %dma_start3A_62 = tpu.memref_squeeze %dma_start3A_61 : memref<1x125xi32, #tpu.memory_space<vmem>> -> memref<125xi32, #tpu.memory_space<vmem>>
      %dma_start3A_63 = arith.constant 0 : i32
      %dma_start3A_64 = arith.constant 0 : i32
      %dma_start3A_65 = tpu.memref_slice %arg3[%dma_start3A_63, %dma_start3A_64] : memref<10000x128xf32, #tpu.memory_space<hbm>> -> memref<10000x128xf32, #tpu.memory_space<hbm>>
      tpu.enqueue_indirect_dma source(%dma_start3A_65 : memref<10000x128xf32, #tpu.memory_space<hbm>>) target(%arg11 : memref<125x128xf32, #tpu.memory_space<vmem>>) offsets(%dma_start3A_62 : memref<125xi32, #tpu.memory_space<vmem>>) semaphore(%arg14 : memref<!tpu.dma_semaphore, #tpu.memory_space<semaphore_mem>>)
      %dma_start3A_66 = arith.constant 1 : i32
      %dma_start3A_67 = arith.constant 0 : i32
      %dma_start3A_68 = tpu.memref_slice %arg9[%dma_start3A_66, %dma_start3A_67] : memref<40x125xi32, #tpu.memory_space<vmem>> -> memref<1x125xi32, #tpu.memory_space<vmem>>
      %dma_start3A_69 = tpu.memref_squeeze %dma_start3A_68 : memref<1x125xi32, #tpu.memory_space<vmem>> -> memref<125xi32, #tpu.memory_space<vmem>>
      %dma_start3A_70 = arith.constant 0 : i32
      %dma_start3A_71 = arith.constant 0 : i32
      %dma_start3A_72 = tpu.memref_slice %arg3[%dma_start3A_70, %dma_start3A_71] : memref<10000x128xf32, #tpu.memory_space<hbm>> -> memref<10000x128xf32, #tpu.memory_space<hbm>>
      tpu.enqueue_indirect_dma source(%dma_start3A_72 : memref<10000x128xf32, #tpu.memory_space<hbm>>) target(%arg12 : memref<125x128xf32, #tpu.memory_space<vmem>>) offsets(%dma_start3A_69 : memref<125xi32, #tpu.memory_space<vmem>>) semaphore(%arg15 : memref<!tpu.dma_semaphore, #tpu.memory_space<semaphore_mem>>)
      %scan3A_73 = arith.constant 0 : i32
      %scan3A_74 = arith.constant 0 : i32
      %scan3A_75 = arith.constant 20 : i32
      %scan3A_76 = arith.addi %scan3A_74, %scan3A_75 : i32
      %scan3A_77 = arith.constant 1 : i32
      scf.for %scan3A_79 = %scan3A_74 to %scan3A_76 step %scan3A_77  : i32 {
        %mul3A_80 = arith.constant 2 : i32
        %mul3A_81 = arith.muli %scan3A_79, %mul3A_80 : i32
        %add3A_82 = arith.constant 1 : i32
        %add3A_83 = arith.addi %mul3A_81, %add3A_82 : i32
        %dma_wait3A = arith.constant 0 : i32
        %dma_wait3A_84 = arith.constant 0 : i32
        %dma_wait3A_85 = tpu.memref_slice %arg9[%dma_wait3A, %dma_wait3A_84] : memref<40x125xi32, #tpu.memory_space<vmem>> -> memref<1x125xi32, #tpu.memory_space<vmem>>
        %dma_wait3A_86 = tpu.memref_squeeze %dma_wait3A_85 : memref<1x125xi32, #tpu.memory_space<vmem>> -> memref<125xi32, #tpu.memory_space<vmem>>
        %dma_wait3A_87 = arith.constant 0 : i32
        %dma_wait3A_88 = arith.constant 0 : i32
        %dma_wait3A_89 = tpu.memref_slice %arg3[%dma_wait3A_87, %dma_wait3A_88] : memref<10000x128xf32, #tpu.memory_space<hbm>> -> memref<10000x128xf32, #tpu.memory_space<hbm>>
        tpu.wait_indirect_dma semaphore(%arg14 : memref<!tpu.dma_semaphore, #tpu.memory_space<semaphore_mem>>) src(%dma_wait3A_89 : memref<10000x128xf32, #tpu.memory_space<hbm>>) dst(%arg11 : memref<125x128xf32, #tpu.memory_space<vmem>>)
        "tpu.region"() ({
          %run_scoped3A = tpu.sem_alloc : memref<!tpu.dma_semaphore, #tpu.memory_space<semaphore_mem>>
          %dma_start3A_111 = arith.constant 0 : i32
          %dma_start3A_112 = tpu.memref_slice %arg10[%mul3A_81, %dma_start3A_111] : memref<40x125xi32, #tpu.memory_space<vmem>> -> memref<1x125xi32, #tpu.memory_space<vmem>>
          %dma_start3A_113 = tpu.memref_squeeze %dma_start3A_112 : memref<1x125xi32, #tpu.memory_space<vmem>> -> memref<125xi32, #tpu.memory_space<vmem>>
          %dma_start3A_114 = arith.constant 0 : i32
          %dma_start3A_115 = arith.constant 0 : i32
          %dma_start3A_116 = tpu.memref_slice %arg13[%dma_start3A_114, %dma_start3A_115] : memref<10000x128xf32, #tpu.memory_space<vmem_shared>> -> memref<10000x128xf32, #tpu.memory_space<vmem_shared>>
          tpu.enqueue_indirect_dma source(%arg11 : memref<125x128xf32, #tpu.memory_space<vmem>>) target(%dma_start3A_116 : memref<10000x128xf32, #tpu.memory_space<vmem_shared>>) offsets(%dma_start3A_113 : memref<125xi32, #tpu.memory_space<vmem>>) semaphore(%run_scoped3A : memref<!tpu.dma_semaphore, #tpu.memory_space<semaphore_mem>>) {add = true}
          %dma_wait3A_117 = arith.constant 0 : i32
          %dma_wait3A_118 = tpu.memref_slice %arg10[%mul3A_81, %dma_wait3A_117] : memref<40x125xi32, #tpu.memory_space<vmem>> -> memref<1x125xi32, #tpu.memory_space<vmem>>
          %dma_wait3A_119 = tpu.memref_squeeze %dma_wait3A_118 : memref<1x125xi32, #tpu.memory_space<vmem>> -> memref<125xi32, #tpu.memory_space<vmem>>
          %dma_wait3A_120 = arith.constant 0 : i32
          %dma_wait3A_121 = arith.constant 0 : i32
          %dma_wait3A_122 = tpu.memref_slice %arg13[%dma_wait3A_120, %dma_wait3A_121] : memref<10000x128xf32, #tpu.memory_space<vmem_shared>> -> memref<10000x128xf32, #tpu.memory_space<vmem_shared>>
          tpu.wait_indirect_dma semaphore(%run_scoped3A : memref<!tpu.dma_semaphore, #tpu.memory_space<semaphore_mem>>) src(%arg11 : memref<125x128xf32, #tpu.memory_space<vmem>>) dst(%dma_wait3A_122 : memref<10000x128xf32, #tpu.memory_space<vmem_shared>>)
          tpu.yield
        }) : () -> ()
        %add3A_90 = arith.constant 2 : i32
        %add3A_91 = arith.addi %mul3A_81, %add3A_90 : i32
        %lt3A_92 = arith.constant 40 : i32
        %lt3A_93 = arith.cmpi slt, %add3A_91, %lt3A_92 : i32
        %convert_element_type3A_94 = arith.extui %lt3A_93 : i1 to i32
        %cond3A_95 = arith.constant 0 : i32
        %cond3A_96 = arith.cmpi ne, %convert_element_type3A_94, %cond3A_95 : i32
        scf.if %cond3A_96 {
          %add3A_111 = arith.constant 2 : i32
          %add3A_112 = arith.addi %mul3A_81, %add3A_111 : i32
          %dma_start3A_113 = arith.constant 0 : i32
          %dma_start3A_114 = tpu.memref_slice %arg9[%add3A_112, %dma_start3A_113] : memref<40x125xi32, #tpu.memory_space<vmem>> -> memref<1x125xi32, #tpu.memory_space<vmem>>
          %dma_start3A_115 = tpu.memref_squeeze %dma_start3A_114 : memref<1x125xi32, #tpu.memory_space<vmem>> -> memref<125xi32, #tpu.memory_space<vmem>>
          %dma_start3A_116 = arith.constant 0 : i32
          %dma_start3A_117 = arith.constant 0 : i32
          %dma_start3A_118 = tpu.memref_slice %arg3[%dma_start3A_116, %dma_start3A_117] : memref<10000x128xf32, #tpu.memory_space<hbm>> -> memref<10000x128xf32, #tpu.memory_space<hbm>>
          tpu.enqueue_indirect_dma source(%dma_start3A_118 : memref<10000x128xf32, #tpu.memory_space<hbm>>) target(%arg11 : memref<125x128xf32, #tpu.memory_space<vmem>>) offsets(%dma_start3A_115 : memref<125xi32, #tpu.memory_space<vmem>>) semaphore(%arg14 : memref<!tpu.dma_semaphore, #tpu.memory_space<semaphore_mem>>)
        } else {
        }
        %dma_wait3A_97 = arith.constant 0 : i32
        %dma_wait3A_98 = arith.constant 0 : i32
        %dma_wait3A_99 = tpu.memref_slice %arg9[%dma_wait3A_97, %dma_wait3A_98] : memref<40x125xi32, #tpu.memory_space<vmem>> -> memref<1x125xi32, #tpu.memory_space<vmem>>
        %dma_wait3A_100 = tpu.memref_squeeze %dma_wait3A_99 : memref<1x125xi32, #tpu.memory_space<vmem>> -> memref<125xi32, #tpu.memory_space<vmem>>
        %dma_wait3A_101 = arith.constant 0 : i32
        %dma_wait3A_102 = arith.constant 0 : i32
        %dma_wait3A_103 = tpu.memref_slice %arg3[%dma_wait3A_101, %dma_wait3A_102] : memref<10000x128xf32, #tpu.memory_space<hbm>> -> memref<10000x128xf32, #tpu.memory_space<hbm>>
        tpu.wait_indirect_dma semaphore(%arg15 : memref<!tpu.dma_semaphore, #tpu.memory_space<semaphore_mem>>) src(%dma_wait3A_103 : memref<10000x128xf32, #tpu.memory_space<hbm>>) dst(%arg12 : memref<125x128xf32, #tpu.memory_space<vmem>>)
        "tpu.region"() ({
          %run_scoped3A = tpu.sem_alloc : memref<!tpu.dma_semaphore, #tpu.memory_space<semaphore_mem>>
          %dma_start3A_111 = arith.constant 0 : i32
          %dma_start3A_112 = tpu.memref_slice %arg10[%add3A_83, %dma_start3A_111] : memref<40x125xi32, #tpu.memory_space<vmem>> -> memref<1x125xi32, #tpu.memory_space<vmem>>
          %dma_start3A_113 = tpu.memref_squeeze %dma_start3A_112 : memref<1x125xi32, #tpu.memory_space<vmem>> -> memref<125xi32, #tpu.memory_space<vmem>>
          %dma_start3A_114 = arith.constant 0 : i32
          %dma_start3A_115 = arith.constant 0 : i32
          %dma_start3A_116 = tpu.memref_slice %arg13[%dma_start3A_114, %dma_start3A_115] : memref<10000x128xf32, #tpu.memory_space<vmem_shared>> -> memref<10000x128xf32, #tpu.memory_space<vmem_shared>>
          tpu.enqueue_indirect_dma source(%arg12 : memref<125x128xf32, #tpu.memory_space<vmem>>) target(%dma_start3A_116 : memref<10000x128xf32, #tpu.memory_space<vmem_shared>>) offsets(%dma_start3A_113 : memref<125xi32, #tpu.memory_space<vmem>>) semaphore(%run_scoped3A : memref<!tpu.dma_semaphore, #tpu.memory_space<semaphore_mem>>) {add = true}
          %dma_wait3A_117 = arith.constant 0 : i32
          %dma_wait3A_118 = tpu.memref_slice %arg10[%add3A_83, %dma_wait3A_117] : memref<40x125xi32, #tpu.memory_space<vmem>> -> memref<1x125xi32, #tpu.memory_space<vmem>>
          %dma_wait3A_119 = tpu.memref_squeeze %dma_wait3A_118 : memref<1x125xi32, #tpu.memory_space<vmem>> -> memref<125xi32, #tpu.memory_space<vmem>>
          %dma_wait3A_120 = arith.constant 0 : i32
          %dma_wait3A_121 = arith.constant 0 : i32
          %dma_wait3A_122 = tpu.memref_slice %arg13[%dma_wait3A_120, %dma_wait3A_121] : memref<10000x128xf32, #tpu.memory_space<vmem_shared>> -> memref<10000x128xf32, #tpu.memory_space<vmem_shared>>
          tpu.wait_indirect_dma semaphore(%run_scoped3A : memref<!tpu.dma_semaphore, #tpu.memory_space<semaphore_mem>>) src(%arg12 : memref<125x128xf32, #tpu.memory_space<vmem>>) dst(%dma_wait3A_122 : memref<10000x128xf32, #tpu.memory_space<vmem_shared>>)
          tpu.yield
        }) : () -> ()
        %add3A_104 = arith.constant 2 : i32
        %add3A_105 = arith.addi %add3A_83, %add3A_104 : i32
        %lt3A_106 = arith.constant 40 : i32
        %lt3A_107 = arith.cmpi slt, %add3A_105, %lt3A_106 : i32
        %convert_element_type3A_108 = arith.extui %lt3A_107 : i1 to i32
        %cond3A_109 = arith.constant 0 : i32
        %cond3A_110 = arith.cmpi ne, %convert_element_type3A_108, %cond3A_109 : i32
        scf.if %cond3A_110 {
          %add3A_111 = arith.constant 2 : i32
          %add3A_112 = arith.addi %add3A_83, %add3A_111 : i32
          %dma_start3A_113 = arith.constant 0 : i32
          %dma_start3A_114 = tpu.memref_slice %arg9[%add3A_112, %dma_start3A_113] : memref<40x125xi32, #tpu.memory_space<vmem>> -> memref<1x125xi32, #tpu.memory_space<vmem>>
          %dma_start3A_115 = tpu.memref_squeeze %dma_start3A_114 : memref<1x125xi32, #tpu.memory_space<vmem>> -> memref<125xi32, #tpu.memory_space<vmem>>
          %dma_start3A_116 = arith.constant 0 : i32
          %dma_start3A_117 = arith.constant 0 : i32
          %dma_start3A_118 = tpu.memref_slice %arg3[%dma_start3A_116, %dma_start3A_117] : memref<10000x128xf32, #tpu.memory_space<hbm>> -> memref<10000x128xf32, #tpu.memory_space<hbm>>
          tpu.enqueue_indirect_dma source(%dma_start3A_118 : memref<10000x128xf32, #tpu.memory_space<hbm>>) target(%arg12 : memref<125x128xf32, #tpu.memory_space<vmem>>) offsets(%dma_start3A_115 : memref<125xi32, #tpu.memory_space<vmem>>) semaphore(%arg15 : memref<!tpu.dma_semaphore, #tpu.memory_space<semaphore_mem>>)
        } else {
        }
      }
      %scan3A_78 = arith.constant 20 : i32
    } else {
    }
    %barrier3A = arith.constant 0 : index
    tpu.barrier barrier_id(%barrier3A)
    %eq3A_16 = arith.constant 0 : i32
    %eq3A_17 = arith.cmpi eq, %arg0, %eq3A_16 : i32
    %convert_element_type3A_18 = arith.extui %eq3A_17 : i1 to i32
    %cond3A_19 = arith.constant 0 : i32
    %cond3A_20 = arith.cmpi ne, %convert_element_type3A_18, %cond3A_19 : i32
    scf.if %cond3A_20 {
      %lt3A_26 = arith.constant 15 : i32
      %lt3A_27 = arith.cmpi slt, %arg1, %lt3A_26 : i32
      %convert_element_type3A_28 = arith.extui %lt3A_27 : i1 to i32
      %cond3A_29 = arith.constant 0 : i32
      %cond3A_30 = arith.cmpi ne, %convert_element_type3A_28, %cond3A_29 : i32
      scf.if %cond3A_30 {
        %mul3A = arith.constant 640 : i32
        %mul3A_36 = arith.muli %arg1, %mul3A : i32
        %mul3A_37 = arith.constant 640 : i32
        %mul3A_38 = arith.muli %arg1, %mul3A_37 : i32
        "tpu.region"() ({
          %run_scoped3A = tpu.sem_alloc : memref<!tpu.dma_semaphore, #tpu.memory_space<semaphore_mem>>
          %dma_start3A = arith.constant 0 : i32
          %dma_start3A_39 = tpu.memref_slice %arg7[%mul3A_38, %dma_start3A] : memref<10000x128xf32, #tpu.memory_space<hbm>> -> memref<640x128xf32, #tpu.memory_space<hbm>>
          %dma_start3A_40 = arith.constant 0 : i32
          %dma_start3A_41 = tpu.memref_slice %arg13[%mul3A_36, %dma_start3A_40] : memref<10000x128xf32, #tpu.memory_space<vmem_shared>> -> memref<640x128xf32, #tpu.memory_space<vmem_shared>>
          tpu.enqueue_dma source(%dma_start3A_41 : memref<640x128xf32, #tpu.memory_space<vmem_shared>>) target(%dma_start3A_39 : memref<640x128xf32, #tpu.memory_space<hbm>>) target_semaphore(%run_scoped3A : memref<!tpu.dma_semaphore, #tpu.memory_space<semaphore_mem>>)
          %dma_wait3A = arith.constant 0 : i32
          %dma_wait3A_42 = tpu.memref_slice %arg7[%mul3A_38, %dma_wait3A] : memref<10000x128xf32, #tpu.memory_space<hbm>> -> memref<640x128xf32, #tpu.memory_space<hbm>>
          %dma_wait3A_43 = arith.constant 0 : i32
          %dma_wait3A_44 = tpu.memref_slice %arg13[%mul3A_36, %dma_wait3A_43] : memref<10000x128xf32, #tpu.memory_space<vmem_shared>> -> memref<640x128xf32, #tpu.memory_space<vmem_shared>>
          tpu.wait_dma2 semaphore(%run_scoped3A : memref<!tpu.dma_semaphore, #tpu.memory_space<semaphore_mem>>) src(%dma_wait3A_44 : memref<640x128xf32, #tpu.memory_space<vmem_shared>>) dst(%dma_wait3A_42 : memref<640x128xf32, #tpu.memory_space<hbm>>)
          tpu.yield
        }) : () -> ()
      } else {
      }
      %eq3A_31 = arith.constant 15 : i32
      %eq3A_32 = arith.cmpi eq, %arg1, %eq3A_31 : i32
      %convert_element_type3A_33 = arith.extui %eq3A_32 : i1 to i32
      %cond3A_34 = arith.constant 0 : i32
      %cond3A_35 = arith.cmpi ne, %convert_element_type3A_33, %cond3A_34 : i32
      scf.if %cond3A_35 {
        "tpu.region"() ({
          %run_scoped3A = tpu.sem_alloc : memref<!tpu.dma_semaphore, #tpu.memory_space<semaphore_mem>>
          %dma_start3A = arith.constant 9600 : i32
          %dma_start3A_36 = arith.constant 0 : i32
          %dma_start3A_37 = tpu.memref_slice %arg7[%dma_start3A, %dma_start3A_36] : memref<10000x128xf32, #tpu.memory_space<hbm>> -> memref<400x128xf32, #tpu.memory_space<hbm>>
          %dma_start3A_38 = arith.constant 9600 : i32
          %dma_start3A_39 = arith.constant 0 : i32
          %dma_start3A_40 = tpu.memref_slice %arg13[%dma_start3A_38, %dma_start3A_39] : memref<10000x128xf32, #tpu.memory_space<vmem_shared>> -> memref<400x128xf32, #tpu.memory_space<vmem_shared>>
          tpu.enqueue_dma source(%dma_start3A_40 : memref<400x128xf32, #tpu.memory_space<vmem_shared>>) target(%dma_start3A_37 : memref<400x128xf32, #tpu.memory_space<hbm>>) target_semaphore(%run_scoped3A : memref<!tpu.dma_semaphore, #tpu.memory_space<semaphore_mem>>)
          %dma_wait3A = arith.constant 9600 : i32
          %dma_wait3A_41 = arith.constant 0 : i32
          %dma_wait3A_42 = tpu.memref_slice %arg7[%dma_wait3A, %dma_wait3A_41] : memref<10000x128xf32, #tpu.memory_space<hbm>> -> memref<400x128xf32, #tpu.memory_space<hbm>>
          %dma_wait3A_43 = arith.constant 9600 : i32
          %dma_wait3A_44 = arith.constant 0 : i32
          %dma_wait3A_45 = tpu.memref_slice %arg13[%dma_wait3A_43, %dma_wait3A_44] : memref<10000x128xf32, #tpu.memory_space<vmem_shared>> -> memref<400x128xf32, #tpu.memory_space<vmem_shared>>
          tpu.wait_dma2 semaphore(%run_scoped3A : memref<!tpu.dma_semaphore, #tpu.memory_space<semaphore_mem>>) src(%dma_wait3A_45 : memref<400x128xf32, #tpu.memory_space<vmem_shared>>) dst(%dma_wait3A_42 : memref<400x128xf32, #tpu.memory_space<hbm>>)
          tpu.yield
        }) : () -> ()
      } else {
      }
    } else {
    }
    %eq3A_21 = arith.constant 1 : i32
    %eq3A_22 = arith.cmpi eq, %arg0, %eq3A_21 : i32
    %convert_element_type3A_23 = arith.extui %eq3A_22 : i1 to i32
    %cond3A_24 = arith.constant 0 : i32
    %cond3A_25 = arith.cmpi ne, %convert_element_type3A_23, %cond3A_24 : i32
    scf.if %cond3A_25 {
      %lt3A_26 = arith.constant 15 : i32
      %lt3A_27 = arith.cmpi slt, %arg1, %lt3A_26 : i32
      %convert_element_type3A_28 = arith.extui %lt3A_27 : i1 to i32
      %cond3A_29 = arith.constant 0 : i32
      %cond3A_30 = arith.cmpi ne, %convert_element_type3A_28, %cond3A_29 : i32
      scf.if %cond3A_30 {
        %mul3A = arith.constant 640 : i32
        %mul3A_36 = arith.muli %arg1, %mul3A : i32
        %mul3A_37 = arith.constant 640 : i32
        %mul3A_38 = arith.muli %arg1, %mul3A_37 : i32
        "tpu.region"() ({
          %run_scoped3A = tpu.sem_alloc : memref<!tpu.dma_semaphore, #tpu.memory_space<semaphore_mem>>
          %dma_start3A = arith.constant 0 : i32
          %dma_start3A_39 = tpu.memref_slice %arg8[%mul3A_38, %dma_start3A] : memref<10000x128xf32, #tpu.memory_space<hbm>> -> memref<640x128xf32, #tpu.memory_space<hbm>>
          %dma_start3A_40 = arith.constant 0 : i32
          %dma_start3A_41 = tpu.memref_slice %arg13[%mul3A_36, %dma_start3A_40] : memref<10000x128xf32, #tpu.memory_space<vmem_shared>> -> memref<640x128xf32, #tpu.memory_space<vmem_shared>>
          tpu.enqueue_dma source(%dma_start3A_41 : memref<640x128xf32, #tpu.memory_space<vmem_shared>>) target(%dma_start3A_39 : memref<640x128xf32, #tpu.memory_space<hbm>>) target_semaphore(%run_scoped3A : memref<!tpu.dma_semaphore, #tpu.memory_space<semaphore_mem>>)
          %dma_wait3A = arith.constant 0 : i32
          %dma_wait3A_42 = tpu.memref_slice %arg8[%mul3A_38, %dma_wait3A] : memref<10000x128xf32, #tpu.memory_space<hbm>> -> memref<640x128xf32, #tpu.memory_space<hbm>>
          %dma_wait3A_43 = arith.constant 0 : i32
          %dma_wait3A_44 = tpu.memref_slice %arg13[%mul3A_36, %dma_wait3A_43] : memref<10000x128xf32, #tpu.memory_space<vmem_shared>> -> memref<640x128xf32, #tpu.memory_space<vmem_shared>>
          tpu.wait_dma2 semaphore(%run_scoped3A : memref<!tpu.dma_semaphore, #tpu.memory_space<semaphore_mem>>) src(%dma_wait3A_44 : memref<640x128xf32, #tpu.memory_space<vmem_shared>>) dst(%dma_wait3A_42 : memref<640x128xf32, #tpu.memory_space<hbm>>)
          tpu.yield
        }) : () -> ()
      } else {
      }
      %eq3A_31 = arith.constant 15 : i32
      %eq3A_32 = arith.cmpi eq, %arg1, %eq3A_31 : i32
      %convert_element_type3A_33 = arith.extui %eq3A_32 : i1 to i32
      %cond3A_34 = arith.constant 0 : i32
      %cond3A_35 = arith.cmpi ne, %convert_element_type3A_33, %cond3A_34 : i32
      scf.if %cond3A_35 {
        "tpu.region"() ({
          %run_scoped3A = tpu.sem_alloc : memref<!tpu.dma_semaphore, #tpu.memory_space<semaphore_mem>>
          %dma_start3A = arith.constant 9600 : i32
          %dma_start3A_36 = arith.constant 0 : i32
          %dma_start3A_37 = tpu.memref_slice %arg8[%dma_start3A, %dma_start3A_36] : memref<10000x128xf32, #tpu.memory_space<hbm>> -> memref<400x128xf32, #tpu.memory_space<hbm>>
          %dma_start3A_38 = arith.constant 9600 : i32
          %dma_start3A_39 = arith.constant 0 : i32
          %dma_start3A_40 = tpu.memref_slice %arg13[%dma_start3A_38, %dma_start3A_39] : memref<10000x128xf32, #tpu.memory_space<vmem_shared>> -> memref<400x128xf32, #tpu.memory_space<vmem_shared>>
          tpu.enqueue_dma source(%dma_start3A_40 : memref<400x128xf32, #tpu.memory_space<vmem_shared>>) target(%dma_start3A_37 : memref<400x128xf32, #tpu.memory_space<hbm>>) target_semaphore(%run_scoped3A : memref<!tpu.dma_semaphore, #tpu.memory_space<semaphore_mem>>)
          %dma_wait3A = arith.constant 9600 : i32
          %dma_wait3A_41 = arith.constant 0 : i32
          %dma_wait3A_42 = tpu.memref_slice %arg8[%dma_wait3A, %dma_wait3A_41] : memref<10000x128xf32, #tpu.memory_space<hbm>> -> memref<400x128xf32, #tpu.memory_space<hbm>>
          %dma_wait3A_43 = arith.constant 9600 : i32
          %dma_wait3A_44 = arith.constant 0 : i32
          %dma_wait3A_45 = tpu.memref_slice %arg13[%dma_wait3A_43, %dma_wait3A_44] : memref<10000x128xf32, #tpu.memory_space<vmem_shared>> -> memref<400x128xf32, #tpu.memory_space<vmem_shared>>
          tpu.wait_dma2 semaphore(%run_scoped3A : memref<!tpu.dma_semaphore, #tpu.memory_space<semaphore_mem>>) src(%dma_wait3A_45 : memref<400x128xf32, #tpu.memory_space<vmem_shared>>) dst(%dma_wait3A_42 : memref<400x128xf32, #tpu.memory_space<hbm>>)
          tpu.yield
        }) : () -> ()
      } else {
      }
    } else {
    }
    return
  }
}

module attributes {stable_mosaic.version = 14 : i64} {
  func.func @_t12_body(%arg0: i32, %arg1: i32, %arg2: memref<2000x128xf32, #tpu.memory_space<vmem>>, %arg3: memref<2000x128xf32, #tpu.memory_space<vmem>>, %arg4: memref<2000x128xf32, #tpu.memory_space<vmem>>, %arg5: memref<2000x128xf32, #tpu.memory_space<vmem>>, %arg6: memref<2000x1xf32, #tpu.memory_space<vmem>>, %arg7: memref<256x256xf32, #tpu.memory_space<vmem>>, %arg8: memref<256x256xf32, #tpu.memory_space<vmem>>, %arg9: memref<1x256xf32, #tpu.memory_space<vmem>>, %arg10: memref<1x256xf32, #tpu.memory_space<vmem>>, %arg11: memref<1x256xf32, #tpu.memory_space<vmem>>, %arg12: memref<2000x128xf32, #tpu.memory_space<vmem>>, %arg13: memref<2000x128xf32, #tpu.memory_space<vmem>>, %arg14: memref<10000x256xf32, #tpu.memory_space<vmem>>, %arg15: memref<8x256xf32, #tpu.memory_space<vmem>>) attributes {dimension_semantics = [#tpu.dimension_semantics<arbitrary>, #tpu.dimension_semantics<arbitrary>], iteration_bounds = array<i64: 2, 5>, scalar_prefetch = 0 : i64, scratch_operands = 2 : i64, tpu.core_type = #tpu.core_type<tc>, window_params = [{transform_indices = @transform_0, window_bounds = array<i64: 2000, 128>}, {transform_indices = @transform_1, window_bounds = array<i64: 2000, 128>}, {transform_indices = @transform_2, window_bounds = array<i64: 2000, 128>}, {transform_indices = @transform_3, window_bounds = array<i64: 2000, 128>}, {transform_indices = @transform_4, window_bounds = array<i64: 2000, 1>}, {pipeline_mode = #tpu.pipeline_mode<synchronous>, transform_indices = @transform_5, window_bounds = array<i64: 256, 256>}, {pipeline_mode = #tpu.pipeline_mode<synchronous>, transform_indices = @transform_6, window_bounds = array<i64: 256, 256>}, {pipeline_mode = #tpu.pipeline_mode<synchronous>, transform_indices = @transform_7, window_bounds = array<i64: 1, 256>}, {pipeline_mode = #tpu.pipeline_mode<synchronous>, transform_indices = @transform_8, window_bounds = array<i64: 1, 256>}, {pipeline_mode = #tpu.pipeline_mode<synchronous>, transform_indices = @transform_9, window_bounds = array<i64: 1, 256>}, {transform_indices = @transform_10, window_bounds = array<i64: 2000, 128>}, {transform_indices = @transform_11, window_bounds = array<i64: 2000, 128>}]} {
    %eq3A = arith.constant 0 : i32
    %eq3A_0 = arith.cmpi eq, %arg0, %eq3A : i32
    %convert_element_type3A = arith.extui %eq3A_0 : i1 to i32
    %cond3A = arith.constant 0 : i32
    %cond3A_1 = arith.cmpi ne, %convert_element_type3A, %cond3A : i32
    scf.if %cond3A_1 {
      %get3A = arith.constant 0 : index
      %get3A_7 = arith.constant 0 : index
      %get3A_8 = vector.load %arg2[%get3A, %get3A_7] : memref<2000x128xf32, #tpu.memory_space<vmem>>, vector<2000x128xf32>
      %get3A_9 = arith.constant 0 : index
      %get3A_10 = arith.constant 0 : index
      %get3A_11 = vector.load %arg3[%get3A_9, %get3A_10] : memref<2000x128xf32, #tpu.memory_space<vmem>>, vector<2000x128xf32>
      %concatenate3A = tpu.concatenate %get3A_8, %get3A_11 in 1 : vector<2000x128xf32>, vector<2000x128xf32> -> vector<2000x256xf32>
      %get3A_12 = arith.constant 0 : index
      %get3A_13 = arith.constant 0 : index
      %get3A_14 = vector.load %arg6[%get3A_12, %get3A_13] : memref<2000x1xf32, #tpu.memory_space<vmem>>, vector<2000x1xf32>
      %mul3A = vector.broadcast %get3A_14 : vector<2000x1xf32> to vector<2000x256xf32>
      %mul3A_15 = arith.mulf %concatenate3A, %mul3A : vector<2000x256xf32>
      %get3A_16 = arith.constant 0 : index
      %get3A_17 = arith.constant 0 : index
      %get3A_18 = vector.load %arg4[%get3A_16, %get3A_17] : memref<2000x128xf32, #tpu.memory_space<vmem>>, vector<2000x128xf32>
      %get3A_19 = arith.constant 0 : index
      %get3A_20 = arith.constant 0 : index
      %get3A_21 = vector.load %arg5[%get3A_19, %get3A_20] : memref<2000x128xf32, #tpu.memory_space<vmem>>, vector<2000x128xf32>
      %concatenate3A_22 = tpu.concatenate %get3A_18, %get3A_21 in 1 : vector<2000x128xf32>, vector<2000x128xf32> -> vector<2000x256xf32>
      %get3A_23 = arith.constant 0 : index
      %get3A_24 = arith.constant 0 : index
      %get3A_25 = vector.load %arg7[%get3A_23, %get3A_24] : memref<256x256xf32, #tpu.memory_space<vmem>>, vector<256x256xf32>
      %dot_general3A = arith.constant dense<0.000000e+00> : vector<2000x256xf32>
      %dot_general3A_26 = tpu.matmul %mul3A_15, %get3A_25, %dot_general3A {dimension_numbers = #tpu.dot_dimension_numbers<[1], [0], [0], [1], [0, 0, 1, 1], [], []>, transpose_lhs_hint = false} : vector<2000x256xf32>, vector<256x256xf32>, vector<2000x256xf32> -> vector<2000x256xf32>
      %get3A_27 = arith.constant 0 : index
      %get3A_28 = arith.constant 0 : index
      %get3A_29 = vector.load %arg8[%get3A_27, %get3A_28] : memref<256x256xf32, #tpu.memory_space<vmem>>, vector<256x256xf32>
      %dot_general3A_30 = arith.constant dense<0.000000e+00> : vector<2000x256xf32>
      %dot_general3A_31 = tpu.matmul %concatenate3A_22, %get3A_29, %dot_general3A_30 {dimension_numbers = #tpu.dot_dimension_numbers<[1], [0], [0], [1], [0, 0, 1, 1], [], []>, transpose_lhs_hint = false} : vector<2000x256xf32>, vector<256x256xf32>, vector<2000x256xf32> -> vector<2000x256xf32>
      %add3A = arith.addf %dot_general3A_26, %dot_general3A_31 : vector<2000x256xf32>
      %get3A_32 = arith.constant 0 : index
      %get3A_33 = arith.constant 0 : index
      %get3A_34 = vector.load %arg9[%get3A_32, %get3A_33] : memref<1x256xf32, #tpu.memory_space<vmem>>, vector<1x256xf32>
      %add3A_35 = vector.broadcast %get3A_34 : vector<1x256xf32> to vector<2000x256xf32>
      %add3A_36 = arith.addf %add3A, %add3A_35 : vector<2000x256xf32>
      %mul3A_37 = arith.constant 2000 : i32
      %mul3A_38 = arith.muli %arg1, %mul3A_37 : i32
      %swap3A = arith.index_cast %mul3A_38 : i32 to index
      %swap3A_39 = arith.constant 0 : index
      %swap3A_40 = vector.load %arg14[%swap3A, %swap3A_39] : memref<10000x256xf32, #tpu.memory_space<vmem>>, vector<2000x256xf32>
      tpu.vector_store %arg14[%swap3A, %swap3A_39], %add3A_36 {strides = array<i32>} : memref<10000x256xf32, #tpu.memory_space<vmem>>, vector<2000x256xf32>,
      %eq3A_41 = arith.constant 0 : i32
      %eq3A_42 = arith.cmpi eq, %arg1, %eq3A_41 : i32
      %convert_element_type3A_43 = arith.extui %eq3A_42 : i1 to i32
      %cond3A_44 = arith.constant 0 : i32
      %cond3A_45 = arith.cmpi ne, %convert_element_type3A_43, %cond3A_44 : i32
      scf.if %cond3A_45 {
        %broadcast_in_dim3A_65 = arith.constant 0.000000e+00 : f32
        %broadcast_in_dim3A_66 = vector.broadcast %broadcast_in_dim3A_65 : f32 to vector<8x256xf32>
        %swap3A_67 = arith.constant 0 : index
        %swap3A_68 = arith.constant 0 : index
        %swap3A_69 = vector.load %arg15[%swap3A_67, %swap3A_68] : memref<8x256xf32, #tpu.memory_space<vmem>>, vector<8x256xf32>
        tpu.vector_store %arg15[%swap3A_67, %swap3A_68], %broadcast_in_dim3A_66 {strides = array<i32>} : memref<8x256xf32, #tpu.memory_space<vmem>>, vector<8x256xf32>,
      } else {
      }
      %get3A_46 = arith.constant 0 : index
      %get3A_47 = arith.constant 0 : index
      %get3A_48 = vector.load %arg15[%get3A_46, %get3A_47] : memref<8x256xf32, #tpu.memory_space<vmem>>, vector<1x256xf32>
      %reduce_sum3A = arith.constant dense<0.000000e+00> : vector<256xf32>
      %reduce_sum3A_49 = vector.multi_reduction <add>, %add3A_36, %reduce_sum3A [0] : vector<2000x256xf32> to vector<256xf32>
      %broadcast_in_dim3A = vector.shape_cast %reduce_sum3A_49 : vector<256xf32> to vector<1x256xf32>
      %add3A_50 = arith.addf %get3A_48, %broadcast_in_dim3A : vector<1x256xf32>
      %swap3A_51 = arith.constant 0 : index
      %swap3A_52 = arith.constant 0 : index
      %swap3A_53 = vector.load %arg15[%swap3A_51, %swap3A_52] : memref<8x256xf32, #tpu.memory_space<vmem>>, vector<1x256xf32>
      tpu.vector_store %arg15[%swap3A_51, %swap3A_52], %add3A_50 {strides = array<i32>} : memref<8x256xf32, #tpu.memory_space<vmem>>, vector<1x256xf32>,
      %get3A_54 = arith.constant 1 : index
      %get3A_55 = arith.constant 0 : index
      %get3A_56 = vector.load %arg15[%get3A_54, %get3A_55] : memref<8x256xf32, #tpu.memory_space<vmem>>, vector<1x256xf32>
      %mul3A_57 = arith.mulf %add3A_36, %add3A_36 : vector<2000x256xf32>
      %reduce_sum3A_58 = arith.constant dense<0.000000e+00> : vector<256xf32>
      %reduce_sum3A_59 = vector.multi_reduction <add>, %mul3A_57, %reduce_sum3A_58 [0] : vector<2000x256xf32> to vector<256xf32>
      %broadcast_in_dim3A_60 = vector.shape_cast %reduce_sum3A_59 : vector<256xf32> to vector<1x256xf32>
      %add3A_61 = arith.addf %get3A_56, %broadcast_in_dim3A_60 : vector<1x256xf32>
      %swap3A_62 = arith.constant 1 : index
      %swap3A_63 = arith.constant 0 : index
      %swap3A_64 = vector.load %arg15[%swap3A_62, %swap3A_63] : memref<8x256xf32, #tpu.memory_space<vmem>>, vector<1x256xf32>
      tpu.vector_store %arg15[%swap3A_62, %swap3A_63], %add3A_61 {strides = array<i32>} : memref<8x256xf32, #tpu.memory_space<vmem>>, vector<1x256xf32>,
    } else {
    }
    %eq3A_2 = arith.constant 1 : i32
    %eq3A_3 = arith.cmpi eq, %arg0, %eq3A_2 : i32
    %convert_element_type3A_4 = arith.extui %eq3A_3 : i1 to i32
    %cond3A_5 = arith.constant 0 : i32
    %cond3A_6 = arith.cmpi ne, %convert_element_type3A_4, %cond3A_5 : i32
    scf.if %cond3A_6 {
      %get3A = arith.constant 0 : index
      %get3A_7 = arith.constant 0 : index
      %get3A_8 = vector.load %arg15[%get3A, %get3A_7] : memref<8x256xf32, #tpu.memory_space<vmem>>, vector<1x256xf32>
      %mul3A = arith.constant 9.99999974E-5 : f32
      %mul3A_9 = vector.broadcast %mul3A : f32 to vector<1x256xf32>
      %mul3A_10 = arith.mulf %get3A_8, %mul3A_9 : vector<1x256xf32>
      %get3A_11 = arith.constant 1 : index
      %get3A_12 = arith.constant 0 : index
      %get3A_13 = vector.load %arg15[%get3A_11, %get3A_12] : memref<8x256xf32, #tpu.memory_space<vmem>>, vector<1x256xf32>
      %mul3A_14 = arith.constant 9.99999974E-5 : f32
      %mul3A_15 = vector.broadcast %mul3A_14 : f32 to vector<1x256xf32>
      %mul3A_16 = arith.mulf %get3A_13, %mul3A_15 : vector<1x256xf32>
      %mul3A_17 = arith.mulf %mul3A_10, %mul3A_10 : vector<1x256xf32>
      %sub3A = arith.subf %mul3A_16, %mul3A_17 : vector<1x256xf32>
      %get3A_18 = arith.constant 0 : index
      %get3A_19 = arith.constant 0 : index
      %get3A_20 = vector.load %arg10[%get3A_18, %get3A_19] : memref<1x256xf32, #tpu.memory_space<vmem>>, vector<1x256xf32>
      %add3A = arith.constant 9.99999974E-6 : f32
      %add3A_21 = vector.broadcast %add3A : f32 to vector<1x256xf32>
      %add3A_22 = arith.addf %sub3A, %add3A_21 : vector<1x256xf32>
      %rsqrt3A = math.rsqrt %add3A_22 : vector<1x256xf32>
      %mul3A_23 = arith.mulf %get3A_20, %rsqrt3A : vector<1x256xf32>
      %get3A_24 = arith.constant 0 : index
      %get3A_25 = arith.constant 0 : index
      %get3A_26 = vector.load %arg11[%get3A_24, %get3A_25] : memref<1x256xf32, #tpu.memory_space<vmem>>, vector<1x256xf32>
      %mul3A_27 = arith.mulf %mul3A_23, %mul3A_10 : vector<1x256xf32>
      %sub3A_28 = arith.subf %get3A_26, %mul3A_27 : vector<1x256xf32>
      %mul3A_29 = arith.constant 2000 : i32
      %mul3A_30 = arith.muli %arg1, %mul3A_29 : i32
      %get3A_31 = arith.index_cast %mul3A_30 : i32 to index
      %get3A_32 = arith.constant 0 : index
      %get3A_33 = vector.load %arg14[%get3A_31, %get3A_32] : memref<10000x256xf32, #tpu.memory_space<vmem>>, vector<2000x256xf32>
      %mul3A_34 = vector.broadcast %mul3A_23 : vector<1x256xf32> to vector<2000x256xf32>
      %mul3A_35 = arith.mulf %get3A_33, %mul3A_34 : vector<2000x256xf32>
      %add3A_36 = vector.broadcast %sub3A_28 : vector<1x256xf32> to vector<2000x256xf32>
      %add3A_37 = arith.addf %mul3A_35, %add3A_36 : vector<2000x256xf32>
      %max3A = arith.constant 0.000000e+00 : f32
      %max3A_38 = vector.broadcast %max3A : f32 to vector<2000x256xf32>
      %max3A_39 = arith.maximumf %add3A_37, %max3A_38 : vector<2000x256xf32>
      %slice3A = vector.extract_strided_slice %max3A_39 {offsets = [0, 0], sizes = [2000, 128], strides = [1, 1]} : vector<2000x256xf32> to vector<2000x128xf32>
      %swap3A = arith.constant 0 : index
      %swap3A_40 = arith.constant 0 : index
      %swap3A_41 = vector.load %arg12[%swap3A, %swap3A_40] : memref<2000x128xf32, #tpu.memory_space<vmem>>, vector<2000x128xf32>
      tpu.vector_store %arg12[%swap3A, %swap3A_40], %slice3A {strides = array<i32>} : memref<2000x128xf32, #tpu.memory_space<vmem>>, vector<2000x128xf32>,
      %slice3A_42 = vector.extract_strided_slice %max3A_39 {offsets = [0, 128], sizes = [2000, 128], strides = [1, 1]} : vector<2000x256xf32> to vector<2000x128xf32>
      %swap3A_43 = arith.constant 0 : index
      %swap3A_44 = arith.constant 0 : index
      %swap3A_45 = vector.load %arg13[%swap3A_43, %swap3A_44] : memref<2000x128xf32, #tpu.memory_space<vmem>>, vector<2000x128xf32>
      tpu.vector_store %arg13[%swap3A_43, %swap3A_44], %slice3A_42 {strides = array<i32>} : memref<2000x128xf32, #tpu.memory_space<vmem>>, vector<2000x128xf32>,
    } else {
    }
    return
  }
  func.func @transform_0(%arg0: i32, %arg1: i32) -> (i32, i32) {
    %eq3A = arith.constant 0 : i32
    %eq3A_0 = arith.cmpi eq, %arg0, %eq3A : i32
    %jit3A = arith.constant 0 : i32
    %select_n3A = arith.select %eq3A_0, %arg1, %jit3A : i32
    %c0_i32 = arith.constant 0 : i32
    %c0_i32_1 = arith.constant 0 : i32
    return %select_n3A, %c0_i32 : i32, i32
  }
  func.func @transform_1(%arg0: i32, %arg1: i32) -> (i32, i32) {
    %eq3A = arith.constant 0 : i32
    %eq3A_0 = arith.cmpi eq, %arg0, %eq3A : i32
    %jit3A = arith.constant 0 : i32
    %select_n3A = arith.select %eq3A_0, %arg1, %jit3A : i32
    %c0_i32 = arith.constant 0 : i32
    %c0_i32_1 = arith.constant 0 : i32
    return %select_n3A, %c0_i32 : i32, i32
  }
  func.func @transform_2(%arg0: i32, %arg1: i32) -> (i32, i32) {
    %eq3A = arith.constant 0 : i32
    %eq3A_0 = arith.cmpi eq, %arg0, %eq3A : i32
    %jit3A = arith.constant 0 : i32
    %select_n3A = arith.select %eq3A_0, %arg1, %jit3A : i32
    %c0_i32 = arith.constant 0 : i32
    %c0_i32_1 = arith.constant 0 : i32
    return %select_n3A, %c0_i32 : i32, i32
  }
  func.func @transform_3(%arg0: i32, %arg1: i32) -> (i32, i32) {
    %eq3A = arith.constant 0 : i32
    %eq3A_0 = arith.cmpi eq, %arg0, %eq3A : i32
    %jit3A = arith.constant 0 : i32
    %select_n3A = arith.select %eq3A_0, %arg1, %jit3A : i32
    %c0_i32 = arith.constant 0 : i32
    %c0_i32_1 = arith.constant 0 : i32
    return %select_n3A, %c0_i32 : i32, i32
  }
  func.func @transform_4(%arg0: i32, %arg1: i32) -> (i32, i32) {
    %eq3A = arith.constant 0 : i32
    %eq3A_0 = arith.cmpi eq, %arg0, %eq3A : i32
    %jit3A = arith.constant 0 : i32
    %select_n3A = arith.select %eq3A_0, %arg1, %jit3A : i32
    %c0_i32 = arith.constant 0 : i32
    %c0_i32_1 = arith.constant 0 : i32
    return %select_n3A, %c0_i32 : i32, i32
  }
  func.func @transform_5(%arg0: i32, %arg1: i32) -> (i32, i32) {
    %c0_i32 = arith.constant 0 : i32
    %c0_i32_0 = arith.constant 0 : i32
    %c0_i32_1 = arith.constant 0 : i32
    return %c0_i32, %c0_i32_0 : i32, i32
  }
  func.func @transform_6(%arg0: i32, %arg1: i32) -> (i32, i32) {
    %c0_i32 = arith.constant 0 : i32
    %c0_i32_0 = arith.constant 0 : i32
    %c0_i32_1 = arith.constant 0 : i32
    return %c0_i32, %c0_i32_0 : i32, i32
  }
  func.func @transform_7(%arg0: i32, %arg1: i32) -> (i32, i32) {
    %c0_i32 = arith.constant 0 : i32
    %c0_i32_0 = arith.constant 0 : i32
    %c0_i32_1 = arith.constant 0 : i32
    return %c0_i32, %c0_i32_0 : i32, i32
  }
  func.func @transform_8(%arg0: i32, %arg1: i32) -> (i32, i32) {
    %c0_i32 = arith.constant 0 : i32
    %c0_i32_0 = arith.constant 0 : i32
    %c0_i32_1 = arith.constant 0 : i32
    return %c0_i32, %c0_i32_0 : i32, i32
  }
  func.func @transform_9(%arg0: i32, %arg1: i32) -> (i32, i32) {
    %c0_i32 = arith.constant 0 : i32
    %c0_i32_0 = arith.constant 0 : i32
    %c0_i32_1 = arith.constant 0 : i32
    return %c0_i32, %c0_i32_0 : i32, i32
  }
  func.func @transform_10(%arg0: i32, %arg1: i32) -> (i32, i32) {
    %c0_i32 = arith.constant 0 : i32
    %c0_i32_0 = arith.constant 0 : i32
    return %arg1, %c0_i32 : i32, i32
  }
  func.func @transform_11(%arg0: i32, %arg1: i32) -> (i32, i32) {
    %c0_i32 = arith.constant 0 : i32
    %c0_i32_0 = arith.constant 0 : i32
    return %arg1, %c0_i32 : i32, i32
  }
}

module attributes {stable_mosaic.version = 14 : i64} {
  func.func @_t3_body(%arg0: i32, %arg1: memref<2000x128xf32, #tpu.memory_space<vmem>>, %arg2: memref<2000x128xf32, #tpu.memory_space<vmem>>, %arg3: memref<2000x128xf32, #tpu.memory_space<vmem>>, %arg4: memref<2000x128xf32, #tpu.memory_space<vmem>>, %arg5: memref<2000x1xf32, #tpu.memory_space<vmem>>, %arg6: memref<256x256xf32, #tpu.memory_space<vmem>>, %arg7: memref<256x256xf32, #tpu.memory_space<vmem>>, %arg8: memref<1x256xf32, #tpu.memory_space<vmem>>, %arg9: memref<1x1x2000xi32, #tpu.memory_space<vmem>>, %arg10: memref<64x256xf32, #tpu.memory_space<vmem>>, %arg11: memref<64x256xf32, #tpu.memory_space<vmem>>, %arg12: memref<64x128xf32, #tpu.memory_space<vmem>>) attributes {dimension_semantics = [#tpu.dimension_semantics<arbitrary>], iteration_bounds = array<i64: 5>, scalar_prefetch = 0 : i64, scratch_operands = 2 : i64, tpu.core_type = #tpu.core_type<tc>, window_params = [{transform_indices = @transform_0, window_bounds = array<i64: 2000, 128>}, {transform_indices = @transform_1, window_bounds = array<i64: 2000, 128>}, {transform_indices = @transform_2, window_bounds = array<i64: 2000, 128>}, {transform_indices = @transform_3, window_bounds = array<i64: 2000, 128>}, {transform_indices = @transform_4, window_bounds = array<i64: 2000, 1>}, {pipeline_mode = #tpu.pipeline_mode<synchronous>, transform_indices = @transform_5, window_bounds = array<i64: 256, 256>}, {pipeline_mode = #tpu.pipeline_mode<synchronous>, transform_indices = @transform_6, window_bounds = array<i64: 256, 256>}, {pipeline_mode = #tpu.pipeline_mode<synchronous>, transform_indices = @transform_7, window_bounds = array<i64: 1, 256>}, {transform_indices = @transform_8, window_bounds = array<i64: 1, 1, 2000>}, {pipeline_mode = #tpu.pipeline_mode<synchronous>, transform_indices = @transform_9, window_bounds = array<i64: 64, 256>}]} {
    %get3A = arith.constant 0 : index
    %get3A_0 = arith.constant 0 : index
    %get3A_1 = vector.load %arg1[%get3A, %get3A_0] : memref<2000x128xf32, #tpu.memory_space<vmem>>, vector<2000x128xf32>
    %get3A_2 = arith.constant 0 : index
    %get3A_3 = arith.constant 0 : index
    %get3A_4 = vector.load %arg2[%get3A_2, %get3A_3] : memref<2000x128xf32, #tpu.memory_space<vmem>>, vector<2000x128xf32>
    %concatenate3A = tpu.concatenate %get3A_1, %get3A_4 in 1 : vector<2000x128xf32>, vector<2000x128xf32> -> vector<2000x256xf32>
    %get3A_5 = arith.constant 0 : index
    %get3A_6 = arith.constant 0 : index
    %get3A_7 = vector.load %arg5[%get3A_5, %get3A_6] : memref<2000x1xf32, #tpu.memory_space<vmem>>, vector<2000x1xf32>
    %mul3A = vector.broadcast %get3A_7 : vector<2000x1xf32> to vector<2000x256xf32>
    %mul3A_8 = arith.mulf %concatenate3A, %mul3A : vector<2000x256xf32>
    %get3A_9 = arith.constant 0 : index
    %get3A_10 = arith.constant 0 : index
    %get3A_11 = vector.load %arg3[%get3A_9, %get3A_10] : memref<2000x128xf32, #tpu.memory_space<vmem>>, vector<2000x128xf32>
    %get3A_12 = arith.constant 0 : index
    %get3A_13 = arith.constant 0 : index
    %get3A_14 = vector.load %arg4[%get3A_12, %get3A_13] : memref<2000x128xf32, #tpu.memory_space<vmem>>, vector<2000x128xf32>
    %concatenate3A_15 = tpu.concatenate %get3A_11, %get3A_14 in 1 : vector<2000x128xf32>, vector<2000x128xf32> -> vector<2000x256xf32>
    %get3A_16 = arith.constant 0 : index
    %get3A_17 = arith.constant 0 : index
    %get3A_18 = vector.load %arg6[%get3A_16, %get3A_17] : memref<256x256xf32, #tpu.memory_space<vmem>>, vector<256x256xf32>
    %dot_general3A = arith.constant dense<0.000000e+00> : vector<2000x256xf32>
    %dot_general3A_19 = tpu.matmul %mul3A_8, %get3A_18, %dot_general3A {dimension_numbers = #tpu.dot_dimension_numbers<[1], [0], [0], [1], [0, 0, 1, 1], [], []>, transpose_lhs_hint = false} : vector<2000x256xf32>, vector<256x256xf32>, vector<2000x256xf32> -> vector<2000x256xf32>
    %get3A_20 = arith.constant 0 : index
    %get3A_21 = arith.constant 0 : index
    %get3A_22 = vector.load %arg7[%get3A_20, %get3A_21] : memref<256x256xf32, #tpu.memory_space<vmem>>, vector<256x256xf32>
    %dot_general3A_23 = arith.constant dense<0.000000e+00> : vector<2000x256xf32>
    %dot_general3A_24 = tpu.matmul %concatenate3A_15, %get3A_22, %dot_general3A_23 {dimension_numbers = #tpu.dot_dimension_numbers<[1], [0], [0], [1], [0, 0, 1, 1], [], []>, transpose_lhs_hint = false} : vector<2000x256xf32>, vector<256x256xf32>, vector<2000x256xf32> -> vector<2000x256xf32>
    %add3A = arith.addf %dot_general3A_19, %dot_general3A_24 : vector<2000x256xf32>
    %get3A_25 = arith.constant 0 : index
    %get3A_26 = arith.constant 0 : index
    %get3A_27 = vector.load %arg8[%get3A_25, %get3A_26] : memref<1x256xf32, #tpu.memory_space<vmem>>, vector<1x256xf32>
    %add3A_28 = vector.broadcast %get3A_27 : vector<1x256xf32> to vector<2000x256xf32>
    %add3A_29 = arith.addf %add3A, %add3A_28 : vector<2000x256xf32>
    %get3A_30 = arith.constant 0 : index
    %get3A_31 = arith.constant 0 : index
    %get3A_32 = arith.constant 0 : index
    %get3A_33 = vector.load %arg9[%get3A_30, %get3A_31, %get3A_32] : memref<1x1x2000xi32, #tpu.memory_space<vmem>>, vector<1x1x2000xi32>
    %get3A_34 = vector.shape_cast %get3A_33 : vector<1x1x2000xi32> to vector<2000xi32>
    %broadcast_in_dim3A = vector.shape_cast %get3A_34 : vector<2000xi32> to vector<2000x1xi32>
    %iota3A = tpu.iota {dimensions = array<i32: 1>} : vector<2000x64xi32>
    %eq3A = vector.broadcast %broadcast_in_dim3A : vector<2000x1xi32> to vector<2000x64xi32>
    %eq3A_35 = arith.cmpi eq, %eq3A, %iota3A : vector<2000x64xi32>
    %convert_element_type3A = arith.extui %eq3A_35 : vector<2000x64xi1> to vector<2000x64xi32>
    %convert_element_type3A_36 = arith.sitofp %convert_element_type3A : vector<2000x64xi32> to vector<2000x64xf32>
    %eq3A_37 = arith.constant 0 : i32
    %eq3A_38 = arith.cmpi eq, %arg0, %eq3A_37 : i32
    %convert_element_type3A_39 = arith.extui %eq3A_38 : i1 to i32
    %cond3A = arith.constant 0 : i32
    %cond3A_40 = arith.cmpi ne, %convert_element_type3A_39, %cond3A : i32
    scf.if %cond3A_40 {
      %broadcast_in_dim3A_65 = arith.constant 0.000000e+00 : f32
      %broadcast_in_dim3A_66 = vector.broadcast %broadcast_in_dim3A_65 : f32 to vector<64x256xf32>
      %swap3A_67 = arith.constant 0 : index
      %swap3A_68 = arith.constant 0 : index
      %swap3A_69 = vector.load %arg11[%swap3A_67, %swap3A_68] : memref<64x256xf32, #tpu.memory_space<vmem>>, vector<64x256xf32>
      tpu.vector_store %arg11[%swap3A_67, %swap3A_68], %broadcast_in_dim3A_66 {strides = array<i32>} : memref<64x256xf32, #tpu.memory_space<vmem>>, vector<64x256xf32>,
      %broadcast_in_dim3A_70 = arith.constant 0.000000e+00 : f32
      %broadcast_in_dim3A_71 = vector.broadcast %broadcast_in_dim3A_70 : f32 to vector<64x128xf32>
      %swap3A_72 = arith.constant 0 : index
      %swap3A_73 = arith.constant 0 : index
      %swap3A_74 = vector.load %arg12[%swap3A_72, %swap3A_73] : memref<64x128xf32, #tpu.memory_space<vmem>>, vector<64x128xf32>
      tpu.vector_store %arg12[%swap3A_72, %swap3A_73], %broadcast_in_dim3A_71 {strides = array<i32>} : memref<64x128xf32, #tpu.memory_space<vmem>>, vector<64x128xf32>,
    } else {
    }
    %get3A_41 = arith.constant 0 : index
    %get3A_42 = arith.constant 0 : index
    %get3A_43 = vector.load %arg11[%get3A_41, %get3A_42] : memref<64x256xf32, #tpu.memory_space<vmem>>, vector<64x256xf32>
    %dot_general3A_44 = arith.constant dense<0.000000e+00> : vector<64x256xf32>
    %dot_general3A_45 = tpu.matmul %convert_element_type3A_36, %add3A_29, %dot_general3A_44 {dimension_numbers = #tpu.dot_dimension_numbers<[0], [0], [1], [1], [0, 1, 1, 1], [], []>, transpose_lhs_hint = false} : vector<2000x64xf32>, vector<2000x256xf32>, vector<64x256xf32> -> vector<64x256xf32>
    %add3A_46 = arith.addf %get3A_43, %dot_general3A_45 : vector<64x256xf32>
    %swap3A = arith.constant 0 : index
    %swap3A_47 = arith.constant 0 : index
    %swap3A_48 = vector.load %arg11[%swap3A, %swap3A_47] : memref<64x256xf32, #tpu.memory_space<vmem>>, vector<64x256xf32>
    tpu.vector_store %arg11[%swap3A, %swap3A_47], %add3A_46 {strides = array<i32>} : memref<64x256xf32, #tpu.memory_space<vmem>>, vector<64x256xf32>,
    %get3A_49 = arith.constant 0 : index
    %get3A_50 = arith.constant 0 : index
    %get3A_51 = vector.load %arg12[%get3A_49, %get3A_50] : memref<64x128xf32, #tpu.memory_space<vmem>>, vector<64x128xf32>
    %broadcast_in_dim3A_52 = arith.constant 1.000000e+00 : f32
    %broadcast_in_dim3A_53 = vector.broadcast %broadcast_in_dim3A_52 : f32 to vector<2000x128xf32>
    %dot_general3A_54 = arith.constant dense<0.000000e+00> : vector<64x128xf32>
    %dot_general3A_55 = tpu.matmul %convert_element_type3A_36, %broadcast_in_dim3A_53, %dot_general3A_54 {dimension_numbers = #tpu.dot_dimension_numbers<[0], [0], [1], [1], [0, 1, 1, 1], [], []>, transpose_lhs_hint = false} : vector<2000x64xf32>, vector<2000x128xf32>, vector<64x128xf32> -> vector<64x128xf32>
    %add3A_56 = arith.addf %get3A_51, %dot_general3A_55 : vector<64x128xf32>
    %swap3A_57 = arith.constant 0 : index
    %swap3A_58 = arith.constant 0 : index
    %swap3A_59 = vector.load %arg12[%swap3A_57, %swap3A_58] : memref<64x128xf32, #tpu.memory_space<vmem>>, vector<64x128xf32>
    tpu.vector_store %arg12[%swap3A_57, %swap3A_58], %add3A_56 {strides = array<i32>} : memref<64x128xf32, #tpu.memory_space<vmem>>, vector<64x128xf32>,
    %eq3A_60 = arith.constant 4 : i32
    %eq3A_61 = arith.cmpi eq, %arg0, %eq3A_60 : i32
    %convert_element_type3A_62 = arith.extui %eq3A_61 : i1 to i32
    %cond3A_63 = arith.constant 0 : i32
    %cond3A_64 = arith.cmpi ne, %convert_element_type3A_62, %cond3A_63 : i32
    scf.if %cond3A_64 {
      %get3A_65 = arith.constant 0 : index
      %get3A_66 = arith.constant 0 : index
      %get3A_67 = vector.load %arg11[%get3A_65, %get3A_66] : memref<64x256xf32, #tpu.memory_space<vmem>>, vector<64x256xf32>
      %get3A_68 = arith.constant 0 : index
      %get3A_69 = arith.constant 0 : index
      %get3A_70 = vector.load %arg12[%get3A_68, %get3A_69] : memref<64x128xf32, #tpu.memory_space<vmem>>, vector<64x1xf32>
      %max3A = arith.constant 1.000000e+00 : f32
      %max3A_71 = vector.broadcast %max3A : f32 to vector<64x1xf32>
      %max3A_72 = arith.maximumf %get3A_70, %max3A_71 : vector<64x1xf32>
      %div3A = vector.broadcast %max3A_72 : vector<64x1xf32> to vector<64x256xf32>
      %div3A_73 = arith.divf %get3A_67, %div3A : vector<64x256xf32>
      %swap3A_74 = arith.constant 0 : index
      %swap3A_75 = arith.constant 0 : index
      %swap3A_76 = vector.load %arg10[%swap3A_74, %swap3A_75] : memref<64x256xf32, #tpu.memory_space<vmem>>, vector<64x256xf32>
      tpu.vector_store %arg10[%swap3A_74, %swap3A_75], %div3A_73 {strides = array<i32>} : memref<64x256xf32, #tpu.memory_space<vmem>>, vector<64x256xf32>,
    } else {
    }
    return
  }
  func.func @transform_0(%arg0: i32) -> (i32, i32) {
    %c0_i32 = arith.constant 0 : i32
    %c0_i32_0 = arith.constant 0 : i32
    return %arg0, %c0_i32 : i32, i32
  }
  func.func @transform_1(%arg0: i32) -> (i32, i32) {
    %c0_i32 = arith.constant 0 : i32
    %c0_i32_0 = arith.constant 0 : i32
    return %arg0, %c0_i32 : i32, i32
  }
  func.func @transform_2(%arg0: i32) -> (i32, i32) {
    %c0_i32 = arith.constant 0 : i32
    %c0_i32_0 = arith.constant 0 : i32
    return %arg0, %c0_i32 : i32, i32
  }
  func.func @transform_3(%arg0: i32) -> (i32, i32) {
    %c0_i32 = arith.constant 0 : i32
    %c0_i32_0 = arith.constant 0 : i32
    return %arg0, %c0_i32 : i32, i32
  }
  func.func @transform_4(%arg0: i32) -> (i32, i32) {
    %c0_i32 = arith.constant 0 : i32
    %c0_i32_0 = arith.constant 0 : i32
    return %arg0, %c0_i32 : i32, i32
  }
  func.func @transform_5(%arg0: i32) -> (i32, i32) {
    %c0_i32 = arith.constant 0 : i32
    %c0_i32_0 = arith.constant 0 : i32
    %c0_i32_1 = arith.constant 0 : i32
    return %c0_i32, %c0_i32_0 : i32, i32
  }
  func.func @transform_6(%arg0: i32) -> (i32, i32) {
    %c0_i32 = arith.constant 0 : i32
    %c0_i32_0 = arith.constant 0 : i32
    %c0_i32_1 = arith.constant 0 : i32
    return %c0_i32, %c0_i32_0 : i32, i32
  }
  func.func @transform_7(%arg0: i32) -> (i32, i32) {
    %c0_i32 = arith.constant 0 : i32
    %c0_i32_0 = arith.constant 0 : i32
    %c0_i32_1 = arith.constant 0 : i32
    return %c0_i32, %c0_i32_0 : i32, i32
  }
  func.func @transform_8(%arg0: i32) -> (i32, i32, i32) {
    %c0_i32 = arith.constant 0 : i32
    %c0_i32_0 = arith.constant 0 : i32
    %c0_i32_1 = arith.constant 0 : i32
    return %arg0, %c0_i32, %c0_i32_0 : i32, i32, i32
  }
  func.func @transform_9(%arg0: i32) -> (i32, i32) {
    %c0_i32 = arith.constant 0 : i32
    %c0_i32_0 = arith.constant 0 : i32
    %c0_i32_1 = arith.constant 0 : i32
    return %c0_i32, %c0_i32_0 : i32, i32
  }
}

</mosaic_0001>

<sc_bundles>
// kernel: kernel.12.cloned.1.call-start
scs
__scs_entry_jumppad:
0x0: {  	(pc) =	sbr.rel $0x88, $3  }
0x1: {  	(tag) =	ssettag $0x0;
	lr =	simm.s32 $0x1  }
0x2: {  	[smem:$0x3F91] =	sst lr;
	_ =	strace $0xD0000000  }
0x3: {  	_ = 	snop  }
0x4: {  	_ = 	snop  }
0x5: {  	_ = 	snop  }
0x6: {  	_ = 	snop  }
0x7: {  	_ = 	snop  }
__scs_overlays_trampoline_lowered:
0x8: {  	[smem:$0x3FA0] =	sst s0  }
0x9: {  	[smem:$0x3FA1] =	sst s1  }
0xa: {  	[smem:$0x3FA2] =	sst s2  }
0xb: {  	[smem:$0x3FA3] =	sst s3  }
0xc: {  	[smem:$0x3FA4] =	sst s4  }
0xd: {  	[smem:$0x3FA5] =	sst s5  }
0xe: {  	[smem:$0x3FA6] =	sst s6  }
0xf: {  	[smem:$0x3FA7] =	sst s7  }
0x10: {  	[smem:$0x3FA8] =	sst s8  }
0x11: {  	[smem:$0x3FA9] =	sst s9;
	s0 =	simm.s32 @!p0 $0x0  }
0x12: {  	s1 =	sld [smem:$0x3F8F];
	s0 =	simm.s32 @p0 $0x1  }
0x13: {  	[smem:$0x3FAA] =	sst s0;
	s0 =	simm.s32 @!p1 $0x0  }
0x14: {  	s2 =	sld [smem:$0x3F8E];
	s0 =	simm.s32 @p1 $0x1  }
0x15: {  	[smem:$0x3FAB] =	sst s0;
	s0 =	simm.s32 @!p2 $0x0  }
0x16: {  	s3 =	sld [smem:$0x3FDB];
	s0 =	simm.s32 @p2 $0x1  }
0x17: {  	s4 =	simm.s32 $0x1BF5;
	[smem:$0x3FAD] =	sst s0  }
0x18: {  	s0 =	sld [smem:$0x3F90];
	_ =	swait.ge [sflag:s4], $0x0  }
0x19: {  	s7 =	sld [smem:$0x3F91]  }
0x1a: {  	s8 =	sadd.s32 $0xFFFFE003, lr  }
0x1b: {  	s9 =	sadd.s32 $0xFFFFFEF7, lr;
	s5 =	simm.s32 $0xFFFFFFFF;
	p2 =	slt.u32 s8, $0xFFFFF086  }
0x1c: {  	p1 =	slt.u32 s9, $0xF7A;
	s5 =	simm.s32 @!p2 $0x0  }
0x1d: {  	s5 =	simm.s32 @p1 $0x1;
	p0 =	seq.s32 s7, s2  }
0x1e: {  	s7 =	smul.u32 @!p0 $0xF7A, s2;
	p2 =	seq.s32 @!p0 s5, $0x0  }
0x1f: {  	s9 =	smul.u32 $0xF7A, s1;
	s8 =	simm.s32 @!p0 $0x1BF5;
	p2 =	por !p2, p0  }
0x20: {  	[sflag:s8] =	ssyncset.s32 @!p0 $0xFFFFF086;
	s6 =	sadd.s32 @!p0 s3, s7;
	s7 =	simm.s32 @!p0 $0x108  }
0x21: {  	s3 =	sadd.s32 s3, s9;
	s6 =	sadd.s32 @!p0 $0x88, s6;
	s7 =	simm.s32 @p2 $0x1082  }
0x22: {  	[simem:s7], [sflag:s8] =	dma.local @!p0 [hbm:s6], $0xF7A  }
0x23: {  	s9 =	sor.u32 $0xD0000000, s2;
	s6 =	simm.s32 $0x108;
	_ =	swait.ge @!p0 [sflag:s8], $0x0  }
0x24: {  	s3 =	sadd.s32 $0x88, s3;
	s6 =	simm.s32 @!p1 $0x1082;
	[sflag:s4] =	ssyncset.s32 $0xFFFFF086  }
0x25: {  	[simem:s6], [sflag:s4] =	dma.local [hbm:s3], $0xF7A  }
0x26: {  	[smem:$0x3F91] =	sst s1;
	(tag) =	ssettag s2;
	_ =	strace s9  }
0x27: {  	s1 =	sld [smem:$0x3FA1]  }
0x28: {  	s2 =	sld [smem:$0x3FA2]  }
0x29: {  	s4 =	sld [smem:$0x3FA4]  }
0x2a: {  	p0 =	seq.s32 s5, $0x0;
	s5 =	sld [smem:$0x3FA5]  }
0x2b: {  	s6 =	sld [smem:$0x3FA6]  }
0x2c: {  	s7 =	sld [smem:$0x3FA7]  }
0x2d: {  	s3 =	simm.s32 $0x108;
	s8 =	sld [smem:$0x3FA8]  }
0x2e: {  	s3 =	simm.s32 @!p0 $0x1082;
	s9 =	sld [smem:$0x3FA9]  }
0x2f: {  	lr =	sadd.s32 s0, s3;
	s0 =	sld [smem:$0x3FA0]  }
0x30: {  	s3 =	sld [smem:$0x3FA3]  }
0x31: {  	[smem:$0x3FAC] =	sst s10  }
0x32: {  	s10 =	sld [smem:$0x3FAA];
	_ =	sdelay $0x3  }
0x33: {  	p0 =	seq.s32 s10, $0x1;
	s10 =	sld [smem:$0x3FAC];
	_ =	sdelay $0x3  }
0x34: {  	[smem:$0x3FAC] =	sst s10  }
0x35: {  	s10 =	sld [smem:$0x3FAB];
	_ =	sdelay $0x3  }
0x36: {  	p1 =	seq.s32 s10, $0x1;
	s10 =	sld [smem:$0x3FAC];
	_ =	sdelay $0x3  }
0x37: {  	[smem:$0x3FAC] =	sst s10  }
0x38: {  	s10 =	sld [smem:$0x3FAD]  }
0x39: {  	_ = 	snop;
	(pc) =	sbr.ind lr, $3  }
0x3a: {  	_ = 	snop  }
0x3b: {  	_ = 	snop  }
0x3c: {  	p2 =	seq.s32 s10, $0x1;
	s10 =	sld [smem:$0x3FAC]  }
0x3d: {  	_ =	shalt  }
0x3e: {  	_ =	shalt  }
0x3f: {  	_ =	shalt  }
0x40: {  	_ =	shalt  }
0x41: {  	_ =	shalt  }
0x42: {  	_ =	shalt  }
0x43: {  	_ =	shalt  }
0x44: {  	_ =	shalt  }
0x45: {  	_ =	shalt  }
0x46: {  	_ =	shalt  }
0x47: {  	_ =	shalt  }
0x48: {  	_ =	shalt  }
0x49: {  	_ =	shalt  }
0x4a: {  	_ =	shalt  }
0x4b: {  	_ =	shalt  }
0x4c: {  	_ =	shalt  }
0x4d: {  	_ =	shalt  }
0x4e: {  	_ =	shalt  }
0x4f: {  	_ =	shalt  }
0x50: {  	_ =	shalt  }
0x51: {  	_ =	shalt  }
0x52: {  	_ =	shalt  }
0x53: {  	_ =	shalt  }
0x54: {  	_ =	shalt  }
0x55: {  	_ =	shalt  }
0x56: {  	_ =	shalt  }
0x57: {  	_ =	shalt  }
0x58: {  	_ =	shalt  }
0x59: {  	_ =	shalt  }
0x5a: {  	_ =	shalt  }
0x5b: {  	_ =	shalt  }
0x5c: {  	_ =	shalt  }
0x5d: {  	_ =	shalt  }
0x5e: {  	_ =	shalt  }
0x5f: {  	_ =	shalt  }
0x60: {  	_ =	shalt  }
0x61: {  	_ =	shalt  }
0x62: {  	_ =	shalt  }
0x63: {  	_ =	shalt  }
0x64: {  	_ =	shalt  }
0x65: {  	_ =	shalt  }
0x66: {  	_ =	shalt  }
0x67: {  	_ =	shalt  }
0x68: {  	_ =	shalt  }
0x69: {  	_ =	shalt  }
0x6a: {  	_ =	shalt  }
0x6b: {  	_ =	shalt  }
0x6c: {  	_ =	shalt  }
0x6d: {  	_ =	shalt  }
0x6e: {  	_ =	shalt  }
0x6f: {  	_ =	shalt  }
0x70: {  	_ =	shalt  }
0x71: {  	_ =	shalt  }
0x72: {  	_ =	shalt  }
0x73: {  	_ =	shalt  }
0x74: {  	_ =	shalt  }
0x75: {  	_ =	shalt  }
0x76: {  	_ =	shalt  }
0x77: {  	_ =	shalt  }
0x78: {  	_ =	shalt  }
0x79: {  	_ =	shalt  }
0x7a: {  	_ =	shalt  }
0x7b: {  	_ =	shalt  }
0x7c: {  	_ =	shalt  }
0x7d: {  	_ =	shalt  }
0x7e: {  	_ =	shalt  }
0x7f: {  	_ =	shalt  }
0x80: {  	_ =	shalt  }
0x81: {  	_ =	shalt  }
0x82: {  	_ =	shalt  }
0x83: {  	_ =	shalt  }
0x84: {  	_ =	shalt  }
0x85: {  	_ =	shalt  }
0x86: {  	_ =	shalt  }
0x87: {  	_ =	shalt  }
.Lfunc_end0:
.L_simem_size_0:
called_computation.1_lowered:
.L_overlay_start_0:
0x88: {  	s2 =	sld [smem:$0x3FD9]  }
0x89: {  	s3 =	sld [smem:$0x3FFE];
	_ =	sdelay $0x1  }
0x8a: {  	s1 =	srdreg.scid  }
0x8b: {  	s0 =	sand.u32 $0x1, s1  }
0x8c: {  	s17 =	sshll.u32 s0, $0xA;
	s2 =	sadd.s32 s3, s2  }
0x8d: {  	s2 =	sadd.s32 s2, s17  }
0x8e: {  	[smem:$0x3FB8] =	sst s2  }
0x8f: {  	_ = 	snop  }
0x90: {  	(tm) =	ssettm $0x1  }
0x91: {  	s18 =	sld [smem:$0x3FFB];
	_ =	sdelay $0x3  }
0x92: {  	_ =	strace s18  }
0x93: {  	s2 =	sld [smem:$0x3FFC];
	_ =	sdelay $0x3  }
0x94: {  	_ =	strace s2  }
0x95: {  	s2 =	sld [smem:$0x3FFD];
	_ =	sdelay $0x3  }
0x96: {  	_ =	strace s2  }
0x97: {  	_ =	strace $0x8FFFFFFF  }
0x98: {  	s19 =	sld [smem:$0x3FDB];
	_ =	sdelay $0x1  }
0x99: {  	s20 =	simm.s32 $_scs_section_size  }
0x9a: {  	s4 =	simm.s32 $_size__tile_overlayer_lowered;
	s5 =	simm.s32 $_tile_overlayer_lowered  }
0x9b: {  	s6 =	simm.s32 $0x1BFF;
	s21 =	sshll.u32 s5, $0x1;
	s3 =	sadd.s32 s20, s19  }
0x9c: {  	s22 =	simm.s32 $0x0;
	s4 =	sshll.u32 s4, $0x1;
	s5 =	sadd.s32 s21, s3  }
0x9d: {  	[timem:s22], [sflag:s6] =	dma.local [hbm:s5], s4  }
0x9e: {  	_ =	swait.ge [sflag:s6], s4  }
0x9f: {  	s4 =	ssub.s32 $0x0, s4;
	[sflag:s6] =	ssyncset.done $0x0  }
0xa0: {  	[sflag:s6] =	ssyncadd.s32 s4;
	_ =	sdelay $0x1  }
0xa1: {  	s23 =	simm.s32 $0x1B8B  }
0xa2: {  	_ =	swait.ge [sflag:s23], $0x1  }
0xa3: {  	[sflag:s23] =	ssyncset.done $0x0  }
0xa4: {  	[sflag:s23] =	ssyncadd.s32 $0xFFFFFFFF  }
0xa5: {  	s4 =	sld [smem:$0x0]  }
0xa6: {  	s5 =	sand.u32 $0xFFFFFFFE, s1  }
0xa7: {  	p0 =	sne.s32 s1, s5  }
0xa8: {  	s5 =	sshll.u32 @p0 s5, $0xE  }
0xa9: {  	s5 =	sadd.s32 @p0 $0x11B8D, s5;
	s6 =	sshll.u32 @p0 s4, $0x11  }
0xaa: {  	s5 =	sor.u32 @p0 s6, s5  }
0xab: {  	[sflag:s5] =	ssyncadd.remote.s32 @p0 $0x1;
	_ =	sdelay $0x1  }
0xac: {  	s5 =	simm.s32 @p0 $0x1B8D  }
0xad: {  	_ =	swait.eq @p0 [sflag:s5], $0x1  }
0xae: {  	[sflag:s5] =	ssyncadd.s32 @p0 $0xFFFFFFFF  }
0xaf: {  	s6 =	sshll.u32 @!p0 s1, $0xE  }
0xb0: {  	s6 =	sor.u32 @!p0 $0x4000, s6;
	s5 =	simm.s32 @!p0 $0x1B8D  }
0xb1: {  	s4 =	sshll.u32 @!p0 s4, $0x11;
	s6 =	sadd.s32 @!p0 $0x11B8D, s6;
	_ =	swait.eq @!p0 [sflag:s5], $0x1  }
0xb2: {  	s4 =	sor.u32 @!p0 s4, s6;
	[sflag:s5] =	ssyncadd.s32 @!p0 $0xFFFFFFFF  }
0xb3: {  	s25 =	simm.s32 $0x1B8E;
	s24 =	sld [smem:$0x3FFE];
	[sflag:s4] =	ssyncadd.remote.s32 @!p0 $0x1  }
0xb4: {  	s26 =	simm.s32 $execute0_lowered;
	[smem:$0x3FD2] =	sst s25  }
0xb5: {  	s5 =	sshll.u32 s26, $0x1;
	_ =	strace $0x80000049;
	[dreg:$0x1] =	wrdreg $0xFFFFFFFF  }
0xb6: {  	s28 =	simm.s32 $_size_execute0_lowered;
	s3 =	sadd.s32 s3, s5;
	[dreg:$0x0] =	wrdreg $0x0  }
0xb7: {  	s5 =	sshll.u32 s28, $0x1;
	[dreg:$0x2] =	wrdreg s3  }
0xb8: {  	[dreg:$0x3] =	wrdreg s5  }
0xb9: {  	[dreg:$0x4] =	wrdreg $0xC0  }
0xba: {  	_ =	task [dreg:s22], $0x5FFFF  }
0xbb: {  	[dreg:$0x1] =	wrdreg $0xFFFFFFFF  }
0xbc: {  	[dreg:$0x0] =	wrdreg $0x60  }
0xbd: {  	[dreg:$0x2] =	wrdreg s24  }
0xbe: {  	[dreg:$0x3] =	wrdreg $0xA8000  }
0xbf: {  	[dreg:$0x4] =	wrdreg $0xA  }
0xc0: {  	_ =	task.clear_ibuf [dreg:s22], $0x5FFFF;
	_ =	strace $0x90000049  }
0xc1: {  	s29 =	simm.s32 $0xA;
	_ =	strace $0x8000004B  }
0xc2: {  	_ =	swait.ge [sflag:s29], $0x1  }
0xc3: {  	[sflag:s29] =	ssyncadd.s32 $0xFFFFFFFF  }
0xc4: {  	_ =	strace $0x9000004B  }
0xc5: {  	_ =	sfence  }
0xc6: {  	s30 =	sld [smem:$0x0];
	_ =	sdelay $0x2  }
0xc7: {  	s31 =	sshll.u32 s1, $0xD;
	s1 =	sshrl.u32 s1, $0x2  }
0xc8: {  	s4 =	sand.u32 $0x4000, s31;
	s1 =	sadd.s32 s1, s30  }
0xc9: {  	s0 =	sor.u32 s4, s0;
	s1 =	sshll.u32 s1, $0x11  }
0xca: {  	s0 =	sor.u32 s1, s0  }
0xcb: {  	s0 =	sadd.s32 $0x8F2B, s0  }
0xcc: {  	[sflag:s0] =	ssyncadd.remote.s32 $0x1  }
0xcd: {  	_ =	sfence.sel $0xFFFF  }
0xce: {  	[dreg:$0x0] =	wrdreg $0xFFFFFFFF;
	(pc) =	sbr.abs _section_cstart, $3  }
0xcf: {  	[dreg:$0x1] =	wrdreg $0xFFFFFFFF  }
0xd0: {  	_ =	task.clear_ibuf [dreg:s22], $0x2FFFF;
	_ =	strace $0x9FFFFFFF  }
0xd1: {  	(tm) =	ssettm $0x7FFFFFFF  }
tec
execute0_lowered:
.L_overlay_start_1:
0x0: {  	(tag) =	ssettag $0x1  }
0x1: {  	s0 =	rddreg [dreg:$0x0]  }
0x2: {  	s1 =	rddreg [dreg:$0x1]  }
0x3: {  	s3 =	simm.s32 $0x0;
	s17 =	stileid.u32;
	s2 =	srdreg.scid  }
0x4: {  	s21 =	simm.s32 $0x4;
	s22 =	simm.s32 $0x1400;
	s28 =	simm.s32 $0x1  }
0x5: {  	s29 =	simm.s32 $0x2;
	s30 =	simm.s32 $0x2700;
	s31 =	simm.s32 $0x2780  }
0x6: {  	[smem:$0x7FF] =	sst s3;
	s4 =	sadd.s32 $0x63000, s0;
	s8 =	smul.u32 $0x2800, s17  }
0x7: {  	s2 =	sand.u32 $0x1, s2;
	s5 =	sadd.s32 $0x3BE00, s0;
	s7 =	smul.u32 $0x50000, s17  }
0x8: {  	s10 =	sadd.s32 $0x36E00, s0;
	s11 =	sadd.s32 $0x31E00, s0;
	s24 =	smul.u32 $0x500, s17  }
0x9: {  	s18 =	sadd.s32 $0x12C000, s1;
	s26 =	sadd.s32 $0xD6C00, s0;
	p0 =	seq.s32 s17, $0xF  }
0xa: {  	s15 =	sadd.s32 $0xAFA00, s0;
	_ =	strace $0x8000004A;
	s6 =	ssub.s32 $0x2, s2  }
0xb: {  	[dreg:$0x4] =	wrdreg s26;
	s17 =	sshll.u32 @!p0 s17, $0x6;
	s18 =	sshrl.u32 @p0 s18, $0x3  }
0xc: {  	p1 =	sne.s32 s2, $0x0;
	s26 =	simm.s32 $0x6800;
	s9 =	sshrl.u32 s6, $0x1  }
0xd: {  	s12 =	sadd.s32 s8, s0;
	s23 =	sshrl.u32 s7, $0x2;
	s7 =	sadd.s32 $0x30400, s0  }
0xe: {  	s14 =	sshrl.u32 s8, $0x3;
	s8 =	sadd.s32 s10, s24;
	s19 =	sor.u32 @!p0 $0x1C03, s17  }
0xf: {  	s0 =	simm.s32 $0x0;
	s13 =	ssub.s32 s6, s9;
	s20 =	sadd.s32 s23, s1  }
.Ltmp0:
0x10: {  	s6 =	sadd.s32 $0xAC00, s12;
	s9 =	sadd.s32 s11, s24;
	(pc) =	sbr.rel .LBB2_1-.Ltmp0, $4  }
0x11: {  	s14 =	sadd.s32 $0x280, s14;
	s25 =	sadd.s32 $0xB1400, s12;
	s12 =	sadd.s32 $0x8A200, s12  }
0x12: {  	s23 =	simm.s32 $0x7D;
	s24 =	simm.s32 $0x2800;
	[dreg:$0x3] =	wrdreg s25  }
0x13: {  	s10 =	sadd.s32 s10, s14;
	s11 =	sadd.s32 s11, s14;
	[dreg:$0x5] =	wrdreg s12  }
0x14: {  	s16 =	smax.u32 s13, $0x1;
	s20 =	sshrl.u32 @!p0 s20, $0x3;
	s25 =	simm.s32 $0x80  }
.LBB2_11:
0x15: {  	[tilespmem:s26], [sflag:$0x2] =	stream.indirect.gather [hbm4b:s5+s23], $0x80, s13, s23, $0xb8;
	[tilespmem:$0x1E080] =	vst v63  }
0x16: {  	_ =	swait.ge [sflag:s28], $0x3E80  }
0x17: {  	[sflag:s28] =	ssyncset.done $0x0  }
0x18: {  	[sflag:s28] =	ssyncadd.s32 $0xFFFFC180  }
0x19: {  	[spmem:s1] =	stream.indirect.scatter.add.f32 [tilespmem:s24], [sflag:$0x4], $0x80, s30, s23, $0xb8;
	[tilespmem:$0x1E080] =	vst v63  }
0x1a: {  	_ =	swait.ge [sflag:s21], $0x3E80  }
0x1b: {  	[sflag:s21] =	ssyncset.done $0x0  }
0x1c: {  	[sflag:s21] =	ssyncadd.s32 $0xFFFFC180  }
0x1d: {  	_ =	swait.ge [sflag:s29], $0x3E80  }
0x1e: {  	[sflag:s29] =	ssyncset.done $0x0  }
0x1f: {  	[sflag:s29] =	ssyncadd.s32 $0xFFFFC180  }
0x20: {  	[spmem:s1] =	stream.indirect.scatter.add.f32 [tilespmem:s26], [sflag:$0x4], $0x80, s31, s23, $0xb8;
	[tilespmem:$0x1E080] =	vst v63  }
0x21: {  	_ =	swait.ge [sflag:s21], $0x3E80  }
0x22: {  	[sflag:s21] =	ssyncset.done $0x0  }
0x23: {  	[sflag:s21] =	ssyncadd.s32 $0xFFFFC180  }
0x24: {  	[bflag:$0x0] =	sbarrier.arrive $0xFFFF  }
0x25: {  	s12 =	simm.s32 @p0 $0x1FC4;
	s13 =	rddreg [dreg:$0x4]  }
0x26: {  	[hbm:s13], [sflag:s12] =	dma.local @p0 [spmem:s18], $0x1900  }
0x27: {  	s12 =	simm.s32 @p0 $0x4  }
0x28: {  	_ =	swait.ge @p0 [sflag:s12], $0x1900  }
0x29: {  	[sflag:s12] =	ssyncset.done @p0 $0x0  }
0x2a: {  	[sflag:s12] =	ssyncadd.s32 @p0 $0xFFFFE700;
	s12 =	rddreg [dreg:$0x3]  }
0x2b: {  	[hbm:s12], [sflag:s2] =	dma.local @!p0 [spmem:s20], $0x2800  }
0x2c: {  	s2 =	simm.s32 @!p0 $0x4  }
0x2d: {  	_ =	swait.ge @!p0 [sflag:s2], $0x2800  }
0x2e: {  	[sflag:s2] =	ssyncset.done @!p0 $0x0  }
0x2f: {  	[sflag:s2] =	ssyncadd.s32 @!p0 $0xFFFFD800  }
.LBB2_12:
0x30: {  	s0 =	sadd.s32 $0x1, s0  }
0x31: {  	p2 =	sne.s32 s0, s16  }
.Ltmp1:
0x32: {  	_ = 	snop;
	(pc) =	sbr.rel @!p2 .LBB2_13-.Ltmp1, $1  }
0x33: {  	_ =	sdelay $0x3  }
.LBB2_1:
0x34: {  	s2 =	simm.s32 @p0 $0x1FC3  }
0x35: {  	[spmem:s18], [sflag:s2] =	dma.local @p0 [hbm:s7], $0x1900  }
0x36: {  	[spmem:s20], [sflag:s19] =	dma.local @!p0 [hbm:s6], $0x2800  }
0x37: {  	[tilespmem:s3], [sflag:$0x4] =	stream.linear.gather [hbm4b:s8+s3], $0x1400, $0x38;
	[tilespmem:$0x1E080] =	vst v63  }
0x38: {  	_ =	swait.ge [sflag:s21], $0x1400  }
0x39: {  	[sflag:s21] =	ssyncset.done $0x0  }
.Ltmp2:
0x3a: {  	[sflag:s21] =	ssyncadd.s32 $0xFFFFEC00;
	(pc) =	sbr.rel @p1 .LBB2_7-.Ltmp2, $4  }
0x3b: {  	[tilespmem:s22], [sflag:$0x4] =	stream.linear.gather [hbm4b:s9+s3], $0x1400, $0x38;
	[tilespmem:$0x1E080] =	vst v63  }
0x3c: {  	_ =	swait.ge [sflag:s21], $0x1400  }
0x3d: {  	[sflag:s21] =	ssyncset.done $0x0  }
0x3e: {  	s2 =	sor.u32 @!p0 $0x1C04, s17;
	[sflag:s21] =	ssyncadd.s32 $0xFFFFEC00  }
0x3f: {  	[tilespmem:s24], [sflag:$0x1] =	stream.indirect.gather [hbm4b:s4+s23], $0x80, s3, s23, $0xb8;
	[tilespmem:$0x1E080] =	vst v63  }
0x40: {  	s12 =	simm.s32 @p0 $0x3  }
0x41: {  	[tilespmem:s26], [sflag:$0x2] =	stream.indirect.gather [hbm4b:s4+s23], $0x80, s25, s23, $0xb8;
	[tilespmem:$0x1E080] =	vst v63  }
0x42: {  	_ =	swait.ge @p0 [sflag:s12], $0x1900  }
0x43: {  	[sflag:s12] =	ssyncset.done @p0 $0x0  }
0x44: {  	[sflag:s12] =	ssyncadd.s32 @p0 $0xFFFFE700;
	s12 =	simm.s32 @!p0 $0x3  }
0x45: {  	_ =	swait.ge @!p0 [sflag:s12], $0x2800  }
0x46: {  	[sflag:s12] =	ssyncset.done @!p0 $0x0  }
0x47: {  	[sflag:s12] =	ssyncadd.s32 @!p0 $0xFFFFD800  }
0x48: {  	[bflag:$0x0] =	sbarrier.arrive $0xFFFF  }
0x49: {  	_ =	swait.ge [sflag:s28], $0x3E80  }
0x4a: {  	[sflag:s28] =	ssyncset.done $0x0  }
0x4b: {  	s14 =	simm.s32 $0x1400;
	[sflag:s28] =	ssyncadd.s32 $0xFFFFC180  }
0x4c: {  	[spmem:s1] =	stream.indirect.scatter.add.f32 [tilespmem:s24], [sflag:$0x4], $0x80, s14, s23, $0xb8;
	[tilespmem:$0x1E080] =	vst v63  }
0x4d: {  	_ =	swait.ge [sflag:s21], $0x3E80  }
0x4e: {  	[sflag:s21] =	ssyncset.done $0x0  }
0x4f: {  	s13 =	simm.s32 $0x100;
	[sflag:s21] =	ssyncadd.s32 $0xFFFFC180  }
0x50: {  	[tilespmem:s24], [sflag:$0x1] =	stream.indirect.gather [hbm4b:s4+s23], $0x80, s13, s23, $0xb8;
	[tilespmem:$0x1E080] =	vst v63  }
0x51: {  	_ =	swait.ge [sflag:s29], $0x3E80  }
0x52: {  	[sflag:s29] =	ssyncset.done $0x0  }
0x53: {  	s14 =	simm.s32 $0x1480;
	[sflag:s29] =	ssyncadd.s32 $0xFFFFC180  }
0x54: {  	[spmem:s1] =	stream.indirect.scatter.add.f32 [tilespmem:s26], [sflag:$0x4], $0x80, s14, s23, $0xb8;
	[tilespmem:$0x1E080] =	vst v63  }
0x55: {  	_ =	swait.ge [sflag:s21], $0x3E80  }
0x56: {  	[sflag:s21] =	ssyncset.done $0x0  }
0x57: {  	s12 =	simm.s32 $0x400;
	s13 =	simm.s32 $0x180;
	[sflag:s21] =	ssyncadd.s32 $0xFFFFC180  }
.LBB2_3:
0x58: {  	[tilespmem:s26], [sflag:$0x2] =	stream.indirect.gather [hbm4b:s4+s23], $0x80, s13, s23, $0xb8;
	[tilespmem:$0x1E080] =	vst v63  }
0x59: {  	s13 =	smov.u32 s12  }
0x5a: {  	p2 =	sne.s32 s12, $0x4800;
	s12 =	sadd.s32 $0x400, s12;
	_ =	swait.ge [sflag:s28], $0x3E80  }
0x5b: {  	s13 =	sshra.s32 s13, $0x2;
	[sflag:s28] =	ssyncset.done $0x0  }
0x5c: {  	s14 =	sadd.s32 $0x1400, s13;
	[sflag:s28] =	ssyncadd.s32 $0xFFFFC180  }
0x5d: {  	[spmem:s1] =	stream.indirect.scatter.add.f32 [tilespmem:s24], [sflag:$0x4], $0x80, s14, s23, $0xb8;
	[tilespmem:$0x1E080] =	vst v63  }
0x5e: {  	_ =	swait.ge [sflag:s21], $0x3E80  }
0x5f: {  	[sflag:s21] =	ssyncset.done $0x0  }
0x60: {  	s14 =	sadd.s32 $0x100, s13;
	[sflag:s21] =	ssyncadd.s32 $0xFFFFC180  }
0x61: {  	[tilespmem:s24], [sflag:$0x1] =	stream.indirect.gather [hbm4b:s4+s23], $0x80, s14, s23, $0xb8;
	[tilespmem:$0x1E080] =	vst v63  }
0x62: {  	_ =	swait.ge [sflag:s29], $0x3E80  }
0x63: {  	[sflag:s29] =	ssyncset.done $0x0  }
.Ltmp3:
0x64: {  	s14 =	sadd.s32 $0x1480, s13;
	[sflag:s29] =	ssyncadd.s32 $0xFFFFC180;
	(pc) =	sbr.rel @p2 .LBB2_3-.Ltmp3, $4  }
0x65: {  	[spmem:s1] =	stream.indirect.scatter.add.f32 [tilespmem:s26], [sflag:$0x4], $0x80, s14, s23, $0xb8;
	[tilespmem:$0x1E080] =	vst v63  }
0x66: {  	_ =	swait.ge [sflag:s21], $0x3E80  }
0x67: {  	[sflag:s21] =	ssyncset.done $0x0  }
0x68: {  	s13 =	sadd.s32 $0x180, s13;
	[sflag:s21] =	ssyncadd.s32 $0xFFFFC180  }
0x69: {  	[tilespmem:s26], [sflag:$0x2] =	stream.indirect.gather [hbm4b:s4+s23], $0x80, s13, s23, $0xb8;
	[tilespmem:$0x1E080] =	vst v63  }
0x6a: {  	_ =	swait.ge [sflag:s28], $0x3E80  }
0x6b: {  	[sflag:s28] =	ssyncset.done $0x0  }
0x6c: {  	[sflag:s28] =	ssyncadd.s32 $0xFFFFC180  }
0x6d: {  	[spmem:s1] =	stream.indirect.scatter.add.f32 [tilespmem:s24], [sflag:$0x4], $0x80, s30, s23, $0xb8;
	[tilespmem:$0x1E080] =	vst v63  }
0x6e: {  	_ =	swait.ge [sflag:s21], $0x3E80  }
0x6f: {  	[sflag:s21] =	ssyncset.done $0x0  }
0x70: {  	[sflag:s21] =	ssyncadd.s32 $0xFFFFC180  }
0x71: {  	_ =	swait.ge [sflag:s29], $0x3E80  }
0x72: {  	[sflag:s29] =	ssyncset.done $0x0  }
0x73: {  	[sflag:s29] =	ssyncadd.s32 $0xFFFFC180  }
0x74: {  	[spmem:s1] =	stream.indirect.scatter.add.f32 [tilespmem:s26], [sflag:$0x4], $0x80, s31, s23, $0xb8;
	[tilespmem:$0x1E080] =	vst v63  }
0x75: {  	_ =	swait.ge [sflag:s21], $0x3E80  }
0x76: {  	[sflag:s21] =	ssyncset.done $0x0  }
0x77: {  	s12 =	simm.s32 $0x0;
	[sflag:s21] =	ssyncadd.s32 $0xFFFFC180  }
0x78: {  	[tilespmem:s12], [sflag:$0x4] =	stream.linear.gather [hbm4b:s10+s12], $0x1400, $0x38;
	[tilespmem:$0x1E080] =	vst v63  }
0x79: {  	_ =	swait.ge [sflag:s21], $0x1400  }
0x7a: {  	[sflag:s21] =	ssyncset.done $0x0  }
0x7b: {  	[sflag:s21] =	ssyncadd.s32 $0xFFFFEC00  }
0x7c: {  	[tilespmem:s22], [sflag:$0x4] =	stream.linear.gather [hbm4b:s11+s12], $0x1400, $0x38;
	[tilespmem:$0x1E080] =	vst v63  }
0x7d: {  	_ =	swait.ge [sflag:s21], $0x1400  }
0x7e: {  	[sflag:s21] =	ssyncset.done $0x0  }
0x7f: {  	[sflag:s21] =	ssyncadd.s32 $0xFFFFEC00  }
0x80: {  	[tilespmem:s24], [sflag:$0x1] =	stream.indirect.gather [hbm4b:s4+s23], $0x80, s12, s23, $0xb8;
	[tilespmem:$0x1E080] =	vst v63  }
0x81: {  	_ = 	snop  }
0x82: {  	[tilespmem:s26], [sflag:$0x2] =	stream.indirect.gather [hbm4b:s4+s23], $0x80, s25, s23, $0xb8;
	[tilespmem:$0x1E080] =	vst v63  }
0x83: {  	_ =	swait.ge [sflag:s28], $0x3E80  }
0x84: {  	[sflag:s28] =	ssyncset.done $0x0  }
0x85: {  	s14 =	simm.s32 $0x1400;
	[sflag:s28] =	ssyncadd.s32 $0xFFFFC180  }
0x86: {  	[spmem:s1] =	stream.indirect.scatter.add.f32 [tilespmem:s24], [sflag:$0x4], $0x80, s14, s23, $0xb8;
	[tilespmem:$0x1E080] =	vst v63  }
0x87: {  	_ =	swait.ge [sflag:s21], $0x3E80  }
0x88: {  	[sflag:s21] =	ssyncset.done $0x0  }
0x89: {  	s13 =	simm.s32 $0x100;
	[sflag:s21] =	ssyncadd.s32 $0xFFFFC180  }
0x8a: {  	[tilespmem:s24], [sflag:$0x1] =	stream.indirect.gather [hbm4b:s4+s23], $0x80, s13, s23, $0xb8;
	[tilespmem:$0x1E080] =	vst v63  }
0x8b: {  	_ =	swait.ge [sflag:s29], $0x3E80  }
0x8c: {  	[sflag:s29] =	ssyncset.done $0x0  }
0x8d: {  	s14 =	simm.s32 $0x1480;
	[sflag:s29] =	ssyncadd.s32 $0xFFFFC180  }
0x8e: {  	[spmem:s1] =	stream.indirect.scatter.add.f32 [tilespmem:s26], [sflag:$0x4], $0x80, s14, s23, $0xb8;
	[tilespmem:$0x1E080] =	vst v63  }
0x8f: {  	_ =	swait.ge [sflag:s21], $0x3E80  }
0x90: {  	[sflag:s21] =	ssyncset.done $0x0  }
0x91: {  	s12 =	simm.s32 $0x400;
	s13 =	simm.s32 $0x180;
	[sflag:s21] =	ssyncadd.s32 $0xFFFFC180  }
.LBB2_5:
0x92: {  	[tilespmem:s26], [sflag:$0x2] =	stream.indirect.gather [hbm4b:s4+s23], $0x80, s13, s23, $0xb8;
	[tilespmem:$0x1E080] =	vst v63  }
0x93: {  	s13 =	smov.u32 s12  }
0x94: {  	p2 =	sne.s32 s12, $0x4800;
	s12 =	sadd.s32 $0x400, s12;
	_ =	swait.ge [sflag:s28], $0x3E80  }
0x95: {  	s13 =	sshra.s32 s13, $0x2;
	[sflag:s28] =	ssyncset.done $0x0  }
0x96: {  	s14 =	sadd.s32 $0x1400, s13;
	[sflag:s28] =	ssyncadd.s32 $0xFFFFC180  }
0x97: {  	[spmem:s1] =	stream.indirect.scatter.add.f32 [tilespmem:s24], [sflag:$0x4], $0x80, s14, s23, $0xb8;
	[tilespmem:$0x1E080] =	vst v63  }
0x98: {  	_ =	swait.ge [sflag:s21], $0x3E80  }
0x99: {  	[sflag:s21] =	ssyncset.done $0x0  }
0x9a: {  	s14 =	sadd.s32 $0x100, s13;
	[sflag:s21] =	ssyncadd.s32 $0xFFFFC180  }
0x9b: {  	[tilespmem:s24], [sflag:$0x1] =	stream.indirect.gather [hbm4b:s4+s23], $0x80, s14, s23, $0xb8;
	[tilespmem:$0x1E080] =	vst v63  }
0x9c: {  	_ =	swait.ge [sflag:s29], $0x3E80  }
0x9d: {  	[sflag:s29] =	ssyncset.done $0x0  }
.Ltmp4:
0x9e: {  	s14 =	sadd.s32 $0x1480, s13;
	[sflag:s29] =	ssyncadd.s32 $0xFFFFC180;
	(pc) =	sbr.rel @p2 .LBB2_5-.Ltmp4, $4  }
0x9f: {  	[spmem:s1] =	stream.indirect.scatter.add.f32 [tilespmem:s26], [sflag:$0x4], $0x80, s14, s23, $0xb8;
	[tilespmem:$0x1E080] =	vst v63  }
0xa0: {  	_ =	swait.ge [sflag:s21], $0x3E80  }
0xa1: {  	[sflag:s21] =	ssyncset.done $0x0  }
0xa2: {  	s13 =	sadd.s32 $0x180, s13;
	[sflag:s21] =	ssyncadd.s32 $0xFFFFC180  }
0xa3: {  	[tilespmem:s26], [sflag:$0x2] =	stream.indirect.gather [hbm4b:s4+s23], $0x80, s13, s23, $0xb8;
	[tilespmem:$0x1E080] =	vst v63  }
0xa4: {  	_ =	swait.ge [sflag:s28], $0x3E80  }
0xa5: {  	[sflag:s28] =	ssyncset.done $0x0  }
0xa6: {  	[sflag:s28] =	ssyncadd.s32 $0xFFFFC180  }
0xa7: {  	[spmem:s1] =	stream.indirect.scatter.add.f32 [tilespmem:s24], [sflag:$0x4], $0x80, s30, s23, $0xb8;
	[tilespmem:$0x1E080] =	vst v63  }
0xa8: {  	_ =	swait.ge [sflag:s21], $0x3E80  }
0xa9: {  	[sflag:s21] =	ssyncset.done $0x0  }
0xaa: {  	[sflag:s21] =	ssyncadd.s32 $0xFFFFC180  }
0xab: {  	_ =	swait.ge [sflag:s29], $0x3E80  }
0xac: {  	[sflag:s29] =	ssyncset.done $0x0  }
0xad: {  	[sflag:s29] =	ssyncadd.s32 $0xFFFFC180  }
0xae: {  	[spmem:s1] =	stream.indirect.scatter.add.f32 [tilespmem:s26], [sflag:$0x4], $0x80, s31, s23, $0xb8;
	[tilespmem:$0x1E080] =	vst v63  }
0xaf: {  	_ =	swait.ge [sflag:s21], $0x3E80  }
0xb0: {  	[sflag:s21] =	ssyncset.done $0x0  }
0xb1: {  	[sflag:s21] =	ssyncadd.s32 $0xFFFFC180  }
0xb2: {  	s12 =	simm.s32 @p0 $0x1FC4;
	[bflag:$0x0] =	sbarrier.arrive $0xFFFF  }
0xb3: {  	[hbm:s15], [sflag:s12] =	dma.local @p0 [spmem:s18], $0x1900  }
0xb4: {  	s12 =	simm.s32 @p0 $0x4  }
0xb5: {  	_ =	swait.ge @p0 [sflag:s12], $0x1900  }
0xb6: {  	[sflag:s12] =	ssyncset.done @p0 $0x0  }
0xb7: {  	[sflag:s12] =	ssyncadd.s32 @p0 $0xFFFFE700;
	s12 =	rddreg [dreg:$0x5]  }
0xb8: {  	[hbm:s12], [sflag:s2] =	dma.local @!p0 [spmem:s20], $0x2800  }
.Ltmp5:
0xb9: {  	_ = 	snop;
	(pc) =	sbr.rel .LBB2_12-.Ltmp5, $4  }
0xba: {  	s2 =	simm.s32 @!p0 $0x4  }
0xbb: {  	_ =	swait.ge @!p0 [sflag:s2], $0x2800  }
0xbc: {  	[sflag:s2] =	ssyncset.done @!p0 $0x0  }
0xbd: {  	[sflag:s2] =	ssyncadd.s32 @!p0 $0xFFFFD800  }
.LBB2_7:
0xbe: {  	[tilespmem:s24], [sflag:$0x1] =	stream.indirect.gather [hbm4b:s5+s23], $0x80, s3, s23, $0xb8;
	[tilespmem:$0x1E080] =	vst v63  }
0xbf: {  	s12 =	simm.s32 @p0 $0x3  }
0xc0: {  	[tilespmem:s26], [sflag:$0x2] =	stream.indirect.gather [hbm4b:s5+s23], $0x80, s25, s23, $0xb8;
	[tilespmem:$0x1E080] =	vst v63  }
0xc1: {  	_ =	swait.ge @p0 [sflag:s12], $0x1900  }
0xc2: {  	[sflag:s12] =	ssyncset.done @p0 $0x0  }
0xc3: {  	[sflag:s12] =	ssyncadd.s32 @p0 $0xFFFFE700;
	s12 =	simm.s32 @!p0 $0x3  }
0xc4: {  	_ =	swait.ge @!p0 [sflag:s12], $0x2800  }
0xc5: {  	[sflag:s12] =	ssyncset.done @!p0 $0x0  }
0xc6: {  	[sflag:s12] =	ssyncadd.s32 @!p0 $0xFFFFD800  }
0xc7: {  	[bflag:$0x0] =	sbarrier.arrive $0xFFFF  }
0xc8: {  	_ =	swait.ge [sflag:s28], $0x3E80  }
0xc9: {  	[sflag:s28] =	ssyncset.done $0x0  }
0xca: {  	s14 =	simm.s32 $0x1400;
	[sflag:s28] =	ssyncadd.s32 $0xFFFFC180  }
0xcb: {  	[spmem:s1] =	stream.indirect.scatter.add.f32 [tilespmem:s24], [sflag:$0x4], $0x80, s14, s23, $0xb8;
	[tilespmem:$0x1E080] =	vst v63  }
0xcc: {  	_ =	swait.ge [sflag:s21], $0x3E80  }
0xcd: {  	[sflag:s21] =	ssyncset.done $0x0  }
0xce: {  	s13 =	simm.s32 $0x100;
	[sflag:s21] =	ssyncadd.s32 $0xFFFFC180  }
0xcf: {  	[tilespmem:s24], [sflag:$0x1] =	stream.indirect.gather [hbm4b:s5+s23], $0x80, s13, s23, $0xb8;
	[tilespmem:$0x1E080] =	vst v63  }
0xd0: {  	_ =	swait.ge [sflag:s29], $0x3E80  }
0xd1: {  	[sflag:s29] =	ssyncset.done $0x0  }
0xd2: {  	s14 =	simm.s32 $0x1480;
	[sflag:s29] =	ssyncadd.s32 $0xFFFFC180  }
0xd3: {  	[spmem:s1] =	stream.indirect.scatter.add.f32 [tilespmem:s26], [sflag:$0x4], $0x80, s14, s23, $0xb8;
	[tilespmem:$0x1E080] =	vst v63  }
0xd4: {  	_ =	swait.ge [sflag:s21], $0x3E80  }
0xd5: {  	[sflag:s21] =	ssyncset.done $0x0  }
0xd6: {  	s12 =	simm.s32 $0x400;
	s13 =	simm.s32 $0x180;
	[sflag:s21] =	ssyncadd.s32 $0xFFFFC180  }
.LBB2_8:
0xd7: {  	[tilespmem:s26], [sflag:$0x2] =	stream.indirect.gather [hbm4b:s5+s23], $0x80, s13, s23, $0xb8;
	[tilespmem:$0x1E080] =	vst v63  }
0xd8: {  	s13 =	smov.u32 s12  }
0xd9: {  	p2 =	sne.s32 s12, $0x4800;
	s12 =	sadd.s32 $0x400, s12;
	_ =	swait.ge [sflag:s28], $0x3E80  }
0xda: {  	s13 =	sshra.s32 s13, $0x2;
	[sflag:s28] =	ssyncset.done $0x0  }
0xdb: {  	s14 =	sadd.s32 $0x1400, s13;
	[sflag:s28] =	ssyncadd.s32 $0xFFFFC180  }
0xdc: {  	[spmem:s1] =	stream.indirect.scatter.add.f32 [tilespmem:s24], [sflag:$0x4], $0x80, s14, s23, $0xb8;
	[tilespmem:$0x1E080] =	vst v63  }
0xdd: {  	_ =	swait.ge [sflag:s21], $0x3E80  }
0xde: {  	[sflag:s21] =	ssyncset.done $0x0  }
0xdf: {  	s14 =	sadd.s32 $0x100, s13;
	[sflag:s21] =	ssyncadd.s32 $0xFFFFC180  }
0xe0: {  	[tilespmem:s24], [sflag:$0x1] =	stream.indirect.gather [hbm4b:s5+s23], $0x80, s14, s23, $0xb8;
	[tilespmem:$0x1E080] =	vst v63  }
0xe1: {  	_ =	swait.ge [sflag:s29], $0x3E80  }
0xe2: {  	[sflag:s29] =	ssyncset.done $0x0  }
.Ltmp6:
0xe3: {  	s14 =	sadd.s32 $0x1480, s13;
	[sflag:s29] =	ssyncadd.s32 $0xFFFFC180;
	(pc) =	sbr.rel @p2 .LBB2_8-.Ltmp6, $4  }
0xe4: {  	[spmem:s1] =	stream.indirect.scatter.add.f32 [tilespmem:s26], [sflag:$0x4], $0x80, s14, s23, $0xb8;
	[tilespmem:$0x1E080] =	vst v63  }
0xe5: {  	_ =	swait.ge [sflag:s21], $0x3E80  }
0xe6: {  	[sflag:s21] =	ssyncset.done $0x0  }
0xe7: {  	s13 =	sadd.s32 $0x180, s13;
	[sflag:s21] =	ssyncadd.s32 $0xFFFFC180  }
0xe8: {  	[tilespmem:s26], [sflag:$0x2] =	stream.indirect.gather [hbm4b:s5+s23], $0x80, s13, s23, $0xb8;
	[tilespmem:$0x1E080] =	vst v63  }
0xe9: {  	_ =	swait.ge [sflag:s28], $0x3E80  }
0xea: {  	[sflag:s28] =	ssyncset.done $0x0  }
0xeb: {  	[sflag:s28] =	ssyncadd.s32 $0xFFFFC180  }
0xec: {  	[spmem:s1] =	stream.indirect.scatter.add.f32 [tilespmem:s24], [sflag:$0x4], $0x80, s30, s23, $0xb8;
	[tilespmem:$0x1E080] =	vst v63  }
0xed: {  	_ =	swait.ge [sflag:s21], $0x3E80  }
0xee: {  	[sflag:s21] =	ssyncset.done $0x0  }
0xef: {  	[sflag:s21] =	ssyncadd.s32 $0xFFFFC180  }
0xf0: {  	_ =	swait.ge [sflag:s29], $0x3E80  }
0xf1: {  	[sflag:s29] =	ssyncset.done $0x0  }
0xf2: {  	[sflag:s29] =	ssyncadd.s32 $0xFFFFC180  }
0xf3: {  	[spmem:s1] =	stream.indirect.scatter.add.f32 [tilespmem:s26], [sflag:$0x4], $0x80, s31, s23, $0xb8;
	[tilespmem:$0x1E080] =	vst v63  }
0xf4: {  	_ =	swait.ge [sflag:s21], $0x3E80  }
0xf5: {  	[sflag:s21] =	ssyncset.done $0x0  }
0xf6: {  	s12 =	simm.s32 $0x0;
	[sflag:s21] =	ssyncadd.s32 $0xFFFFC180  }
0xf7: {  	[tilespmem:s12], [sflag:$0x4] =	stream.linear.gather [hbm4b:s10+s12], $0x1400, $0x38;
	[tilespmem:$0x1E080] =	vst v63  }
0xf8: {  	_ =	swait.ge [sflag:s21], $0x1400  }
0xf9: {  	[sflag:s21] =	ssyncset.done $0x0  }
0xfa: {  	[sflag:s21] =	ssyncadd.s32 $0xFFFFEC00  }
0xfb: {  	[tilespmem:s22], [sflag:$0x4] =	stream.linear.gather [hbm4b:s11+s12], $0x1400, $0x38;
	[tilespmem:$0x1E080] =	vst v63  }
0xfc: {  	_ =	swait.ge [sflag:s21], $0x1400  }
0xfd: {  	[sflag:s21] =	ssyncset.done $0x0  }
0xfe: {  	[sflag:s21] =	ssyncadd.s32 $0xFFFFEC00  }
0xff: {  	[tilespmem:s24], [sflag:$0x1] =	stream.indirect.gather [hbm4b:s5+s23], $0x80, s12, s23, $0xb8;
	[tilespmem:$0x1E080] =	vst v63  }
0x100: {  	_ = 	snop  }
0x101: {  	[tilespmem:s26], [sflag:$0x2] =	stream.indirect.gather [hbm4b:s5+s23], $0x80, s25, s23, $0xb8;
	[tilespmem:$0x1E080] =	vst v63  }
0x102: {  	_ =	swait.ge [sflag:s28], $0x3E80  }
0x103: {  	[sflag:s28] =	ssyncset.done $0x0  }
0x104: {  	s14 =	simm.s32 $0x1400;
	[sflag:s28] =	ssyncadd.s32 $0xFFFFC180  }
0x105: {  	[spmem:s1] =	stream.indirect.scatter.add.f32 [tilespmem:s24], [sflag:$0x4], $0x80, s14, s23, $0xb8;
	[tilespmem:$0x1E080] =	vst v63  }
0x106: {  	_ =	swait.ge [sflag:s21], $0x3E80  }
0x107: {  	[sflag:s21] =	ssyncset.done $0x0  }
0x108: {  	s13 =	simm.s32 $0x100;
	[sflag:s21] =	ssyncadd.s32 $0xFFFFC180  }
0x109: {  	[tilespmem:s24], [sflag:$0x1] =	stream.indirect.gather [hbm4b:s5+s23], $0x80, s13, s23, $0xb8;
	[tilespmem:$0x1E080] =	vst v63  }
0x10a: {  	_ =	swait.ge [sflag:s29], $0x3E80  }
0x10b: {  	[sflag:s29] =	ssyncset.done $0x0  }
0x10c: {  	s14 =	simm.s32 $0x1480;
	[sflag:s29] =	ssyncadd.s32 $0xFFFFC180  }
0x10d: {  	[spmem:s1] =	stream.indirect.scatter.add.f32 [tilespmem:s26], [sflag:$0x4], $0x80, s14, s23, $0xb8;
	[tilespmem:$0x1E080] =	vst v63  }
0x10e: {  	_ =	swait.ge [sflag:s21], $0x3E80  }
0x10f: {  	[sflag:s21] =	ssyncset.done $0x0  }
0x110: {  	s12 =	simm.s32 $0x400;
	s13 =	simm.s32 $0x180;
	[sflag:s21] =	ssyncadd.s32 $0xFFFFC180  }
.LBB2_10:
0x111: {  	[tilespmem:s26], [sflag:$0x2] =	stream.indirect.gather [hbm4b:s5+s23], $0x80, s13, s23, $0xb8;
	[tilespmem:$0x1E080] =	vst v63  }
0x112: {  	s13 =	smov.u32 s12  }
0x113: {  	p2 =	sne.s32 s12, $0x4800;
	s12 =	sadd.s32 $0x400, s12;
	_ =	swait.ge [sflag:s28], $0x3E80  }
0x114: {  	s13 =	sshra.s32 s13, $0x2;
	[sflag:s28] =	ssyncset.done $0x0  }
0x115: {  	s14 =	sadd.s32 $0x1400, s13;
	[sflag:s28] =	ssyncadd.s32 $0xFFFFC180  }
0x116: {  	[spmem:s1] =	stream.indirect.scatter.add.f32 [tilespmem:s24], [sflag:$0x4], $0x80, s14, s23, $0xb8;
	[tilespmem:$0x1E080] =	vst v63  }
0x117: {  	_ =	swait.ge [sflag:s21], $0x3E80  }
0x118: {  	[sflag:s21] =	ssyncset.done $0x0  }
0x119: {  	s14 =	sadd.s32 $0x100, s13;
	[sflag:s21] =	ssyncadd.s32 $0xFFFFC180  }
0x11a: {  	[tilespmem:s24], [sflag:$0x1] =	stream.indirect.gather [hbm4b:s5+s23], $0x80, s14, s23, $0xb8;
	[tilespmem:$0x1E080] =	vst v63  }
0x11b: {  	_ =	swait.ge [sflag:s29], $0x3E80  }
0x11c: {  	[sflag:s29] =	ssyncset.done $0x0  }
.Ltmp7:
0x11d: {  	s14 =	sadd.s32 $0x1480, s13;
	[sflag:s29] =	ssyncadd.s32 $0xFFFFC180;
	(pc) =	sbr.rel @p2 .LBB2_10-.Ltmp7, $4  }
0x11e: {  	[spmem:s1] =	stream.indirect.scatter.add.f32 [tilespmem:s26], [sflag:$0x4], $0x80, s14, s23, $0xb8;
	[tilespmem:$0x1E080] =	vst v63  }
0x11f: {  	_ =	swait.ge [sflag:s21], $0x3E80  }
0x120: {  	[sflag:s21] =	ssyncset.done $0x0  }
0x121: {  	s13 =	sadd.s32 $0x180, s13;
	[sflag:s21] =	ssyncadd.s32 $0xFFFFC180  }
.Ltmp8:
0x122: {  	_ = 	snop;
	(pc) =	sbr.rel .LBB2_11-.Ltmp8, $1  }
0x123: {  	_ =	sdelay $0x3  }
.LBB2_13:
0x124: {  	_ =	sfence.sel $0x180000  }
0x125: {  	[bflag:$0x0] =	sbarrier.arrive $0xFFFF  }
0x126: {  	_ =	strace $0x9000004A  }
0x127: {  	s0 =	stileid.u32;
	[bflag:$0x2] =	sbarrier.arrive $0xFFFF  }
0x128: {  	p0 =	sne.s32 s0, $0x0;
	s0 =	rddreg [dreg:$0x2]  }
0x129: {  	s0 =	sadd.s32 @!p0 $0x100000, s0  }
0x12a: {  	[sflag:s0] =	ssyncadd.tile.s32 @!p0 $0x1;
	_ =	shalt  }
.Lfunc_end2:
_tile_overlayer_lowered:
.L_overlay_start_2:
0x12b: {  	(tag) =	ssettag $0x2  }
0x12c: {  	s0 =	rddreg [dreg:$0x0];
	s2 =	stileid.u32  }
0x12d: {  	s1 =	rddreg [dreg:$0x1];
	p0 =	sne.s32 s2, $0x0  }
0x12e: {  	s3 =	rddreg [dreg:$0x2];
	[bflag:$0x3] =	sbarrier.arrive $0xFFFF;
	s2 =	simm.s32 @!p0 $0x1C04  }
0x12f: {  	[timem:s3], [sflag:s2] =	dma.local @!p0 [hbm:s0], s1  }
0x130: {  	s0 =	simm.s32 @!p0 $0x4  }
0x131: {  	_ =	swait.ge @!p0 [sflag:s0], s1  }
0x132: {  	s1 =	ssub.s32 @!p0 $0x0, s1;
	[sflag:s0] =	ssyncset.done @!p0 $0x0  }
0x133: {  	[sflag:s0] =	ssyncadd.s32 @!p0 s1  }
0x134: {  	[bflag:$0x3] =	sbarrier.arrive $0xFFFF  }
0x135: {  	_ =	shalt  }

// kernel: kernel.15.cloned.1.call-start
scs
__scs_entry_jumppad:
0x0: {  	(pc) =	sbr.rel $0x88, $3  }
0x1: {  	(tag) =	ssettag $0x0;
	lr =	simm.s32 $0x1  }
0x2: {  	[smem:$0x3F91] =	sst lr;
	_ =	strace $0xD0000000  }
0x3: {  	_ = 	snop  }
0x4: {  	_ = 	snop  }
0x5: {  	_ = 	snop  }
0x6: {  	_ = 	snop  }
0x7: {  	_ = 	snop  }
__scs_overlays_trampoline_lowered:
0x8: {  	[smem:$0x3FA0] =	sst s0  }
0x9: {  	[smem:$0x3FA1] =	sst s1  }
0xa: {  	[smem:$0x3FA2] =	sst s2  }
0xb: {  	[smem:$0x3FA3] =	sst s3  }
0xc: {  	[smem:$0x3FA4] =	sst s4  }
0xd: {  	[smem:$0x3FA5] =	sst s5  }
0xe: {  	[smem:$0x3FA6] =	sst s6  }
0xf: {  	[smem:$0x3FA7] =	sst s7  }
0x10: {  	[smem:$0x3FA8] =	sst s8  }
0x11: {  	[smem:$0x3FA9] =	sst s9;
	s0 =	simm.s32 @!p0 $0x0  }
0x12: {  	s1 =	sld [smem:$0x3F8F];
	s0 =	simm.s32 @p0 $0x1  }
0x13: {  	[smem:$0x3FAA] =	sst s0;
	s0 =	simm.s32 @!p1 $0x0  }
0x14: {  	s2 =	sld [smem:$0x3F8E];
	s0 =	simm.s32 @p1 $0x1  }
0x15: {  	[smem:$0x3FAB] =	sst s0;
	s0 =	simm.s32 @!p2 $0x0  }
0x16: {  	s3 =	sld [smem:$0x3FDB];
	s0 =	simm.s32 @p2 $0x1  }
0x17: {  	s4 =	simm.s32 $0x1BF5;
	[smem:$0x3FAD] =	sst s0  }
0x18: {  	s0 =	sld [smem:$0x3F90];
	_ =	swait.ge [sflag:s4], $0x0  }
0x19: {  	s7 =	sld [smem:$0x3F91]  }
0x1a: {  	s8 =	sadd.s32 $0xFFFFE003, lr  }
0x1b: {  	s9 =	sadd.s32 $0xFFFFFEF7, lr;
	s5 =	simm.s32 $0xFFFFFFFF;
	p2 =	slt.u32 s8, $0xFFFFF086  }
0x1c: {  	p1 =	slt.u32 s9, $0xF7A;
	s5 =	simm.s32 @!p2 $0x0  }
0x1d: {  	s5 =	simm.s32 @p1 $0x1;
	p0 =	seq.s32 s7, s2  }
0x1e: {  	s7 =	smul.u32 @!p0 $0xF7A, s2;
	p2 =	seq.s32 @!p0 s5, $0x0  }
0x1f: {  	s9 =	smul.u32 $0xF7A, s1;
	s8 =	simm.s32 @!p0 $0x1BF5;
	p2 =	por !p2, p0  }
0x20: {  	[sflag:s8] =	ssyncset.s32 @!p0 $0xFFFFF086;
	s6 =	sadd.s32 @!p0 s3, s7;
	s7 =	simm.s32 @!p0 $0x108  }
0x21: {  	s3 =	sadd.s32 s3, s9;
	s6 =	sadd.s32 @!p0 $0x88, s6;
	s7 =	simm.s32 @p2 $0x1082  }
0x22: {  	[simem:s7], [sflag:s8] =	dma.local @!p0 [hbm:s6], $0xF7A  }
0x23: {  	s9 =	sor.u32 $0xD0000000, s2;
	s6 =	simm.s32 $0x108;
	_ =	swait.ge @!p0 [sflag:s8], $0x0  }
0x24: {  	s3 =	sadd.s32 $0x88, s3;
	s6 =	simm.s32 @!p1 $0x1082;
	[sflag:s4] =	ssyncset.s32 $0xFFFFF086  }
0x25: {  	[simem:s6], [sflag:s4] =	dma.local [hbm:s3], $0xF7A  }
0x26: {  	[smem:$0x3F91] =	sst s1;
	(tag) =	ssettag s2;
	_ =	strace s9  }
0x27: {  	s1 =	sld [smem:$0x3FA1]  }
0x28: {  	s2 =	sld [smem:$0x3FA2]  }
0x29: {  	s4 =	sld [smem:$0x3FA4]  }
0x2a: {  	p0 =	seq.s32 s5, $0x0;
	s5 =	sld [smem:$0x3FA5]  }
0x2b: {  	s6 =	sld [smem:$0x3FA6]  }
0x2c: {  	s7 =	sld [smem:$0x3FA7]  }
0x2d: {  	s3 =	simm.s32 $0x108;
	s8 =	sld [smem:$0x3FA8]  }
0x2e: {  	s3 =	simm.s32 @!p0 $0x1082;
	s9 =	sld [smem:$0x3FA9]  }
0x2f: {  	lr =	sadd.s32 s0, s3;
	s0 =	sld [smem:$0x3FA0]  }
0x30: {  	s3 =	sld [smem:$0x3FA3]  }
0x31: {  	[smem:$0x3FAC] =	sst s10  }
0x32: {  	s10 =	sld [smem:$0x3FAA];
	_ =	sdelay $0x3  }
0x33: {  	p0 =	seq.s32 s10, $0x1;
	s10 =	sld [smem:$0x3FAC];
	_ =	sdelay $0x3  }
0x34: {  	[smem:$0x3FAC] =	sst s10  }
0x35: {  	s10 =	sld [smem:$0x3FAB];
	_ =	sdelay $0x3  }
0x36: {  	p1 =	seq.s32 s10, $0x1;
	s10 =	sld [smem:$0x3FAC];
	_ =	sdelay $0x3  }
0x37: {  	[smem:$0x3FAC] =	sst s10  }
0x38: {  	s10 =	sld [smem:$0x3FAD]  }
0x39: {  	_ = 	snop;
	(pc) =	sbr.ind lr, $3  }
0x3a: {  	_ = 	snop  }
0x3b: {  	_ = 	snop  }
0x3c: {  	p2 =	seq.s32 s10, $0x1;
	s10 =	sld [smem:$0x3FAC]  }
0x3d: {  	_ =	shalt  }
0x3e: {  	_ =	shalt  }
0x3f: {  	_ =	shalt  }
0x40: {  	_ =	shalt  }
0x41: {  	_ =	shalt  }
0x42: {  	_ =	shalt  }
0x43: {  	_ =	shalt  }
0x44: {  	_ =	shalt  }
0x45: {  	_ =	shalt  }
0x46: {  	_ =	shalt  }
0x47: {  	_ =	shalt  }
0x48: {  	_ =	shalt  }
0x49: {  	_ =	shalt  }
0x4a: {  	_ =	shalt  }
0x4b: {  	_ =	shalt  }
0x4c: {  	_ =	shalt  }
0x4d: {  	_ =	shalt  }
0x4e: {  	_ =	shalt  }
0x4f: {  	_ =	shalt  }
0x50: {  	_ =	shalt  }
0x51: {  	_ =	shalt  }
0x52: {  	_ =	shalt  }
0x53: {  	_ =	shalt  }
0x54: {  	_ =	shalt  }
0x55: {  	_ =	shalt  }
0x56: {  	_ =	shalt  }
0x57: {  	_ =	shalt  }
0x58: {  	_ =	shalt  }
0x59: {  	_ =	shalt  }
0x5a: {  	_ =	shalt  }
0x5b: {  	_ =	shalt  }
0x5c: {  	_ =	shalt  }
0x5d: {  	_ =	shalt  }
0x5e: {  	_ =	shalt  }
0x5f: {  	_ =	shalt  }
0x60: {  	_ =	shalt  }
0x61: {  	_ =	shalt  }
0x62: {  	_ =	shalt  }
0x63: {  	_ =	shalt  }
0x64: {  	_ =	shalt  }
0x65: {  	_ =	shalt  }
0x66: {  	_ =	shalt  }
0x67: {  	_ =	shalt  }
0x68: {  	_ =	shalt  }
0x69: {  	_ =	shalt  }
0x6a: {  	_ =	shalt  }
0x6b: {  	_ =	shalt  }
0x6c: {  	_ =	shalt  }
0x6d: {  	_ =	shalt  }
0x6e: {  	_ =	shalt  }
0x6f: {  	_ =	shalt  }
0x70: {  	_ =	shalt  }
0x71: {  	_ =	shalt  }
0x72: {  	_ =	shalt  }
0x73: {  	_ =	shalt  }
0x74: {  	_ =	shalt  }
0x75: {  	_ =	shalt  }
0x76: {  	_ =	shalt  }
0x77: {  	_ =	shalt  }
0x78: {  	_ =	shalt  }
0x79: {  	_ =	shalt  }
0x7a: {  	_ =	shalt  }
0x7b: {  	_ =	shalt  }
0x7c: {  	_ =	shalt  }
0x7d: {  	_ =	shalt  }
0x7e: {  	_ =	shalt  }
0x7f: {  	_ =	shalt  }
0x80: {  	_ =	shalt  }
0x81: {  	_ =	shalt  }
0x82: {  	_ =	shalt  }
0x83: {  	_ =	shalt  }
0x84: {  	_ =	shalt  }
0x85: {  	_ =	shalt  }
0x86: {  	_ =	shalt  }
0x87: {  	_ =	shalt  }
.Lfunc_end0:
.L_simem_size_0:
called_computation.2_lowered:
.L_overlay_start_0:
0x88: {  	s2 =	sld [smem:$0x3FD9]  }
0x89: {  	s3 =	sld [smem:$0x3FFE];
	_ =	sdelay $0x1  }
0x8a: {  	s1 =	srdreg.scid  }
0x8b: {  	s0 =	sand.u32 $0x1, s1  }
0x8c: {  	s16 =	sshll.u32 s0, $0xA;
	s2 =	sadd.s32 s3, s2  }
0x8d: {  	s2 =	sadd.s32 s2, s16  }
0x8e: {  	[smem:$0x3FB8] =	sst s2  }
0x8f: {  	_ = 	snop  }
0x90: {  	(tm) =	ssettm $0x1  }
0x91: {  	s17 =	sld [smem:$0x3FFB];
	_ =	sdelay $0x3  }
0x92: {  	_ =	strace s17  }
0x93: {  	s2 =	sld [smem:$0x3FFC];
	_ =	sdelay $0x3  }
0x94: {  	_ =	strace s2  }
0x95: {  	s2 =	sld [smem:$0x3FFD];
	_ =	sdelay $0x3  }
0x96: {  	_ =	strace s2  }
0x97: {  	_ =	strace $0x8FFFFFFF  }
0x98: {  	s18 =	sld [smem:$0x3FDB];
	_ =	sdelay $0x1  }
0x99: {  	s19 =	simm.s32 $_scs_section_size  }
0x9a: {  	s4 =	simm.s32 $_size__tile_overlayer_lowered;
	s5 =	simm.s32 $_tile_overlayer_lowered  }
0x9b: {  	s22 =	simm.s32 $0x1BFF;
	s21 =	sshll.u32 s5, $0x1;
	s2 =	sadd.s32 s19, s18  }
0x9c: {  	s6 =	simm.s32 $0x0;
	s20 =	sshll.u32 s4, $0x1;
	s4 =	sadd.s32 s21, s2  }
0x9d: {  	[timem:s6], [sflag:s22] =	dma.local [hbm:s4], s20  }
0x9e: {  	_ =	swait.ge [sflag:s22], s20  }
0x9f: {  	s3 =	ssub.s32 $0x0, s20;
	[sflag:s22] =	ssyncset.done $0x0  }
0xa0: {  	[sflag:s22] =	ssyncadd.s32 s3;
	_ =	sdelay $0x1  }
0xa1: {  	s23 =	simm.s32 $0x1B8B  }
0xa2: {  	_ =	swait.ge [sflag:s23], $0x1  }
0xa3: {  	[sflag:s23] =	ssyncset.done $0x0  }
0xa4: {  	s25 =	simm.s32 $0x1B8E;
	s24 =	sld [smem:$0x3FFE];
	[sflag:s23] =	ssyncadd.s32 $0xFFFFFFFF  }
0xa5: {  	s26 =	simm.s32 $execute0_lowered;
	[smem:$0x3FD2] =	sst s25  }
0xa6: {  	s4 =	sshll.u32 s26, $0x1;
	_ =	strace $0x8000004C;
	[dreg:$0x1] =	wrdreg $0xFFFFFFFF  }
0xa7: {  	s28 =	simm.s32 $_size_execute0_lowered;
	s2 =	sadd.s32 s2, s4;
	[dreg:$0x0] =	wrdreg $0x0  }
0xa8: {  	s4 =	sshll.u32 s28, $0x1;
	[dreg:$0x2] =	wrdreg s2  }
0xa9: {  	[dreg:$0x3] =	wrdreg s4  }
0xaa: {  	[dreg:$0x4] =	wrdreg $0xC0  }
0xab: {  	_ =	task [dreg:s6], $0x5FFFF  }
0xac: {  	[dreg:$0x1] =	wrdreg $0xFFFFFFFF  }
0xad: {  	[dreg:$0x0] =	wrdreg $0x60  }
0xae: {  	[dreg:$0x2] =	wrdreg s24  }
0xaf: {  	[dreg:$0x3] =	wrdreg $0xA8000  }
0xb0: {  	[dreg:$0x4] =	wrdreg $0x9  }
0xb1: {  	_ =	task.clear_ibuf [dreg:s6], $0x5FFFF;
	_ =	strace $0x9000004C  }
0xb2: {  	s29 =	simm.s32 $0x9;
	_ =	strace $0x8000004E  }
0xb3: {  	_ =	swait.ge [sflag:s29], $0x1  }
0xb4: {  	[sflag:s29] =	ssyncadd.s32 $0xFFFFFFFF  }
0xb5: {  	_ =	strace $0x9000004E  }
0xb6: {  	_ =	sfence  }
0xb7: {  	s30 =	sld [smem:$0x0];
	_ =	sdelay $0x2  }
0xb8: {  	s31 =	sshll.u32 s1, $0xD;
	s1 =	sshrl.u32 s1, $0x2  }
0xb9: {  	s3 =	sand.u32 $0x4000, s31;
	s1 =	sadd.s32 s1, s30  }
0xba: {  	s0 =	sor.u32 s3, s0;
	s1 =	sshll.u32 s1, $0x11  }
0xbb: {  	s0 =	sor.u32 s1, s0  }
0xbc: {  	s0 =	sadd.s32 $0x8F2B, s0  }
0xbd: {  	[sflag:s0] =	ssyncadd.remote.s32 $0x1  }
0xbe: {  	_ =	sfence.sel $0xFFFF  }
0xbf: {  	[dreg:$0x0] =	wrdreg $0xFFFFFFFF;
	(pc) =	sbr.abs _section_cstart, $3  }
0xc0: {  	[dreg:$0x1] =	wrdreg $0xFFFFFFFF  }
0xc1: {  	_ =	task.clear_ibuf [dreg:s6], $0x2FFFF;
	_ =	strace $0x9FFFFFFF  }
0xc2: {  	(tm) =	ssettm $0x7FFFFFFF  }
0xc3: {  	_ =	shalt  }
tec
execute0_lowered:
.L_overlay_start_1:
0x0: {  	(tag) =	ssettag $0x1  }
0x1: {  	s0 =	rddreg [dreg:$0x0]  }
0x2: {  	s1 =	rddreg [dreg:$0x1]  }
0x3: {  	s3 =	simm.s32 $0x0;
	s17 =	stileid.u32;
	s2 =	srdreg.scid  }
0x4: {  	s21 =	simm.s32 $0x4;
	s22 =	simm.s32 $0x1400;
	s28 =	simm.s32 $0x1  }
0x5: {  	s29 =	simm.s32 $0x2;
	s30 =	simm.s32 $0x2700;
	s31 =	simm.s32 $0x2780  }
0x6: {  	[smem:$0x7FF] =	sst s3;
	s4 =	sadd.s32 $0x3BE00, s0;
	s8 =	smul.u32 $0x2800, s17  }
0x7: {  	s2 =	sand.u32 $0x1, s2;
	s5 =	sadd.s32 $0x63000, s0;
	s7 =	smul.u32 $0x50000, s17  }
0x8: {  	s10 =	sadd.s32 $0x36E00, s0;
	s11 =	sadd.s32 $0x31E00, s0;
	s24 =	smul.u32 $0x500, s17  }
0x9: {  	s18 =	sadd.s32 $0x12C000, s1;
	s26 =	sadd.s32 $0xD6C00, s0;
	p0 =	seq.s32 s17, $0xF  }
0xa: {  	s15 =	sadd.s32 $0xAFA00, s0;
	_ =	strace $0x8000004D;
	s6 =	ssub.s32 $0x2, s2  }
0xb: {  	[dreg:$0x4] =	wrdreg s26;
	s17 =	sshll.u32 @!p0 s17, $0x6;
	s18 =	sshrl.u32 @p0 s18, $0x3  }
0xc: {  	p1 =	sne.s32 s2, $0x0;
	s26 =	simm.s32 $0x6800;
	s9 =	sshrl.u32 s6, $0x1  }
0xd: {  	s12 =	sadd.s32 s8, s0;
	s23 =	sshrl.u32 s7, $0x2;
	s7 =	sadd.s32 $0x30400, s0  }
0xe: {  	s14 =	sshrl.u32 s8, $0x3;
	s8 =	sadd.s32 s10, s24;
	s19 =	sor.u32 @!p0 $0x1C03, s17  }
0xf: {  	s0 =	simm.s32 $0x0;
	s13 =	ssub.s32 s6, s9;
	s20 =	sadd.s32 s23, s1  }
.Ltmp0:
0x10: {  	s6 =	sadd.s32 $0xAC00, s12;
	s9 =	sadd.s32 s11, s24;
	(pc) =	sbr.rel .LBB2_1-.Ltmp0, $4  }
0x11: {  	s14 =	sadd.s32 $0x280, s14;
	s25 =	sadd.s32 $0xB1400, s12;
	s12 =	sadd.s32 $0x8A200, s12  }
0x12: {  	s23 =	simm.s32 $0x7D;
	s24 =	simm.s32 $0x2800;
	[dreg:$0x3] =	wrdreg s25  }
0x13: {  	s10 =	sadd.s32 s10, s14;
	s11 =	sadd.s32 s11, s14;
	[dreg:$0x5] =	wrdreg s12  }
0x14: {  	s16 =	smax.u32 s13, $0x1;
	s20 =	sshrl.u32 @!p0 s20, $0x3;
	s25 =	simm.s32 $0x80  }
.LBB2_11:
0x15: {  	[tilespmem:s26], [sflag:$0x2] =	stream.indirect.gather [hbm4b:s5+s23], $0x80, s13, s23, $0xb8;
	[tilespmem:$0x1E080] =	vst v63  }
0x16: {  	_ =	swait.ge [sflag:s28], $0x3E80  }
0x17: {  	[sflag:s28] =	ssyncset.done $0x0  }
0x18: {  	[sflag:s28] =	ssyncadd.s32 $0xFFFFC180  }
0x19: {  	[spmem:s1] =	stream.indirect.scatter.add.f32 [tilespmem:s24], [sflag:$0x4], $0x80, s30, s23, $0xb8;
	[tilespmem:$0x1E080] =	vst v63  }
0x1a: {  	_ =	swait.ge [sflag:s21], $0x3E80  }
0x1b: {  	[sflag:s21] =	ssyncset.done $0x0  }
0x1c: {  	[sflag:s21] =	ssyncadd.s32 $0xFFFFC180  }
0x1d: {  	_ =	swait.ge [sflag:s29], $0x3E80  }
0x1e: {  	[sflag:s29] =	ssyncset.done $0x0  }
0x1f: {  	[sflag:s29] =	ssyncadd.s32 $0xFFFFC180  }
0x20: {  	[spmem:s1] =	stream.indirect.scatter.add.f32 [tilespmem:s26], [sflag:$0x4], $0x80, s31, s23, $0xb8;
	[tilespmem:$0x1E080] =	vst v63  }
0x21: {  	_ =	swait.ge [sflag:s21], $0x3E80  }
0x22: {  	[sflag:s21] =	ssyncset.done $0x0  }
0x23: {  	[sflag:s21] =	ssyncadd.s32 $0xFFFFC180  }
0x24: {  	[bflag:$0x0] =	sbarrier.arrive $0xFFFF  }
0x25: {  	s12 =	simm.s32 @p0 $0x1FC4;
	s13 =	rddreg [dreg:$0x4]  }
0x26: {  	[hbm:s13], [sflag:s12] =	dma.local @p0 [spmem:s18], $0x1900  }
0x27: {  	s12 =	simm.s32 @p0 $0x4  }
0x28: {  	_ =	swait.ge @p0 [sflag:s12], $0x1900  }
0x29: {  	[sflag:s12] =	ssyncset.done @p0 $0x0  }
0x2a: {  	[sflag:s12] =	ssyncadd.s32 @p0 $0xFFFFE700;
	s12 =	rddreg [dreg:$0x3]  }
0x2b: {  	[hbm:s12], [sflag:s2] =	dma.local @!p0 [spmem:s20], $0x2800  }
0x2c: {  	s2 =	simm.s32 @!p0 $0x4  }
0x2d: {  	_ =	swait.ge @!p0 [sflag:s2], $0x2800  }
0x2e: {  	[sflag:s2] =	ssyncset.done @!p0 $0x0  }
0x2f: {  	[sflag:s2] =	ssyncadd.s32 @!p0 $0xFFFFD800  }
.LBB2_12:
0x30: {  	s0 =	sadd.s32 $0x1, s0  }
0x31: {  	p2 =	sne.s32 s0, s16  }
.Ltmp1:
0x32: {  	_ = 	snop;
	(pc) =	sbr.rel @!p2 .LBB2_13-.Ltmp1, $1  }
0x33: {  	_ =	sdelay $0x3  }
.LBB2_1:
0x34: {  	s2 =	simm.s32 @p0 $0x1FC3  }
0x35: {  	[spmem:s18], [sflag:s2] =	dma.local @p0 [hbm:s7], $0x1900  }
0x36: {  	[spmem:s20], [sflag:s19] =	dma.local @!p0 [hbm:s6], $0x2800  }
0x37: {  	[tilespmem:s3], [sflag:$0x4] =	stream.linear.gather [hbm4b:s8+s3], $0x1400, $0x38;
	[tilespmem:$0x1E080] =	vst v63  }
0x38: {  	_ =	swait.ge [sflag:s21], $0x1400  }
0x39: {  	[sflag:s21] =	ssyncset.done $0x0  }
.Ltmp2:
0x3a: {  	[sflag:s21] =	ssyncadd.s32 $0xFFFFEC00;
	(pc) =	sbr.rel @p1 .LBB2_7-.Ltmp2, $4  }
0x3b: {  	[tilespmem:s22], [sflag:$0x4] =	stream.linear.gather [hbm4b:s9+s3], $0x1400, $0x38;
	[tilespmem:$0x1E080] =	vst v63  }
0x3c: {  	_ =	swait.ge [sflag:s21], $0x1400  }
0x3d: {  	[sflag:s21] =	ssyncset.done $0x0  }
0x3e: {  	s2 =	sor.u32 @!p0 $0x1C04, s17;
	[sflag:s21] =	ssyncadd.s32 $0xFFFFEC00  }
0x3f: {  	[tilespmem:s24], [sflag:$0x1] =	stream.indirect.gather [hbm4b:s4+s23], $0x80, s3, s23, $0xb8;
	[tilespmem:$0x1E080] =	vst v63  }
0x40: {  	s12 =	simm.s32 @p0 $0x3  }
0x41: {  	[tilespmem:s26], [sflag:$0x2] =	stream.indirect.gather [hbm4b:s4+s23], $0x80, s25, s23, $0xb8;
	[tilespmem:$0x1E080] =	vst v63  }
0x42: {  	_ =	swait.ge @p0 [sflag:s12], $0x1900  }
0x43: {  	[sflag:s12] =	ssyncset.done @p0 $0x0  }
0x44: {  	[sflag:s12] =	ssyncadd.s32 @p0 $0xFFFFE700;
	s12 =	simm.s32 @!p0 $0x3  }
0x45: {  	_ =	swait.ge @!p0 [sflag:s12], $0x2800  }
0x46: {  	[sflag:s12] =	ssyncset.done @!p0 $0x0  }
0x47: {  	[sflag:s12] =	ssyncadd.s32 @!p0 $0xFFFFD800  }
0x48: {  	[bflag:$0x0] =	sbarrier.arrive $0xFFFF  }
0x49: {  	_ =	swait.ge [sflag:s28], $0x3E80  }
0x4a: {  	[sflag:s28] =	ssyncset.done $0x0  }
0x4b: {  	s14 =	simm.s32 $0x1400;
	[sflag:s28] =	ssyncadd.s32 $0xFFFFC180  }
0x4c: {  	[spmem:s1] =	stream.indirect.scatter.add.f32 [tilespmem:s24], [sflag:$0x4], $0x80, s14, s23, $0xb8;
	[tilespmem:$0x1E080] =	vst v63  }
0x4d: {  	_ =	swait.ge [sflag:s21], $0x3E80  }
0x4e: {  	[sflag:s21] =	ssyncset.done $0x0  }
0x4f: {  	s13 =	simm.s32 $0x100;
	[sflag:s21] =	ssyncadd.s32 $0xFFFFC180  }
0x50: {  	[tilespmem:s24], [sflag:$0x1] =	stream.indirect.gather [hbm4b:s4+s23], $0x80, s13, s23, $0xb8;
	[tilespmem:$0x1E080] =	vst v63  }
0x51: {  	_ =	swait.ge [sflag:s29], $0x3E80  }
0x52: {  	[sflag:s29] =	ssyncset.done $0x0  }
0x53: {  	s14 =	simm.s32 $0x1480;
	[sflag:s29] =	ssyncadd.s32 $0xFFFFC180  }
0x54: {  	[spmem:s1] =	stream.indirect.scatter.add.f32 [tilespmem:s26], [sflag:$0x4], $0x80, s14, s23, $0xb8;
	[tilespmem:$0x1E080] =	vst v63  }
0x55: {  	_ =	swait.ge [sflag:s21], $0x3E80  }
0x56: {  	[sflag:s21] =	ssyncset.done $0x0  }
0x57: {  	s12 =	simm.s32 $0x400;
	s13 =	simm.s32 $0x180;
	[sflag:s21] =	ssyncadd.s32 $0xFFFFC180  }
.LBB2_3:
0x58: {  	[tilespmem:s26], [sflag:$0x2] =	stream.indirect.gather [hbm4b:s4+s23], $0x80, s13, s23, $0xb8;
	[tilespmem:$0x1E080] =	vst v63  }
0x59: {  	s13 =	smov.u32 s12  }
0x5a: {  	p2 =	sne.s32 s12, $0x4800;
	s12 =	sadd.s32 $0x400, s12;
	_ =	swait.ge [sflag:s28], $0x3E80  }
0x5b: {  	s13 =	sshra.s32 s13, $0x2;
	[sflag:s28] =	ssyncset.done $0x0  }
0x5c: {  	s14 =	sadd.s32 $0x1400, s13;
	[sflag:s28] =	ssyncadd.s32 $0xFFFFC180  }
0x5d: {  	[spmem:s1] =	stream.indirect.scatter.add.f32 [tilespmem:s24], [sflag:$0x4], $0x80, s14, s23, $0xb8;
	[tilespmem:$0x1E080] =	vst v63  }
0x5e: {  	_ =	swait.ge [sflag:s21], $0x3E80  }
0x5f: {  	[sflag:s21] =	ssyncset.done $0x0  }
0x60: {  	s14 =	sadd.s32 $0x100, s13;
	[sflag:s21] =	ssyncadd.s32 $0xFFFFC180  }
0x61: {  	[tilespmem:s24], [sflag:$0x1] =	stream.indirect.gather [hbm4b:s4+s23], $0x80, s14, s23, $0xb8;
	[tilespmem:$0x1E080] =	vst v63  }
0x62: {  	_ =	swait.ge [sflag:s29], $0x3E80  }
0x63: {  	[sflag:s29] =	ssyncset.done $0x0  }
.Ltmp3:
0x64: {  	s14 =	sadd.s32 $0x1480, s13;
	[sflag:s29] =	ssyncadd.s32 $0xFFFFC180;
	(pc) =	sbr.rel @p2 .LBB2_3-.Ltmp3, $4  }
0x65: {  	[spmem:s1] =	stream.indirect.scatter.add.f32 [tilespmem:s26], [sflag:$0x4], $0x80, s14, s23, $0xb8;
	[tilespmem:$0x1E080] =	vst v63  }
0x66: {  	_ =	swait.ge [sflag:s21], $0x3E80  }
0x67: {  	[sflag:s21] =	ssyncset.done $0x0  }
0x68: {  	s13 =	sadd.s32 $0x180, s13;
	[sflag:s21] =	ssyncadd.s32 $0xFFFFC180  }
0x69: {  	[tilespmem:s26], [sflag:$0x2] =	stream.indirect.gather [hbm4b:s4+s23], $0x80, s13, s23, $0xb8;
	[tilespmem:$0x1E080] =	vst v63  }
0x6a: {  	_ =	swait.ge [sflag:s28], $0x3E80  }
0x6b: {  	[sflag:s28] =	ssyncset.done $0x0  }
0x6c: {  	[sflag:s28] =	ssyncadd.s32 $0xFFFFC180  }
0x6d: {  	[spmem:s1] =	stream.indirect.scatter.add.f32 [tilespmem:s24], [sflag:$0x4], $0x80, s30, s23, $0xb8;
	[tilespmem:$0x1E080] =	vst v63  }
0x6e: {  	_ =	swait.ge [sflag:s21], $0x3E80  }
0x6f: {  	[sflag:s21] =	ssyncset.done $0x0  }
0x70: {  	[sflag:s21] =	ssyncadd.s32 $0xFFFFC180  }
0x71: {  	_ =	swait.ge [sflag:s29], $0x3E80  }
0x72: {  	[sflag:s29] =	ssyncset.done $0x0  }
0x73: {  	[sflag:s29] =	ssyncadd.s32 $0xFFFFC180  }
0x74: {  	[spmem:s1] =	stream.indirect.scatter.add.f32 [tilespmem:s26], [sflag:$0x4], $0x80, s31, s23, $0xb8;
	[tilespmem:$0x1E080] =	vst v63  }
0x75: {  	_ =	swait.ge [sflag:s21], $0x3E80  }
0x76: {  	[sflag:s21] =	ssyncset.done $0x0  }
0x77: {  	s12 =	simm.s32 $0x0;
	[sflag:s21] =	ssyncadd.s32 $0xFFFFC180  }
0x78: {  	[tilespmem:s12], [sflag:$0x4] =	stream.linear.gather [hbm4b:s10+s12], $0x1400, $0x38;
	[tilespmem:$0x1E080] =	vst v63  }
0x79: {  	_ =	swait.ge [sflag:s21], $0x1400  }
0x7a: {  	[sflag:s21] =	ssyncset.done $0x0  }
0x7b: {  	[sflag:s21] =	ssyncadd.s32 $0xFFFFEC00  }
0x7c: {  	[tilespmem:s22], [sflag:$0x4] =	stream.linear.gather [hbm4b:s11+s12], $0x1400, $0x38;
	[tilespmem:$0x1E080] =	vst v63  }
0x7d: {  	_ =	swait.ge [sflag:s21], $0x1400  }
0x7e: {  	[sflag:s21] =	ssyncset.done $0x0  }
0x7f: {  	[sflag:s21] =	ssyncadd.s32 $0xFFFFEC00  }
0x80: {  	[tilespmem:s24], [sflag:$0x1] =	stream.indirect.gather [hbm4b:s4+s23], $0x80, s12, s23, $0xb8;
	[tilespmem:$0x1E080] =	vst v63  }
0x81: {  	_ = 	snop  }
0x82: {  	[tilespmem:s26], [sflag:$0x2] =	stream.indirect.gather [hbm4b:s4+s23], $0x80, s25, s23, $0xb8;
	[tilespmem:$0x1E080] =	vst v63  }
0x83: {  	_ =	swait.ge [sflag:s28], $0x3E80  }
0x84: {  	[sflag:s28] =	ssyncset.done $0x0  }
0x85: {  	s14 =	simm.s32 $0x1400;
	[sflag:s28] =	ssyncadd.s32 $0xFFFFC180  }
0x86: {  	[spmem:s1] =	stream.indirect.scatter.add.f32 [tilespmem:s24], [sflag:$0x4], $0x80, s14, s23, $0xb8;
	[tilespmem:$0x1E080] =	vst v63  }
0x87: {  	_ =	swait.ge [sflag:s21], $0x3E80  }
0x88: {  	[sflag:s21] =	ssyncset.done $0x0  }
0x89: {  	s13 =	simm.s32 $0x100;
	[sflag:s21] =	ssyncadd.s32 $0xFFFFC180  }
0x8a: {  	[tilespmem:s24], [sflag:$0x1] =	stream.indirect.gather [hbm4b:s4+s23], $0x80, s13, s23, $0xb8;
	[tilespmem:$0x1E080] =	vst v63  }
0x8b: {  	_ =	swait.ge [sflag:s29], $0x3E80  }
0x8c: {  	[sflag:s29] =	ssyncset.done $0x0  }
0x8d: {  	s14 =	simm.s32 $0x1480;
	[sflag:s29] =	ssyncadd.s32 $0xFFFFC180  }
0x8e: {  	[spmem:s1] =	stream.indirect.scatter.add.f32 [tilespmem:s26], [sflag:$0x4], $0x80, s14, s23, $0xb8;
	[tilespmem:$0x1E080] =	vst v63  }
0x8f: {  	_ =	swait.ge [sflag:s21], $0x3E80  }
0x90: {  	[sflag:s21] =	ssyncset.done $0x0  }
0x91: {  	s12 =	simm.s32 $0x400;
	s13 =	simm.s32 $0x180;
	[sflag:s21] =	ssyncadd.s32 $0xFFFFC180  }
.LBB2_5:
0x92: {  	[tilespmem:s26], [sflag:$0x2] =	stream.indirect.gather [hbm4b:s4+s23], $0x80, s13, s23, $0xb8;
	[tilespmem:$0x1E080] =	vst v63  }
0x93: {  	s13 =	smov.u32 s12  }
0x94: {  	p2 =	sne.s32 s12, $0x4800;
	s12 =	sadd.s32 $0x400, s12;
	_ =	swait.ge [sflag:s28], $0x3E80  }
0x95: {  	s13 =	sshra.s32 s13, $0x2;
	[sflag:s28] =	ssyncset.done $0x0  }
0x96: {  	s14 =	sadd.s32 $0x1400, s13;
	[sflag:s28] =	ssyncadd.s32 $0xFFFFC180  }
0x97: {  	[spmem:s1] =	stream.indirect.scatter.add.f32 [tilespmem:s24], [sflag:$0x4], $0x80, s14, s23, $0xb8;
	[tilespmem:$0x1E080] =	vst v63  }
0x98: {  	_ =	swait.ge [sflag:s21], $0x3E80  }
0x99: {  	[sflag:s21] =	ssyncset.done $0x0  }
0x9a: {  	s14 =	sadd.s32 $0x100, s13;
	[sflag:s21] =	ssyncadd.s32 $0xFFFFC180  }
0x9b: {  	[tilespmem:s24], [sflag:$0x1] =	stream.indirect.gather [hbm4b:s4+s23], $0x80, s14, s23, $0xb8;
	[tilespmem:$0x1E080] =	vst v63  }
0x9c: {  	_ =	swait.ge [sflag:s29], $0x3E80  }
0x9d: {  	[sflag:s29] =	ssyncset.done $0x0  }
.Ltmp4:
0x9e: {  	s14 =	sadd.s32 $0x1480, s13;
	[sflag:s29] =	ssyncadd.s32 $0xFFFFC180;
	(pc) =	sbr.rel @p2 .LBB2_5-.Ltmp4, $4  }
0x9f: {  	[spmem:s1] =	stream.indirect.scatter.add.f32 [tilespmem:s26], [sflag:$0x4], $0x80, s14, s23, $0xb8;
	[tilespmem:$0x1E080] =	vst v63  }
0xa0: {  	_ =	swait.ge [sflag:s21], $0x3E80  }
0xa1: {  	[sflag:s21] =	ssyncset.done $0x0  }
0xa2: {  	s13 =	sadd.s32 $0x180, s13;
	[sflag:s21] =	ssyncadd.s32 $0xFFFFC180  }
0xa3: {  	[tilespmem:s26], [sflag:$0x2] =	stream.indirect.gather [hbm4b:s4+s23], $0x80, s13, s23, $0xb8;
	[tilespmem:$0x1E080] =	vst v63  }
0xa4: {  	_ =	swait.ge [sflag:s28], $0x3E80  }
0xa5: {  	[sflag:s28] =	ssyncset.done $0x0  }
0xa6: {  	[sflag:s28] =	ssyncadd.s32 $0xFFFFC180  }
0xa7: {  	[spmem:s1] =	stream.indirect.scatter.add.f32 [tilespmem:s24], [sflag:$0x4], $0x80, s30, s23, $0xb8;
	[tilespmem:$0x1E080] =	vst v63  }
0xa8: {  	_ =	swait.ge [sflag:s21], $0x3E80  }
0xa9: {  	[sflag:s21] =	ssyncset.done $0x0  }
0xaa: {  	[sflag:s21] =	ssyncadd.s32 $0xFFFFC180  }
0xab: {  	_ =	swait.ge [sflag:s29], $0x3E80  }
0xac: {  	[sflag:s29] =	ssyncset.done $0x0  }
0xad: {  	[sflag:s29] =	ssyncadd.s32 $0xFFFFC180  }
0xae: {  	[spmem:s1] =	stream.indirect.scatter.add.f32 [tilespmem:s26], [sflag:$0x4], $0x80, s31, s23, $0xb8;
	[tilespmem:$0x1E080] =	vst v63  }
0xaf: {  	_ =	swait.ge [sflag:s21], $0x3E80  }
0xb0: {  	[sflag:s21] =	ssyncset.done $0x0  }
0xb1: {  	[sflag:s21] =	ssyncadd.s32 $0xFFFFC180  }
0xb2: {  	s12 =	simm.s32 @p0 $0x1FC4;
	[bflag:$0x0] =	sbarrier.arrive $0xFFFF  }
0xb3: {  	[hbm:s15], [sflag:s12] =	dma.local @p0 [spmem:s18], $0x1900  }
0xb4: {  	s12 =	simm.s32 @p0 $0x4  }
0xb5: {  	_ =	swait.ge @p0 [sflag:s12], $0x1900  }
0xb6: {  	[sflag:s12] =	ssyncset.done @p0 $0x0  }
0xb7: {  	[sflag:s12] =	ssyncadd.s32 @p0 $0xFFFFE700;
	s12 =	rddreg [dreg:$0x5]  }
0xb8: {  	[hbm:s12], [sflag:s2] =	dma.local @!p0 [spmem:s20], $0x2800  }
.Ltmp5:
0xb9: {  	_ = 	snop;
	(pc) =	sbr.rel .LBB2_12-.Ltmp5, $4  }
0xba: {  	s2 =	simm.s32 @!p0 $0x4  }
0xbb: {  	_ =	swait.ge @!p0 [sflag:s2], $0x2800  }
0xbc: {  	[sflag:s2] =	ssyncset.done @!p0 $0x0  }
0xbd: {  	[sflag:s2] =	ssyncadd.s32 @!p0 $0xFFFFD800  }
.LBB2_7:
0xbe: {  	[tilespmem:s24], [sflag:$0x1] =	stream.indirect.gather [hbm4b:s5+s23], $0x80, s3, s23, $0xb8;
	[tilespmem:$0x1E080] =	vst v63  }
0xbf: {  	s12 =	simm.s32 @p0 $0x3  }
0xc0: {  	[tilespmem:s26], [sflag:$0x2] =	stream.indirect.gather [hbm4b:s5+s23], $0x80, s25, s23, $0xb8;
	[tilespmem:$0x1E080] =	vst v63  }
0xc1: {  	_ =	swait.ge @p0 [sflag:s12], $0x1900  }
0xc2: {  	[sflag:s12] =	ssyncset.done @p0 $0x0  }
0xc3: {  	[sflag:s12] =	ssyncadd.s32 @p0 $0xFFFFE700;
	s12 =	simm.s32 @!p0 $0x3  }
0xc4: {  	_ =	swait.ge @!p0 [sflag:s12], $0x2800  }
0xc5: {  	[sflag:s12] =	ssyncset.done @!p0 $0x0  }
0xc6: {  	[sflag:s12] =	ssyncadd.s32 @!p0 $0xFFFFD800  }
0xc7: {  	[bflag:$0x0] =	sbarrier.arrive $0xFFFF  }
0xc8: {  	_ =	swait.ge [sflag:s28], $0x3E80  }
0xc9: {  	[sflag:s28] =	ssyncset.done $0x0  }
0xca: {  	s14 =	simm.s32 $0x1400;
	[sflag:s28] =	ssyncadd.s32 $0xFFFFC180  }
0xcb: {  	[spmem:s1] =	stream.indirect.scatter.add.f32 [tilespmem:s24], [sflag:$0x4], $0x80, s14, s23, $0xb8;
	[tilespmem:$0x1E080] =	vst v63  }
0xcc: {  	_ =	swait.ge [sflag:s21], $0x3E80  }
0xcd: {  	[sflag:s21] =	ssyncset.done $0x0  }
0xce: {  	s13 =	simm.s32 $0x100;
	[sflag:s21] =	ssyncadd.s32 $0xFFFFC180  }
0xcf: {  	[tilespmem:s24], [sflag:$0x1] =	stream.indirect.gather [hbm4b:s5+s23], $0x80, s13, s23, $0xb8;
	[tilespmem:$0x1E080] =	vst v63  }
0xd0: {  	_ =	swait.ge [sflag:s29], $0x3E80  }
0xd1: {  	[sflag:s29] =	ssyncset.done $0x0  }
0xd2: {  	s14 =	simm.s32 $0x1480;
	[sflag:s29] =	ssyncadd.s32 $0xFFFFC180  }
0xd3: {  	[spmem:s1] =	stream.indirect.scatter.add.f32 [tilespmem:s26], [sflag:$0x4], $0x80, s14, s23, $0xb8;
	[tilespmem:$0x1E080] =	vst v63  }
0xd4: {  	_ =	swait.ge [sflag:s21], $0x3E80  }
0xd5: {  	[sflag:s21] =	ssyncset.done $0x0  }
0xd6: {  	s12 =	simm.s32 $0x400;
	s13 =	simm.s32 $0x180;
	[sflag:s21] =	ssyncadd.s32 $0xFFFFC180  }
.LBB2_8:
0xd7: {  	[tilespmem:s26], [sflag:$0x2] =	stream.indirect.gather [hbm4b:s5+s23], $0x80, s13, s23, $0xb8;
	[tilespmem:$0x1E080] =	vst v63  }
0xd8: {  	s13 =	smov.u32 s12  }
0xd9: {  	p2 =	sne.s32 s12, $0x4800;
	s12 =	sadd.s32 $0x400, s12;
	_ =	swait.ge [sflag:s28], $0x3E80  }
0xda: {  	s13 =	sshra.s32 s13, $0x2;
	[sflag:s28] =	ssyncset.done $0x0  }
0xdb: {  	s14 =	sadd.s32 $0x1400, s13;
	[sflag:s28] =	ssyncadd.s32 $0xFFFFC180  }
0xdc: {  	[spmem:s1] =	stream.indirect.scatter.add.f32 [tilespmem:s24], [sflag:$0x4], $0x80, s14, s23, $0xb8;
	[tilespmem:$0x1E080] =	vst v63  }
0xdd: {  	_ =	swait.ge [sflag:s21], $0x3E80  }
0xde: {  	[sflag:s21] =	ssyncset.done $0x0  }
0xdf: {  	s14 =	sadd.s32 $0x100, s13;
	[sflag:s21] =	ssyncadd.s32 $0xFFFFC180  }
0xe0: {  	[tilespmem:s24], [sflag:$0x1] =	stream.indirect.gather [hbm4b:s5+s23], $0x80, s14, s23, $0xb8;
	[tilespmem:$0x1E080] =	vst v63  }
0xe1: {  	_ =	swait.ge [sflag:s29], $0x3E80  }
0xe2: {  	[sflag:s29] =	ssyncset.done $0x0  }
.Ltmp6:
0xe3: {  	s14 =	sadd.s32 $0x1480, s13;
	[sflag:s29] =	ssyncadd.s32 $0xFFFFC180;
	(pc) =	sbr.rel @p2 .LBB2_8-.Ltmp6, $4  }
0xe4: {  	[spmem:s1] =	stream.indirect.scatter.add.f32 [tilespmem:s26], [sflag:$0x4], $0x80, s14, s23, $0xb8;
	[tilespmem:$0x1E080] =	vst v63  }
0xe5: {  	_ =	swait.ge [sflag:s21], $0x3E80  }
0xe6: {  	[sflag:s21] =	ssyncset.done $0x0  }
0xe7: {  	s13 =	sadd.s32 $0x180, s13;
	[sflag:s21] =	ssyncadd.s32 $0xFFFFC180  }
0xe8: {  	[tilespmem:s26], [sflag:$0x2] =	stream.indirect.gather [hbm4b:s5+s23], $0x80, s13, s23, $0xb8;
	[tilespmem:$0x1E080] =	vst v63  }
0xe9: {  	_ =	swait.ge [sflag:s28], $0x3E80  }
0xea: {  	[sflag:s28] =	ssyncset.done $0x0  }
0xeb: {  	[sflag:s28] =	ssyncadd.s32 $0xFFFFC180  }
0xec: {  	[spmem:s1] =	stream.indirect.scatter.add.f32 [tilespmem:s24], [sflag:$0x4], $0x80, s30, s23, $0xb8;
	[tilespmem:$0x1E080] =	vst v63  }
0xed: {  	_ =	swait.ge [sflag:s21], $0x3E80  }
0xee: {  	[sflag:s21] =	ssyncset.done $0x0  }
0xef: {  	[sflag:s21] =	ssyncadd.s32 $0xFFFFC180  }
0xf0: {  	_ =	swait.ge [sflag:s29], $0x3E80  }
0xf1: {  	[sflag:s29] =	ssyncset.done $0x0  }
0xf2: {  	[sflag:s29] =	ssyncadd.s32 $0xFFFFC180  }
0xf3: {  	[spmem:s1] =	stream.indirect.scatter.add.f32 [tilespmem:s26], [sflag:$0x4], $0x80, s31, s23, $0xb8;
	[tilespmem:$0x1E080] =	vst v63  }
0xf4: {  	_ =	swait.ge [sflag:s21], $0x3E80  }
0xf5: {  	[sflag:s21] =	ssyncset.done $0x0  }
0xf6: {  	s12 =	simm.s32 $0x0;
	[sflag:s21] =	ssyncadd.s32 $0xFFFFC180  }
0xf7: {  	[tilespmem:s12], [sflag:$0x4] =	stream.linear.gather [hbm4b:s10+s12], $0x1400, $0x38;
	[tilespmem:$0x1E080] =	vst v63  }
0xf8: {  	_ =	swait.ge [sflag:s21], $0x1400  }
0xf9: {  	[sflag:s21] =	ssyncset.done $0x0  }
0xfa: {  	[sflag:s21] =	ssyncadd.s32 $0xFFFFEC00  }
0xfb: {  	[tilespmem:s22], [sflag:$0x4] =	stream.linear.gather [hbm4b:s11+s12], $0x1400, $0x38;
	[tilespmem:$0x1E080] =	vst v63  }
0xfc: {  	_ =	swait.ge [sflag:s21], $0x1400  }
0xfd: {  	[sflag:s21] =	ssyncset.done $0x0  }
0xfe: {  	[sflag:s21] =	ssyncadd.s32 $0xFFFFEC00  }
0xff: {  	[tilespmem:s24], [sflag:$0x1] =	stream.indirect.gather [hbm4b:s5+s23], $0x80, s12, s23, $0xb8;
	[tilespmem:$0x1E080] =	vst v63  }
0x100: {  	_ = 	snop  }
0x101: {  	[tilespmem:s26], [sflag:$0x2] =	stream.indirect.gather [hbm4b:s5+s23], $0x80, s25, s23, $0xb8;
	[tilespmem:$0x1E080] =	vst v63  }
0x102: {  	_ =	swait.ge [sflag:s28], $0x3E80  }
0x103: {  	[sflag:s28] =	ssyncset.done $0x0  }
0x104: {  	s14 =	simm.s32 $0x1400;
	[sflag:s28] =	ssyncadd.s32 $0xFFFFC180  }
0x105: {  	[spmem:s1] =	stream.indirect.scatter.add.f32 [tilespmem:s24], [sflag:$0x4], $0x80, s14, s23, $0xb8;
	[tilespmem:$0x1E080] =	vst v63  }
0x106: {  	_ =	swait.ge [sflag:s21], $0x3E80  }
0x107: {  	[sflag:s21] =	ssyncset.done $0x0  }
0x108: {  	s13 =	simm.s32 $0x100;
	[sflag:s21] =	ssyncadd.s32 $0xFFFFC180  }
0x109: {  	[tilespmem:s24], [sflag:$0x1] =	stream.indirect.gather [hbm4b:s5+s23], $0x80, s13, s23, $0xb8;
	[tilespmem:$0x1E080] =	vst v63  }
0x10a: {  	_ =	swait.ge [sflag:s29], $0x3E80  }
0x10b: {  	[sflag:s29] =	ssyncset.done $0x0  }
0x10c: {  	s14 =	simm.s32 $0x1480;
	[sflag:s29] =	ssyncadd.s32 $0xFFFFC180  }
0x10d: {  	[spmem:s1] =	stream.indirect.scatter.add.f32 [tilespmem:s26], [sflag:$0x4], $0x80, s14, s23, $0xb8;
	[tilespmem:$0x1E080] =	vst v63  }
0x10e: {  	_ =	swait.ge [sflag:s21], $0x3E80  }
0x10f: {  	[sflag:s21] =	ssyncset.done $0x0  }
0x110: {  	s12 =	simm.s32 $0x400;
	s13 =	simm.s32 $0x180;
	[sflag:s21] =	ssyncadd.s32 $0xFFFFC180  }
.LBB2_10:
0x111: {  	[tilespmem:s26], [sflag:$0x2] =	stream.indirect.gather [hbm4b:s5+s23], $0x80, s13, s23, $0xb8;
	[tilespmem:$0x1E080] =	vst v63  }
0x112: {  	s13 =	smov.u32 s12  }
0x113: {  	p2 =	sne.s32 s12, $0x4800;
	s12 =	sadd.s32 $0x400, s12;
	_ =	swait.ge [sflag:s28], $0x3E80  }
0x114: {  	s13 =	sshra.s32 s13, $0x2;
	[sflag:s28] =	ssyncset.done $0x0  }
0x115: {  	s14 =	sadd.s32 $0x1400, s13;
	[sflag:s28] =	ssyncadd.s32 $0xFFFFC180  }
0x116: {  	[spmem:s1] =	stream.indirect.scatter.add.f32 [tilespmem:s24], [sflag:$0x4], $0x80, s14, s23, $0xb8;
	[tilespmem:$0x1E080] =	vst v63  }
0x117: {  	_ =	swait.ge [sflag:s21], $0x3E80  }
0x118: {  	[sflag:s21] =	ssyncset.done $0x0  }
0x119: {  	s14 =	sadd.s32 $0x100, s13;
	[sflag:s21] =	ssyncadd.s32 $0xFFFFC180  }
0x11a: {  	[tilespmem:s24], [sflag:$0x1] =	stream.indirect.gather [hbm4b:s5+s23], $0x80, s14, s23, $0xb8;
	[tilespmem:$0x1E080] =	vst v63  }
0x11b: {  	_ =	swait.ge [sflag:s29], $0x3E80  }
0x11c: {  	[sflag:s29] =	ssyncset.done $0x0  }
.Ltmp7:
0x11d: {  	s14 =	sadd.s32 $0x1480, s13;
	[sflag:s29] =	ssyncadd.s32 $0xFFFFC180;
	(pc) =	sbr.rel @p2 .LBB2_10-.Ltmp7, $4  }
0x11e: {  	[spmem:s1] =	stream.indirect.scatter.add.f32 [tilespmem:s26], [sflag:$0x4], $0x80, s14, s23, $0xb8;
	[tilespmem:$0x1E080] =	vst v63  }
0x11f: {  	_ =	swait.ge [sflag:s21], $0x3E80  }
0x120: {  	[sflag:s21] =	ssyncset.done $0x0  }
0x121: {  	s13 =	sadd.s32 $0x180, s13;
	[sflag:s21] =	ssyncadd.s32 $0xFFFFC180  }
.Ltmp8:
0x122: {  	_ = 	snop;
	(pc) =	sbr.rel .LBB2_11-.Ltmp8, $1  }
0x123: {  	_ =	sdelay $0x3  }
.LBB2_13:
0x124: {  	_ =	sfence.sel $0x180000  }
0x125: {  	[bflag:$0x0] =	sbarrier.arrive $0xFFFF  }
0x126: {  	_ =	strace $0x9000004D  }
0x127: {  	s0 =	stileid.u32;
	[bflag:$0x2] =	sbarrier.arrive $0xFFFF  }
0x128: {  	p0 =	sne.s32 s0, $0x0;
	s0 =	rddreg [dreg:$0x2]  }
0x129: {  	s0 =	sadd.s32 @!p0 $0x100000, s0  }
0x12a: {  	[sflag:s0] =	ssyncadd.tile.s32 @!p0 $0x1;
	_ =	shalt  }
.Lfunc_end2:
_tile_overlayer_lowered:
.L_overlay_start_2:
0x12b: {  	(tag) =	ssettag $0x2  }
0x12c: {  	s0 =	rddreg [dreg:$0x0];
	s2 =	stileid.u32  }
0x12d: {  	s1 =	rddreg [dreg:$0x1];
	p0 =	sne.s32 s2, $0x0  }
0x12e: {  	s3 =	rddreg [dreg:$0x2];
	[bflag:$0x3] =	sbarrier.arrive $0xFFFF;
	s2 =	simm.s32 @!p0 $0x1C04  }
0x12f: {  	[timem:s3], [sflag:s2] =	dma.local @!p0 [hbm:s0], s1  }
0x130: {  	s0 =	simm.s32 @!p0 $0x4  }
0x131: {  	_ =	swait.ge @!p0 [sflag:s0], s1  }
0x132: {  	s1 =	ssub.s32 @!p0 $0x0, s1;
	[sflag:s0] =	ssyncset.done @!p0 $0x0  }
0x133: {  	[sflag:s0] =	ssyncadd.s32 @!p0 s1  }
0x134: {  	[bflag:$0x3] =	sbarrier.arrive $0xFFFF  }
0x135: {  	_ =	shalt  }

// kernel: kernel.18.cloned.1.call-start
scs
__scs_entry_jumppad:
0x0: {  	(pc) =	sbr.rel $0x88, $3  }
0x1: {  	(tag) =	ssettag $0x0;
	lr =	simm.s32 $0x1  }
0x2: {  	[smem:$0x3F91] =	sst lr;
	_ =	strace $0xD0000000  }
0x3: {  	_ = 	snop  }
0x4: {  	_ = 	snop  }
0x5: {  	_ = 	snop  }
0x6: {  	_ = 	snop  }
0x7: {  	_ = 	snop  }
__scs_overlays_trampoline_lowered:
0x8: {  	[smem:$0x3FA0] =	sst s0  }
0x9: {  	[smem:$0x3FA1] =	sst s1  }
0xa: {  	[smem:$0x3FA2] =	sst s2  }
0xb: {  	[smem:$0x3FA3] =	sst s3  }
0xc: {  	[smem:$0x3FA4] =	sst s4  }
0xd: {  	[smem:$0x3FA5] =	sst s5  }
0xe: {  	[smem:$0x3FA6] =	sst s6  }
0xf: {  	[smem:$0x3FA7] =	sst s7  }
0x10: {  	[smem:$0x3FA8] =	sst s8  }
0x11: {  	[smem:$0x3FA9] =	sst s9;
	s0 =	simm.s32 @!p0 $0x0  }
0x12: {  	s1 =	sld [smem:$0x3F8F];
	s0 =	simm.s32 @p0 $0x1  }
0x13: {  	[smem:$0x3FAA] =	sst s0;
	s0 =	simm.s32 @!p1 $0x0  }
0x14: {  	s2 =	sld [smem:$0x3F8E];
	s0 =	simm.s32 @p1 $0x1  }
0x15: {  	[smem:$0x3FAB] =	sst s0;
	s0 =	simm.s32 @!p2 $0x0  }
0x16: {  	s3 =	sld [smem:$0x3FDB];
	s0 =	simm.s32 @p2 $0x1  }
0x17: {  	s4 =	simm.s32 $0x1BF5;
	[smem:$0x3FAD] =	sst s0  }
0x18: {  	s0 =	sld [smem:$0x3F90];
	_ =	swait.ge [sflag:s4], $0x0  }
0x19: {  	s7 =	sld [smem:$0x3F91]  }
0x1a: {  	s8 =	sadd.s32 $0xFFFFE003, lr  }
0x1b: {  	s9 =	sadd.s32 $0xFFFFFEF7, lr;
	s5 =	simm.s32 $0xFFFFFFFF;
	p2 =	slt.u32 s8, $0xFFFFF086  }
0x1c: {  	p1 =	slt.u32 s9, $0xF7A;
	s5 =	simm.s32 @!p2 $0x0  }
0x1d: {  	s5 =	simm.s32 @p1 $0x1;
	p0 =	seq.s32 s7, s2  }
0x1e: {  	s7 =	smul.u32 @!p0 $0xF7A, s2;
	p2 =	seq.s32 @!p0 s5, $0x0  }
0x1f: {  	s9 =	smul.u32 $0xF7A, s1;
	s8 =	simm.s32 @!p0 $0x1BF5;
	p2 =	por !p2, p0  }
0x20: {  	[sflag:s8] =	ssyncset.s32 @!p0 $0xFFFFF086;
	s6 =	sadd.s32 @!p0 s3, s7;
	s7 =	simm.s32 @!p0 $0x108  }
0x21: {  	s3 =	sadd.s32 s3, s9;
	s6 =	sadd.s32 @!p0 $0x88, s6;
	s7 =	simm.s32 @p2 $0x1082  }
0x22: {  	[simem:s7], [sflag:s8] =	dma.local @!p0 [hbm:s6], $0xF7A  }
0x23: {  	s9 =	sor.u32 $0xD0000000, s2;
	s6 =	simm.s32 $0x108;
	_ =	swait.ge @!p0 [sflag:s8], $0x0  }
0x24: {  	s3 =	sadd.s32 $0x88, s3;
	s6 =	simm.s32 @!p1 $0x1082;
	[sflag:s4] =	ssyncset.s32 $0xFFFFF086  }
0x25: {  	[simem:s6], [sflag:s4] =	dma.local [hbm:s3], $0xF7A  }
0x26: {  	[smem:$0x3F91] =	sst s1;
	(tag) =	ssettag s2;
	_ =	strace s9  }
0x27: {  	s1 =	sld [smem:$0x3FA1]  }
0x28: {  	s2 =	sld [smem:$0x3FA2]  }
0x29: {  	s4 =	sld [smem:$0x3FA4]  }
0x2a: {  	p0 =	seq.s32 s5, $0x0;
	s5 =	sld [smem:$0x3FA5]  }
0x2b: {  	s6 =	sld [smem:$0x3FA6]  }
0x2c: {  	s7 =	sld [smem:$0x3FA7]  }
0x2d: {  	s3 =	simm.s32 $0x108;
	s8 =	sld [smem:$0x3FA8]  }
0x2e: {  	s3 =	simm.s32 @!p0 $0x1082;
	s9 =	sld [smem:$0x3FA9]  }
0x2f: {  	lr =	sadd.s32 s0, s3;
	s0 =	sld [smem:$0x3FA0]  }
0x30: {  	s3 =	sld [smem:$0x3FA3]  }
0x31: {  	[smem:$0x3FAC] =	sst s10  }
0x32: {  	s10 =	sld [smem:$0x3FAA];
	_ =	sdelay $0x3  }
0x33: {  	p0 =	seq.s32 s10, $0x1;
	s10 =	sld [smem:$0x3FAC];
	_ =	sdelay $0x3  }
0x34: {  	[smem:$0x3FAC] =	sst s10  }
0x35: {  	s10 =	sld [smem:$0x3FAB];
	_ =	sdelay $0x3  }
0x36: {  	p1 =	seq.s32 s10, $0x1;
	s10 =	sld [smem:$0x3FAC];
	_ =	sdelay $0x3  }
0x37: {  	[smem:$0x3FAC] =	sst s10  }
0x38: {  	s10 =	sld [smem:$0x3FAD]  }
0x39: {  	_ = 	snop;
	(pc) =	sbr.ind lr, $3  }
0x3a: {  	_ = 	snop  }
0x3b: {  	_ = 	snop  }
0x3c: {  	p2 =	seq.s32 s10, $0x1;
	s10 =	sld [smem:$0x3FAC]  }
0x3d: {  	_ =	shalt  }
0x3e: {  	_ =	shalt  }
0x3f: {  	_ =	shalt  }
0x40: {  	_ =	shalt  }
0x41: {  	_ =	shalt  }
0x42: {  	_ =	shalt  }
0x43: {  	_ =	shalt  }
0x44: {  	_ =	shalt  }
0x45: {  	_ =	shalt  }
0x46: {  	_ =	shalt  }
0x47: {  	_ =	shalt  }
0x48: {  	_ =	shalt  }
0x49: {  	_ =	shalt  }
0x4a: {  	_ =	shalt  }
0x4b: {  	_ =	shalt  }
0x4c: {  	_ =	shalt  }
0x4d: {  	_ =	shalt  }
0x4e: {  	_ =	shalt  }
0x4f: {  	_ =	shalt  }
0x50: {  	_ =	shalt  }
0x51: {  	_ =	shalt  }
0x52: {  	_ =	shalt  }
0x53: {  	_ =	shalt  }
0x54: {  	_ =	shalt  }
0x55: {  	_ =	shalt  }
0x56: {  	_ =	shalt  }
0x57: {  	_ =	shalt  }
0x58: {  	_ =	shalt  }
0x59: {  	_ =	shalt  }
0x5a: {  	_ =	shalt  }
0x5b: {  	_ =	shalt  }
0x5c: {  	_ =	shalt  }
0x5d: {  	_ =	shalt  }
0x5e: {  	_ =	shalt  }
0x5f: {  	_ =	shalt  }
0x60: {  	_ =	shalt  }
0x61: {  	_ =	shalt  }
0x62: {  	_ =	shalt  }
0x63: {  	_ =	shalt  }
0x64: {  	_ =	shalt  }
0x65: {  	_ =	shalt  }
0x66: {  	_ =	shalt  }
0x67: {  	_ =	shalt  }
0x68: {  	_ =	shalt  }
0x69: {  	_ =	shalt  }
0x6a: {  	_ =	shalt  }
0x6b: {  	_ =	shalt  }
0x6c: {  	_ =	shalt  }
0x6d: {  	_ =	shalt  }
0x6e: {  	_ =	shalt  }
0x6f: {  	_ =	shalt  }
0x70: {  	_ =	shalt  }
0x71: {  	_ =	shalt  }
0x72: {  	_ =	shalt  }
0x73: {  	_ =	shalt  }
0x74: {  	_ =	shalt  }
0x75: {  	_ =	shalt  }
0x76: {  	_ =	shalt  }
0x77: {  	_ =	shalt  }
0x78: {  	_ =	shalt  }
0x79: {  	_ =	shalt  }
0x7a: {  	_ =	shalt  }
0x7b: {  	_ =	shalt  }
0x7c: {  	_ =	shalt  }
0x7d: {  	_ =	shalt  }
0x7e: {  	_ =	shalt  }
0x7f: {  	_ =	shalt  }
0x80: {  	_ =	shalt  }
0x81: {  	_ =	shalt  }
0x82: {  	_ =	shalt  }
0x83: {  	_ =	shalt  }
0x84: {  	_ =	shalt  }
0x85: {  	_ =	shalt  }
0x86: {  	_ =	shalt  }
0x87: {  	_ =	shalt  }
.Lfunc_end0:
.L_simem_size_0:
called_computation.3_lowered:
.L_overlay_start_0:
0x88: {  	s2 =	sld [smem:$0x3FD9]  }
0x89: {  	s3 =	sld [smem:$0x3FFE];
	_ =	sdelay $0x1  }
0x8a: {  	s1 =	srdreg.scid  }
0x8b: {  	s0 =	sand.u32 $0x1, s1  }
0x8c: {  	s16 =	sshll.u32 s0, $0xA;
	s2 =	sadd.s32 s3, s2  }
0x8d: {  	s2 =	sadd.s32 s2, s16  }
0x8e: {  	[smem:$0x3FB8] =	sst s2  }
0x8f: {  	_ = 	snop  }
0x90: {  	(tm) =	ssettm $0x1  }
0x91: {  	s17 =	sld [smem:$0x3FFB];
	_ =	sdelay $0x3  }
0x92: {  	_ =	strace s17  }
0x93: {  	s2 =	sld [smem:$0x3FFC];
	_ =	sdelay $0x3  }
0x94: {  	_ =	strace s2  }
0x95: {  	s2 =	sld [smem:$0x3FFD];
	_ =	sdelay $0x3  }
0x96: {  	_ =	strace s2  }
0x97: {  	_ =	strace $0x8FFFFFFF  }
0x98: {  	s18 =	sld [smem:$0x3FDB];
	_ =	sdelay $0x1  }
0x99: {  	s19 =	simm.s32 $_scs_section_size  }
0x9a: {  	s4 =	simm.s32 $_size__tile_overlayer_lowered;
	s5 =	simm.s32 $_tile_overlayer_lowered  }
0x9b: {  	s22 =	simm.s32 $0x1BFF;
	s21 =	sshll.u32 s5, $0x1;
	s2 =	sadd.s32 s19, s18  }
0x9c: {  	s6 =	simm.s32 $0x0;
	s20 =	sshll.u32 s4, $0x1;
	s4 =	sadd.s32 s21, s2  }
0x9d: {  	[timem:s6], [sflag:s22] =	dma.local [hbm:s4], s20  }
0x9e: {  	_ =	swait.ge [sflag:s22], s20  }
0x9f: {  	s3 =	ssub.s32 $0x0, s20;
	[sflag:s22] =	ssyncset.done $0x0  }
0xa0: {  	[sflag:s22] =	ssyncadd.s32 s3;
	_ =	sdelay $0x1  }
0xa1: {  	s23 =	simm.s32 $0x1B8B  }
0xa2: {  	_ =	swait.ge [sflag:s23], $0x1  }
0xa3: {  	[sflag:s23] =	ssyncset.done $0x0  }
0xa4: {  	s25 =	simm.s32 $0x1B8E;
	s24 =	sld [smem:$0x3FFE];
	[sflag:s23] =	ssyncadd.s32 $0xFFFFFFFF  }
0xa5: {  	s26 =	simm.s32 $execute0_lowered;
	[smem:$0x3FD2] =	sst s25  }
0xa6: {  	s4 =	sshll.u32 s26, $0x1;
	_ =	strace $0x8000004F;
	[dreg:$0x1] =	wrdreg $0xFFFFFFFF  }
0xa7: {  	s28 =	simm.s32 $_size_execute0_lowered;
	s2 =	sadd.s32 s2, s4;
	[dreg:$0x0] =	wrdreg $0x0  }
0xa8: {  	s4 =	sshll.u32 s28, $0x1;
	[dreg:$0x2] =	wrdreg s2  }
0xa9: {  	[dreg:$0x3] =	wrdreg s4  }
0xaa: {  	[dreg:$0x4] =	wrdreg $0xC0  }
0xab: {  	_ =	task [dreg:s6], $0x5FFFF  }
0xac: {  	[dreg:$0x1] =	wrdreg $0xFFFFFFFF  }
0xad: {  	[dreg:$0x0] =	wrdreg $0x60  }
0xae: {  	[dreg:$0x2] =	wrdreg s24  }
0xaf: {  	[dreg:$0x3] =	wrdreg $0xA8000  }
0xb0: {  	[dreg:$0x4] =	wrdreg $0x9  }
0xb1: {  	_ =	task.clear_ibuf [dreg:s6], $0x5FFFF;
	_ =	strace $0x9000004F  }
0xb2: {  	s29 =	simm.s32 $0x9;
	_ =	strace $0x80000051  }
0xb3: {  	_ =	swait.ge [sflag:s29], $0x1  }
0xb4: {  	[sflag:s29] =	ssyncadd.s32 $0xFFFFFFFF  }
0xb5: {  	_ =	strace $0x90000051  }
0xb6: {  	_ =	sfence  }
0xb7: {  	s30 =	sld [smem:$0x0];
	_ =	sdelay $0x2  }
0xb8: {  	s31 =	sshll.u32 s1, $0xD;
	s1 =	sshrl.u32 s1, $0x2  }
0xb9: {  	s3 =	sand.u32 $0x4000, s31;
	s1 =	sadd.s32 s1, s30  }
0xba: {  	s0 =	sor.u32 s3, s0;
	s1 =	sshll.u32 s1, $0x11  }
0xbb: {  	s0 =	sor.u32 s1, s0  }
0xbc: {  	s0 =	sadd.s32 $0x8F2B, s0  }
0xbd: {  	[sflag:s0] =	ssyncadd.remote.s32 $0x1  }
0xbe: {  	_ =	sfence.sel $0xFFFF  }
0xbf: {  	[dreg:$0x0] =	wrdreg $0xFFFFFFFF;
	(pc) =	sbr.abs _section_cstart, $3  }
0xc0: {  	[dreg:$0x1] =	wrdreg $0xFFFFFFFF  }
0xc1: {  	_ =	task.clear_ibuf [dreg:s6], $0x2FFFF;
	_ =	strace $0x9FFFFFFF  }
0xc2: {  	(tm) =	ssettm $0x7FFFFFFF  }
0xc3: {  	_ =	shalt  }
tec
execute0_lowered:
.L_overlay_start_1:
0x0: {  	(tag) =	ssettag $0x1  }
0x1: {  	s0 =	rddreg [dreg:$0x0]  }
0x2: {  	s1 =	rddreg [dreg:$0x1]  }
0x3: {  	s3 =	simm.s32 $0x0;
	s17 =	stileid.u32;
	s2 =	srdreg.scid  }
0x4: {  	s21 =	simm.s32 $0x4;
	s22 =	simm.s32 $0x1400;
	s28 =	simm.s32 $0x1  }
0x5: {  	s29 =	simm.s32 $0x2;
	s30 =	simm.s32 $0x2700;
	s31 =	simm.s32 $0x2780  }
0x6: {  	[smem:$0x7FF] =	sst s3;
	s4 =	sadd.s32 $0x3BE00, s0;
	s8 =	smul.u32 $0x2800, s17  }
0x7: {  	s2 =	sand.u32 $0x1, s2;
	s5 =	sadd.s32 $0x63000, s0;
	s7 =	smul.u32 $0x50000, s17  }
0x8: {  	s10 =	sadd.s32 $0x36E00, s0;
	s11 =	sadd.s32 $0x31E00, s0;
	s24 =	smul.u32 $0x500, s17  }
0x9: {  	s18 =	sadd.s32 $0x12C000, s1;
	s26 =	sadd.s32 $0xD6C00, s0;
	p0 =	seq.s32 s17, $0xF  }
0xa: {  	s15 =	sadd.s32 $0xAFA00, s0;
	_ =	strace $0x80000050;
	s6 =	ssub.s32 $0x2, s2  }
0xb: {  	[dreg:$0x4] =	wrdreg s26;
	s17 =	sshll.u32 @!p0 s17, $0x6;
	s18 =	sshrl.u32 @p0 s18, $0x3  }
0xc: {  	p1 =	sne.s32 s2, $0x0;
	s26 =	simm.s32 $0x6800;
	s9 =	sshrl.u32 s6, $0x1  }
0xd: {  	s12 =	sadd.s32 s8, s0;
	s23 =	sshrl.u32 s7, $0x2;
	s7 =	sadd.s32 $0x30400, s0  }
0xe: {  	s14 =	sshrl.u32 s8, $0x3;
	s8 =	sadd.s32 s10, s24;
	s19 =	sor.u32 @!p0 $0x1C03, s17  }
0xf: {  	s0 =	simm.s32 $0x0;
	s13 =	ssub.s32 s6, s9;
	s20 =	sadd.s32 s23, s1  }
.Ltmp0:
0x10: {  	s6 =	sadd.s32 $0xAC00, s12;
	s9 =	sadd.s32 s11, s24;
	(pc) =	sbr.rel .LBB2_1-.Ltmp0, $4  }
0x11: {  	s14 =	sadd.s32 $0x280, s14;
	s25 =	sadd.s32 $0xB1400, s12;
	s12 =	sadd.s32 $0x8A200, s12  }
0x12: {  	s23 =	simm.s32 $0x7D;
	s24 =	simm.s32 $0x2800;
	[dreg:$0x3] =	wrdreg s25  }
0x13: {  	s10 =	sadd.s32 s10, s14;
	s11 =	sadd.s32 s11, s14;
	[dreg:$0x5] =	wrdreg s12  }
0x14: {  	s16 =	smax.u32 s13, $0x1;
	s20 =	sshrl.u32 @!p0 s20, $0x3;
	s25 =	simm.s32 $0x80  }
.LBB2_11:
0x15: {  	[tilespmem:s26], [sflag:$0x2] =	stream.indirect.gather [hbm4b:s5+s23], $0x80, s13, s23, $0xb8;
	[tilespmem:$0x1E080] =	vst v63  }
0x16: {  	_ =	swait.ge [sflag:s28], $0x3E80  }
0x17: {  	[sflag:s28] =	ssyncset.done $0x0  }
0x18: {  	[sflag:s28] =	ssyncadd.s32 $0xFFFFC180  }
0x19: {  	[spmem:s1] =	stream.indirect.scatter.add.f32 [tilespmem:s24], [sflag:$0x4], $0x80, s30, s23, $0xb8;
	[tilespmem:$0x1E080] =	vst v63  }
0x1a: {  	_ =	swait.ge [sflag:s21], $0x3E80  }
0x1b: {  	[sflag:s21] =	ssyncset.done $0x0  }
0x1c: {  	[sflag:s21] =	ssyncadd.s32 $0xFFFFC180  }
0x1d: {  	_ =	swait.ge [sflag:s29], $0x3E80  }
0x1e: {  	[sflag:s29] =	ssyncset.done $0x0  }
0x1f: {  	[sflag:s29] =	ssyncadd.s32 $0xFFFFC180  }
0x20: {  	[spmem:s1] =	stream.indirect.scatter.add.f32 [tilespmem:s26], [sflag:$0x4], $0x80, s31, s23, $0xb8;
	[tilespmem:$0x1E080] =	vst v63  }
0x21: {  	_ =	swait.ge [sflag:s21], $0x3E80  }
0x22: {  	[sflag:s21] =	ssyncset.done $0x0  }
0x23: {  	[sflag:s21] =	ssyncadd.s32 $0xFFFFC180  }
0x24: {  	[bflag:$0x0] =	sbarrier.arrive $0xFFFF  }
0x25: {  	s12 =	simm.s32 @p0 $0x1FC4;
	s13 =	rddreg [dreg:$0x4]  }
0x26: {  	[hbm:s13], [sflag:s12] =	dma.local @p0 [spmem:s18], $0x1900  }
0x27: {  	s12 =	simm.s32 @p0 $0x4  }
0x28: {  	_ =	swait.ge @p0 [sflag:s12], $0x1900  }
0x29: {  	[sflag:s12] =	ssyncset.done @p0 $0x0  }
0x2a: {  	[sflag:s12] =	ssyncadd.s32 @p0 $0xFFFFE700;
	s12 =	rddreg [dreg:$0x3]  }
0x2b: {  	[hbm:s12], [sflag:s2] =	dma.local @!p0 [spmem:s20], $0x2800  }
0x2c: {  	s2 =	simm.s32 @!p0 $0x4  }
0x2d: {  	_ =	swait.ge @!p0 [sflag:s2], $0x2800  }
0x2e: {  	[sflag:s2] =	ssyncset.done @!p0 $0x0  }
0x2f: {  	[sflag:s2] =	ssyncadd.s32 @!p0 $0xFFFFD800  }
.LBB2_12:
0x30: {  	s0 =	sadd.s32 $0x1, s0  }
0x31: {  	p2 =	sne.s32 s0, s16  }
.Ltmp1:
0x32: {  	_ = 	snop;
	(pc) =	sbr.rel @!p2 .LBB2_13-.Ltmp1, $1  }
0x33: {  	_ =	sdelay $0x3  }
.LBB2_1:
0x34: {  	s2 =	simm.s32 @p0 $0x1FC3  }
0x35: {  	[spmem:s18], [sflag:s2] =	dma.local @p0 [hbm:s7], $0x1900  }
0x36: {  	[spmem:s20], [sflag:s19] =	dma.local @!p0 [hbm:s6], $0x2800  }
0x37: {  	[tilespmem:s3], [sflag:$0x4] =	stream.linear.gather [hbm4b:s8+s3], $0x1400, $0x38;
	[tilespmem:$0x1E080] =	vst v63  }
0x38: {  	_ =	swait.ge [sflag:s21], $0x1400  }
0x39: {  	[sflag:s21] =	ssyncset.done $0x0  }
.Ltmp2:
0x3a: {  	[sflag:s21] =	ssyncadd.s32 $0xFFFFEC00;
	(pc) =	sbr.rel @p1 .LBB2_7-.Ltmp2, $4  }
0x3b: {  	[tilespmem:s22], [sflag:$0x4] =	stream.linear.gather [hbm4b:s9+s3], $0x1400, $0x38;
	[tilespmem:$0x1E080] =	vst v63  }
0x3c: {  	_ =	swait.ge [sflag:s21], $0x1400  }
0x3d: {  	[sflag:s21] =	ssyncset.done $0x0  }
0x3e: {  	s2 =	sor.u32 @!p0 $0x1C04, s17;
	[sflag:s21] =	ssyncadd.s32 $0xFFFFEC00  }
0x3f: {  	[tilespmem:s24], [sflag:$0x1] =	stream.indirect.gather [hbm4b:s4+s23], $0x80, s3, s23, $0xb8;
	[tilespmem:$0x1E080] =	vst v63  }
0x40: {  	s12 =	simm.s32 @p0 $0x3  }
0x41: {  	[tilespmem:s26], [sflag:$0x2] =	stream.indirect.gather [hbm4b:s4+s23], $0x80, s25, s23, $0xb8;
	[tilespmem:$0x1E080] =	vst v63  }
0x42: {  	_ =	swait.ge @p0 [sflag:s12], $0x1900  }
0x43: {  	[sflag:s12] =	ssyncset.done @p0 $0x0  }
0x44: {  	[sflag:s12] =	ssyncadd.s32 @p0 $0xFFFFE700;
	s12 =	simm.s32 @!p0 $0x3  }
0x45: {  	_ =	swait.ge @!p0 [sflag:s12], $0x2800  }
0x46: {  	[sflag:s12] =	ssyncset.done @!p0 $0x0  }
0x47: {  	[sflag:s12] =	ssyncadd.s32 @!p0 $0xFFFFD800  }
0x48: {  	[bflag:$0x0] =	sbarrier.arrive $0xFFFF  }
0x49: {  	_ =	swait.ge [sflag:s28], $0x3E80  }
0x4a: {  	[sflag:s28] =	ssyncset.done $0x0  }
0x4b: {  	s14 =	simm.s32 $0x1400;
	[sflag:s28] =	ssyncadd.s32 $0xFFFFC180  }
0x4c: {  	[spmem:s1] =	stream.indirect.scatter.add.f32 [tilespmem:s24], [sflag:$0x4], $0x80, s14, s23, $0xb8;
	[tilespmem:$0x1E080] =	vst v63  }
0x4d: {  	_ =	swait.ge [sflag:s21], $0x3E80  }
0x4e: {  	[sflag:s21] =	ssyncset.done $0x0  }
0x4f: {  	s13 =	simm.s32 $0x100;
	[sflag:s21] =	ssyncadd.s32 $0xFFFFC180  }
0x50: {  	[tilespmem:s24], [sflag:$0x1] =	stream.indirect.gather [hbm4b:s4+s23], $0x80, s13, s23, $0xb8;
	[tilespmem:$0x1E080] =	vst v63  }
0x51: {  	_ =	swait.ge [sflag:s29], $0x3E80  }
0x52: {  	[sflag:s29] =	ssyncset.done $0x0  }
0x53: {  	s14 =	simm.s32 $0x1480;
	[sflag:s29] =	ssyncadd.s32 $0xFFFFC180  }
0x54: {  	[spmem:s1] =	stream.indirect.scatter.add.f32 [tilespmem:s26], [sflag:$0x4], $0x80, s14, s23, $0xb8;
	[tilespmem:$0x1E080] =	vst v63  }
0x55: {  	_ =	swait.ge [sflag:s21], $0x3E80  }
0x56: {  	[sflag:s21] =	ssyncset.done $0x0  }
0x57: {  	s12 =	simm.s32 $0x400;
	s13 =	simm.s32 $0x180;
	[sflag:s21] =	ssyncadd.s32 $0xFFFFC180  }
.LBB2_3:
0x58: {  	[tilespmem:s26], [sflag:$0x2] =	stream.indirect.gather [hbm4b:s4+s23], $0x80, s13, s23, $0xb8;
	[tilespmem:$0x1E080] =	vst v63  }
0x59: {  	s13 =	smov.u32 s12  }
0x5a: {  	p2 =	sne.s32 s12, $0x4800;
	s12 =	sadd.s32 $0x400, s12;
	_ =	swait.ge [sflag:s28], $0x3E80  }
0x5b: {  	s13 =	sshra.s32 s13, $0x2;
	[sflag:s28] =	ssyncset.done $0x0  }
0x5c: {  	s14 =	sadd.s32 $0x1400, s13;
	[sflag:s28] =	ssyncadd.s32 $0xFFFFC180  }
0x5d: {  	[spmem:s1] =	stream.indirect.scatter.add.f32 [tilespmem:s24], [sflag:$0x4], $0x80, s14, s23, $0xb8;
	[tilespmem:$0x1E080] =	vst v63  }
0x5e: {  	_ =	swait.ge [sflag:s21], $0x3E80  }
0x5f: {  	[sflag:s21] =	ssyncset.done $0x0  }
0x60: {  	s14 =	sadd.s32 $0x100, s13;
	[sflag:s21] =	ssyncadd.s32 $0xFFFFC180  }
0x61: {  	[tilespmem:s24], [sflag:$0x1] =	stream.indirect.gather [hbm4b:s4+s23], $0x80, s14, s23, $0xb8;
	[tilespmem:$0x1E080] =	vst v63  }
0x62: {  	_ =	swait.ge [sflag:s29], $0x3E80  }
0x63: {  	[sflag:s29] =	ssyncset.done $0x0  }
.Ltmp3:
0x64: {  	s14 =	sadd.s32 $0x1480, s13;
	[sflag:s29] =	ssyncadd.s32 $0xFFFFC180;
	(pc) =	sbr.rel @p2 .LBB2_3-.Ltmp3, $4  }
0x65: {  	[spmem:s1] =	stream.indirect.scatter.add.f32 [tilespmem:s26], [sflag:$0x4], $0x80, s14, s23, $0xb8;
	[tilespmem:$0x1E080] =	vst v63  }
0x66: {  	_ =	swait.ge [sflag:s21], $0x3E80  }
0x67: {  	[sflag:s21] =	ssyncset.done $0x0  }
0x68: {  	s13 =	sadd.s32 $0x180, s13;
	[sflag:s21] =	ssyncadd.s32 $0xFFFFC180  }
0x69: {  	[tilespmem:s26], [sflag:$0x2] =	stream.indirect.gather [hbm4b:s4+s23], $0x80, s13, s23, $0xb8;
	[tilespmem:$0x1E080] =	vst v63  }
0x6a: {  	_ =	swait.ge [sflag:s28], $0x3E80  }
0x6b: {  	[sflag:s28] =	ssyncset.done $0x0  }
0x6c: {  	[sflag:s28] =	ssyncadd.s32 $0xFFFFC180  }
0x6d: {  	[spmem:s1] =	stream.indirect.scatter.add.f32 [tilespmem:s24], [sflag:$0x4], $0x80, s30, s23, $0xb8;
	[tilespmem:$0x1E080] =	vst v63  }
0x6e: {  	_ =	swait.ge [sflag:s21], $0x3E80  }
0x6f: {  	[sflag:s21] =	ssyncset.done $0x0  }
0x70: {  	[sflag:s21] =	ssyncadd.s32 $0xFFFFC180  }
0x71: {  	_ =	swait.ge [sflag:s29], $0x3E80  }
0x72: {  	[sflag:s29] =	ssyncset.done $0x0  }
0x73: {  	[sflag:s29] =	ssyncadd.s32 $0xFFFFC180  }
0x74: {  	[spmem:s1] =	stream.indirect.scatter.add.f32 [tilespmem:s26], [sflag:$0x4], $0x80, s31, s23, $0xb8;
	[tilespmem:$0x1E080] =	vst v63  }
0x75: {  	_ =	swait.ge [sflag:s21], $0x3E80  }
0x76: {  	[sflag:s21] =	ssyncset.done $0x0  }
0x77: {  	s12 =	simm.s32 $0x0;
	[sflag:s21] =	ssyncadd.s32 $0xFFFFC180  }
0x78: {  	[tilespmem:s12], [sflag:$0x4] =	stream.linear.gather [hbm4b:s10+s12], $0x1400, $0x38;
	[tilespmem:$0x1E080] =	vst v63  }
0x79: {  	_ =	swait.ge [sflag:s21], $0x1400  }
0x7a: {  	[sflag:s21] =	ssyncset.done $0x0  }
0x7b: {  	[sflag:s21] =	ssyncadd.s32 $0xFFFFEC00  }
0x7c: {  	[tilespmem:s22], [sflag:$0x4] =	stream.linear.gather [hbm4b:s11+s12], $0x1400, $0x38;
	[tilespmem:$0x1E080] =	vst v63  }
0x7d: {  	_ =	swait.ge [sflag:s21], $0x1400  }
0x7e: {  	[sflag:s21] =	ssyncset.done $0x0  }
0x7f: {  	[sflag:s21] =	ssyncadd.s32 $0xFFFFEC00  }
0x80: {  	[tilespmem:s24], [sflag:$0x1] =	stream.indirect.gather [hbm4b:s4+s23], $0x80, s12, s23, $0xb8;
	[tilespmem:$0x1E080] =	vst v63  }
0x81: {  	_ = 	snop  }
0x82: {  	[tilespmem:s26], [sflag:$0x2] =	stream.indirect.gather [hbm4b:s4+s23], $0x80, s25, s23, $0xb8;
	[tilespmem:$0x1E080] =	vst v63  }
0x83: {  	_ =	swait.ge [sflag:s28], $0x3E80  }
0x84: {  	[sflag:s28] =	ssyncset.done $0x0  }
0x85: {  	s14 =	simm.s32 $0x1400;
	[sflag:s28] =	ssyncadd.s32 $0xFFFFC180  }
0x86: {  	[spmem:s1] =	stream.indirect.scatter.add.f32 [tilespmem:s24], [sflag:$0x4], $0x80, s14, s23, $0xb8;
	[tilespmem:$0x1E080] =	vst v63  }
0x87: {  	_ =	swait.ge [sflag:s21], $0x3E80  }
0x88: {  	[sflag:s21] =	ssyncset.done $0x0  }
0x89: {  	s13 =	simm.s32 $0x100;
	[sflag:s21] =	ssyncadd.s32 $0xFFFFC180  }
0x8a: {  	[tilespmem:s24], [sflag:$0x1] =	stream.indirect.gather [hbm4b:s4+s23], $0x80, s13, s23, $0xb8;
	[tilespmem:$0x1E080] =	vst v63  }
0x8b: {  	_ =	swait.ge [sflag:s29], $0x3E80  }
0x8c: {  	[sflag:s29] =	ssyncset.done $0x0  }
0x8d: {  	s14 =	simm.s32 $0x1480;
	[sflag:s29] =	ssyncadd.s32 $0xFFFFC180  }
0x8e: {  	[spmem:s1] =	stream.indirect.scatter.add.f32 [tilespmem:s26], [sflag:$0x4], $0x80, s14, s23, $0xb8;
	[tilespmem:$0x1E080] =	vst v63  }
0x8f: {  	_ =	swait.ge [sflag:s21], $0x3E80  }
0x90: {  	[sflag:s21] =	ssyncset.done $0x0  }
0x91: {  	s12 =	simm.s32 $0x400;
	s13 =	simm.s32 $0x180;
	[sflag:s21] =	ssyncadd.s32 $0xFFFFC180  }
.LBB2_5:
0x92: {  	[tilespmem:s26], [sflag:$0x2] =	stream.indirect.gather [hbm4b:s4+s23], $0x80, s13, s23, $0xb8;
	[tilespmem:$0x1E080] =	vst v63  }
0x93: {  	s13 =	smov.u32 s12  }
0x94: {  	p2 =	sne.s32 s12, $0x4800;
	s12 =	sadd.s32 $0x400, s12;
	_ =	swait.ge [sflag:s28], $0x3E80  }
0x95: {  	s13 =	sshra.s32 s13, $0x2;
	[sflag:s28] =	ssyncset.done $0x0  }
0x96: {  	s14 =	sadd.s32 $0x1400, s13;
	[sflag:s28] =	ssyncadd.s32 $0xFFFFC180  }
0x97: {  	[spmem:s1] =	stream.indirect.scatter.add.f32 [tilespmem:s24], [sflag:$0x4], $0x80, s14, s23, $0xb8;
	[tilespmem:$0x1E080] =	vst v63  }
0x98: {  	_ =	swait.ge [sflag:s21], $0x3E80  }
0x99: {  	[sflag:s21] =	ssyncset.done $0x0  }
0x9a: {  	s14 =	sadd.s32 $0x100, s13;
	[sflag:s21] =	ssyncadd.s32 $0xFFFFC180  }
0x9b: {  	[tilespmem:s24], [sflag:$0x1] =	stream.indirect.gather [hbm4b:s4+s23], $0x80, s14, s23, $0xb8;
	[tilespmem:$0x1E080] =	vst v63  }
0x9c: {  	_ =	swait.ge [sflag:s29], $0x3E80  }
0x9d: {  	[sflag:s29] =	ssyncset.done $0x0  }
.Ltmp4:
0x9e: {  	s14 =	sadd.s32 $0x1480, s13;
	[sflag:s29] =	ssyncadd.s32 $0xFFFFC180;
	(pc) =	sbr.rel @p2 .LBB2_5-.Ltmp4, $4  }
0x9f: {  	[spmem:s1] =	stream.indirect.scatter.add.f32 [tilespmem:s26], [sflag:$0x4], $0x80, s14, s23, $0xb8;
	[tilespmem:$0x1E080] =	vst v63  }
0xa0: {  	_ =	swait.ge [sflag:s21], $0x3E80  }
0xa1: {  	[sflag:s21] =	ssyncset.done $0x0  }
0xa2: {  	s13 =	sadd.s32 $0x180, s13;
	[sflag:s21] =	ssyncadd.s32 $0xFFFFC180  }
0xa3: {  	[tilespmem:s26], [sflag:$0x2] =	stream.indirect.gather [hbm4b:s4+s23], $0x80, s13, s23, $0xb8;
	[tilespmem:$0x1E080] =	vst v63  }
0xa4: {  	_ =	swait.ge [sflag:s28], $0x3E80  }
0xa5: {  	[sflag:s28] =	ssyncset.done $0x0  }
0xa6: {  	[sflag:s28] =	ssyncadd.s32 $0xFFFFC180  }
0xa7: {  	[spmem:s1] =	stream.indirect.scatter.add.f32 [tilespmem:s24], [sflag:$0x4], $0x80, s30, s23, $0xb8;
	[tilespmem:$0x1E080] =	vst v63  }
0xa8: {  	_ =	swait.ge [sflag:s21], $0x3E80  }
0xa9: {  	[sflag:s21] =	ssyncset.done $0x0  }
0xaa: {  	[sflag:s21] =	ssyncadd.s32 $0xFFFFC180  }
0xab: {  	_ =	swait.ge [sflag:s29], $0x3E80  }
0xac: {  	[sflag:s29] =	ssyncset.done $0x0  }
0xad: {  	[sflag:s29] =	ssyncadd.s32 $0xFFFFC180  }
0xae: {  	[spmem:s1] =	stream.indirect.scatter.add.f32 [tilespmem:s26], [sflag:$0x4], $0x80, s31, s23, $0xb8;
	[tilespmem:$0x1E080] =	vst v63  }
0xaf: {  	_ =	swait.ge [sflag:s21], $0x3E80  }
0xb0: {  	[sflag:s21] =	ssyncset.done $0x0  }
0xb1: {  	[sflag:s21] =	ssyncadd.s32 $0xFFFFC180  }
0xb2: {  	s12 =	simm.s32 @p0 $0x1FC4;
	[bflag:$0x0] =	sbarrier.arrive $0xFFFF  }
0xb3: {  	[hbm:s15], [sflag:s12] =	dma.local @p0 [spmem:s18], $0x1900  }
0xb4: {  	s12 =	simm.s32 @p0 $0x4  }
0xb5: {  	_ =	swait.ge @p0 [sflag:s12], $0x1900  }
0xb6: {  	[sflag:s12] =	ssyncset.done @p0 $0x0  }
0xb7: {  	[sflag:s12] =	ssyncadd.s32 @p0 $0xFFFFE700;
	s12 =	rddreg [dreg:$0x5]  }
0xb8: {  	[hbm:s12], [sflag:s2] =	dma.local @!p0 [spmem:s20], $0x2800  }
.Ltmp5:
0xb9: {  	_ = 	snop;
	(pc) =	sbr.rel .LBB2_12-.Ltmp5, $4  }
0xba: {  	s2 =	simm.s32 @!p0 $0x4  }
0xbb: {  	_ =	swait.ge @!p0 [sflag:s2], $0x2800  }
0xbc: {  	[sflag:s2] =	ssyncset.done @!p0 $0x0  }
0xbd: {  	[sflag:s2] =	ssyncadd.s32 @!p0 $0xFFFFD800  }
.LBB2_7:
0xbe: {  	[tilespmem:s24], [sflag:$0x1] =	stream.indirect.gather [hbm4b:s5+s23], $0x80, s3, s23, $0xb8;
	[tilespmem:$0x1E080] =	vst v63  }
0xbf: {  	s12 =	simm.s32 @p0 $0x3  }
0xc0: {  	[tilespmem:s26], [sflag:$0x2] =	stream.indirect.gather [hbm4b:s5+s23], $0x80, s25, s23, $0xb8;
	[tilespmem:$0x1E080] =	vst v63  }
0xc1: {  	_ =	swait.ge @p0 [sflag:s12], $0x1900  }
0xc2: {  	[sflag:s12] =	ssyncset.done @p0 $0x0  }
0xc3: {  	[sflag:s12] =	ssyncadd.s32 @p0 $0xFFFFE700;
	s12 =	simm.s32 @!p0 $0x3  }
0xc4: {  	_ =	swait.ge @!p0 [sflag:s12], $0x2800  }
0xc5: {  	[sflag:s12] =	ssyncset.done @!p0 $0x0  }
0xc6: {  	[sflag:s12] =	ssyncadd.s32 @!p0 $0xFFFFD800  }
0xc7: {  	[bflag:$0x0] =	sbarrier.arrive $0xFFFF  }
0xc8: {  	_ =	swait.ge [sflag:s28], $0x3E80  }
0xc9: {  	[sflag:s28] =	ssyncset.done $0x0  }
0xca: {  	s14 =	simm.s32 $0x1400;
	[sflag:s28] =	ssyncadd.s32 $0xFFFFC180  }
0xcb: {  	[spmem:s1] =	stream.indirect.scatter.add.f32 [tilespmem:s24], [sflag:$0x4], $0x80, s14, s23, $0xb8;
	[tilespmem:$0x1E080] =	vst v63  }
0xcc: {  	_ =	swait.ge [sflag:s21], $0x3E80  }
0xcd: {  	[sflag:s21] =	ssyncset.done $0x0  }
0xce: {  	s13 =	simm.s32 $0x100;
	[sflag:s21] =	ssyncadd.s32 $0xFFFFC180  }
0xcf: {  	[tilespmem:s24], [sflag:$0x1] =	stream.indirect.gather [hbm4b:s5+s23], $0x80, s13, s23, $0xb8;
	[tilespmem:$0x1E080] =	vst v63  }
0xd0: {  	_ =	swait.ge [sflag:s29], $0x3E80  }
0xd1: {  	[sflag:s29] =	ssyncset.done $0x0  }
0xd2: {  	s14 =	simm.s32 $0x1480;
	[sflag:s29] =	ssyncadd.s32 $0xFFFFC180  }
0xd3: {  	[spmem:s1] =	stream.indirect.scatter.add.f32 [tilespmem:s26], [sflag:$0x4], $0x80, s14, s23, $0xb8;
	[tilespmem:$0x1E080] =	vst v63  }
0xd4: {  	_ =	swait.ge [sflag:s21], $0x3E80  }
0xd5: {  	[sflag:s21] =	ssyncset.done $0x0  }
0xd6: {  	s12 =	simm.s32 $0x400;
	s13 =	simm.s32 $0x180;
	[sflag:s21] =	ssyncadd.s32 $0xFFFFC180  }
.LBB2_8:
0xd7: {  	[tilespmem:s26], [sflag:$0x2] =	stream.indirect.gather [hbm4b:s5+s23], $0x80, s13, s23, $0xb8;
	[tilespmem:$0x1E080] =	vst v63  }
0xd8: {  	s13 =	smov.u32 s12  }
0xd9: {  	p2 =	sne.s32 s12, $0x4800;
	s12 =	sadd.s32 $0x400, s12;
	_ =	swait.ge [sflag:s28], $0x3E80  }
0xda: {  	s13 =	sshra.s32 s13, $0x2;
	[sflag:s28] =	ssyncset.done $0x0  }
0xdb: {  	s14 =	sadd.s32 $0x1400, s13;
	[sflag:s28] =	ssyncadd.s32 $0xFFFFC180  }
0xdc: {  	[spmem:s1] =	stream.indirect.scatter.add.f32 [tilespmem:s24], [sflag:$0x4], $0x80, s14, s23, $0xb8;
	[tilespmem:$0x1E080] =	vst v63  }
0xdd: {  	_ =	swait.ge [sflag:s21], $0x3E80  }
0xde: {  	[sflag:s21] =	ssyncset.done $0x0  }
0xdf: {  	s14 =	sadd.s32 $0x100, s13;
	[sflag:s21] =	ssyncadd.s32 $0xFFFFC180  }
0xe0: {  	[tilespmem:s24], [sflag:$0x1] =	stream.indirect.gather [hbm4b:s5+s23], $0x80, s14, s23, $0xb8;
	[tilespmem:$0x1E080] =	vst v63  }
0xe1: {  	_ =	swait.ge [sflag:s29], $0x3E80  }
0xe2: {  	[sflag:s29] =	ssyncset.done $0x0  }
.Ltmp6:
0xe3: {  	s14 =	sadd.s32 $0x1480, s13;
	[sflag:s29] =	ssyncadd.s32 $0xFFFFC180;
	(pc) =	sbr.rel @p2 .LBB2_8-.Ltmp6, $4  }
0xe4: {  	[spmem:s1] =	stream.indirect.scatter.add.f32 [tilespmem:s26], [sflag:$0x4], $0x80, s14, s23, $0xb8;
	[tilespmem:$0x1E080] =	vst v63  }
0xe5: {  	_ =	swait.ge [sflag:s21], $0x3E80  }
0xe6: {  	[sflag:s21] =	ssyncset.done $0x0  }
0xe7: {  	s13 =	sadd.s32 $0x180, s13;
	[sflag:s21] =	ssyncadd.s32 $0xFFFFC180  }
0xe8: {  	[tilespmem:s26], [sflag:$0x2] =	stream.indirect.gather [hbm4b:s5+s23], $0x80, s13, s23, $0xb8;
	[tilespmem:$0x1E080] =	vst v63  }
0xe9: {  	_ =	swait.ge [sflag:s28], $0x3E80  }
0xea: {  	[sflag:s28] =	ssyncset.done $0x0  }
0xeb: {  	[sflag:s28] =	ssyncadd.s32 $0xFFFFC180  }
0xec: {  	[spmem:s1] =	stream.indirect.scatter.add.f32 [tilespmem:s24], [sflag:$0x4], $0x80, s30, s23, $0xb8;
	[tilespmem:$0x1E080] =	vst v63  }
0xed: {  	_ =	swait.ge [sflag:s21], $0x3E80  }
0xee: {  	[sflag:s21] =	ssyncset.done $0x0  }
0xef: {  	[sflag:s21] =	ssyncadd.s32 $0xFFFFC180  }
0xf0: {  	_ =	swait.ge [sflag:s29], $0x3E80  }
0xf1: {  	[sflag:s29] =	ssyncset.done $0x0  }
0xf2: {  	[sflag:s29] =	ssyncadd.s32 $0xFFFFC180  }
0xf3: {  	[spmem:s1] =	stream.indirect.scatter.add.f32 [tilespmem:s26], [sflag:$0x4], $0x80, s31, s23, $0xb8;
	[tilespmem:$0x1E080] =	vst v63  }
0xf4: {  	_ =	swait.ge [sflag:s21], $0x3E80  }
0xf5: {  	[sflag:s21] =	ssyncset.done $0x0  }
0xf6: {  	s12 =	simm.s32 $0x0;
	[sflag:s21] =	ssyncadd.s32 $0xFFFFC180  }
0xf7: {  	[tilespmem:s12], [sflag:$0x4] =	stream.linear.gather [hbm4b:s10+s12], $0x1400, $0x38;
	[tilespmem:$0x1E080] =	vst v63  }
0xf8: {  	_ =	swait.ge [sflag:s21], $0x1400  }
0xf9: {  	[sflag:s21] =	ssyncset.done $0x0  }
0xfa: {  	[sflag:s21] =	ssyncadd.s32 $0xFFFFEC00  }
0xfb: {  	[tilespmem:s22], [sflag:$0x4] =	stream.linear.gather [hbm4b:s11+s12], $0x1400, $0x38;
	[tilespmem:$0x1E080] =	vst v63  }
0xfc: {  	_ =	swait.ge [sflag:s21], $0x1400  }
0xfd: {  	[sflag:s21] =	ssyncset.done $0x0  }
0xfe: {  	[sflag:s21] =	ssyncadd.s32 $0xFFFFEC00  }
0xff: {  	[tilespmem:s24], [sflag:$0x1] =	stream.indirect.gather [hbm4b:s5+s23], $0x80, s12, s23, $0xb8;
	[tilespmem:$0x1E080] =	vst v63  }
0x100: {  	_ = 	snop  }
0x101: {  	[tilespmem:s26], [sflag:$0x2] =	stream.indirect.gather [hbm4b:s5+s23], $0x80, s25, s23, $0xb8;
	[tilespmem:$0x1E080] =	vst v63  }
0x102: {  	_ =	swait.ge [sflag:s28], $0x3E80  }
0x103: {  	[sflag:s28] =	ssyncset.done $0x0  }
0x104: {  	s14 =	simm.s32 $0x1400;
	[sflag:s28] =	ssyncadd.s32 $0xFFFFC180  }
0x105: {  	[spmem:s1] =	stream.indirect.scatter.add.f32 [tilespmem:s24], [sflag:$0x4], $0x80, s14, s23, $0xb8;
	[tilespmem:$0x1E080] =	vst v63  }
0x106: {  	_ =	swait.ge [sflag:s21], $0x3E80  }
0x107: {  	[sflag:s21] =	ssyncset.done $0x0  }
0x108: {  	s13 =	simm.s32 $0x100;
	[sflag:s21] =	ssyncadd.s32 $0xFFFFC180  }
0x109: {  	[tilespmem:s24], [sflag:$0x1] =	stream.indirect.gather [hbm4b:s5+s23], $0x80, s13, s23, $0xb8;
	[tilespmem:$0x1E080] =	vst v63  }
0x10a: {  	_ =	swait.ge [sflag:s29], $0x3E80  }
0x10b: {  	[sflag:s29] =	ssyncset.done $0x0  }
0x10c: {  	s14 =	simm.s32 $0x1480;
	[sflag:s29] =	ssyncadd.s32 $0xFFFFC180  }
0x10d: {  	[spmem:s1] =	stream.indirect.scatter.add.f32 [tilespmem:s26], [sflag:$0x4], $0x80, s14, s23, $0xb8;
	[tilespmem:$0x1E080] =	vst v63  }
0x10e: {  	_ =	swait.ge [sflag:s21], $0x3E80  }
0x10f: {  	[sflag:s21] =	ssyncset.done $0x0  }
0x110: {  	s12 =	simm.s32 $0x400;
	s13 =	simm.s32 $0x180;
	[sflag:s21] =	ssyncadd.s32 $0xFFFFC180  }
.LBB2_10:
0x111: {  	[tilespmem:s26], [sflag:$0x2] =	stream.indirect.gather [hbm4b:s5+s23], $0x80, s13, s23, $0xb8;
	[tilespmem:$0x1E080] =	vst v63  }
0x112: {  	s13 =	smov.u32 s12  }
0x113: {  	p2 =	sne.s32 s12, $0x4800;
	s12 =	sadd.s32 $0x400, s12;
	_ =	swait.ge [sflag:s28], $0x3E80  }
0x114: {  	s13 =	sshra.s32 s13, $0x2;
	[sflag:s28] =	ssyncset.done $0x0  }
0x115: {  	s14 =	sadd.s32 $0x1400, s13;
	[sflag:s28] =	ssyncadd.s32 $0xFFFFC180  }
0x116: {  	[spmem:s1] =	stream.indirect.scatter.add.f32 [tilespmem:s24], [sflag:$0x4], $0x80, s14, s23, $0xb8;
	[tilespmem:$0x1E080] =	vst v63  }
0x117: {  	_ =	swait.ge [sflag:s21], $0x3E80  }
0x118: {  	[sflag:s21] =	ssyncset.done $0x0  }
0x119: {  	s14 =	sadd.s32 $0x100, s13;
	[sflag:s21] =	ssyncadd.s32 $0xFFFFC180  }
0x11a: {  	[tilespmem:s24], [sflag:$0x1] =	stream.indirect.gather [hbm4b:s5+s23], $0x80, s14, s23, $0xb8;
	[tilespmem:$0x1E080] =	vst v63  }
0x11b: {  	_ =	swait.ge [sflag:s29], $0x3E80  }
0x11c: {  	[sflag:s29] =	ssyncset.done $0x0  }
.Ltmp7:
0x11d: {  	s14 =	sadd.s32 $0x1480, s13;
	[sflag:s29] =	ssyncadd.s32 $0xFFFFC180;
	(pc) =	sbr.rel @p2 .LBB2_10-.Ltmp7, $4  }
0x11e: {  	[spmem:s1] =	stream.indirect.scatter.add.f32 [tilespmem:s26], [sflag:$0x4], $0x80, s14, s23, $0xb8;
	[tilespmem:$0x1E080] =	vst v63  }
0x11f: {  	_ =	swait.ge [sflag:s21], $0x3E80  }
0x120: {  	[sflag:s21] =	ssyncset.done $0x0  }
0x121: {  	s13 =	sadd.s32 $0x180, s13;
	[sflag:s21] =	ssyncadd.s32 $0xFFFFC180  }
.Ltmp8:
0x122: {  	_ = 	snop;
	(pc) =	sbr.rel .LBB2_11-.Ltmp8, $1  }
0x123: {  	_ =	sdelay $0x3  }
.LBB2_13:
0x124: {  	_ =	sfence.sel $0x180000  }
0x125: {  	[bflag:$0x0] =	sbarrier.arrive $0xFFFF  }
0x126: {  	_ =	strace $0x90000050  }
0x127: {  	s0 =	stileid.u32;
	[bflag:$0x2] =	sbarrier.arrive $0xFFFF  }
0x128: {  	p0 =	sne.s32 s0, $0x0;
	s0 =	rddreg [dreg:$0x2]  }
0x129: {  	s0 =	sadd.s32 @!p0 $0x100000, s0  }
0x12a: {  	[sflag:s0] =	ssyncadd.tile.s32 @!p0 $0x1;
	_ =	shalt  }
.Lfunc_end2:
_tile_overlayer_lowered:
.L_overlay_start_2:
0x12b: {  	(tag) =	ssettag $0x2  }
0x12c: {  	s0 =	rddreg [dreg:$0x0];
	s2 =	stileid.u32  }
0x12d: {  	s1 =	rddreg [dreg:$0x1];
	p0 =	sne.s32 s2, $0x0  }
0x12e: {  	s3 =	rddreg [dreg:$0x2];
	[bflag:$0x3] =	sbarrier.arrive $0xFFFF;
	s2 =	simm.s32 @!p0 $0x1C04  }
0x12f: {  	[timem:s3], [sflag:s2] =	dma.local @!p0 [hbm:s0], s1  }
0x130: {  	s0 =	simm.s32 @!p0 $0x4  }
0x131: {  	_ =	swait.ge @!p0 [sflag:s0], s1  }
0x132: {  	s1 =	ssub.s32 @!p0 $0x0, s1;
	[sflag:s0] =	ssyncset.done @!p0 $0x0  }
0x133: {  	[sflag:s0] =	ssyncadd.s32 @!p0 s1  }
0x134: {  	[bflag:$0x3] =	sbarrier.arrive $0xFFFF  }
0x135: {  	_ =	shalt  }

// kernel: kernel.9.cloned.1.call-start
scs
__scs_entry_jumppad:
0x0: {  	(pc) =	sbr.rel $0x88, $3  }
0x1: {  	(tag) =	ssettag $0x0;
	lr =	simm.s32 $0x1  }
0x2: {  	[smem:$0x3F91] =	sst lr;
	_ =	strace $0xD0000000  }
0x3: {  	_ = 	snop  }
0x4: {  	_ = 	snop  }
0x5: {  	_ = 	snop  }
0x6: {  	_ = 	snop  }
0x7: {  	_ = 	snop  }
__scs_overlays_trampoline_lowered:
0x8: {  	[smem:$0x3FA0] =	sst s0  }
0x9: {  	[smem:$0x3FA1] =	sst s1  }
0xa: {  	[smem:$0x3FA2] =	sst s2  }
0xb: {  	[smem:$0x3FA3] =	sst s3  }
0xc: {  	[smem:$0x3FA4] =	sst s4  }
0xd: {  	[smem:$0x3FA5] =	sst s5  }
0xe: {  	[smem:$0x3FA6] =	sst s6  }
0xf: {  	[smem:$0x3FA7] =	sst s7  }
0x10: {  	[smem:$0x3FA8] =	sst s8  }
0x11: {  	[smem:$0x3FA9] =	sst s9;
	s0 =	simm.s32 @!p0 $0x0  }
0x12: {  	s1 =	sld [smem:$0x3F8F];
	s0 =	simm.s32 @p0 $0x1  }
0x13: {  	[smem:$0x3FAA] =	sst s0;
	s0 =	simm.s32 @!p1 $0x0  }
0x14: {  	s2 =	sld [smem:$0x3F8E];
	s0 =	simm.s32 @p1 $0x1  }
0x15: {  	[smem:$0x3FAB] =	sst s0;
	s0 =	simm.s32 @!p2 $0x0  }
0x16: {  	s3 =	sld [smem:$0x3FDB];
	s0 =	simm.s32 @p2 $0x1  }
0x17: {  	s4 =	simm.s32 $0x1BF5;
	[smem:$0x3FAD] =	sst s0  }
0x18: {  	s0 =	sld [smem:$0x3F90];
	_ =	swait.ge [sflag:s4], $0x0  }
0x19: {  	s7 =	sld [smem:$0x3F91]  }
0x1a: {  	s8 =	sadd.s32 $0xFFFFE003, lr  }
0x1b: {  	s9 =	sadd.s32 $0xFFFFFEF7, lr;
	s5 =	simm.s32 $0xFFFFFFFF;
	p2 =	slt.u32 s8, $0xFFFFF086  }
0x1c: {  	p1 =	slt.u32 s9, $0xF7A;
	s5 =	simm.s32 @!p2 $0x0  }
0x1d: {  	s5 =	simm.s32 @p1 $0x1;
	p0 =	seq.s32 s7, s2  }
0x1e: {  	s7 =	smul.u32 @!p0 $0xF7A, s2;
	p2 =	seq.s32 @!p0 s5, $0x0  }
0x1f: {  	s9 =	smul.u32 $0xF7A, s1;
	s8 =	simm.s32 @!p0 $0x1BF5;
	p2 =	por !p2, p0  }
0x20: {  	[sflag:s8] =	ssyncset.s32 @!p0 $0xFFFFF086;
	s6 =	sadd.s32 @!p0 s3, s7;
	s7 =	simm.s32 @!p0 $0x108  }
0x21: {  	s3 =	sadd.s32 s3, s9;
	s6 =	sadd.s32 @!p0 $0x88, s6;
	s7 =	simm.s32 @p2 $0x1082  }
0x22: {  	[simem:s7], [sflag:s8] =	dma.local @!p0 [hbm:s6], $0xF7A  }
0x23: {  	s9 =	sor.u32 $0xD0000000, s2;
	s6 =	simm.s32 $0x108;
	_ =	swait.ge @!p0 [sflag:s8], $0x0  }
0x24: {  	s3 =	sadd.s32 $0x88, s3;
	s6 =	simm.s32 @!p1 $0x1082;
	[sflag:s4] =	ssyncset.s32 $0xFFFFF086  }
0x25: {  	[simem:s6], [sflag:s4] =	dma.local [hbm:s3], $0xF7A  }
0x26: {  	[smem:$0x3F91] =	sst s1;
	(tag) =	ssettag s2;
	_ =	strace s9  }
0x27: {  	s1 =	sld [smem:$0x3FA1]  }
0x28: {  	s2 =	sld [smem:$0x3FA2]  }
0x29: {  	s4 =	sld [smem:$0x3FA4]  }
0x2a: {  	p0 =	seq.s32 s5, $0x0;
	s5 =	sld [smem:$0x3FA5]  }
0x2b: {  	s6 =	sld [smem:$0x3FA6]  }
0x2c: {  	s7 =	sld [smem:$0x3FA7]  }
0x2d: {  	s3 =	simm.s32 $0x108;
	s8 =	sld [smem:$0x3FA8]  }
0x2e: {  	s3 =	simm.s32 @!p0 $0x1082;
	s9 =	sld [smem:$0x3FA9]  }
0x2f: {  	lr =	sadd.s32 s0, s3;
	s0 =	sld [smem:$0x3FA0]  }
0x30: {  	s3 =	sld [smem:$0x3FA3]  }
0x31: {  	[smem:$0x3FAC] =	sst s10  }
0x32: {  	s10 =	sld [smem:$0x3FAA];
	_ =	sdelay $0x3  }
0x33: {  	p0 =	seq.s32 s10, $0x1;
	s10 =	sld [smem:$0x3FAC];
	_ =	sdelay $0x3  }
0x34: {  	[smem:$0x3FAC] =	sst s10  }
0x35: {  	s10 =	sld [smem:$0x3FAB];
	_ =	sdelay $0x3  }
0x36: {  	p1 =	seq.s32 s10, $0x1;
	s10 =	sld [smem:$0x3FAC];
	_ =	sdelay $0x3  }
0x37: {  	[smem:$0x3FAC] =	sst s10  }
0x38: {  	s10 =	sld [smem:$0x3FAD]  }
0x39: {  	_ = 	snop;
	(pc) =	sbr.ind lr, $3  }
0x3a: {  	_ = 	snop  }
0x3b: {  	_ = 	snop  }
0x3c: {  	p2 =	seq.s32 s10, $0x1;
	s10 =	sld [smem:$0x3FAC]  }
0x3d: {  	_ =	shalt  }
0x3e: {  	_ =	shalt  }
0x3f: {  	_ =	shalt  }
0x40: {  	_ =	shalt  }
0x41: {  	_ =	shalt  }
0x42: {  	_ =	shalt  }
0x43: {  	_ =	shalt  }
0x44: {  	_ =	shalt  }
0x45: {  	_ =	shalt  }
0x46: {  	_ =	shalt  }
0x47: {  	_ =	shalt  }
0x48: {  	_ =	shalt  }
0x49: {  	_ =	shalt  }
0x4a: {  	_ =	shalt  }
0x4b: {  	_ =	shalt  }
0x4c: {  	_ =	shalt  }
0x4d: {  	_ =	shalt  }
0x4e: {  	_ =	shalt  }
0x4f: {  	_ =	shalt  }
0x50: {  	_ =	shalt  }
0x51: {  	_ =	shalt  }
0x52: {  	_ =	shalt  }
0x53: {  	_ =	shalt  }
0x54: {  	_ =	shalt  }
0x55: {  	_ =	shalt  }
0x56: {  	_ =	shalt  }
0x57: {  	_ =	shalt  }
0x58: {  	_ =	shalt  }
0x59: {  	_ =	shalt  }
0x5a: {  	_ =	shalt  }
0x5b: {  	_ =	shalt  }
0x5c: {  	_ =	shalt  }
0x5d: {  	_ =	shalt  }
0x5e: {  	_ =	shalt  }
0x5f: {  	_ =	shalt  }
0x60: {  	_ =	shalt  }
0x61: {  	_ =	shalt  }
0x62: {  	_ =	shalt  }
0x63: {  	_ =	shalt  }
0x64: {  	_ =	shalt  }
0x65: {  	_ =	shalt  }
0x66: {  	_ =	shalt  }
0x67: {  	_ =	shalt  }
0x68: {  	_ =	shalt  }
0x69: {  	_ =	shalt  }
0x6a: {  	_ =	shalt  }
0x6b: {  	_ =	shalt  }
0x6c: {  	_ =	shalt  }
0x6d: {  	_ =	shalt  }
0x6e: {  	_ =	shalt  }
0x6f: {  	_ =	shalt  }
0x70: {  	_ =	shalt  }
0x71: {  	_ =	shalt  }
0x72: {  	_ =	shalt  }
0x73: {  	_ =	shalt  }
0x74: {  	_ =	shalt  }
0x75: {  	_ =	shalt  }
0x76: {  	_ =	shalt  }
0x77: {  	_ =	shalt  }
0x78: {  	_ =	shalt  }
0x79: {  	_ =	shalt  }
0x7a: {  	_ =	shalt  }
0x7b: {  	_ =	shalt  }
0x7c: {  	_ =	shalt  }
0x7d: {  	_ =	shalt  }
0x7e: {  	_ =	shalt  }
0x7f: {  	_ =	shalt  }
0x80: {  	_ =	shalt  }
0x81: {  	_ =	shalt  }
0x82: {  	_ =	shalt  }
0x83: {  	_ =	shalt  }
0x84: {  	_ =	shalt  }
0x85: {  	_ =	shalt  }
0x86: {  	_ =	shalt  }
0x87: {  	_ =	shalt  }
.Lfunc_end0:
.L_simem_size_0:
called_computation_lowered:
.L_overlay_start_0:
0x88: {  	s2 =	sld [smem:$0x3FD9]  }
0x89: {  	s3 =	sld [smem:$0x3FFE];
	_ =	sdelay $0x1  }
0x8a: {  	s1 =	srdreg.scid  }
0x8b: {  	s0 =	sand.u32 $0x1, s1  }
0x8c: {  	s17 =	sshll.u32 s0, $0xA;
	s2 =	sadd.s32 s3, s2  }
0x8d: {  	s2 =	sadd.s32 s2, s17  }
0x8e: {  	[smem:$0x3FB8] =	sst s2  }
0x8f: {  	_ = 	snop  }
0x90: {  	s2 =	sld [smem:$0x3FD0];
	(tm) =	ssettm $0x1  }
0x91: {  	s18 =	sld [smem:$0x3FFB];
	_ =	sdelay $0x3  }
0x92: {  	_ =	strace s18  }
0x93: {  	s3 =	sld [smem:$0x3FFC];
	_ =	sdelay $0x3  }
0x94: {  	_ =	strace s3  }
0x95: {  	s3 =	sld [smem:$0x3FFD];
	_ =	sdelay $0x3  }
0x96: {  	_ =	strace s3  }
0x97: {  	_ =	strace $0x8FFFFFFF  }
0x98: {  	s19 =	sld [smem:$0x3FDB];
	_ =	sdelay $0x1  }
0x99: {  	s4 =	simm.s32 $_scs_section_size  }
0x9a: {  	s5 =	simm.s32 $_size__tile_overlayer_lowered;
	s6 =	simm.s32 $_tile_overlayer_lowered  }
0x9b: {  	s22 =	simm.s32 $0x1BFF;
	s21 =	sshll.u32 s6, $0x1;
	s3 =	sadd.s32 s4, s19  }
0x9c: {  	s7 =	simm.s32 $0x0;
	s20 =	sshll.u32 s5, $0x1;
	s5 =	sadd.s32 s21, s3  }
0x9d: {  	[timem:s7], [sflag:s22] =	dma.local [hbm:s5], s20  }
0x9e: {  	_ =	swait.ge [sflag:s22], s20  }
0x9f: {  	s4 =	ssub.s32 $0x0, s20;
	[sflag:s22] =	ssyncset.done $0x0  }
0xa0: {  	[sflag:s22] =	ssyncadd.s32 s4;
	_ =	sdelay $0x1  }
0xa1: {  	s23 =	simm.s32 $0x1B8B  }
0xa2: {  	_ =	swait.ge [sflag:s23], $0x1  }
0xa3: {  	[sflag:s23] =	ssyncset.done $0x0  }
0xa4: {  	s25 =	simm.s32 $0x1B8E;
	s24 =	sld [smem:$0x3FFE];
	[sflag:s23] =	ssyncadd.s32 $0xFFFFFFFF  }
0xa5: {  	s26 =	simm.s32 $execute0_lowered;
	[smem:$0x3FD2] =	sst s25  }
0xa6: {  	s5 =	sshll.u32 s26, $0x1;
	_ =	strace $0x80000046;
	[dreg:$0x1] =	wrdreg $0xFFFFFFFF  }
0xa7: {  	s28 =	simm.s32 $_size_execute0_lowered;
	s3 =	sadd.s32 s3, s5;
	[dreg:$0x0] =	wrdreg $0x0  }
0xa8: {  	s5 =	sshll.u32 s28, $0x1;
	[dreg:$0x2] =	wrdreg s3  }
0xa9: {  	[dreg:$0x3] =	wrdreg s5  }
0xaa: {  	[dreg:$0x4] =	wrdreg $0xC0  }
0xab: {  	_ =	task [dreg:s7], $0x5FFFF  }
0xac: {  	[dreg:$0x1] =	wrdreg $0xFFFFFFFF  }
0xad: {  	[dreg:$0x0] =	wrdreg $0x60  }
0xae: {  	[dreg:$0x2] =	wrdreg s24  }
0xaf: {  	[dreg:$0x3] =	wrdreg s2  }
0xb0: {  	[dreg:$0x4] =	wrdreg $0x54000  }
0xb1: {  	[dreg:$0x5] =	wrdreg $0x9  }
0xb2: {  	_ =	task.clear_ibuf [dreg:s7], $0x6FFFF;
	_ =	strace $0x90000046  }
0xb3: {  	s29 =	simm.s32 $0x9;
	_ =	strace $0x80000048  }
0xb4: {  	_ =	swait.ge [sflag:s29], $0x1  }
0xb5: {  	[sflag:s29] =	ssyncadd.s32 $0xFFFFFFFF  }
0xb6: {  	_ =	strace $0x90000048  }
0xb7: {  	_ =	sfence  }
0xb8: {  	s30 =	sld [smem:$0x0];
	_ =	sdelay $0x2  }
0xb9: {  	s31 =	sshll.u32 s1, $0xD;
	s1 =	sshrl.u32 s1, $0x2  }
0xba: {  	s3 =	sand.u32 $0x4000, s31;
	s1 =	sadd.s32 s1, s30  }
0xbb: {  	s0 =	sor.u32 s3, s0;
	s1 =	sshll.u32 s1, $0x11  }
0xbc: {  	s0 =	sor.u32 s1, s0  }
0xbd: {  	s0 =	sadd.s32 $0x8F2B, s0  }
0xbe: {  	[sflag:s0] =	ssyncadd.remote.s32 $0x1  }
0xbf: {  	_ =	sfence.sel $0xFFFF  }
0xc0: {  	[dreg:$0x0] =	wrdreg $0xFFFFFFFF;
	(pc) =	sbr.abs _section_cstart, $3  }
0xc1: {  	[dreg:$0x1] =	wrdreg $0xFFFFFFFF  }
0xc2: {  	_ =	task.clear_ibuf [dreg:s7], $0x2FFFF;
	_ =	strace $0x9FFFFFFF  }
0xc3: {  	(tm) =	ssettm $0x7FFFFFFF  }
tec
execute0_lowered:
.L_overlay_start_1:
0x0: {  	(tag) =	ssettag $0x1  }
0x1: {  	s4 =	rddreg [dreg:$0x0]  }
0x2: {  	s7 =	rddreg [dreg:$0x1]  }
0x3: {  	s2 =	rddreg [dreg:$0x2];
	s1 =	stileid.u32  }
0x4: {  	s0 =	rddreg [dreg:$0x3];
	s3 =	simm.s32 $0x0;
	s6 =	srdreg.scid  }
0x5: {  	s11 =	simm.s32 $0x1;
	s12 =	simm.s32 $0x2780;
	s13 =	simm.s32 $0x50  }
0x6: {  	s14 =	simm.s32 $0x4F80;
	s15 =	simm.s32 $0x5000;
	s16 =	simm.s32 $0x0  }
0x7: {  	s5 =	smul.u32 $0x4E2, s1;
	[smem:$0x7FF] =	sst s3;
	s6 =	sand.u32 $0x1, s6  }
0x8: {  	s8 =	sshll.u32 s1, $0x7;
	s10 =	sshll.u32 s1, $0xA;
	p0 =	sgt.u32 s1, $0x9  }
0x9: {  	p1 =	sgt.u32 s1, $0x4;
	_ =	strace $0x80000047;
	s9 =	ssub.s32 $0x2, s6  }
0xa: {  	s6 =	smul.u32 $0x5, s6;
	s10 =	sadd.s32 s10, s2;
	s5 =	sadd.s32 s5, s4  }
.Ltmp0:
0xb: {  	s4 =	sadd.s32 s8, s4;
	s30 =	sshrl.u32 s9, $0x1;
	(pc) =	sbr.rel .LBB2_1-.Ltmp0, $4  }
0xc: {  	s10 =	sshrl.u32 @!p0 s10, $0x3;
	s8 =	ssub.s32 s9, s30;
	s31 =	sadd.s32 s1, s6  }
0xd: {  	v0 =	vlaneseq.u32;
	s4 =	sadd.s32 $0xAC00, s4;
	s5 =	sadd.s32 $0x5C00, s5;
	s9 =	sshll.u32 s31, $0x7  }
0xe: {  	v5 =	vimm.f32 $0.0e+00;
	v6 =	vimm.f32 $1.000000000e+00;
	v1 =	vor.u32 $0x10, v0;
	s6 =	sshll.u32 s31, $0xA;
	s7 =	sadd.s32 s7, s9;
	s9 =	sshll.u32 @!p0 s1, $0x6  }
0xf: {  	v2 =	vor.u32 $0x20, v0;
	v3 =	vor.u32 $0x30, v0;
	v4 =	vor.u32 $0x40, v0;
	s8 =	smax.u32 s8, $0x1;
	s6 =	sadd.s32 s6, s2;
	s9 =	sor.u32 @!p0 $0x1C01, s9  }
.LBB2_7:
0x10: {  	s16 =	sadd.s32 $0x1, s16  }
0x11: {  	p2 =	sne.s32 s16, s8  }
.Ltmp1:
0x12: {  	_ = 	snop;
	(pc) =	sbr.rel @!p2 .LBB2_8-.Ltmp1, $1  }
0x13: {  	_ =	sdelay $0x3  }
.LBB2_1:
0x14: {  	[spmem:s10], [sflag:s9] =	dma.local @!p0 [hbm:s4], $0x80  }
0x15: {  	s17 =	simm.s32 @!p0 $0x1  }
0x16: {  	_ =	swait.ge @!p0 [sflag:s17], $0x80  }
0x17: {  	[sflag:s17] =	ssyncset.done @!p0 $0x0  }
0x18: {  	[sflag:s17] =	ssyncadd.s32 @!p0 $0xFFFFFF80  }
0x19: {  	[tilespmem:s3], [sflag:$0x1] =	stream.linear.gather [hbm4b:s5+s3], $0x2710, $0x38;
	[tilespmem:$0x5680] =	vst v63  }
0x1a: {  	_ =	swait.ge [sflag:s11], $0x2710  }
0x1b: {  	[sflag:s11] =	ssyncset.done $0x0  }
0x1c: {  	s31 =	simm.s32 $0x0;
	[sflag:s11] =	ssyncadd.s32 $0xFFFFD8F0  }
0x1d: {  	s18 =	sand.u32 $0xFFFFFF80, s31;
	[tilespmem:$0x4F80] =	vst v0  }
0x1e: {  	s18 =	ssub.s32 $0x0, s18;
	[tilespmem:$0x4F90] =	vst v1  }
0x1f: {  	s18 =	sand.u32 $0xFFFFFF80, s18;
	s17 =	sand.u32 $0x3FFFFF80, s31;
	[tilespmem:$0x4FA0] =	vst v2  }
0x20: {  	s19 =	sand.u32 $0x70, s3;
	s18 =	sadd.s32 s18, s17;
	[tilespmem:$0x4FB0] =	vst v3  }
0x21: {  	s17 =	simm.s32 $0x1;
	s19 =	sor.u32 s19, s18;
	s18 =	simm.s32 $0x0;
	[tilespmem:$0x4FC0] =	vst v4  }
.LBB2_2:
0x22: {  	s20 =	sshll.u32 s17, $0x4;
	p2 =	sne.s32 s17, $0x27F;
	s17 =	sadd.s32 $0x1, s17;
	[tilespmem:s19+$0x2780] =	vst v5  }
.Ltmp2:
0x23: {  	s18 =	sadd.s32 $0x10, s18;
	s19 =	sand.u32 $0xFFFFFF80, s20;
	(pc) =	sbr.rel @p2 .LBB2_2-.Ltmp2, $4  }
0x24: {  	s19 =	ssub.s32 s18, s19  }
0x25: {  	s20 =	sand.u32 $0x3FFFFF80, s20;
	s19 =	sand.u32 $0xFFFFFF80, s19  }
0x26: {  	s21 =	sand.u32 $0x70, s18;
	s19 =	sadd.s32 s19, s20  }
0x27: {  	s19 =	sor.u32 s21, s19  }
0x28: {  	[tilespmem:s19+$0x2780] =	vst v5;
	s18 =	simm.s32 $0x0;
	s17 =	simm.s32 $0x40  }
.LBB2_4:
0x29: {  	p2 =	sne.s32 s17, $0x9C00;
	v7 =	vld [tilespmem:s18+$0x0];
	_ =	sdelay $0x3  }
.Ltmp3:
0x2a: {  	(pc) =	sbr.rel @p2 .LBB2_4-.Ltmp3, $2  }
0x2b: {  	_ =	sdelay $0x2  }
0x2c: {  	s18 =	sshra.s32 s17, $0x2;
	s17 =	sadd.s32 $0x40, s17;
	[tilespmem:v7+s12+$0x0] =	vst.idx.add.f32.msk $0xffff, v6  }
0x2d: {  	v7 =	vld [tilespmem:s18+$0x0];
	_ =	sdelay $0x7  }
0x2e: {  	[tilespmem:v7+s12+$0x0] =	vst.idx.add.f32.msk $0xffff, v6  }
0x2f: {  	[bflag:$0x0] =	sbarrier.arrive $0xFFFF  }
0x30: {  	[spmem:s2] =	stream.indirect.scatter.add.f32 [tilespmem:s12], [sflag:$0x1], $0x80, s14, s13, $0xb8;
	[tilespmem:$0x5680] =	vst v63  }
.Ltmp4:
0x31: {  	_ =	swait.ge [sflag:s11], $0x2800;
	(pc) =	sbr.rel @p1 .LBB2_7-.Ltmp4, $3  }
0x32: {  	[sflag:s11] =	ssyncset.done $0x0  }
0x33: {  	[sflag:s11] =	ssyncadd.s32 $0xFFFFD800  }
0x34: {  	[bflag:$0x0] =	sbarrier.arrive $0xFFFF;
	_ =	sdelay $0x1  }
0x35: {  	[tilespmem:s15], [sflag:$0x1] =	stream.linear.gather [spmem:s6], $0x400, $0x38;
	[tilespmem:$0x5680] =	vst v63  }
0x36: {  	_ =	swait.ge [sflag:s11], $0x400  }
0x37: {  	[sflag:s11] =	ssyncset.done $0x0  }
0x38: {  	[sflag:s11] =	ssyncadd.s32 $0xFFFFFC00  }
0x39: {  	v7 =	vld [tilespmem:$0x5000]  }
0x3a: {  	v8 =	vld [tilespmem:$0x5010]  }
0x3b: {  	v9 =	vld [tilespmem:$0x5020]  }
0x3c: {  	v10 =	vld [tilespmem:$0x5030]  }
0x3d: {  	v11 =	vld [tilespmem:$0x5040]  }
0x3e: {  	v12 =	vld [tilespmem:$0x5050];
	v7 =	vmax.f32 v7, $1.000000000e+00  }
0x3f: {  	(erf) = vrcp.f32 v7;
	v7 =	vmax.f32 v8, $1.000000000e+00;
	v8 =	vld [tilespmem:$0x5060]  }
0x40: {  	v63 =	vld [tilespmem:$0x5070];
	(erf) = vrcp.f32 v7;
	v7 =	vmax.f32 v9, $1.000000000e+00  }
0x41: {  	v16 =	vld [tilespmem:$0x5080];
	(erf) = vrcp.f32 v7;
	v7 =	vmax.f32 v10, $1.000000000e+00  }
0x42: {  	v17 =	vld [tilespmem:$0x5090];
	(erf) = vrcp.f32 v7;
	v7 =	vmax.f32 v11, $1.000000000e+00  }
0x43: {  	v18 =	vld [tilespmem:$0x50A0];
	(erf) = vrcp.f32 v7;
	v7 =	vmax.f32 v12, $1.000000000e+00  }
0x44: {  	(erf) = vrcp.f32 v7;
	v7 =	vmax.f32 v8, $1.000000000e+00;
	v8 =	vld [tilespmem:$0x50B0]  }
0x45: {  	v19 =	vld [tilespmem:$0x50C0];
	(erf) = vrcp.f32 v7;
	v7 =	vmax.f32 v63, $1.000000000e+00  }
0x46: {  	v20 =	vld [tilespmem:$0x50D0];
	(erf) = vrcp.f32 v7;
	v7 =	vmax.f32 v16, $1.000000000e+00  }
0x47: {  	v21 =	vld [tilespmem:$0x50E0];
	(erf) = vrcp.f32 v7;
	v7 =	vmax.f32 v17, $1.000000000e+00  }
0x48: {  	v22 =	vld [tilespmem:$0x50F0];
	v13 =	vpop (erf);
	(erf) = vrcp.f32 v7;
	v7 =	vmax.f32 v18, $1.000000000e+00  }
0x49: {  	v23 =	vpop (erf);
	(erf) = vrcp.f32 v7;
	v7 =	vmax.f32 v8, $1.000000000e+00;
	v8 =	vld [tilespmem:$0x5100]  }
0x4a: {  	v25 =	vld [tilespmem:$0x5110];
	[tilespmem:$0x5000] =	vst v13;
	v24 =	vpop (erf);
	(erf) = vrcp.f32 v7;
	v7 =	vmax.f32 v19, $1.000000000e+00  }
0x4b: {  	v27 =	vld [tilespmem:$0x5120];
	[tilespmem:$0x5010] =	vst v23;
	v26 =	vpop (erf);
	(erf) = vrcp.f32 v7;
	v7 =	vmax.f32 v20, $1.000000000e+00  }
0x4c: {  	v29 =	vld [tilespmem:$0x5130];
	[tilespmem:$0x5020] =	vst v24;
	v28 =	vpop (erf);
	(erf) = vrcp.f32 v7;
	v7 =	vmax.f32 v21, $1.000000000e+00  }
0x4d: {  	v31 =	vld [tilespmem:$0x5140];
	[tilespmem:$0x5030] =	vst v26;
	v30 =	vpop (erf);
	(erf) = vrcp.f32 v7;
	v7 =	vmax.f32 v22, $1.000000000e+00  }
0x4e: {  	[tilespmem:$0x5040] =	vst v28;
	v32 =	vpop (erf);
	(erf) = vrcp.f32 v7;
	v7 =	vmax.f32 v8, $1.000000000e+00;
	v8 =	vld [tilespmem:$0x5150]  }
0x4f: {  	v34 =	vld [tilespmem:$0x5160];
	[tilespmem:$0x5050] =	vst v30;
	v33 =	vpop (erf);
	(erf) = vrcp.f32 v7;
	v7 =	vmax.f32 v25, $1.000000000e+00  }
0x50: {  	v36 =	vld [tilespmem:$0x5170];
	[tilespmem:$0x5060] =	vst v32;
	v35 =	vpop (erf);
	(erf) = vrcp.f32 v7;
	v7 =	vmax.f32 v27, $1.000000000e+00  }
0x51: {  	v38 =	vld [tilespmem:$0x5180];
	[tilespmem:$0x5070] =	vst v33;
	v37 =	vpop (erf);
	(erf) = vrcp.f32 v7;
	v7 =	vmax.f32 v29, $1.000000000e+00  }
0x52: {  	v40 =	vld [tilespmem:$0x5190];
	[tilespmem:$0x5080] =	vst v35;
	v39 =	vpop (erf);
	(erf) = vrcp.f32 v7;
	v7 =	vmax.f32 v31, $1.000000000e+00  }
0x53: {  	[tilespmem:$0x5090] =	vst v37;
	v41 =	vpop (erf);
	(erf) = vrcp.f32 v7;
	v7 =	vmax.f32 v8, $1.000000000e+00;
	v8 =	vld [tilespmem:$0x51A0]  }
0x54: {  	v43 =	vld [tilespmem:$0x51B0];
	[tilespmem:$0x50A0] =	vst v39;
	v42 =	vpop (erf);
	(erf) = vrcp.f32 v7;
	v7 =	vmax.f32 v34, $1.000000000e+00  }
0x55: {  	v45 =	vld [tilespmem:$0x51C0];
	[tilespmem:$0x50B0] =	vst v41;
	v44 =	vpop (erf);
	(erf) = vrcp.f32 v7;
	v7 =	vmax.f32 v36, $1.000000000e+00  }
0x56: {  	v47 =	vld [tilespmem:$0x51D0];
	[tilespmem:$0x50C0] =	vst v42;
	v46 =	vpop (erf);
	(erf) = vrcp.f32 v7;
	v7 =	vmax.f32 v38, $1.000000000e+00  }
0x57: {  	v49 =	vld [tilespmem:$0x51E0];
	[tilespmem:$0x50D0] =	vst v44;
	v48 =	vpop (erf);
	(erf) = vrcp.f32 v7;
	v7 =	vmax.f32 v40, $1.000000000e+00  }
0x58: {  	[tilespmem:$0x50E0] =	vst v46;
	v50 =	vpop (erf);
	(erf) = vrcp.f32 v7;
	v7 =	vmax.f32 v8, $1.000000000e+00;
	v8 =	vld [tilespmem:$0x51F0]  }
0x59: {  	v52 =	vld [tilespmem:$0x5200];
	[tilespmem:$0x50F0] =	vst v48;
	v51 =	vpop (erf);
	(erf) = vrcp.f32 v7;
	v7 =	vmax.f32 v43, $1.000000000e+00  }
0x5a: {  	v54 =	vld [tilespmem:$0x5210];
	[tilespmem:$0x5100] =	vst v50;
	v53 =	vpop (erf);
	(erf) = vrcp.f32 v7;
	v7 =	vmax.f32 v45, $1.000000000e+00  }
0x5b: {  	v56 =	vld [tilespmem:$0x5220];
	[tilespmem:$0x5110] =	vst v51;
	v55 =	vpop (erf);
	(erf) = vrcp.f32 v7;
	v7 =	vmax.f32 v47, $1.000000000e+00  }
0x5c: {  	v58 =	vld [tilespmem:$0x5230];
	[tilespmem:$0x5120] =	vst v53;
	v57 =	vpop (erf);
	(erf) = vrcp.f32 v7;
	v7 =	vmax.f32 v49, $1.000000000e+00  }
0x5d: {  	[tilespmem:$0x5130] =	vst v55;
	v59 =	vpop (erf);
	(erf) = vrcp.f32 v7;
	v7 =	vmax.f32 v8, $1.000000000e+00;
	v8 =	vld [tilespmem:$0x5240]  }
0x5e: {  	v61 =	vld [tilespmem:$0x5250];
	[tilespmem:$0x5140] =	vst v57;
	v60 =	vpop (erf);
	(erf) = vrcp.f32 v7;
	v7 =	vmax.f32 v52, $1.000000000e+00  }
0x5f: {  	v63 =	vld [tilespmem:$0x5260];
	[tilespmem:$0x5150] =	vst v59;
	v62 =	vpop (erf);
	(erf) = vrcp.f32 v7;
	v7 =	vmax.f32 v54, $1.000000000e+00  }
0x60: {  	v17 =	vld [tilespmem:$0x5270];
	[tilespmem:$0x5160] =	vst v60;
	v16 =	vpop (erf);
	(erf) = vrcp.f32 v7;
	v7 =	vmax.f32 v56, $1.000000000e+00  }
0x61: {  	v19 =	vld [tilespmem:$0x5280];
	[tilespmem:$0x5170] =	vst v62;
	v18 =	vpop (erf);
	(erf) = vrcp.f32 v7;
	v7 =	vmax.f32 v58, $1.000000000e+00  }
0x62: {  	[tilespmem:$0x5180] =	vst v16;
	v20 =	vpop (erf);
	(erf) = vrcp.f32 v7;
	v7 =	vmax.f32 v8, $1.000000000e+00;
	v8 =	vld [tilespmem:$0x5290]  }
0x63: {  	v22 =	vld [tilespmem:$0x52A0];
	[tilespmem:$0x5190] =	vst v18;
	v21 =	vpop (erf);
	(erf) = vrcp.f32 v7;
	v7 =	vmax.f32 v61, $1.000000000e+00  }
0x64: {  	v24 =	vld [tilespmem:$0x52B0];
	[tilespmem:$0x51A0] =	vst v20;
	v23 =	vpop (erf);
	(erf) = vrcp.f32 v7;
	v7 =	vmax.f32 v63, $1.000000000e+00  }
0x65: {  	v26 =	vld [tilespmem:$0x52C0];
	[tilespmem:$0x51B0] =	vst v21;
	v25 =	vpop (erf);
	(erf) = vrcp.f32 v7;
	v7 =	vmax.f32 v17, $1.000000000e+00  }
0x66: {  	v28 =	vld [tilespmem:$0x52D0];
	[tilespmem:$0x51C0] =	vst v23;
	v27 =	vpop (erf);
	(erf) = vrcp.f32 v7;
	v7 =	vmax.f32 v19, $1.000000000e+00  }
0x67: {  	[tilespmem:$0x51D0] =	vst v25;
	v29 =	vpop (erf);
	(erf) = vrcp.f32 v7;
	v7 =	vmax.f32 v8, $1.000000000e+00;
	v8 =	vld [tilespmem:$0x52E0]  }
0x68: {  	v31 =	vld [tilespmem:$0x52F0];
	[tilespmem:$0x51E0] =	vst v27;
	v30 =	vpop (erf);
	(erf) = vrcp.f32 v7;
	v7 =	vmax.f32 v22, $1.000000000e+00  }
0x69: {  	v33 =	vld [tilespmem:$0x5300];
	[tilespmem:$0x51F0] =	vst v29;
	v32 =	vpop (erf);
	(erf) = vrcp.f32 v7;
	v7 =	vmax.f32 v24, $1.000000000e+00  }
0x6a: {  	v35 =	vld [tilespmem:$0x5310];
	[tilespmem:$0x5200] =	vst v30;
	v34 =	vpop (erf);
	(erf) = vrcp.f32 v7;
	v7 =	vmax.f32 v26, $1.000000000e+00  }
0x6b: {  	v37 =	vld [tilespmem:$0x5320];
	[tilespmem:$0x5210] =	vst v32;
	v36 =	vpop (erf);
	(erf) = vrcp.f32 v7;
	v7 =	vmax.f32 v28, $1.000000000e+00  }
0x6c: {  	[tilespmem:$0x5220] =	vst v34;
	v38 =	vpop (erf);
	(erf) = vrcp.f32 v7;
	v7 =	vmax.f32 v8, $1.000000000e+00;
	v8 =	vld [tilespmem:$0x5330]  }
0x6d: {  	v40 =	vld [tilespmem:$0x5340];
	[tilespmem:$0x5230] =	vst v36;
	v39 =	vpop (erf);
	(erf) = vrcp.f32 v7;
	v7 =	vmax.f32 v31, $1.000000000e+00  }
0x6e: {  	v42 =	vld [tilespmem:$0x5350];
	[tilespmem:$0x5240] =	vst v38;
	v41 =	vpop (erf);
	(erf) = vrcp.f32 v7;
	v7 =	vmax.f32 v33, $1.000000000e+00  }
0x6f: {  	v44 =	vld [tilespmem:$0x5360];
	[tilespmem:$0x5250] =	vst v39;
	v43 =	vpop (erf);
	(erf) = vrcp.f32 v7;
	v7 =	vmax.f32 v35, $1.000000000e+00  }
0x70: {  	v46 =	vld [tilespmem:$0x5370];
	[tilespmem:$0x5260] =	vst v41;
	v45 =	vpop (erf);
	(erf) = vrcp.f32 v7;
	v7 =	vmax.f32 v37, $1.000000000e+00  }
0x71: {  	[tilespmem:$0x5270] =	vst v43;
	v47 =	vpop (erf);
	(erf) = vrcp.f32 v7;
	v7 =	vmax.f32 v8, $1.000000000e+00;
	v8 =	vld [tilespmem:$0x5380]  }
0x72: {  	v49 =	vld [tilespmem:$0x5390];
	[tilespmem:$0x5280] =	vst v45;
	v48 =	vpop (erf);
	(erf) = vrcp.f32 v7;
	v7 =	vmax.f32 v40, $1.000000000e+00  }
0x73: {  	v51 =	vld [tilespmem:$0x53A0];
	[tilespmem:$0x5290] =	vst v47;
	v50 =	vpop (erf);
	(erf) = vrcp.f32 v7;
	v7 =	vmax.f32 v42, $1.000000000e+00  }
0x74: {  	v53 =	vld [tilespmem:$0x53B0];
	[tilespmem:$0x52A0] =	vst v48;
	v52 =	vpop (erf);
	(erf) = vrcp.f32 v7;
	v7 =	vmax.f32 v44, $1.000000000e+00  }
0x75: {  	v55 =	vld [tilespmem:$0x53C0];
	[tilespmem:$0x52B0] =	vst v50;
	v54 =	vpop (erf);
	(erf) = vrcp.f32 v7;
	v7 =	vmax.f32 v46, $1.000000000e+00  }
0x76: {  	[tilespmem:$0x52C0] =	vst v52;
	v56 =	vpop (erf);
	(erf) = vrcp.f32 v7;
	v7 =	vmax.f32 v8, $1.000000000e+00;
	v8 =	vld [tilespmem:$0x53D0]  }
0x77: {  	v58 =	vld [tilespmem:$0x53E0];
	[tilespmem:$0x52D0] =	vst v54;
	v57 =	vpop (erf);
	(erf) = vrcp.f32 v7;
	v7 =	vmax.f32 v49, $1.000000000e+00  }
0x78: {  	v60 =	vld [tilespmem:$0x53F0];
	[tilespmem:$0x52E0] =	vst v56;
	v59 =	vpop (erf);
	(erf) = vrcp.f32 v7;
	v7 =	vmax.f32 v51, $1.000000000e+00  }
0x79: {  	[tilespmem:$0x52F0] =	vst v57;
	v61 =	vpop (erf);
	(erf) = vrcp.f32 v7;
	v7 =	vmax.f32 v53, $1.000000000e+00  }
0x7a: {  	[tilespmem:$0x5300] =	vst v59;
	v62 =	vpop (erf);
	(erf) = vrcp.f32 v7;
	v7 =	vmax.f32 v55, $1.000000000e+00  }
0x7b: {  	[tilespmem:$0x5310] =	vst v61;
	v63 =	vpop (erf);
	(erf) = vrcp.f32 v7;
	v7 =	vmax.f32 v8, $1.000000000e+00  }
0x7c: {  	[tilespmem:$0x5320] =	vst v62;
	v8 =	vpop (erf);
	(erf) = vrcp.f32 v7;
	v7 =	vmax.f32 v58, $1.000000000e+00  }
0x7d: {  	[tilespmem:$0x5340] =	vst v8;
	v8 =	vpop (erf);
	(erf) = vrcp.f32 v7;
	v7 =	vmax.f32 v60, $1.000000000e+00  }
0x7e: {  	[tilespmem:$0x5330] =	vst v63  }
0x7f: {  	[tilespmem:$0x5350] =	vst v8;
	v8 =	vpop (erf);
	(erf) = vrcp.f32 v7  }
0x80: {  	[tilespmem:$0x5360] =	vst v8;
	v7 =	vpop (erf)  }
0x81: {  	v8 =	vpop (erf);
	[tilespmem:$0x5370] =	vst v7  }
0x82: {  	v7 =	vpop (erf);
	[tilespmem:$0x5380] =	vst v8  }
0x83: {  	v8 =	vpop (erf);
	[tilespmem:$0x5390] =	vst v7  }
0x84: {  	v7 =	vpop (erf);
	[tilespmem:$0x53A0] =	vst v8  }
0x85: {  	v8 =	vpop (erf);
	[tilespmem:$0x53B0] =	vst v7  }
0x86: {  	v7 =	vpop (erf);
	[tilespmem:$0x53C0] =	vst v8  }
0x87: {  	v8 =	vpop (erf);
	[tilespmem:$0x53D0] =	vst v7  }
0x88: {  	[tilespmem:$0x53E0] =	vst v8;
	v7 =	vpop (erf)  }
.Ltmp5:
0x89: {  	[tilespmem:$0x53F0] =	vst v7;
	(pc) =	sbr.rel .LBB2_7-.Ltmp5, $4  }
0x8a: {  	[hbm4b:s7+s3] =	stream.linear.scatter [tilespmem:s15], [sflag:$0x1], $0x400, $0x38;
	[tilespmem:$0x5680] =	vst v63  }
0x8b: {  	_ =	swait.ge [sflag:s11], $0x400  }
0x8c: {  	[sflag:s11] =	ssyncset.done $0x0  }
0x8d: {  	[sflag:s11] =	ssyncadd.s32 $0xFFFFFC00  }
.LBB2_8:
0x8e: {  	_ =	sfence.sel $0x180000  }
0x8f: {  	[bflag:$0x0] =	sbarrier.arrive $0xFFFF  }
0x90: {  	p0 =	sne.s32 s1, $0x0;
	_ =	strace $0x90000047  }
0x91: {  	s0 =	sadd.s32 @!p0 $0x100000, s0;
	[bflag:$0x2] =	sbarrier.arrive $0xFFFF  }
0x92: {  	[sflag:s0] =	ssyncadd.tile.s32 @!p0 $0x1;
	_ =	shalt  }
.Lfunc_end2:
_tile_overlayer_lowered:
.L_overlay_start_2:
0x93: {  	(tag) =	ssettag $0x2  }
0x94: {  	s0 =	rddreg [dreg:$0x0];
	s2 =	stileid.u32  }
0x95: {  	s1 =	rddreg [dreg:$0x1];
	p0 =	sne.s32 s2, $0x0  }
0x96: {  	s3 =	rddreg [dreg:$0x2];
	[bflag:$0x3] =	sbarrier.arrive $0xFFFF;
	s2 =	simm.s32 @!p0 $0x1C01  }
0x97: {  	[timem:s3], [sflag:s2] =	dma.local @!p0 [hbm:s0], s1  }
0x98: {  	s0 =	simm.s32 @!p0 $0x1  }
0x99: {  	_ =	swait.ge @!p0 [sflag:s0], s1  }
0x9a: {  	s1 =	ssub.s32 @!p0 $0x0, s1;
	[sflag:s0] =	ssyncset.done @!p0 $0x0  }
0x9b: {  	[sflag:s0] =	ssyncadd.s32 @!p0 s1  }
0x9c: {  	[bflag:$0x3] =	sbarrier.arrive $0xFFFF  }
0x9d: {  	_ =	shalt  }

</sc_bundles>
